<compile_context>
chip_gen: v7x
topology: tpu7x:2x2x1
jax: 0.10.2.dev20260603
libtpu: 0.0.44.dev20260713+nightly
codegen_flags: <defaults>
</compile_context>

<pallas_src>
import functools

import jax
import jax.numpy as jnp
from jax.experimental import pallas as pl
from jax.experimental.pallas import tpu as pltpu

_NMS_THRESH = 0.2
_SCORE_THRESH = 0.5
_BIAS = 128
_ACTIVE_LIM = 8192 + _BIAS
_KEPT = 12288
_INACT = 16384
_NEG = -1e30
_CHUNK = 16


def _nms_body(n, rows, cols, x0_ref, y0_ref, x1_ref, y1_ref, area_ref, sc_ref,
              out_ref, ridx_ref, *key_refs):
    shape = (rows, cols)
    r = jax.lax.broadcasted_iota(jnp.int32, shape, 0)
    c = jax.lax.broadcasted_iota(jnp.int32, shape, 1)
    idx = r * cols + c
    valid = (sc_ref[:, :] > _SCORE_THRESH) & (idx < n)
    ridx_ref[:, :] = jnp.where(valid, idx + _BIAS, _INACT)

    for kref, (cref, half) in zip(
            key_refs,
            [(x0_ref, 1), (x0_ref, 0), (y0_ref, 1), (y0_ref, 0),
             (x1_ref, 1), (x1_ref, 0), (y1_ref, 1), (y1_ref, 0)]):
        bits = jax.lax.bitcast_convert_type(cref[:, :], jnp.int32)
        kref[:, :] = (bits >> 16) & 0xFFFF if half else bits & 0xFFFF

    def one_step(_, carry):
        ridx = ridx_ref[:, :]
        sh = ridx << 16
        mins = []
        for kref in key_refs:
            key = jax.lax.bitcast_convert_type(sh | kref[:, :], jnp.float32)
            m = jnp.min(key, axis=1, keepdims=True)
            m = jnp.min(m, axis=0, keepdims=True)
            mins.append(jax.lax.bitcast_convert_type(m, jnp.int32))
        idx_min = mins[0] >> 16
        ok = idx_min < _ACTIVE_LIM

        def unpack(hi, lo):
            bits = ((hi & 0xFFFF) << 16) | (lo & 0xFFFF)
            coord = jax.lax.bitcast_convert_type(bits, jnp.float32)
            return jnp.where(ok, coord, _NEG)

        xi0 = unpack(mins[0], mins[1])
        yi0 = unpack(mins[2], mins[3])
        xi1 = unpack(mins[4], mins[5])
        yi1 = unpack(mins[6], mins[7])
        ai = (xi1 - xi0) * (yi1 - yi0)
        x0 = x0_ref[:, :]
        y0 = y0_ref[:, :]
        x1 = x1_ref[:, :]
        y1 = y1_ref[:, :]
        w = jnp.maximum(jnp.minimum(xi1, x1) - jnp.maximum(xi0, x0), 0.0)
        h = jnp.maximum(jnp.minimum(yi1, y1) - jnp.maximum(yi0, y0), 0.0)
        inter = w * h
        sup = inter > _NMS_THRESH * (ai + area_ref[:, :] - inter)
        is_i = (ridx == idx_min) & ok
        ridx_ref[:, :] = jnp.where(is_i, _KEPT, jnp.where(sup, _INACT, ridx))
        return idx_min

    def chunk_cond(mn):
        return mn < _ACTIVE_LIM

    def chunk_body(mn):
        last = jax.lax.fori_loop(0, _CHUNK, one_step,
                                 jnp.zeros((1, 1), jnp.int32), unroll=True)
        return jnp.min(last)

    jax.lax.while_loop(chunk_cond, chunk_body, jnp.int32(0))
    out_ref[:, :] = jnp.where(ridx_ref[:, :] == _KEPT, sc_ref[:, :], 0.0)


def kernel(boxes, scores):
    n = scores.shape[0]
    rows, cols = 8, 640
    np_ = rows * cols
    order = jnp.argsort(-scores)
    bs = jnp.take(boxes, order, axis=0)
    ss = jnp.take(scores, order)
    area = (bs[:, 2] - bs[:, 0]) * (bs[:, 3] - bs[:, 1])

    def grid2d(v):
        return jnp.pad(v, (0, np_ - n)).reshape(rows, cols)

    planes = [grid2d(bs[:, 0]), grid2d(bs[:, 1]), grid2d(bs[:, 2]),
              grid2d(bs[:, 3]), grid2d(area), grid2d(ss)]

    out = pl.pallas_call(
        functools.partial(_nms_body, n, rows, cols),
        out_shape=jax.ShapeDtypeStruct((rows, cols), jnp.float32),
        scratch_shapes=[pltpu.VMEM((rows, cols), jnp.int32)] * 9,
    )(*planes)
    return out.reshape(np_)[:n]

# --- scband reference (transcript-rebuilt; emitter-appended) ---
"""Pipeline reference for scband-cpn-16166256902279 (READ-ONLY COPY).

The authoritative reference and input builder live on the scoring server;
editing this copy changes nothing except your own understanding.
"""

import jax, jax.numpy as jnp
import numpy as np

NMS_THRESH = 0.2
SCORE_THRESH = 0.5
N = 5000


def setup_inputs(seed: int = 0) -> dict:
    key = jax.random.key(seed)
    k1, k2, k3 = jax.random.split(key, 3)
    centers = jax.random.uniform(k1, (N, 2), dtype=jnp.float32) * 512.0
    wh = jax.random.uniform(k2, (N, 2), dtype=jnp.float32) * 48.0 + 4.0
    boxes = jnp.concatenate([centers - wh / 2.0, centers + wh / 2.0], axis=1)
    scores = jax.random.uniform(k3, (N,), dtype=jnp.float32)
    return {"boxes": boxes, "scores": scores}


def _pairwise_iou(a, b):
    area_a = (a[:, 2] - a[:, 0]) * (a[:, 3] - a[:, 1])
    area_b = (b[:, 2] - b[:, 0]) * (b[:, 3] - b[:, 1])
    lt = jnp.maximum(a[:, None, :2], b[None, :, :2])
    rb = jnp.minimum(a[:, None, 2:], b[None, :, 2:])
    wh = jnp.clip(rb - lt, 0.0, None)
    inter = wh[..., 0] * wh[..., 1]
    union = area_a[:, None] + area_b[None, :] - inter
    return inter / jnp.maximum(union, 1e-12)


def reference(boxes, scores):
    n = scores.shape[0]
    order = jnp.argsort(-scores)
    boxes_s = jnp.take(boxes, order, axis=0)
    scores_s = jnp.take(scores, order, axis=0)
    iou = _pairwise_iou(boxes_s, boxes_s)
    keep0 = scores_s > SCORE_THRESH
    idx = jnp.arange(n)

    def body(i, keep):
        suppress = (iou[i] > NMS_THRESH) & (idx > i) & keep[i]
        return keep & (~suppress)

    keep = jax.lax.fori_loop(0, n, body, keep0)
    masked_scores = scores_s * keep.astype(scores_s.dtype)
    return masked_scores

if __name__ == "__main__":
    import jax
    _d = setup_inputs()
    print(jax.jit(kernel)(*tuple(_d.values())))

</pallas_src>

<mosaic_0001>
module attributes {stable_mosaic.version = 14 : i64} {
  func.func @_nms_body(%arg0: memref<8x640xf32, #tpu.memory_space<vmem>>, %arg1: memref<8x640xf32, #tpu.memory_space<vmem>>, %arg2: memref<8x640xf32, #tpu.memory_space<vmem>>, %arg3: memref<8x640xf32, #tpu.memory_space<vmem>>, %arg4: memref<8x640xf32, #tpu.memory_space<vmem>>, %arg5: memref<8x640xf32, #tpu.memory_space<vmem>>, %arg6: memref<8x640xf32, #tpu.memory_space<vmem>>, %arg7: memref<8x640xi32, #tpu.memory_space<vmem>>, %arg8: memref<8x640xi32, #tpu.memory_space<vmem>>, %arg9: memref<8x640xi32, #tpu.memory_space<vmem>>, %arg10: memref<8x640xi32, #tpu.memory_space<vmem>>, %arg11: memref<8x640xi32, #tpu.memory_space<vmem>>, %arg12: memref<8x640xi32, #tpu.memory_space<vmem>>, %arg13: memref<8x640xi32, #tpu.memory_space<vmem>>, %arg14: memref<8x640xi32, #tpu.memory_space<vmem>>, %arg15: memref<8x640xi32, #tpu.memory_space<vmem>>) attributes {dimension_semantics = [], scalar_prefetch = 0 : i64, scratch_operands = 9 : i64, tpu.core_type = #tpu.core_type<tc>} {
    %iota3A = tpu.iota {dimensions = array<i32: 0>} : vector<8x640xi32>
    %iota3A_0 = tpu.iota {dimensions = array<i32: 1>} : vector<8x640xi32>
    %mul3A = arith.constant 640 : i32
    %mul3A_1 = vector.broadcast %mul3A : i32 to vector<8x640xi32>
    %mul3A_2 = arith.muli %iota3A, %mul3A_1 : vector<8x640xi32>
    %add3A = arith.addi %mul3A_2, %iota3A_0 : vector<8x640xi32>
    %get3A = arith.constant 0 : index
    %get3A_3 = arith.constant 0 : index
    %get3A_4 = vector.load %arg5[%get3A, %get3A_3] : memref<8x640xf32, #tpu.memory_space<vmem>>, vector<8x640xf32>
    %gt3A = arith.constant 5.000000e-01 : f32
    %gt3A_5 = vector.broadcast %gt3A : f32 to vector<8x640xf32>
    %gt3A_6 = arith.cmpf ogt, %get3A_4, %gt3A_5 : vector<8x640xf32>
    %lt3A = arith.constant 5000 : i32
    %lt3A_7 = vector.broadcast %lt3A : i32 to vector<8x640xi32>
    %lt3A_8 = arith.cmpi slt, %add3A, %lt3A_7 : vector<8x640xi32>
    %and3A = arith.andi %gt3A_6, %lt3A_8 : vector<8x640xi1>
    %add3A_9 = arith.constant 128 : i32
    %add3A_10 = vector.broadcast %add3A_9 : i32 to vector<8x640xi32>
    %add3A_11 = arith.addi %add3A, %add3A_10 : vector<8x640xi32>
    %jit3A = arith.constant 16384 : i32
    %broadcast_in_dim3A = vector.broadcast %jit3A : i32 to vector<8x640xi32>
    %select_n3A = arith.select %and3A, %add3A_11, %broadcast_in_dim3A : vector<8x640xi1>, vector<8x640xi32>
    %swap3A = arith.constant 0 : index
    %swap3A_12 = arith.constant 0 : index
    %swap3A_13 = vector.load %arg7[%swap3A, %swap3A_12] : memref<8x640xi32, #tpu.memory_space<vmem>>, vector<8x640xi32>
    tpu.vector_store %arg7[%swap3A, %swap3A_12], %select_n3A {strides = array<i32>} : memref<8x640xi32, #tpu.memory_space<vmem>>, vector<8x640xi32>,
    %get3A_14 = arith.constant 0 : index
    %get3A_15 = arith.constant 0 : index
    %get3A_16 = vector.load %arg0[%get3A_14, %get3A_15] : memref<8x640xf32, #tpu.memory_space<vmem>>, vector<8x640xf32>
    %bitcast_convert_type3A = tpu.bitcast %get3A_16 : vector<8x640xf32> -> vector<8x640xi32>
    %shift_right_arithmetic3A = arith.constant 16 : i32
    %shift_right_arithmetic3A_17 = vector.broadcast %shift_right_arithmetic3A : i32 to vector<8x640xi32>
    %shift_right_arithmetic3A_18 = arith.shrsi %bitcast_convert_type3A, %shift_right_arithmetic3A_17 : vector<8x640xi32>
    %and3A_19 = arith.constant 65535 : i32
    %and3A_20 = vector.broadcast %and3A_19 : i32 to vector<8x640xi32>
    %and3A_21 = arith.andi %shift_right_arithmetic3A_18, %and3A_20 : vector<8x640xi32>
    %swap3A_22 = arith.constant 0 : index
    %swap3A_23 = arith.constant 0 : index
    %swap3A_24 = vector.load %arg8[%swap3A_22, %swap3A_23] : memref<8x640xi32, #tpu.memory_space<vmem>>, vector<8x640xi32>
    tpu.vector_store %arg8[%swap3A_22, %swap3A_23], %and3A_21 {strides = array<i32>} : memref<8x640xi32, #tpu.memory_space<vmem>>, vector<8x640xi32>,
    %get3A_25 = arith.constant 0 : index
    %get3A_26 = arith.constant 0 : index
    %get3A_27 = vector.load %arg0[%get3A_25, %get3A_26] : memref<8x640xf32, #tpu.memory_space<vmem>>, vector<8x640xf32>
    %bitcast_convert_type3A_28 = tpu.bitcast %get3A_27 : vector<8x640xf32> -> vector<8x640xi32>
    %and3A_29 = arith.constant 65535 : i32
    %and3A_30 = vector.broadcast %and3A_29 : i32 to vector<8x640xi32>
    %and3A_31 = arith.andi %bitcast_convert_type3A_28, %and3A_30 : vector<8x640xi32>
    %swap3A_32 = arith.constant 0 : index
    %swap3A_33 = arith.constant 0 : index
    %swap3A_34 = vector.load %arg9[%swap3A_32, %swap3A_33] : memref<8x640xi32, #tpu.memory_space<vmem>>, vector<8x640xi32>
    tpu.vector_store %arg9[%swap3A_32, %swap3A_33], %and3A_31 {strides = array<i32>} : memref<8x640xi32, #tpu.memory_space<vmem>>, vector<8x640xi32>,
    %get3A_35 = arith.constant 0 : index
    %get3A_36 = arith.constant 0 : index
    %get3A_37 = vector.load %arg1[%get3A_35, %get3A_36] : memref<8x640xf32, #tpu.memory_space<vmem>>, vector<8x640xf32>
    %bitcast_convert_type3A_38 = tpu.bitcast %get3A_37 : vector<8x640xf32> -> vector<8x640xi32>
    %shift_right_arithmetic3A_39 = arith.constant 16 : i32
    %shift_right_arithmetic3A_40 = vector.broadcast %shift_right_arithmetic3A_39 : i32 to vector<8x640xi32>
    %shift_right_arithmetic3A_41 = arith.shrsi %bitcast_convert_type3A_38, %shift_right_arithmetic3A_40 : vector<8x640xi32>
    %and3A_42 = arith.constant 65535 : i32
    %and3A_43 = vector.broadcast %and3A_42 : i32 to vector<8x640xi32>
    %and3A_44 = arith.andi %shift_right_arithmetic3A_41, %and3A_43 : vector<8x640xi32>
    %swap3A_45 = arith.constant 0 : index
    %swap3A_46 = arith.constant 0 : index
    %swap3A_47 = vector.load %arg10[%swap3A_45, %swap3A_46] : memref<8x640xi32, #tpu.memory_space<vmem>>, vector<8x640xi32>
    tpu.vector_store %arg10[%swap3A_45, %swap3A_46], %and3A_44 {strides = array<i32>} : memref<8x640xi32, #tpu.memory_space<vmem>>, vector<8x640xi32>,
    %get3A_48 = arith.constant 0 : index
    %get3A_49 = arith.constant 0 : index
    %get3A_50 = vector.load %arg1[%get3A_48, %get3A_49] : memref<8x640xf32, #tpu.memory_space<vmem>>, vector<8x640xf32>
    %bitcast_convert_type3A_51 = tpu.bitcast %get3A_50 : vector<8x640xf32> -> vector<8x640xi32>
    %and3A_52 = arith.constant 65535 : i32
    %and3A_53 = vector.broadcast %and3A_52 : i32 to vector<8x640xi32>
    %and3A_54 = arith.andi %bitcast_convert_type3A_51, %and3A_53 : vector<8x640xi32>
    %swap3A_55 = arith.constant 0 : index
    %swap3A_56 = arith.constant 0 : index
    %swap3A_57 = vector.load %arg11[%swap3A_55, %swap3A_56] : memref<8x640xi32, #tpu.memory_space<vmem>>, vector<8x640xi32>
    tpu.vector_store %arg11[%swap3A_55, %swap3A_56], %and3A_54 {strides = array<i32>} : memref<8x640xi32, #tpu.memory_space<vmem>>, vector<8x640xi32>,
    %get3A_58 = arith.constant 0 : index
    %get3A_59 = arith.constant 0 : index
    %get3A_60 = vector.load %arg2[%get3A_58, %get3A_59] : memref<8x640xf32, #tpu.memory_space<vmem>>, vector<8x640xf32>
    %bitcast_convert_type3A_61 = tpu.bitcast %get3A_60 : vector<8x640xf32> -> vector<8x640xi32>
    %shift_right_arithmetic3A_62 = arith.constant 16 : i32
    %shift_right_arithmetic3A_63 = vector.broadcast %shift_right_arithmetic3A_62 : i32 to vector<8x640xi32>
    %shift_right_arithmetic3A_64 = arith.shrsi %bitcast_convert_type3A_61, %shift_right_arithmetic3A_63 : vector<8x640xi32>
    %and3A_65 = arith.constant 65535 : i32
    %and3A_66 = vector.broadcast %and3A_65 : i32 to vector<8x640xi32>
    %and3A_67 = arith.andi %shift_right_arithmetic3A_64, %and3A_66 : vector<8x640xi32>
    %swap3A_68 = arith.constant 0 : index
    %swap3A_69 = arith.constant 0 : index
    %swap3A_70 = vector.load %arg12[%swap3A_68, %swap3A_69] : memref<8x640xi32, #tpu.memory_space<vmem>>, vector<8x640xi32>
    tpu.vector_store %arg12[%swap3A_68, %swap3A_69], %and3A_67 {strides = array<i32>} : memref<8x640xi32, #tpu.memory_space<vmem>>, vector<8x640xi32>,
    %get3A_71 = arith.constant 0 : index
    %get3A_72 = arith.constant 0 : index
    %get3A_73 = vector.load %arg2[%get3A_71, %get3A_72] : memref<8x640xf32, #tpu.memory_space<vmem>>, vector<8x640xf32>
    %bitcast_convert_type3A_74 = tpu.bitcast %get3A_73 : vector<8x640xf32> -> vector<8x640xi32>
    %and3A_75 = arith.constant 65535 : i32
    %and3A_76 = vector.broadcast %and3A_75 : i32 to vector<8x640xi32>
    %and3A_77 = arith.andi %bitcast_convert_type3A_74, %and3A_76 : vector<8x640xi32>
    %swap3A_78 = arith.constant 0 : index
    %swap3A_79 = arith.constant 0 : index
    %swap3A_80 = vector.load %arg13[%swap3A_78, %swap3A_79] : memref<8x640xi32, #tpu.memory_space<vmem>>, vector<8x640xi32>
    tpu.vector_store %arg13[%swap3A_78, %swap3A_79], %and3A_77 {strides = array<i32>} : memref<8x640xi32, #tpu.memory_space<vmem>>, vector<8x640xi32>,
    %get3A_81 = arith.constant 0 : index
    %get3A_82 = arith.constant 0 : index
    %get3A_83 = vector.load %arg3[%get3A_81, %get3A_82] : memref<8x640xf32, #tpu.memory_space<vmem>>, vector<8x640xf32>
    %bitcast_convert_type3A_84 = tpu.bitcast %get3A_83 : vector<8x640xf32> -> vector<8x640xi32>
    %shift_right_arithmetic3A_85 = arith.constant 16 : i32
    %shift_right_arithmetic3A_86 = vector.broadcast %shift_right_arithmetic3A_85 : i32 to vector<8x640xi32>
    %shift_right_arithmetic3A_87 = arith.shrsi %bitcast_convert_type3A_84, %shift_right_arithmetic3A_86 : vector<8x640xi32>
    %and3A_88 = arith.constant 65535 : i32
    %and3A_89 = vector.broadcast %and3A_88 : i32 to vector<8x640xi32>
    %and3A_90 = arith.andi %shift_right_arithmetic3A_87, %and3A_89 : vector<8x640xi32>
    %swap3A_91 = arith.constant 0 : index
    %swap3A_92 = arith.constant 0 : index
    %swap3A_93 = vector.load %arg14[%swap3A_91, %swap3A_92] : memref<8x640xi32, #tpu.memory_space<vmem>>, vector<8x640xi32>
    tpu.vector_store %arg14[%swap3A_91, %swap3A_92], %and3A_90 {strides = array<i32>} : memref<8x640xi32, #tpu.memory_space<vmem>>, vector<8x640xi32>,
    %get3A_94 = arith.constant 0 : index
    %get3A_95 = arith.constant 0 : index
    %get3A_96 = vector.load %arg3[%get3A_94, %get3A_95] : memref<8x640xf32, #tpu.memory_space<vmem>>, vector<8x640xf32>
    %bitcast_convert_type3A_97 = tpu.bitcast %get3A_96 : vector<8x640xf32> -> vector<8x640xi32>
    %and3A_98 = arith.constant 65535 : i32
    %and3A_99 = vector.broadcast %and3A_98 : i32 to vector<8x640xi32>
    %and3A_100 = arith.andi %bitcast_convert_type3A_97, %and3A_99 : vector<8x640xi32>
    %swap3A_101 = arith.constant 0 : index
    %swap3A_102 = arith.constant 0 : index
    %swap3A_103 = vector.load %arg15[%swap3A_101, %swap3A_102] : memref<8x640xi32, #tpu.memory_space<vmem>>, vector<8x640xi32>
    tpu.vector_store %arg15[%swap3A_101, %swap3A_102], %and3A_100 {strides = array<i32>} : memref<8x640xi32, #tpu.memory_space<vmem>>, vector<8x640xi32>,
    %while3A = arith.constant 0 : i32
    %while3A_104 = scf.while (%while3A_119 = %while3A) : (i32) -> i32 {
      %lt3A_120 = arith.constant 8320 : i32
      %lt3A_121 = arith.cmpi slt, %while3A_119, %lt3A_120 : i32
      scf.condition(%lt3A_121) %while3A_119 : i32
    } do {
    ^bb0(%while3A_119: i32):
      %broadcast_in_dim3A_120 = arith.constant 0 : i32
      %broadcast_in_dim3A_121 = vector.broadcast %broadcast_in_dim3A_120 : i32 to vector<1x1xi32>
      %scan3A = arith.constant 0 : i32
      %get3A_122 = arith.constant 0 : index
      %get3A_123 = arith.constant 0 : index
      %get3A_124 = vector.load %arg7[%get3A_122, %get3A_123] : memref<8x640xi32, #tpu.memory_space<vmem>>, vector<8x640xi32>
      %shift_left3A = arith.constant 16 : i32
      %shift_left3A_125 = vector.broadcast %shift_left3A : i32 to vector<8x640xi32>
      %shift_left3A_126 = arith.shli %get3A_124, %shift_left3A_125 : vector<8x640xi32>
      %get3A_127 = arith.constant 0 : index
      %get3A_128 = arith.constant 0 : index
      %get3A_129 = vector.load %arg8[%get3A_127, %get3A_128] : memref<8x640xi32, #tpu.memory_space<vmem>>, vector<8x640xi32>
      %or3A = arith.ori %shift_left3A_126, %get3A_129 : vector<8x640xi32>
      %bitcast_convert_type3A_130 = tpu.bitcast %or3A : vector<8x640xi32> -> vector<8x640xf32>
      %reduce_min3A = arith.constant dense<0x7F800000> : vector<8xf32>
      %reduce_min3A_131 = vector.multi_reduction <minimumf>, %bitcast_convert_type3A_130, %reduce_min3A [1] : vector<8x640xf32> to vector<8xf32>
      %broadcast_in_dim3A_132 = vector.shape_cast %reduce_min3A_131 : vector<8xf32> to vector<8x1xf32>
      %reduce_min3A_133 = arith.constant dense<0x7F800000> : vector<1xf32>
      %reduce_min3A_134 = vector.multi_reduction <minimumf>, %broadcast_in_dim3A_132, %reduce_min3A_133 [0] : vector<8x1xf32> to vector<1xf32>
      %broadcast_in_dim3A_135 = vector.shape_cast %reduce_min3A_134 : vector<1xf32> to vector<1x1xf32>
      %bitcast_convert_type3A_136 = tpu.bitcast %broadcast_in_dim3A_135 : vector<1x1xf32> -> vector<1x1xi32>
      %get3A_137 = arith.constant 0 : index
      %get3A_138 = arith.constant 0 : index
      %get3A_139 = vector.load %arg9[%get3A_137, %get3A_138] : memref<8x640xi32, #tpu.memory_space<vmem>>, vector<8x640xi32>
      %or3A_140 = arith.ori %shift_left3A_126, %get3A_139 : vector<8x640xi32>
      %bitcast_convert_type3A_141 = tpu.bitcast %or3A_140 : vector<8x640xi32> -> vector<8x640xf32>
      %reduce_min3A_142 = arith.constant dense<0x7F800000> : vector<8xf32>
      %reduce_min3A_143 = vector.multi_reduction <minimumf>, %bitcast_convert_type3A_141, %reduce_min3A_142 [1] : vector<8x640xf32> to vector<8xf32>
      %broadcast_in_dim3A_144 = vector.shape_cast %reduce_min3A_143 : vector<8xf32> to vector<8x1xf32>
      %reduce_min3A_145 = arith.constant dense<0x7F800000> : vector<1xf32>
      %reduce_min3A_146 = vector.multi_reduction <minimumf>, %broadcast_in_dim3A_144, %reduce_min3A_145 [0] : vector<8x1xf32> to vector<1xf32>
      %broadcast_in_dim3A_147 = vector.shape_cast %reduce_min3A_146 : vector<1xf32> to vector<1x1xf32>
      %bitcast_convert_type3A_148 = tpu.bitcast %broadcast_in_dim3A_147 : vector<1x1xf32> -> vector<1x1xi32>
      %get3A_149 = arith.constant 0 : index
      %get3A_150 = arith.constant 0 : index
      %get3A_151 = vector.load %arg10[%get3A_149, %get3A_150] : memref<8x640xi32, #tpu.memory_space<vmem>>, vector<8x640xi32>
      %or3A_152 = arith.ori %shift_left3A_126, %get3A_151 : vector<8x640xi32>
      %bitcast_convert_type3A_153 = tpu.bitcast %or3A_152 : vector<8x640xi32> -> vector<8x640xf32>
      %reduce_min3A_154 = arith.constant dense<0x7F800000> : vector<8xf32>
      %reduce_min3A_155 = vector.multi_reduction <minimumf>, %bitcast_convert_type3A_153, %reduce_min3A_154 [1] : vector<8x640xf32> to vector<8xf32>
      %broadcast_in_dim3A_156 = vector.shape_cast %reduce_min3A_155 : vector<8xf32> to vector<8x1xf32>
      %reduce_min3A_157 = arith.constant dense<0x7F800000> : vector<1xf32>
      %reduce_min3A_158 = vector.multi_reduction <minimumf>, %broadcast_in_dim3A_156, %reduce_min3A_157 [0] : vector<8x1xf32> to vector<1xf32>
      %broadcast_in_dim3A_159 = vector.shape_cast %reduce_min3A_158 : vector<1xf32> to vector<1x1xf32>
      %bitcast_convert_type3A_160 = tpu.bitcast %broadcast_in_dim3A_159 : vector<1x1xf32> -> vector<1x1xi32>
      %get3A_161 = arith.constant 0 : index
      %get3A_162 = arith.constant 0 : index
      %get3A_163 = vector.load %arg11[%get3A_161, %get3A_162] : memref<8x640xi32, #tpu.memory_space<vmem>>, vector<8x640xi32>
      %or3A_164 = arith.ori %shift_left3A_126, %get3A_163 : vector<8x640xi32>
      %bitcast_convert_type3A_165 = tpu.bitcast %or3A_164 : vector<8x640xi32> -> vector<8x640xf32>
      %reduce_min3A_166 = arith.constant dense<0x7F800000> : vector<8xf32>
      %reduce_min3A_167 = vector.multi_reduction <minimumf>, %bitcast_convert_type3A_165, %reduce_min3A_166 [1] : vector<8x640xf32> to vector<8xf32>
      %broadcast_in_dim3A_168 = vector.shape_cast %reduce_min3A_167 : vector<8xf32> to vector<8x1xf32>
      %reduce_min3A_169 = arith.constant dense<0x7F800000> : vector<1xf32>
      %reduce_min3A_170 = vector.multi_reduction <minimumf>, %broadcast_in_dim3A_168, %reduce_min3A_169 [0] : vector<8x1xf32> to vector<1xf32>
      %broadcast_in_dim3A_171 = vector.shape_cast %reduce_min3A_170 : vector<1xf32> to vector<1x1xf32>
      %bitcast_convert_type3A_172 = tpu.bitcast %broadcast_in_dim3A_171 : vector<1x1xf32> -> vector<1x1xi32>
      %get3A_173 = arith.constant 0 : index
      %get3A_174 = arith.constant 0 : index
      %get3A_175 = vector.load %arg12[%get3A_173, %get3A_174] : memref<8x640xi32, #tpu.memory_space<vmem>>, vector<8x640xi32>
      %or3A_176 = arith.ori %shift_left3A_126, %get3A_175 : vector<8x640xi32>
      %bitcast_convert_type3A_177 = tpu.bitcast %or3A_176 : vector<8x640xi32> -> vector<8x640xf32>
      %reduce_min3A_178 = arith.constant dense<0x7F800000> : vector<8xf32>
      %reduce_min3A_179 = vector.multi_reduction <minimumf>, %bitcast_convert_type3A_177, %reduce_min3A_178 [1] : vector<8x640xf32> to vector<8xf32>
      %broadcast_in_dim3A_180 = vector.shape_cast %reduce_min3A_179 : vector<8xf32> to vector<8x1xf32>
      %reduce_min3A_181 = arith.constant dense<0x7F800000> : vector<1xf32>
      %reduce_min3A_182 = vector.multi_reduction <minimumf>, %broadcast_in_dim3A_180, %reduce_min3A_181 [0] : vector<8x1xf32> to vector<1xf32>
      %broadcast_in_dim3A_183 = vector.shape_cast %reduce_min3A_182 : vector<1xf32> to vector<1x1xf32>
      %bitcast_convert_type3A_184 = tpu.bitcast %broadcast_in_dim3A_183 : vector<1x1xf32> -> vector<1x1xi32>
      %get3A_185 = arith.constant 0 : index
      %get3A_186 = arith.constant 0 : index
      %get3A_187 = vector.load %arg13[%get3A_185, %get3A_186] : memref<8x640xi32, #tpu.memory_space<vmem>>, vector<8x640xi32>
      %or3A_188 = arith.ori %shift_left3A_126, %get3A_187 : vector<8x640xi32>
      %bitcast_convert_type3A_189 = tpu.bitcast %or3A_188 : vector<8x640xi32> -> vector<8x640xf32>
      %reduce_min3A_190 = arith.constant dense<0x7F800000> : vector<8xf32>
      %reduce_min3A_191 = vector.multi_reduction <minimumf>, %bitcast_convert_type3A_189, %reduce_min3A_190 [1] : vector<8x640xf32> to vector<8xf32>
      %broadcast_in_dim3A_192 = vector.shape_cast %reduce_min3A_191 : vector<8xf32> to vector<8x1xf32>
      %reduce_min3A_193 = arith.constant dense<0x7F800000> : vector<1xf32>
      %reduce_min3A_194 = vector.multi_reduction <minimumf>, %broadcast_in_dim3A_192, %reduce_min3A_193 [0] : vector<8x1xf32> to vector<1xf32>
      %broadcast_in_dim3A_195 = vector.shape_cast %reduce_min3A_194 : vector<1xf32> to vector<1x1xf32>
      %bitcast_convert_type3A_196 = tpu.bitcast %broadcast_in_dim3A_195 : vector<1x1xf32> -> vector<1x1xi32>
      %get3A_197 = arith.constant 0 : index
      %get3A_198 = arith.constant 0 : index
      %get3A_199 = vector.load %arg14[%get3A_197, %get3A_198] : memref<8x640xi32, #tpu.memory_space<vmem>>, vector<8x640xi32>
      %or3A_200 = arith.ori %shift_left3A_126, %get3A_199 : vector<8x640xi32>
      %bitcast_convert_type3A_201 = tpu.bitcast %or3A_200 : vector<8x640xi32> -> vector<8x640xf32>
      %reduce_min3A_202 = arith.constant dense<0x7F800000> : vector<8xf32>
      %reduce_min3A_203 = vector.multi_reduction <minimumf>, %bitcast_convert_type3A_201, %reduce_min3A_202 [1] : vector<8x640xf32> to vector<8xf32>
      %broadcast_in_dim3A_204 = vector.shape_cast %reduce_min3A_203 : vector<8xf32> to vector<8x1xf32>
      %reduce_min3A_205 = arith.constant dense<0x7F800000> : vector<1xf32>
      %reduce_min3A_206 = vector.multi_reduction <minimumf>, %broadcast_in_dim3A_204, %reduce_min3A_205 [0] : vector<8x1xf32> to vector<1xf32>
      %broadcast_in_dim3A_207 = vector.shape_cast %reduce_min3A_206 : vector<1xf32> to vector<1x1xf32>
      %bitcast_convert_type3A_208 = tpu.bitcast %broadcast_in_dim3A_207 : vector<1x1xf32> -> vector<1x1xi32>
      %get3A_209 = arith.constant 0 : index
      %get3A_210 = arith.constant 0 : index
      %get3A_211 = vector.load %arg15[%get3A_209, %get3A_210] : memref<8x640xi32, #tpu.memory_space<vmem>>, vector<8x640xi32>
      %or3A_212 = arith.ori %shift_left3A_126, %get3A_211 : vector<8x640xi32>
      %bitcast_convert_type3A_213 = tpu.bitcast %or3A_212 : vector<8x640xi32> -> vector<8x640xf32>
      %reduce_min3A_214 = arith.constant dense<0x7F800000> : vector<8xf32>
      %reduce_min3A_215 = vector.multi_reduction <minimumf>, %bitcast_convert_type3A_213, %reduce_min3A_214 [1] : vector<8x640xf32> to vector<8xf32>
      %broadcast_in_dim3A_216 = vector.shape_cast %reduce_min3A_215 : vector<8xf32> to vector<8x1xf32>
      %reduce_min3A_217 = arith.constant dense<0x7F800000> : vector<1xf32>
      %reduce_min3A_218 = vector.multi_reduction <minimumf>, %broadcast_in_dim3A_216, %reduce_min3A_217 [0] : vector<8x1xf32> to vector<1xf32>
      %broadcast_in_dim3A_219 = vector.shape_cast %reduce_min3A_218 : vector<1xf32> to vector<1x1xf32>
      %bitcast_convert_type3A_220 = tpu.bitcast %broadcast_in_dim3A_219 : vector<1x1xf32> -> vector<1x1xi32>
      %shift_right_arithmetic3A_221 = arith.constant 16 : i32
      %shift_right_arithmetic3A_222 = vector.broadcast %shift_right_arithmetic3A_221 : i32 to vector<1x1xi32>
      %shift_right_arithmetic3A_223 = arith.shrsi %bitcast_convert_type3A_136, %shift_right_arithmetic3A_222 : vector<1x1xi32>
      %lt3A_224 = arith.constant 8320 : i32
      %lt3A_225 = vector.broadcast %lt3A_224 : i32 to vector<1x1xi32>
      %lt3A_226 = arith.cmpi slt, %shift_right_arithmetic3A_223, %lt3A_225 : vector<1x1xi32>
      %and3A_227 = arith.constant 65535 : i32
      %and3A_228 = vector.broadcast %and3A_227 : i32 to vector<1x1xi32>
      %and3A_229 = arith.andi %bitcast_convert_type3A_136, %and3A_228 : vector<1x1xi32>
      %shift_left3A_230 = arith.constant 16 : i32
      %shift_left3A_231 = vector.broadcast %shift_left3A_230 : i32 to vector<1x1xi32>
      %shift_left3A_232 = arith.shli %and3A_229, %shift_left3A_231 : vector<1x1xi32>
      %and3A_233 = arith.constant 65535 : i32
      %and3A_234 = vector.broadcast %and3A_233 : i32 to vector<1x1xi32>
      %and3A_235 = arith.andi %bitcast_convert_type3A_148, %and3A_234 : vector<1x1xi32>
      %or3A_236 = arith.ori %shift_left3A_232, %and3A_235 : vector<1x1xi32>
      %bitcast_convert_type3A_237 = tpu.bitcast %or3A_236 : vector<1x1xi32> -> vector<1x1xf32>
      %jit3A_238 = arith.constant -1.000000e+30 : f32
      %broadcast_in_dim3A_239 = vector.broadcast %jit3A_238 : f32 to vector<1x1xf32>
      %select_n3A_240 = arith.select %lt3A_226, %bitcast_convert_type3A_237, %broadcast_in_dim3A_239 : vector<1x1xi1>, vector<1x1xf32>
      %and3A_241 = arith.constant 65535 : i32
      %and3A_242 = vector.broadcast %and3A_241 : i32 to vector<1x1xi32>
      %and3A_243 = arith.andi %bitcast_convert_type3A_160, %and3A_242 : vector<1x1xi32>
      %shift_left3A_244 = arith.constant 16 : i32
      %shift_left3A_245 = vector.broadcast %shift_left3A_244 : i32 to vector<1x1xi32>
      %shift_left3A_246 = arith.shli %and3A_243, %shift_left3A_245 : vector<1x1xi32>
      %and3A_247 = arith.constant 65535 : i32
      %and3A_248 = vector.broadcast %and3A_247 : i32 to vector<1x1xi32>
      %and3A_249 = arith.andi %bitcast_convert_type3A_172, %and3A_248 : vector<1x1xi32>
      %or3A_250 = arith.ori %shift_left3A_246, %and3A_249 : vector<1x1xi32>
      %bitcast_convert_type3A_251 = tpu.bitcast %or3A_250 : vector<1x1xi32> -> vector<1x1xf32>
      %jit3A_252 = arith.constant -1.000000e+30 : f32
      %broadcast_in_dim3A_253 = vector.broadcast %jit3A_252 : f32 to vector<1x1xf32>
      %select_n3A_254 = arith.select %lt3A_226, %bitcast_convert_type3A_251, %broadcast_in_dim3A_253 : vector<1x1xi1>, vector<1x1xf32>
      %and3A_255 = arith.constant 65535 : i32
      %and3A_256 = vector.broadcast %and3A_255 : i32 to vector<1x1xi32>
      %and3A_257 = arith.andi %bitcast_convert_type3A_184, %and3A_256 : vector<1x1xi32>
      %shift_left3A_258 = arith.constant 16 : i32
      %shift_left3A_259 = vector.broadcast %shift_left3A_258 : i32 to vector<1x1xi32>
      %shift_left3A_260 = arith.shli %and3A_257, %shift_left3A_259 : vector<1x1xi32>
      %and3A_261 = arith.constant 65535 : i32
      %and3A_262 = vector.broadcast %and3A_261 : i32 to vector<1x1xi32>
      %and3A_263 = arith.andi %bitcast_convert_type3A_196, %and3A_262 : vector<1x1xi32>
      %or3A_264 = arith.ori %shift_left3A_260, %and3A_263 : vector<1x1xi32>
      %bitcast_convert_type3A_265 = tpu.bitcast %or3A_264 : vector<1x1xi32> -> vector<1x1xf32>
      %jit3A_266 = arith.constant -1.000000e+30 : f32
      %broadcast_in_dim3A_267 = vector.broadcast %jit3A_266 : f32 to vector<1x1xf32>
      %select_n3A_268 = arith.select %lt3A_226, %bitcast_convert_type3A_265, %broadcast_in_dim3A_267 : vector<1x1xi1>, vector<1x1xf32>
      %and3A_269 = arith.constant 65535 : i32
      %and3A_270 = vector.broadcast %and3A_269 : i32 to vector<1x1xi32>
      %and3A_271 = arith.andi %bitcast_convert_type3A_208, %and3A_270 : vector<1x1xi32>
      %shift_left3A_272 = arith.constant 16 : i32
      %shift_left3A_273 = vector.broadcast %shift_left3A_272 : i32 to vector<1x1xi32>
      %shift_left3A_274 = arith.shli %and3A_271, %shift_left3A_273 : vector<1x1xi32>
      %and3A_275 = arith.constant 65535 : i32
      %and3A_276 = vector.broadcast %and3A_275 : i32 to vector<1x1xi32>
      %and3A_277 = arith.andi %bitcast_convert_type3A_220, %and3A_276 : vector<1x1xi32>
      %or3A_278 = arith.ori %shift_left3A_274, %and3A_277 : vector<1x1xi32>
      %bitcast_convert_type3A_279 = tpu.bitcast %or3A_278 : vector<1x1xi32> -> vector<1x1xf32>
      %jit3A_280 = arith.constant -1.000000e+30 : f32
      %broadcast_in_dim3A_281 = vector.broadcast %jit3A_280 : f32 to vector<1x1xf32>
      %select_n3A_282 = arith.select %lt3A_226, %bitcast_convert_type3A_279, %broadcast_in_dim3A_281 : vector<1x1xi1>, vector<1x1xf32>
      %sub3A = arith.subf %select_n3A_268, %select_n3A_240 : vector<1x1xf32>
      %sub3A_283 = arith.subf %select_n3A_282, %select_n3A_254 : vector<1x1xf32>
      %mul3A_284 = arith.mulf %sub3A, %sub3A_283 : vector<1x1xf32>
      %get3A_285 = arith.constant 0 : index
      %get3A_286 = arith.constant 0 : index
      %get3A_287 = vector.load %arg0[%get3A_285, %get3A_286] : memref<8x640xf32, #tpu.memory_space<vmem>>, vector<8x640xf32>
      %get3A_288 = arith.constant 0 : index
      %get3A_289 = arith.constant 0 : index
      %get3A_290 = vector.load %arg1[%get3A_288, %get3A_289] : memref<8x640xf32, #tpu.memory_space<vmem>>, vector<8x640xf32>
      %get3A_291 = arith.constant 0 : index
      %get3A_292 = arith.constant 0 : index
      %get3A_293 = vector.load %arg2[%get3A_291, %get3A_292] : memref<8x640xf32, #tpu.memory_space<vmem>>, vector<8x640xf32>
      %get3A_294 = arith.constant 0 : index
      %get3A_295 = arith.constant 0 : index
      %get3A_296 = vector.load %arg3[%get3A_294, %get3A_295] : memref<8x640xf32, #tpu.memory_space<vmem>>, vector<8x640xf32>
      %min3A = vector.broadcast %select_n3A_268 : vector<1x1xf32> to vector<8x640xf32>
      %min3A_297 = arith.minimumf %min3A, %get3A_293 : vector<8x640xf32>
      %max3A = vector.broadcast %select_n3A_240 : vector<1x1xf32> to vector<8x640xf32>
      %max3A_298 = arith.maximumf %max3A, %get3A_287 : vector<8x640xf32>
      %sub3A_299 = arith.subf %min3A_297, %max3A_298 : vector<8x640xf32>
      %max3A_300 = arith.constant 0.000000e+00 : f32
      %max3A_301 = vector.broadcast %max3A_300 : f32 to vector<8x640xf32>
      %max3A_302 = arith.maximumf %sub3A_299, %max3A_301 : vector<8x640xf32>
      %min3A_303 = vector.broadcast %select_n3A_282 : vector<1x1xf32> to vector<8x640xf32>
      %min3A_304 = arith.minimumf %min3A_303, %get3A_296 : vector<8x640xf32>
      %max3A_305 = vector.broadcast %select_n3A_254 : vector<1x1xf32> to vector<8x640xf32>
      %max3A_306 = arith.maximumf %max3A_305, %get3A_290 : vector<8x640xf32>
      %sub3A_307 = arith.subf %min3A_304, %max3A_306 : vector<8x640xf32>
      %max3A_308 = arith.constant 0.000000e+00 : f32
      %max3A_309 = vector.broadcast %max3A_308 : f32 to vector<8x640xf32>
      %max3A_310 = arith.maximumf %sub3A_307, %max3A_309 : vector<8x640xf32>
      %mul3A_311 = arith.mulf %max3A_302, %max3A_310 : vector<8x640xf32>
      %get3A_312 = arith.constant 0 : index
      %get3A_313 = arith.constant 0 : index
      %get3A_314 = vector.load %arg4[%get3A_312, %get3A_313] : memref<8x640xf32, #tpu.memory_space<vmem>>, vector<8x640xf32>
      %add3A_315 = vector.broadcast %mul3A_284 : vector<1x1xf32> to vector<8x640xf32>
      %add3A_316 = arith.addf %add3A_315, %get3A_314 : vector<8x640xf32>
      %sub3A_317 = arith.subf %add3A_316, %mul3A_311 : vector<8x640xf32>
      %mul3A_318 = arith.constant 2.000000e-01 : f32
      %mul3A_319 = vector.broadcast %mul3A_318 : f32 to vector<8x640xf32>
      %mul3A_320 = arith.mulf %mul3A_319, %sub3A_317 : vector<8x640xf32>
      %gt3A_321 = arith.cmpf ogt, %mul3A_311, %mul3A_320 : vector<8x640xf32>
      %eq3A_322 = vector.broadcast %shift_right_arithmetic3A_223 : vector<1x1xi32> to vector<8x640xi32>
      %eq3A_323 = arith.cmpi eq, %get3A_124, %eq3A_322 : vector<8x640xi32>
      %and3A_324 = vector.broadcast %lt3A_226 : vector<1x1xi1> to vector<8x640xi1>
      %and3A_325 = arith.andi %eq3A_323, %and3A_324 : vector<8x640xi1>
      %jit3A_326 = arith.constant 16384 : i32
      %broadcast_in_dim3A_327 = vector.broadcast %jit3A_326 : i32 to vector<8x640xi32>
      %select_n3A_328 = arith.select %gt3A_321, %broadcast_in_dim3A_327, %get3A_124 : vector<8x640xi1>, vector<8x640xi32>
      %jit3A_329 = arith.constant 12288 : i32
      %broadcast_in_dim3A_330 = vector.broadcast %jit3A_329 : i32 to vector<8x640xi32>
      %select_n3A_331 = arith.select %and3A_325, %broadcast_in_dim3A_330, %select_n3A_328 : vector<8x640xi1>, vector<8x640xi32>
      %swap3A_332 = arith.constant 0 : index
      %swap3A_333 = arith.constant 0 : index
      %swap3A_334 = vector.load %arg7[%swap3A_332, %swap3A_333] : memref<8x640xi32, #tpu.memory_space<vmem>>, vector<8x640xi32>
      tpu.vector_store %arg7[%swap3A_332, %swap3A_333], %select_n3A_331 {strides = array<i32>} : memref<8x640xi32, #tpu.memory_space<vmem>>, vector<8x640xi32>,
      %scan3A_335 = arith.constant 1 : i32
      %get3A_336 = arith.constant 0 : index
      %get3A_337 = arith.constant 0 : index
      %get3A_338 = vector.load %arg7[%get3A_336, %get3A_337] : memref<8x640xi32, #tpu.memory_space<vmem>>, vector<8x640xi32>
      %shift_left3A_339 = arith.constant 16 : i32
      %shift_left3A_340 = vector.broadcast %shift_left3A_339 : i32 to vector<8x640xi32>
      %shift_left3A_341 = arith.shli %get3A_338, %shift_left3A_340 : vector<8x640xi32>
      %get3A_342 = arith.constant 0 : index
      %get3A_343 = arith.constant 0 : index
      %get3A_344 = vector.load %arg8[%get3A_342, %get3A_343] : memref<8x640xi32, #tpu.memory_space<vmem>>, vector<8x640xi32>
      %or3A_345 = arith.ori %shift_left3A_341, %get3A_344 : vector<8x640xi32>
      %bitcast_convert_type3A_346 = tpu.bitcast %or3A_345 : vector<8x640xi32> -> vector<8x640xf32>
      %reduce_min3A_347 = arith.constant dense<0x7F800000> : vector<8xf32>
      %reduce_min3A_348 = vector.multi_reduction <minimumf>, %bitcast_convert_type3A_346, %reduce_min3A_347 [1] : vector<8x640xf32> to vector<8xf32>
      %broadcast_in_dim3A_349 = vector.shape_cast %reduce_min3A_348 : vector<8xf32> to vector<8x1xf32>
      %reduce_min3A_350 = arith.constant dense<0x7F800000> : vector<1xf32>
      %reduce_min3A_351 = vector.multi_reduction <minimumf>, %broadcast_in_dim3A_349, %reduce_min3A_350 [0] : vector<8x1xf32> to vector<1xf32>
      %broadcast_in_dim3A_352 = vector.shape_cast %reduce_min3A_351 : vector<1xf32> to vector<1x1xf32>
      %bitcast_convert_type3A_353 = tpu.bitcast %broadcast_in_dim3A_352 : vector<1x1xf32> -> vector<1x1xi32>
      %get3A_354 = arith.constant 0 : index
      %get3A_355 = arith.constant 0 : index
      %get3A_356 = vector.load %arg9[%get3A_354, %get3A_355] : memref<8x640xi32, #tpu.memory_space<vmem>>, vector<8x640xi32>
      %or3A_357 = arith.ori %shift_left3A_341, %get3A_356 : vector<8x640xi32>
      %bitcast_convert_type3A_358 = tpu.bitcast %or3A_357 : vector<8x640xi32> -> vector<8x640xf32>
      %reduce_min3A_359 = arith.constant dense<0x7F800000> : vector<8xf32>
      %reduce_min3A_360 = vector.multi_reduction <minimumf>, %bitcast_convert_type3A_358, %reduce_min3A_359 [1] : vector<8x640xf32> to vector<8xf32>
      %broadcast_in_dim3A_361 = vector.shape_cast %reduce_min3A_360 : vector<8xf32> to vector<8x1xf32>
      %reduce_min3A_362 = arith.constant dense<0x7F800000> : vector<1xf32>
      %reduce_min3A_363 = vector.multi_reduction <minimumf>, %broadcast_in_dim3A_361, %reduce_min3A_362 [0] : vector<8x1xf32> to vector<1xf32>
      %broadcast_in_dim3A_364 = vector.shape_cast %reduce_min3A_363 : vector<1xf32> to vector<1x1xf32>
      %bitcast_convert_type3A_365 = tpu.bitcast %broadcast_in_dim3A_364 : vector<1x1xf32> -> vector<1x1xi32>
      %get3A_366 = arith.constant 0 : index
      %get3A_367 = arith.constant 0 : index
      %get3A_368 = vector.load %arg10[%get3A_366, %get3A_367] : memref<8x640xi32, #tpu.memory_space<vmem>>, vector<8x640xi32>
      %or3A_369 = arith.ori %shift_left3A_341, %get3A_368 : vector<8x640xi32>
      %bitcast_convert_type3A_370 = tpu.bitcast %or3A_369 : vector<8x640xi32> -> vector<8x640xf32>
      %reduce_min3A_371 = arith.constant dense<0x7F800000> : vector<8xf32>
      %reduce_min3A_372 = vector.multi_reduction <minimumf>, %bitcast_convert_type3A_370, %reduce_min3A_371 [1] : vector<8x640xf32> to vector<8xf32>
      %broadcast_in_dim3A_373 = vector.shape_cast %reduce_min3A_372 : vector<8xf32> to vector<8x1xf32>
      %reduce_min3A_374 = arith.constant dense<0x7F800000> : vector<1xf32>
      %reduce_min3A_375 = vector.multi_reduction <minimumf>, %broadcast_in_dim3A_373, %reduce_min3A_374 [0] : vector<8x1xf32> to vector<1xf32>
      %broadcast_in_dim3A_376 = vector.shape_cast %reduce_min3A_375 : vector<1xf32> to vector<1x1xf32>
      %bitcast_convert_type3A_377 = tpu.bitcast %broadcast_in_dim3A_376 : vector<1x1xf32> -> vector<1x1xi32>
      %get3A_378 = arith.constant 0 : index
      %get3A_379 = arith.constant 0 : index
      %get3A_380 = vector.load %arg11[%get3A_378, %get3A_379] : memref<8x640xi32, #tpu.memory_space<vmem>>, vector<8x640xi32>
      %or3A_381 = arith.ori %shift_left3A_341, %get3A_380 : vector<8x640xi32>
      %bitcast_convert_type3A_382 = tpu.bitcast %or3A_381 : vector<8x640xi32> -> vector<8x640xf32>
      %reduce_min3A_383 = arith.constant dense<0x7F800000> : vector<8xf32>
      %reduce_min3A_384 = vector.multi_reduction <minimumf>, %bitcast_convert_type3A_382, %reduce_min3A_383 [1] : vector<8x640xf32> to vector<8xf32>
      %broadcast_in_dim3A_385 = vector.shape_cast %reduce_min3A_384 : vector<8xf32> to vector<8x1xf32>
      %reduce_min3A_386 = arith.constant dense<0x7F800000> : vector<1xf32>
      %reduce_min3A_387 = vector.multi_reduction <minimumf>, %broadcast_in_dim3A_385, %reduce_min3A_386 [0] : vector<8x1xf32> to vector<1xf32>
      %broadcast_in_dim3A_388 = vector.shape_cast %reduce_min3A_387 : vector<1xf32> to vector<1x1xf32>
      %bitcast_convert_type3A_389 = tpu.bitcast %broadcast_in_dim3A_388 : vector<1x1xf32> -> vector<1x1xi32>
      %get3A_390 = arith.constant 0 : index
      %get3A_391 = arith.constant 0 : index
      %get3A_392 = vector.load %arg12[%get3A_390, %get3A_391] : memref<8x640xi32, #tpu.memory_space<vmem>>, vector<8x640xi32>
      %or3A_393 = arith.ori %shift_left3A_341, %get3A_392 : vector<8x640xi32>
      %bitcast_convert_type3A_394 = tpu.bitcast %or3A_393 : vector<8x640xi32> -> vector<8x640xf32>
      %reduce_min3A_395 = arith.constant dense<0x7F800000> : vector<8xf32>
      %reduce_min3A_396 = vector.multi_reduction <minimumf>, %bitcast_convert_type3A_394, %reduce_min3A_395 [1] : vector<8x640xf32> to vector<8xf32>
      %broadcast_in_dim3A_397 = vector.shape_cast %reduce_min3A_396 : vector<8xf32> to vector<8x1xf32>
      %reduce_min3A_398 = arith.constant dense<0x7F800000> : vector<1xf32>
      %reduce_min3A_399 = vector.multi_reduction <minimumf>, %broadcast_in_dim3A_397, %reduce_min3A_398 [0] : vector<8x1xf32> to vector<1xf32>
      %broadcast_in_dim3A_400 = vector.shape_cast %reduce_min3A_399 : vector<1xf32> to vector<1x1xf32>
      %bitcast_convert_type3A_401 = tpu.bitcast %broadcast_in_dim3A_400 : vector<1x1xf32> -> vector<1x1xi32>
      %get3A_402 = arith.constant 0 : index
      %get3A_403 = arith.constant 0 : index
      %get3A_404 = vector.load %arg13[%get3A_402, %get3A_403] : memref<8x640xi32, #tpu.memory_space<vmem>>, vector<8x640xi32>
      %or3A_405 = arith.ori %shift_left3A_341, %get3A_404 : vector<8x640xi32>
      %bitcast_convert_type3A_406 = tpu.bitcast %or3A_405 : vector<8x640xi32> -> vector<8x640xf32>
      %reduce_min3A_407 = arith.constant dense<0x7F800000> : vector<8xf32>
      %reduce_min3A_408 = vector.multi_reduction <minimumf>, %bitcast_convert_type3A_406, %reduce_min3A_407 [1] : vector<8x640xf32> to vector<8xf32>
      %broadcast_in_dim3A_409 = vector.shape_cast %reduce_min3A_408 : vector<8xf32> to vector<8x1xf32>
      %reduce_min3A_410 = arith.constant dense<0x7F800000> : vector<1xf32>
      %reduce_min3A_411 = vector.multi_reduction <minimumf>, %broadcast_in_dim3A_409, %reduce_min3A_410 [0] : vector<8x1xf32> to vector<1xf32>
      %broadcast_in_dim3A_412 = vector.shape_cast %reduce_min3A_411 : vector<1xf32> to vector<1x1xf32>
      %bitcast_convert_type3A_413 = tpu.bitcast %broadcast_in_dim3A_412 : vector<1x1xf32> -> vector<1x1xi32>
      %get3A_414 = arith.constant 0 : index
      %get3A_415 = arith.constant 0 : index
      %get3A_416 = vector.load %arg14[%get3A_414, %get3A_415] : memref<8x640xi32, #tpu.memory_space<vmem>>, vector<8x640xi32>
      %or3A_417 = arith.ori %shift_left3A_341, %get3A_416 : vector<8x640xi32>
      %bitcast_convert_type3A_418 = tpu.bitcast %or3A_417 : vector<8x640xi32> -> vector<8x640xf32>
      %reduce_min3A_419 = arith.constant dense<0x7F800000> : vector<8xf32>
      %reduce_min3A_420 = vector.multi_reduction <minimumf>, %bitcast_convert_type3A_418, %reduce_min3A_419 [1] : vector<8x640xf32> to vector<8xf32>
      %broadcast_in_dim3A_421 = vector.shape_cast %reduce_min3A_420 : vector<8xf32> to vector<8x1xf32>
      %reduce_min3A_422 = arith.constant dense<0x7F800000> : vector<1xf32>
      %reduce_min3A_423 = vector.multi_reduction <minimumf>, %broadcast_in_dim3A_421, %reduce_min3A_422 [0] : vector<8x1xf32> to vector<1xf32>
      %broadcast_in_dim3A_424 = vector.shape_cast %reduce_min3A_423 : vector<1xf32> to vector<1x1xf32>
      %bitcast_convert_type3A_425 = tpu.bitcast %broadcast_in_dim3A_424 : vector<1x1xf32> -> vector<1x1xi32>
      %get3A_426 = arith.constant 0 : index
      %get3A_427 = arith.constant 0 : index
      %get3A_428 = vector.load %arg15[%get3A_426, %get3A_427] : memref<8x640xi32, #tpu.memory_space<vmem>>, vector<8x640xi32>
      %or3A_429 = arith.ori %shift_left3A_341, %get3A_428 : vector<8x640xi32>
      %bitcast_convert_type3A_430 = tpu.bitcast %or3A_429 : vector<8x640xi32> -> vector<8x640xf32>
      %reduce_min3A_431 = arith.constant dense<0x7F800000> : vector<8xf32>
      %reduce_min3A_432 = vector.multi_reduction <minimumf>, %bitcast_convert_type3A_430, %reduce_min3A_431 [1] : vector<8x640xf32> to vector<8xf32>
      %broadcast_in_dim3A_433 = vector.shape_cast %reduce_min3A_432 : vector<8xf32> to vector<8x1xf32>
      %reduce_min3A_434 = arith.constant dense<0x7F800000> : vector<1xf32>
      %reduce_min3A_435 = vector.multi_reduction <minimumf>, %broadcast_in_dim3A_433, %reduce_min3A_434 [0] : vector<8x1xf32> to vector<1xf32>
      %broadcast_in_dim3A_436 = vector.shape_cast %reduce_min3A_435 : vector<1xf32> to vector<1x1xf32>
      %bitcast_convert_type3A_437 = tpu.bitcast %broadcast_in_dim3A_436 : vector<1x1xf32> -> vector<1x1xi32>
      %shift_right_arithmetic3A_438 = arith.constant 16 : i32
      %shift_right_arithmetic3A_439 = vector.broadcast %shift_right_arithmetic3A_438 : i32 to vector<1x1xi32>
      %shift_right_arithmetic3A_440 = arith.shrsi %bitcast_convert_type3A_353, %shift_right_arithmetic3A_439 : vector<1x1xi32>
      %lt3A_441 = arith.constant 8320 : i32
      %lt3A_442 = vector.broadcast %lt3A_441 : i32 to vector<1x1xi32>
      %lt3A_443 = arith.cmpi slt, %shift_right_arithmetic3A_440, %lt3A_442 : vector<1x1xi32>
      %and3A_444 = arith.constant 65535 : i32
      %and3A_445 = vector.broadcast %and3A_444 : i32 to vector<1x1xi32>
      %and3A_446 = arith.andi %bitcast_convert_type3A_353, %and3A_445 : vector<1x1xi32>
      %shift_left3A_447 = arith.constant 16 : i32
      %shift_left3A_448 = vector.broadcast %shift_left3A_447 : i32 to vector<1x1xi32>
      %shift_left3A_449 = arith.shli %and3A_446, %shift_left3A_448 : vector<1x1xi32>
      %and3A_450 = arith.constant 65535 : i32
      %and3A_451 = vector.broadcast %and3A_450 : i32 to vector<1x1xi32>
      %and3A_452 = arith.andi %bitcast_convert_type3A_365, %and3A_451 : vector<1x1xi32>
      %or3A_453 = arith.ori %shift_left3A_449, %and3A_452 : vector<1x1xi32>
      %bitcast_convert_type3A_454 = tpu.bitcast %or3A_453 : vector<1x1xi32> -> vector<1x1xf32>
      %jit3A_455 = arith.constant -1.000000e+30 : f32
      %broadcast_in_dim3A_456 = vector.broadcast %jit3A_455 : f32 to vector<1x1xf32>
      %select_n3A_457 = arith.select %lt3A_443, %bitcast_convert_type3A_454, %broadcast_in_dim3A_456 : vector<1x1xi1>, vector<1x1xf32>
      %and3A_458 = arith.constant 65535 : i32
      %and3A_459 = vector.broadcast %and3A_458 : i32 to vector<1x1xi32>
      %and3A_460 = arith.andi %bitcast_convert_type3A_377, %and3A_459 : vector<1x1xi32>
      %shift_left3A_461 = arith.constant 16 : i32
      %shift_left3A_462 = vector.broadcast %shift_left3A_461 : i32 to vector<1x1xi32>
      %shift_left3A_463 = arith.shli %and3A_460, %shift_left3A_462 : vector<1x1xi32>
      %and3A_464 = arith.constant 65535 : i32
      %and3A_465 = vector.broadcast %and3A_464 : i32 to vector<1x1xi32>
      %and3A_466 = arith.andi %bitcast_convert_type3A_389, %and3A_465 : vector<1x1xi32>
      %or3A_467 = arith.ori %shift_left3A_463, %and3A_466 : vector<1x1xi32>
      %bitcast_convert_type3A_468 = tpu.bitcast %or3A_467 : vector<1x1xi32> -> vector<1x1xf32>
      %jit3A_469 = arith.constant -1.000000e+30 : f32
      %broadcast_in_dim3A_470 = vector.broadcast %jit3A_469 : f32 to vector<1x1xf32>
      %select_n3A_471 = arith.select %lt3A_443, %bitcast_convert_type3A_468, %broadcast_in_dim3A_470 : vector<1x1xi1>, vector<1x1xf32>
      %and3A_472 = arith.constant 65535 : i32
      %and3A_473 = vector.broadcast %and3A_472 : i32 to vector<1x1xi32>
      %and3A_474 = arith.andi %bitcast_convert_type3A_401, %and3A_473 : vector<1x1xi32>
      %shift_left3A_475 = arith.constant 16 : i32
      %shift_left3A_476 = vector.broadcast %shift_left3A_475 : i32 to vector<1x1xi32>
      %shift_left3A_477 = arith.shli %and3A_474, %shift_left3A_476 : vector<1x1xi32>
      %and3A_478 = arith.constant 65535 : i32
      %and3A_479 = vector.broadcast %and3A_478 : i32 to vector<1x1xi32>
      %and3A_480 = arith.andi %bitcast_convert_type3A_413, %and3A_479 : vector<1x1xi32>
      %or3A_481 = arith.ori %shift_left3A_477, %and3A_480 : vector<1x1xi32>
      %bitcast_convert_type3A_482 = tpu.bitcast %or3A_481 : vector<1x1xi32> -> vector<1x1xf32>
      %jit3A_483 = arith.constant -1.000000e+30 : f32
      %broadcast_in_dim3A_484 = vector.broadcast %jit3A_483 : f32 to vector<1x1xf32>
      %select_n3A_485 = arith.select %lt3A_443, %bitcast_convert_type3A_482, %broadcast_in_dim3A_484 : vector<1x1xi1>, vector<1x1xf32>
      %and3A_486 = arith.constant 65535 : i32
      %and3A_487 = vector.broadcast %and3A_486 : i32 to vector<1x1xi32>
      %and3A_488 = arith.andi %bitcast_convert_type3A_425, %and3A_487 : vector<1x1xi32>
      %shift_left3A_489 = arith.constant 16 : i32
      %shift_left3A_490 = vector.broadcast %shift_left3A_489 : i32 to vector<1x1xi32>
      %shift_left3A_491 = arith.shli %and3A_488, %shift_left3A_490 : vector<1x1xi32>
      %and3A_492 = arith.constant 65535 : i32
      %and3A_493 = vector.broadcast %and3A_492 : i32 to vector<1x1xi32>
      %and3A_494 = arith.andi %bitcast_convert_type3A_437, %and3A_493 : vector<1x1xi32>
      %or3A_495 = arith.ori %shift_left3A_491, %and3A_494 : vector<1x1xi32>
      %bitcast_convert_type3A_496 = tpu.bitcast %or3A_495 : vector<1x1xi32> -> vector<1x1xf32>
      %jit3A_497 = arith.constant -1.000000e+30 : f32
      %broadcast_in_dim3A_498 = vector.broadcast %jit3A_497 : f32 to vector<1x1xf32>
      %select_n3A_499 = arith.select %lt3A_443, %bitcast_convert_type3A_496, %broadcast_in_dim3A_498 : vector<1x1xi1>, vector<1x1xf32>
      %sub3A_500 = arith.subf %select_n3A_485, %select_n3A_457 : vector<1x1xf32>
      %sub3A_501 = arith.subf %select_n3A_499, %select_n3A_471 : vector<1x1xf32>
      %mul3A_502 = arith.mulf %sub3A_500, %sub3A_501 : vector<1x1xf32>
      %get3A_503 = arith.constant 0 : index
      %get3A_504 = arith.constant 0 : index
      %get3A_505 = vector.load %arg0[%get3A_503, %get3A_504] : memref<8x640xf32, #tpu.memory_space<vmem>>, vector<8x640xf32>
      %get3A_506 = arith.constant 0 : index
      %get3A_507 = arith.constant 0 : index
      %get3A_508 = vector.load %arg1[%get3A_506, %get3A_507] : memref<8x640xf32, #tpu.memory_space<vmem>>, vector<8x640xf32>
      %get3A_509 = arith.constant 0 : index
      %get3A_510 = arith.constant 0 : index
      %get3A_511 = vector.load %arg2[%get3A_509, %get3A_510] : memref<8x640xf32, #tpu.memory_space<vmem>>, vector<8x640xf32>
      %get3A_512 = arith.constant 0 : index
      %get3A_513 = arith.constant 0 : index
      %get3A_514 = vector.load %arg3[%get3A_512, %get3A_513] : memref<8x640xf32, #tpu.memory_space<vmem>>, vector<8x640xf32>
      %min3A_515 = vector.broadcast %select_n3A_485 : vector<1x1xf32> to vector<8x640xf32>
      %min3A_516 = arith.minimumf %min3A_515, %get3A_511 : vector<8x640xf32>
      %max3A_517 = vector.broadcast %select_n3A_457 : vector<1x1xf32> to vector<8x640xf32>
      %max3A_518 = arith.maximumf %max3A_517, %get3A_505 : vector<8x640xf32>
      %sub3A_519 = arith.subf %min3A_516, %max3A_518 : vector<8x640xf32>
      %max3A_520 = arith.constant 0.000000e+00 : f32
      %max3A_521 = vector.broadcast %max3A_520 : f32 to vector<8x640xf32>
      %max3A_522 = arith.maximumf %sub3A_519, %max3A_521 : vector<8x640xf32>
      %min3A_523 = vector.broadcast %select_n3A_499 : vector<1x1xf32> to vector<8x640xf32>
      %min3A_524 = arith.minimumf %min3A_523, %get3A_514 : vector<8x640xf32>
      %max3A_525 = vector.broadcast %select_n3A_471 : vector<1x1xf32> to vector<8x640xf32>
      %max3A_526 = arith.maximumf %max3A_525, %get3A_508 : vector<8x640xf32>
      %sub3A_527 = arith.subf %min3A_524, %max3A_526 : vector<8x640xf32>
      %max3A_528 = arith.constant 0.000000e+00 : f32
      %max3A_529 = vector.broadcast %max3A_528 : f32 to vector<8x640xf32>
      %max3A_530 = arith.maximumf %sub3A_527, %max3A_529 : vector<8x640xf32>
      %mul3A_531 = arith.mulf %max3A_522, %max3A_530 : vector<8x640xf32>
      %get3A_532 = arith.constant 0 : index
      %get3A_533 = arith.constant 0 : index
      %get3A_534 = vector.load %arg4[%get3A_532, %get3A_533] : memref<8x640xf32, #tpu.memory_space<vmem>>, vector<8x640xf32>
      %add3A_535 = vector.broadcast %mul3A_502 : vector<1x1xf32> to vector<8x640xf32>
      %add3A_536 = arith.addf %add3A_535, %get3A_534 : vector<8x640xf32>
      %sub3A_537 = arith.subf %add3A_536, %mul3A_531 : vector<8x640xf32>
      %mul3A_538 = arith.constant 2.000000e-01 : f32
      %mul3A_539 = vector.broadcast %mul3A_538 : f32 to vector<8x640xf32>
      %mul3A_540 = arith.mulf %mul3A_539, %sub3A_537 : vector<8x640xf32>
      %gt3A_541 = arith.cmpf ogt, %mul3A_531, %mul3A_540 : vector<8x640xf32>
      %eq3A_542 = vector.broadcast %shift_right_arithmetic3A_440 : vector<1x1xi32> to vector<8x640xi32>
      %eq3A_543 = arith.cmpi eq, %get3A_338, %eq3A_542 : vector<8x640xi32>
      %and3A_544 = vector.broadcast %lt3A_443 : vector<1x1xi1> to vector<8x640xi1>
      %and3A_545 = arith.andi %eq3A_543, %and3A_544 : vector<8x640xi1>
      %jit3A_546 = arith.constant 16384 : i32
      %broadcast_in_dim3A_547 = vector.broadcast %jit3A_546 : i32 to vector<8x640xi32>
      %select_n3A_548 = arith.select %gt3A_541, %broadcast_in_dim3A_547, %get3A_338 : vector<8x640xi1>, vector<8x640xi32>
      %jit3A_549 = arith.constant 12288 : i32
      %broadcast_in_dim3A_550 = vector.broadcast %jit3A_549 : i32 to vector<8x640xi32>
      %select_n3A_551 = arith.select %and3A_545, %broadcast_in_dim3A_550, %select_n3A_548 : vector<8x640xi1>, vector<8x640xi32>
      %swap3A_552 = arith.constant 0 : index
      %swap3A_553 = arith.constant 0 : index
      %swap3A_554 = vector.load %arg7[%swap3A_552, %swap3A_553] : memref<8x640xi32, #tpu.memory_space<vmem>>, vector<8x640xi32>
      tpu.vector_store %arg7[%swap3A_552, %swap3A_553], %select_n3A_551 {strides = array<i32>} : memref<8x640xi32, #tpu.memory_space<vmem>>, vector<8x640xi32>,
      %scan3A_555 = arith.constant 2 : i32
      %get3A_556 = arith.constant 0 : index
      %get3A_557 = arith.constant 0 : index
      %get3A_558 = vector.load %arg7[%get3A_556, %get3A_557] : memref<8x640xi32, #tpu.memory_space<vmem>>, vector<8x640xi32>
      %shift_left3A_559 = arith.constant 16 : i32
      %shift_left3A_560 = vector.broadcast %shift_left3A_559 : i32 to vector<8x640xi32>
      %shift_left3A_561 = arith.shli %get3A_558, %shift_left3A_560 : vector<8x640xi32>
      %get3A_562 = arith.constant 0 : index
      %get3A_563 = arith.constant 0 : index
      %get3A_564 = vector.load %arg8[%get3A_562, %get3A_563] : memref<8x640xi32, #tpu.memory_space<vmem>>, vector<8x640xi32>
      %or3A_565 = arith.ori %shift_left3A_561, %get3A_564 : vector<8x640xi32>
      %bitcast_convert_type3A_566 = tpu.bitcast %or3A_565 : vector<8x640xi32> -> vector<8x640xf32>
      %reduce_min3A_567 = arith.constant dense<0x7F800000> : vector<8xf32>
      %reduce_min3A_568 = vector.multi_reduction <minimumf>, %bitcast_convert_type3A_566, %reduce_min3A_567 [1] : vector<8x640xf32> to vector<8xf32>
      %broadcast_in_dim3A_569 = vector.shape_cast %reduce_min3A_568 : vector<8xf32> to vector<8x1xf32>
      %reduce_min3A_570 = arith.constant dense<0x7F800000> : vector<1xf32>
      %reduce_min3A_571 = vector.multi_reduction <minimumf>, %broadcast_in_dim3A_569, %reduce_min3A_570 [0] : vector<8x1xf32> to vector<1xf32>
      %broadcast_in_dim3A_572 = vector.shape_cast %reduce_min3A_571 : vector<1xf32> to vector<1x1xf32>
      %bitcast_convert_type3A_573 = tpu.bitcast %broadcast_in_dim3A_572 : vector<1x1xf32> -> vector<1x1xi32>
      %get3A_574 = arith.constant 0 : index
      %get3A_575 = arith.constant 0 : index
      %get3A_576 = vector.load %arg9[%get3A_574, %get3A_575] : memref<8x640xi32, #tpu.memory_space<vmem>>, vector<8x640xi32>
      %or3A_577 = arith.ori %shift_left3A_561, %get3A_576 : vector<8x640xi32>
      %bitcast_convert_type3A_578 = tpu.bitcast %or3A_577 : vector<8x640xi32> -> vector<8x640xf32>
      %reduce_min3A_579 = arith.constant dense<0x7F800000> : vector<8xf32>
      %reduce_min3A_580 = vector.multi_reduction <minimumf>, %bitcast_convert_type3A_578, %reduce_min3A_579 [1] : vector<8x640xf32> to vector<8xf32>
      %broadcast_in_dim3A_581 = vector.shape_cast %reduce_min3A_580 : vector<8xf32> to vector<8x1xf32>
      %reduce_min3A_582 = arith.constant dense<0x7F800000> : vector<1xf32>
      %reduce_min3A_583 = vector.multi_reduction <minimumf>, %broadcast_in_dim3A_581, %reduce_min3A_582 [0] : vector<8x1xf32> to vector<1xf32>
      %broadcast_in_dim3A_584 = vector.shape_cast %reduce_min3A_583 : vector<1xf32> to vector<1x1xf32>
      %bitcast_convert_type3A_585 = tpu.bitcast %broadcast_in_dim3A_584 : vector<1x1xf32> -> vector<1x1xi32>
      %get3A_586 = arith.constant 0 : index
      %get3A_587 = arith.constant 0 : index
      %get3A_588 = vector.load %arg10[%get3A_586, %get3A_587] : memref<8x640xi32, #tpu.memory_space<vmem>>, vector<8x640xi32>
      %or3A_589 = arith.ori %shift_left3A_561, %get3A_588 : vector<8x640xi32>
      %bitcast_convert_type3A_590 = tpu.bitcast %or3A_589 : vector<8x640xi32> -> vector<8x640xf32>
      %reduce_min3A_591 = arith.constant dense<0x7F800000> : vector<8xf32>
      %reduce_min3A_592 = vector.multi_reduction <minimumf>, %bitcast_convert_type3A_590, %reduce_min3A_591 [1] : vector<8x640xf32> to vector<8xf32>
      %broadcast_in_dim3A_593 = vector.shape_cast %reduce_min3A_592 : vector<8xf32> to vector<8x1xf32>
      %reduce_min3A_594 = arith.constant dense<0x7F800000> : vector<1xf32>
      %reduce_min3A_595 = vector.multi_reduction <minimumf>, %broadcast_in_dim3A_593, %reduce_min3A_594 [0] : vector<8x1xf32> to vector<1xf32>
      %broadcast_in_dim3A_596 = vector.shape_cast %reduce_min3A_595 : vector<1xf32> to vector<1x1xf32>
      %bitcast_convert_type3A_597 = tpu.bitcast %broadcast_in_dim3A_596 : vector<1x1xf32> -> vector<1x1xi32>
      %get3A_598 = arith.constant 0 : index
      %get3A_599 = arith.constant 0 : index
      %get3A_600 = vector.load %arg11[%get3A_598, %get3A_599] : memref<8x640xi32, #tpu.memory_space<vmem>>, vector<8x640xi32>
      %or3A_601 = arith.ori %shift_left3A_561, %get3A_600 : vector<8x640xi32>
      %bitcast_convert_type3A_602 = tpu.bitcast %or3A_601 : vector<8x640xi32> -> vector<8x640xf32>
      %reduce_min3A_603 = arith.constant dense<0x7F800000> : vector<8xf32>
      %reduce_min3A_604 = vector.multi_reduction <minimumf>, %bitcast_convert_type3A_602, %reduce_min3A_603 [1] : vector<8x640xf32> to vector<8xf32>
      %broadcast_in_dim3A_605 = vector.shape_cast %reduce_min3A_604 : vector<8xf32> to vector<8x1xf32>
      %reduce_min3A_606 = arith.constant dense<0x7F800000> : vector<1xf32>
      %reduce_min3A_607 = vector.multi_reduction <minimumf>, %broadcast_in_dim3A_605, %reduce_min3A_606 [0] : vector<8x1xf32> to vector<1xf32>
      %broadcast_in_dim3A_608 = vector.shape_cast %reduce_min3A_607 : vector<1xf32> to vector<1x1xf32>
      %bitcast_convert_type3A_609 = tpu.bitcast %broadcast_in_dim3A_608 : vector<1x1xf32> -> vector<1x1xi32>
      %get3A_610 = arith.constant 0 : index
      %get3A_611 = arith.constant 0 : index
      %get3A_612 = vector.load %arg12[%get3A_610, %get3A_611] : memref<8x640xi32, #tpu.memory_space<vmem>>, vector<8x640xi32>
      %or3A_613 = arith.ori %shift_left3A_561, %get3A_612 : vector<8x640xi32>
      %bitcast_convert_type3A_614 = tpu.bitcast %or3A_613 : vector<8x640xi32> -> vector<8x640xf32>
      %reduce_min3A_615 = arith.constant dense<0x7F800000> : vector<8xf32>
      %reduce_min3A_616 = vector.multi_reduction <minimumf>, %bitcast_convert_type3A_614, %reduce_min3A_615 [1] : vector<8x640xf32> to vector<8xf32>
      %broadcast_in_dim3A_617 = vector.shape_cast %reduce_min3A_616 : vector<8xf32> to vector<8x1xf32>
      %reduce_min3A_618 = arith.constant dense<0x7F800000> : vector<1xf32>
      %reduce_min3A_619 = vector.multi_reduction <minimumf>, %broadcast_in_dim3A_617, %reduce_min3A_618 [0] : vector<8x1xf32> to vector<1xf32>
      %broadcast_in_dim3A_620 = vector.shape_cast %reduce_min3A_619 : vector<1xf32> to vector<1x1xf32>
      %bitcast_convert_type3A_621 = tpu.bitcast %broadcast_in_dim3A_620 : vector<1x1xf32> -> vector<1x1xi32>
      %get3A_622 = arith.constant 0 : index
      %get3A_623 = arith.constant 0 : index
      %get3A_624 = vector.load %arg13[%get3A_622, %get3A_623] : memref<8x640xi32, #tpu.memory_space<vmem>>, vector<8x640xi32>
      %or3A_625 = arith.ori %shift_left3A_561, %get3A_624 : vector<8x640xi32>
      %bitcast_convert_type3A_626 = tpu.bitcast %or3A_625 : vector<8x640xi32> -> vector<8x640xf32>
      %reduce_min3A_627 = arith.constant dense<0x7F800000> : vector<8xf32>
      %reduce_min3A_628 = vector.multi_reduction <minimumf>, %bitcast_convert_type3A_626, %reduce_min3A_627 [1] : vector<8x640xf32> to vector<8xf32>
      %broadcast_in_dim3A_629 = vector.shape_cast %reduce_min3A_628 : vector<8xf32> to vector<8x1xf32>
      %reduce_min3A_630 = arith.constant dense<0x7F800000> : vector<1xf32>
      %reduce_min3A_631 = vector.multi_reduction <minimumf>, %broadcast_in_dim3A_629, %reduce_min3A_630 [0] : vector<8x1xf32> to vector<1xf32>
      %broadcast_in_dim3A_632 = vector.shape_cast %reduce_min3A_631 : vector<1xf32> to vector<1x1xf32>
      %bitcast_convert_type3A_633 = tpu.bitcast %broadcast_in_dim3A_632 : vector<1x1xf32> -> vector<1x1xi32>
      %get3A_634 = arith.constant 0 : index
      %get3A_635 = arith.constant 0 : index
      %get3A_636 = vector.load %arg14[%get3A_634, %get3A_635] : memref<8x640xi32, #tpu.memory_space<vmem>>, vector<8x640xi32>
      %or3A_637 = arith.ori %shift_left3A_561, %get3A_636 : vector<8x640xi32>
      %bitcast_convert_type3A_638 = tpu.bitcast %or3A_637 : vector<8x640xi32> -> vector<8x640xf32>
      %reduce_min3A_639 = arith.constant dense<0x7F800000> : vector<8xf32>
      %reduce_min3A_640 = vector.multi_reduction <minimumf>, %bitcast_convert_type3A_638, %reduce_min3A_639 [1] : vector<8x640xf32> to vector<8xf32>
      %broadcast_in_dim3A_641 = vector.shape_cast %reduce_min3A_640 : vector<8xf32> to vector<8x1xf32>
      %reduce_min3A_642 = arith.constant dense<0x7F800000> : vector<1xf32>
      %reduce_min3A_643 = vector.multi_reduction <minimumf>, %broadcast_in_dim3A_641, %reduce_min3A_642 [0] : vector<8x1xf32> to vector<1xf32>
      %broadcast_in_dim3A_644 = vector.shape_cast %reduce_min3A_643 : vector<1xf32> to vector<1x1xf32>
      %bitcast_convert_type3A_645 = tpu.bitcast %broadcast_in_dim3A_644 : vector<1x1xf32> -> vector<1x1xi32>
      %get3A_646 = arith.constant 0 : index
      %get3A_647 = arith.constant 0 : index
      %get3A_648 = vector.load %arg15[%get3A_646, %get3A_647] : memref<8x640xi32, #tpu.memory_space<vmem>>, vector<8x640xi32>
      %or3A_649 = arith.ori %shift_left3A_561, %get3A_648 : vector<8x640xi32>
      %bitcast_convert_type3A_650 = tpu.bitcast %or3A_649 : vector<8x640xi32> -> vector<8x640xf32>
      %reduce_min3A_651 = arith.constant dense<0x7F800000> : vector<8xf32>
      %reduce_min3A_652 = vector.multi_reduction <minimumf>, %bitcast_convert_type3A_650, %reduce_min3A_651 [1] : vector<8x640xf32> to vector<8xf32>
      %broadcast_in_dim3A_653 = vector.shape_cast %reduce_min3A_652 : vector<8xf32> to vector<8x1xf32>
      %reduce_min3A_654 = arith.constant dense<0x7F800000> : vector<1xf32>
      %reduce_min3A_655 = vector.multi_reduction <minimumf>, %broadcast_in_dim3A_653, %reduce_min3A_654 [0] : vector<8x1xf32> to vector<1xf32>
      %broadcast_in_dim3A_656 = vector.shape_cast %reduce_min3A_655 : vector<1xf32> to vector<1x1xf32>
      %bitcast_convert_type3A_657 = tpu.bitcast %broadcast_in_dim3A_656 : vector<1x1xf32> -> vector<1x1xi32>
      %shift_right_arithmetic3A_658 = arith.constant 16 : i32
      %shift_right_arithmetic3A_659 = vector.broadcast %shift_right_arithmetic3A_658 : i32 to vector<1x1xi32>
      %shift_right_arithmetic3A_660 = arith.shrsi %bitcast_convert_type3A_573, %shift_right_arithmetic3A_659 : vector<1x1xi32>
      %lt3A_661 = arith.constant 8320 : i32
      %lt3A_662 = vector.broadcast %lt3A_661 : i32 to vector<1x1xi32>
      %lt3A_663 = arith.cmpi slt, %shift_right_arithmetic3A_660, %lt3A_662 : vector<1x1xi32>
      %and3A_664 = arith.constant 65535 : i32
      %and3A_665 = vector.broadcast %and3A_664 : i32 to vector<1x1xi32>
      %and3A_666 = arith.andi %bitcast_convert_type3A_573, %and3A_665 : vector<1x1xi32>
      %shift_left3A_667 = arith.constant 16 : i32
      %shift_left3A_668 = vector.broadcast %shift_left3A_667 : i32 to vector<1x1xi32>
      %shift_left3A_669 = arith.shli %and3A_666, %shift_left3A_668 : vector<1x1xi32>
      %and3A_670 = arith.constant 65535 : i32
      %and3A_671 = vector.broadcast %and3A_670 : i32 to vector<1x1xi32>
      %and3A_672 = arith.andi %bitcast_convert_type3A_585, %and3A_671 : vector<1x1xi32>
      %or3A_673 = arith.ori %shift_left3A_669, %and3A_672 : vector<1x1xi32>
      %bitcast_convert_type3A_674 = tpu.bitcast %or3A_673 : vector<1x1xi32> -> vector<1x1xf32>
      %jit3A_675 = arith.constant -1.000000e+30 : f32
      %broadcast_in_dim3A_676 = vector.broadcast %jit3A_675 : f32 to vector<1x1xf32>
      %select_n3A_677 = arith.select %lt3A_663, %bitcast_convert_type3A_674, %broadcast_in_dim3A_676 : vector<1x1xi1>, vector<1x1xf32>
      %and3A_678 = arith.constant 65535 : i32
      %and3A_679 = vector.broadcast %and3A_678 : i32 to vector<1x1xi32>
      %and3A_680 = arith.andi %bitcast_convert_type3A_597, %and3A_679 : vector<1x1xi32>
      %shift_left3A_681 = arith.constant 16 : i32
      %shift_left3A_682 = vector.broadcast %shift_left3A_681 : i32 to vector<1x1xi32>
      %shift_left3A_683 = arith.shli %and3A_680, %shift_left3A_682 : vector<1x1xi32>
      %and3A_684 = arith.constant 65535 : i32
      %and3A_685 = vector.broadcast %and3A_684 : i32 to vector<1x1xi32>
      %and3A_686 = arith.andi %bitcast_convert_type3A_609, %and3A_685 : vector<1x1xi32>
      %or3A_687 = arith.ori %shift_left3A_683, %and3A_686 : vector<1x1xi32>
      %bitcast_convert_type3A_688 = tpu.bitcast %or3A_687 : vector<1x1xi32> -> vector<1x1xf32>
      %jit3A_689 = arith.constant -1.000000e+30 : f32
      %broadcast_in_dim3A_690 = vector.broadcast %jit3A_689 : f32 to vector<1x1xf32>
      %select_n3A_691 = arith.select %lt3A_663, %bitcast_convert_type3A_688, %broadcast_in_dim3A_690 : vector<1x1xi1>, vector<1x1xf32>
      %and3A_692 = arith.constant 65535 : i32
      %and3A_693 = vector.broadcast %and3A_692 : i32 to vector<1x1xi32>
      %and3A_694 = arith.andi %bitcast_convert_type3A_621, %and3A_693 : vector<1x1xi32>
      %shift_left3A_695 = arith.constant 16 : i32
      %shift_left3A_696 = vector.broadcast %shift_left3A_695 : i32 to vector<1x1xi32>
      %shift_left3A_697 = arith.shli %and3A_694, %shift_left3A_696 : vector<1x1xi32>
      %and3A_698 = arith.constant 65535 : i32
      %and3A_699 = vector.broadcast %and3A_698 : i32 to vector<1x1xi32>
      %and3A_700 = arith.andi %bitcast_convert_type3A_633, %and3A_699 : vector<1x1xi32>
      %or3A_701 = arith.ori %shift_left3A_697, %and3A_700 : vector<1x1xi32>
      %bitcast_convert_type3A_702 = tpu.bitcast %or3A_701 : vector<1x1xi32> -> vector<1x1xf32>
      %jit3A_703 = arith.constant -1.000000e+30 : f32
      %broadcast_in_dim3A_704 = vector.broadcast %jit3A_703 : f32 to vector<1x1xf32>
      %select_n3A_705 = arith.select %lt3A_663, %bitcast_convert_type3A_702, %broadcast_in_dim3A_704 : vector<1x1xi1>, vector<1x1xf32>
      %and3A_706 = arith.constant 65535 : i32
      %and3A_707 = vector.broadcast %and3A_706 : i32 to vector<1x1xi32>
      %and3A_708 = arith.andi %bitcast_convert_type3A_645, %and3A_707 : vector<1x1xi32>
      %shift_left3A_709 = arith.constant 16 : i32
      %shift_left3A_710 = vector.broadcast %shift_left3A_709 : i32 to vector<1x1xi32>
      %shift_left3A_711 = arith.shli %and3A_708, %shift_left3A_710 : vector<1x1xi32>
      %and3A_712 = arith.constant 65535 : i32
      %and3A_713 = vector.broadcast %and3A_712 : i32 to vector<1x1xi32>
      %and3A_714 = arith.andi %bitcast_convert_type3A_657, %and3A_713 : vector<1x1xi32>
      %or3A_715 = arith.ori %shift_left3A_711, %and3A_714 : vector<1x1xi32>
      %bitcast_convert_type3A_716 = tpu.bitcast %or3A_715 : vector<1x1xi32> -> vector<1x1xf32>
      %jit3A_717 = arith.constant -1.000000e+30 : f32
      %broadcast_in_dim3A_718 = vector.broadcast %jit3A_717 : f32 to vector<1x1xf32>
      %select_n3A_719 = arith.select %lt3A_663, %bitcast_convert_type3A_716, %broadcast_in_dim3A_718 : vector<1x1xi1>, vector<1x1xf32>
      %sub3A_720 = arith.subf %select_n3A_705, %select_n3A_677 : vector<1x1xf32>
      %sub3A_721 = arith.subf %select_n3A_719, %select_n3A_691 : vector<1x1xf32>
      %mul3A_722 = arith.mulf %sub3A_720, %sub3A_721 : vector<1x1xf32>
      %get3A_723 = arith.constant 0 : index
      %get3A_724 = arith.constant 0 : index
      %get3A_725 = vector.load %arg0[%get3A_723, %get3A_724] : memref<8x640xf32, #tpu.memory_space<vmem>>, vector<8x640xf32>
      %get3A_726 = arith.constant 0 : index
      %get3A_727 = arith.constant 0 : index
      %get3A_728 = vector.load %arg1[%get3A_726, %get3A_727] : memref<8x640xf32, #tpu.memory_space<vmem>>, vector<8x640xf32>
      %get3A_729 = arith.constant 0 : index
      %get3A_730 = arith.constant 0 : index
      %get3A_731 = vector.load %arg2[%get3A_729, %get3A_730] : memref<8x640xf32, #tpu.memory_space<vmem>>, vector<8x640xf32>
      %get3A_732 = arith.constant 0 : index
      %get3A_733 = arith.constant 0 : index
      %get3A_734 = vector.load %arg3[%get3A_732, %get3A_733] : memref<8x640xf32, #tpu.memory_space<vmem>>, vector<8x640xf32>
      %min3A_735 = vector.broadcast %select_n3A_705 : vector<1x1xf32> to vector<8x640xf32>
      %min3A_736 = arith.minimumf %min3A_735, %get3A_731 : vector<8x640xf32>
      %max3A_737 = vector.broadcast %select_n3A_677 : vector<1x1xf32> to vector<8x640xf32>
      %max3A_738 = arith.maximumf %max3A_737, %get3A_725 : vector<8x640xf32>
      %sub3A_739 = arith.subf %min3A_736, %max3A_738 : vector<8x640xf32>
      %max3A_740 = arith.constant 0.000000e+00 : f32
      %max3A_741 = vector.broadcast %max3A_740 : f32 to vector<8x640xf32>
      %max3A_742 = arith.maximumf %sub3A_739, %max3A_741 : vector<8x640xf32>
      %min3A_743 = vector.broadcast %select_n3A_719 : vector<1x1xf32> to vector<8x640xf32>
      %min3A_744 = arith.minimumf %min3A_743, %get3A_734 : vector<8x640xf32>
      %max3A_745 = vector.broadcast %select_n3A_691 : vector<1x1xf32> to vector<8x640xf32>
      %max3A_746 = arith.maximumf %max3A_745, %get3A_728 : vector<8x640xf32>
      %sub3A_747 = arith.subf %min3A_744, %max3A_746 : vector<8x640xf32>
      %max3A_748 = arith.constant 0.000000e+00 : f32
      %max3A_749 = vector.broadcast %max3A_748 : f32 to vector<8x640xf32>
      %max3A_750 = arith.maximumf %sub3A_747, %max3A_749 : vector<8x640xf32>
      %mul3A_751 = arith.mulf %max3A_742, %max3A_750 : vector<8x640xf32>
      %get3A_752 = arith.constant 0 : index
      %get3A_753 = arith.constant 0 : index
      %get3A_754 = vector.load %arg4[%get3A_752, %get3A_753] : memref<8x640xf32, #tpu.memory_space<vmem>>, vector<8x640xf32>
      %add3A_755 = vector.broadcast %mul3A_722 : vector<1x1xf32> to vector<8x640xf32>
      %add3A_756 = arith.addf %add3A_755, %get3A_754 : vector<8x640xf32>
      %sub3A_757 = arith.subf %add3A_756, %mul3A_751 : vector<8x640xf32>
      %mul3A_758 = arith.constant 2.000000e-01 : f32
      %mul3A_759 = vector.broadcast %mul3A_758 : f32 to vector<8x640xf32>
      %mul3A_760 = arith.mulf %mul3A_759, %sub3A_757 : vector<8x640xf32>
      %gt3A_761 = arith.cmpf ogt, %mul3A_751, %mul3A_760 : vector<8x640xf32>
      %eq3A_762 = vector.broadcast %shift_right_arithmetic3A_660 : vector<1x1xi32> to vector<8x640xi32>
      %eq3A_763 = arith.cmpi eq, %get3A_558, %eq3A_762 : vector<8x640xi32>
      %and3A_764 = vector.broadcast %lt3A_663 : vector<1x1xi1> to vector<8x640xi1>
      %and3A_765 = arith.andi %eq3A_763, %and3A_764 : vector<8x640xi1>
      %jit3A_766 = arith.constant 16384 : i32
      %broadcast_in_dim3A_767 = vector.broadcast %jit3A_766 : i32 to vector<8x640xi32>
      %select_n3A_768 = arith.select %gt3A_761, %broadcast_in_dim3A_767, %get3A_558 : vector<8x640xi1>, vector<8x640xi32>
      %jit3A_769 = arith.constant 12288 : i32
      %broadcast_in_dim3A_770 = vector.broadcast %jit3A_769 : i32 to vector<8x640xi32>
      %select_n3A_771 = arith.select %and3A_765, %broadcast_in_dim3A_770, %select_n3A_768 : vector<8x640xi1>, vector<8x640xi32>
      %swap3A_772 = arith.constant 0 : index
      %swap3A_773 = arith.constant 0 : index
      %swap3A_774 = vector.load %arg7[%swap3A_772, %swap3A_773] : memref<8x640xi32, #tpu.memory_space<vmem>>, vector<8x640xi32>
      tpu.vector_store %arg7[%swap3A_772, %swap3A_773], %select_n3A_771 {strides = array<i32>} : memref<8x640xi32, #tpu.memory_space<vmem>>, vector<8x640xi32>,
      %scan3A_775 = arith.constant 3 : i32
      %get3A_776 = arith.constant 0 : index
      %get3A_777 = arith.constant 0 : index
      %get3A_778 = vector.load %arg7[%get3A_776, %get3A_777] : memref<8x640xi32, #tpu.memory_space<vmem>>, vector<8x640xi32>
      %shift_left3A_779 = arith.constant 16 : i32
      %shift_left3A_780 = vector.broadcast %shift_left3A_779 : i32 to vector<8x640xi32>
      %shift_left3A_781 = arith.shli %get3A_778, %shift_left3A_780 : vector<8x640xi32>
      %get3A_782 = arith.constant 0 : index
      %get3A_783 = arith.constant 0 : index
      %get3A_784 = vector.load %arg8[%get3A_782, %get3A_783] : memref<8x640xi32, #tpu.memory_space<vmem>>, vector<8x640xi32>
      %or3A_785 = arith.ori %shift_left3A_781, %get3A_784 : vector<8x640xi32>
      %bitcast_convert_type3A_786 = tpu.bitcast %or3A_785 : vector<8x640xi32> -> vector<8x640xf32>
      %reduce_min3A_787 = arith.constant dense<0x7F800000> : vector<8xf32>
      %reduce_min3A_788 = vector.multi_reduction <minimumf>, %bitcast_convert_type3A_786, %reduce_min3A_787 [1] : vector<8x640xf32> to vector<8xf32>
      %broadcast_in_dim3A_789 = vector.shape_cast %reduce_min3A_788 : vector<8xf32> to vector<8x1xf32>
      %reduce_min3A_790 = arith.constant dense<0x7F800000> : vector<1xf32>
      %reduce_min3A_791 = vector.multi_reduction <minimumf>, %broadcast_in_dim3A_789, %reduce_min3A_790 [0] : vector<8x1xf32> to vector<1xf32>
      %broadcast_in_dim3A_792 = vector.shape_cast %reduce_min3A_791 : vector<1xf32> to vector<1x1xf32>
      %bitcast_convert_type3A_793 = tpu.bitcast %broadcast_in_dim3A_792 : vector<1x1xf32> -> vector<1x1xi32>
      %get3A_794 = arith.constant 0 : index
      %get3A_795 = arith.constant 0 : index
      %get3A_796 = vector.load %arg9[%get3A_794, %get3A_795] : memref<8x640xi32, #tpu.memory_space<vmem>>, vector<8x640xi32>
      %or3A_797 = arith.ori %shift_left3A_781, %get3A_796 : vector<8x640xi32>
      %bitcast_convert_type3A_798 = tpu.bitcast %or3A_797 : vector<8x640xi32> -> vector<8x640xf32>
      %reduce_min3A_799 = arith.constant dense<0x7F800000> : vector<8xf32>
      %reduce_min3A_800 = vector.multi_reduction <minimumf>, %bitcast_convert_type3A_798, %reduce_min3A_799 [1] : vector<8x640xf32> to vector<8xf32>
      %broadcast_in_dim3A_801 = vector.shape_cast %reduce_min3A_800 : vector<8xf32> to vector<8x1xf32>
      %reduce_min3A_802 = arith.constant dense<0x7F800000> : vector<1xf32>
      %reduce_min3A_803 = vector.multi_reduction <minimumf>, %broadcast_in_dim3A_801, %reduce_min3A_802 [0] : vector<8x1xf32> to vector<1xf32>
      %broadcast_in_dim3A_804 = vector.shape_cast %reduce_min3A_803 : vector<1xf32> to vector<1x1xf32>
      %bitcast_convert_type3A_805 = tpu.bitcast %broadcast_in_dim3A_804 : vector<1x1xf32> -> vector<1x1xi32>
      %get3A_806 = arith.constant 0 : index
      %get3A_807 = arith.constant 0 : index
      %get3A_808 = vector.load %arg10[%get3A_806, %get3A_807] : memref<8x640xi32, #tpu.memory_space<vmem>>, vector<8x640xi32>
      %or3A_809 = arith.ori %shift_left3A_781, %get3A_808 : vector<8x640xi32>
      %bitcast_convert_type3A_810 = tpu.bitcast %or3A_809 : vector<8x640xi32> -> vector<8x640xf32>
      %reduce_min3A_811 = arith.constant dense<0x7F800000> : vector<8xf32>
      %reduce_min3A_812 = vector.multi_reduction <minimumf>, %bitcast_convert_type3A_810, %reduce_min3A_811 [1] : vector<8x640xf32> to vector<8xf32>
      %broadcast_in_dim3A_813 = vector.shape_cast %reduce_min3A_812 : vector<8xf32> to vector<8x1xf32>
      %reduce_min3A_814 = arith.constant dense<0x7F800000> : vector<1xf32>
      %reduce_min3A_815 = vector.multi_reduction <minimumf>, %broadcast_in_dim3A_813, %reduce_min3A_814 [0] : vector<8x1xf32> to vector<1xf32>
      %broadcast_in_dim3A_816 = vector.shape_cast %reduce_min3A_815 : vector<1xf32> to vector<1x1xf32>
      %bitcast_convert_type3A_817 = tpu.bitcast %broadcast_in_dim3A_816 : vector<1x1xf32> -> vector<1x1xi32>
      %get3A_818 = arith.constant 0 : index
      %get3A_819 = arith.constant 0 : index
      %get3A_820 = vector.load %arg11[%get3A_818, %get3A_819] : memref<8x640xi32, #tpu.memory_space<vmem>>, vector<8x640xi32>
      %or3A_821 = arith.ori %shift_left3A_781, %get3A_820 : vector<8x640xi32>
      %bitcast_convert_type3A_822 = tpu.bitcast %or3A_821 : vector<8x640xi32> -> vector<8x640xf32>
      %reduce_min3A_823 = arith.constant dense<0x7F800000> : vector<8xf32>
      %reduce_min3A_824 = vector.multi_reduction <minimumf>, %bitcast_convert_type3A_822, %reduce_min3A_823 [1] : vector<8x640xf32> to vector<8xf32>
      %broadcast_in_dim3A_825 = vector.shape_cast %reduce_min3A_824 : vector<8xf32> to vector<8x1xf32>
      %reduce_min3A_826 = arith.constant dense<0x7F800000> : vector<1xf32>
      %reduce_min3A_827 = vector.multi_reduction <minimumf>, %broadcast_in_dim3A_825, %reduce_min3A_826 [0] : vector<8x1xf32> to vector<1xf32>
      %broadcast_in_dim3A_828 = vector.shape_cast %reduce_min3A_827 : vector<1xf32> to vector<1x1xf32>
      %bitcast_convert_type3A_829 = tpu.bitcast %broadcast_in_dim3A_828 : vector<1x1xf32> -> vector<1x1xi32>
      %get3A_830 = arith.constant 0 : index
      %get3A_831 = arith.constant 0 : index
      %get3A_832 = vector.load %arg12[%get3A_830, %get3A_831] : memref<8x640xi32, #tpu.memory_space<vmem>>, vector<8x640xi32>
      %or3A_833 = arith.ori %shift_left3A_781, %get3A_832 : vector<8x640xi32>
      %bitcast_convert_type3A_834 = tpu.bitcast %or3A_833 : vector<8x640xi32> -> vector<8x640xf32>
      %reduce_min3A_835 = arith.constant dense<0x7F800000> : vector<8xf32>
      %reduce_min3A_836 = vector.multi_reduction <minimumf>, %bitcast_convert_type3A_834, %reduce_min3A_835 [1] : vector<8x640xf32> to vector<8xf32>
      %broadcast_in_dim3A_837 = vector.shape_cast %reduce_min3A_836 : vector<8xf32> to vector<8x1xf32>
      %reduce_min3A_838 = arith.constant dense<0x7F800000> : vector<1xf32>
      %reduce_min3A_839 = vector.multi_reduction <minimumf>, %broadcast_in_dim3A_837, %reduce_min3A_838 [0] : vector<8x1xf32> to vector<1xf32>
      %broadcast_in_dim3A_840 = vector.shape_cast %reduce_min3A_839 : vector<1xf32> to vector<1x1xf32>
      %bitcast_convert_type3A_841 = tpu.bitcast %broadcast_in_dim3A_840 : vector<1x1xf32> -> vector<1x1xi32>
      %get3A_842 = arith.constant 0 : index
      %get3A_843 = arith.constant 0 : index
      %get3A_844 = vector.load %arg13[%get3A_842, %get3A_843] : memref<8x640xi32, #tpu.memory_space<vmem>>, vector<8x640xi32>
      %or3A_845 = arith.ori %shift_left3A_781, %get3A_844 : vector<8x640xi32>
      %bitcast_convert_type3A_846 = tpu.bitcast %or3A_845 : vector<8x640xi32> -> vector<8x640xf32>
      %reduce_min3A_847 = arith.constant dense<0x7F800000> : vector<8xf32>
      %reduce_min3A_848 = vector.multi_reduction <minimumf>, %bitcast_convert_type3A_846, %reduce_min3A_847 [1] : vector<8x640xf32> to vector<8xf32>
      %broadcast_in_dim3A_849 = vector.shape_cast %reduce_min3A_848 : vector<8xf32> to vector<8x1xf32>
      %reduce_min3A_850 = arith.constant dense<0x7F800000> : vector<1xf32>
      %reduce_min3A_851 = vector.multi_reduction <minimumf>, %broadcast_in_dim3A_849, %reduce_min3A_850 [0] : vector<8x1xf32> to vector<1xf32>
      %broadcast_in_dim3A_852 = vector.shape_cast %reduce_min3A_851 : vector<1xf32> to vector<1x1xf32>
      %bitcast_convert_type3A_853 = tpu.bitcast %broadcast_in_dim3A_852 : vector<1x1xf32> -> vector<1x1xi32>
      %get3A_854 = arith.constant 0 : index
      %get3A_855 = arith.constant 0 : index
      %get3A_856 = vector.load %arg14[%get3A_854, %get3A_855] : memref<8x640xi32, #tpu.memory_space<vmem>>, vector<8x640xi32>
      %or3A_857 = arith.ori %shift_left3A_781, %get3A_856 : vector<8x640xi32>
      %bitcast_convert_type3A_858 = tpu.bitcast %or3A_857 : vector<8x640xi32> -> vector<8x640xf32>
      %reduce_min3A_859 = arith.constant dense<0x7F800000> : vector<8xf32>
      %reduce_min3A_860 = vector.multi_reduction <minimumf>, %bitcast_convert_type3A_858, %reduce_min3A_859 [1] : vector<8x640xf32> to vector<8xf32>
      %broadcast_in_dim3A_861 = vector.shape_cast %reduce_min3A_860 : vector<8xf32> to vector<8x1xf32>
      %reduce_min3A_862 = arith.constant dense<0x7F800000> : vector<1xf32>
      %reduce_min3A_863 = vector.multi_reduction <minimumf>, %broadcast_in_dim3A_861, %reduce_min3A_862 [0] : vector<8x1xf32> to vector<1xf32>
      %broadcast_in_dim3A_864 = vector.shape_cast %reduce_min3A_863 : vector<1xf32> to vector<1x1xf32>
      %bitcast_convert_type3A_865 = tpu.bitcast %broadcast_in_dim3A_864 : vector<1x1xf32> -> vector<1x1xi32>
      %get3A_866 = arith.constant 0 : index
      %get3A_867 = arith.constant 0 : index
      %get3A_868 = vector.load %arg15[%get3A_866, %get3A_867] : memref<8x640xi32, #tpu.memory_space<vmem>>, vector<8x640xi32>
      %or3A_869 = arith.ori %shift_left3A_781, %get3A_868 : vector<8x640xi32>
      %bitcast_convert_type3A_870 = tpu.bitcast %or3A_869 : vector<8x640xi32> -> vector<8x640xf32>
      %reduce_min3A_871 = arith.constant dense<0x7F800000> : vector<8xf32>
      %reduce_min3A_872 = vector.multi_reduction <minimumf>, %bitcast_convert_type3A_870, %reduce_min3A_871 [1] : vector<8x640xf32> to vector<8xf32>
      %broadcast_in_dim3A_873 = vector.shape_cast %reduce_min3A_872 : vector<8xf32> to vector<8x1xf32>
      %reduce_min3A_874 = arith.constant dense<0x7F800000> : vector<1xf32>
      %reduce_min3A_875 = vector.multi_reduction <minimumf>, %broadcast_in_dim3A_873, %reduce_min3A_874 [0] : vector<8x1xf32> to vector<1xf32>
      %broadcast_in_dim3A_876 = vector.shape_cast %reduce_min3A_875 : vector<1xf32> to vector<1x1xf32>
      %bitcast_convert_type3A_877 = tpu.bitcast %broadcast_in_dim3A_876 : vector<1x1xf32> -> vector<1x1xi32>
      %shift_right_arithmetic3A_878 = arith.constant 16 : i32
      %shift_right_arithmetic3A_879 = vector.broadcast %shift_right_arithmetic3A_878 : i32 to vector<1x1xi32>
      %shift_right_arithmetic3A_880 = arith.shrsi %bitcast_convert_type3A_793, %shift_right_arithmetic3A_879 : vector<1x1xi32>
      %lt3A_881 = arith.constant 8320 : i32
      %lt3A_882 = vector.broadcast %lt3A_881 : i32 to vector<1x1xi32>
      %lt3A_883 = arith.cmpi slt, %shift_right_arithmetic3A_880, %lt3A_882 : vector<1x1xi32>
      %and3A_884 = arith.constant 65535 : i32
      %and3A_885 = vector.broadcast %and3A_884 : i32 to vector<1x1xi32>
      %and3A_886 = arith.andi %bitcast_convert_type3A_793, %and3A_885 : vector<1x1xi32>
      %shift_left3A_887 = arith.constant 16 : i32
      %shift_left3A_888 = vector.broadcast %shift_left3A_887 : i32 to vector<1x1xi32>
      %shift_left3A_889 = arith.shli %and3A_886, %shift_left3A_888 : vector<1x1xi32>
      %and3A_890 = arith.constant 65535 : i32
      %and3A_891 = vector.broadcast %and3A_890 : i32 to vector<1x1xi32>
      %and3A_892 = arith.andi %bitcast_convert_type3A_805, %and3A_891 : vector<1x1xi32>
      %or3A_893 = arith.ori %shift_left3A_889, %and3A_892 : vector<1x1xi32>
      %bitcast_convert_type3A_894 = tpu.bitcast %or3A_893 : vector<1x1xi32> -> vector<1x1xf32>
      %jit3A_895 = arith.constant -1.000000e+30 : f32
      %broadcast_in_dim3A_896 = vector.broadcast %jit3A_895 : f32 to vector<1x1xf32>
      %select_n3A_897 = arith.select %lt3A_883, %bitcast_convert_type3A_894, %broadcast_in_dim3A_896 : vector<1x1xi1>, vector<1x1xf32>
      %and3A_898 = arith.constant 65535 : i32
      %and3A_899 = vector.broadcast %and3A_898 : i32 to vector<1x1xi32>
      %and3A_900 = arith.andi %bitcast_convert_type3A_817, %and3A_899 : vector<1x1xi32>
      %shift_left3A_901 = arith.constant 16 : i32
      %shift_left3A_902 = vector.broadcast %shift_left3A_901 : i32 to vector<1x1xi32>
      %shift_left3A_903 = arith.shli %and3A_900, %shift_left3A_902 : vector<1x1xi32>
      %and3A_904 = arith.constant 65535 : i32
      %and3A_905 = vector.broadcast %and3A_904 : i32 to vector<1x1xi32>
      %and3A_906 = arith.andi %bitcast_convert_type3A_829, %and3A_905 : vector<1x1xi32>
      %or3A_907 = arith.ori %shift_left3A_903, %and3A_906 : vector<1x1xi32>
      %bitcast_convert_type3A_908 = tpu.bitcast %or3A_907 : vector<1x1xi32> -> vector<1x1xf32>
      %jit3A_909 = arith.constant -1.000000e+30 : f32
      %broadcast_in_dim3A_910 = vector.broadcast %jit3A_909 : f32 to vector<1x1xf32>
      %select_n3A_911 = arith.select %lt3A_883, %bitcast_convert_type3A_908, %broadcast_in_dim3A_910 : vector<1x1xi1>, vector<1x1xf32>
      %and3A_912 = arith.constant 65535 : i32
      %and3A_913 = vector.broadcast %and3A_912 : i32 to vector<1x1xi32>
      %and3A_914 = arith.andi %bitcast_convert_type3A_841, %and3A_913 : vector<1x1xi32>
      %shift_left3A_915 = arith.constant 16 : i32
      %shift_left3A_916 = vector.broadcast %shift_left3A_915 : i32 to vector<1x1xi32>
      %shift_left3A_917 = arith.shli %and3A_914, %shift_left3A_916 : vector<1x1xi32>
      %and3A_918 = arith.constant 65535 : i32
      %and3A_919 = vector.broadcast %and3A_918 : i32 to vector<1x1xi32>
      %and3A_920 = arith.andi %bitcast_convert_type3A_853, %and3A_919 : vector<1x1xi32>
      %or3A_921 = arith.ori %shift_left3A_917, %and3A_920 : vector<1x1xi32>
      %bitcast_convert_type3A_922 = tpu.bitcast %or3A_921 : vector<1x1xi32> -> vector<1x1xf32>
      %jit3A_923 = arith.constant -1.000000e+30 : f32
      %broadcast_in_dim3A_924 = vector.broadcast %jit3A_923 : f32 to vector<1x1xf32>
      %select_n3A_925 = arith.select %lt3A_883, %bitcast_convert_type3A_922, %broadcast_in_dim3A_924 : vector<1x1xi1>, vector<1x1xf32>
      %and3A_926 = arith.constant 65535 : i32
      %and3A_927 = vector.broadcast %and3A_926 : i32 to vector<1x1xi32>
      %and3A_928 = arith.andi %bitcast_convert_type3A_865, %and3A_927 : vector<1x1xi32>
      %shift_left3A_929 = arith.constant 16 : i32
      %shift_left3A_930 = vector.broadcast %shift_left3A_929 : i32 to vector<1x1xi32>
      %shift_left3A_931 = arith.shli %and3A_928, %shift_left3A_930 : vector<1x1xi32>
      %and3A_932 = arith.constant 65535 : i32
      %and3A_933 = vector.broadcast %and3A_932 : i32 to vector<1x1xi32>
      %and3A_934 = arith.andi %bitcast_convert_type3A_877, %and3A_933 : vector<1x1xi32>
      %or3A_935 = arith.ori %shift_left3A_931, %and3A_934 : vector<1x1xi32>
      %bitcast_convert_type3A_936 = tpu.bitcast %or3A_935 : vector<1x1xi32> -> vector<1x1xf32>
      %jit3A_937 = arith.constant -1.000000e+30 : f32
      %broadcast_in_dim3A_938 = vector.broadcast %jit3A_937 : f32 to vector<1x1xf32>
      %select_n3A_939 = arith.select %lt3A_883, %bitcast_convert_type3A_936, %broadcast_in_dim3A_938 : vector<1x1xi1>, vector<1x1xf32>
      %sub3A_940 = arith.subf %select_n3A_925, %select_n3A_897 : vector<1x1xf32>
      %sub3A_941 = arith.subf %select_n3A_939, %select_n3A_911 : vector<1x1xf32>
      %mul3A_942 = arith.mulf %sub3A_940, %sub3A_941 : vector<1x1xf32>
      %get3A_943 = arith.constant 0 : index
      %get3A_944 = arith.constant 0 : index
      %get3A_945 = vector.load %arg0[%get3A_943, %get3A_944] : memref<8x640xf32, #tpu.memory_space<vmem>>, vector<8x640xf32>
      %get3A_946 = arith.constant 0 : index
      %get3A_947 = arith.constant 0 : index
      %get3A_948 = vector.load %arg1[%get3A_946, %get3A_947] : memref<8x640xf32, #tpu.memory_space<vmem>>, vector<8x640xf32>
      %get3A_949 = arith.constant 0 : index
      %get3A_950 = arith.constant 0 : index
      %get3A_951 = vector.load %arg2[%get3A_949, %get3A_950] : memref<8x640xf32, #tpu.memory_space<vmem>>, vector<8x640xf32>
      %get3A_952 = arith.constant 0 : index
      %get3A_953 = arith.constant 0 : index
      %get3A_954 = vector.load %arg3[%get3A_952, %get3A_953] : memref<8x640xf32, #tpu.memory_space<vmem>>, vector<8x640xf32>
      %min3A_955 = vector.broadcast %select_n3A_925 : vector<1x1xf32> to vector<8x640xf32>
      %min3A_956 = arith.minimumf %min3A_955, %get3A_951 : vector<8x640xf32>
      %max3A_957 = vector.broadcast %select_n3A_897 : vector<1x1xf32> to vector<8x640xf32>
      %max3A_958 = arith.maximumf %max3A_957, %get3A_945 : vector<8x640xf32>
      %sub3A_959 = arith.subf %min3A_956, %max3A_958 : vector<8x640xf32>
      %max3A_960 = arith.constant 0.000000e+00 : f32
      %max3A_961 = vector.broadcast %max3A_960 : f32 to vector<8x640xf32>
      %max3A_962 = arith.maximumf %sub3A_959, %max3A_961 : vector<8x640xf32>
      %min3A_963 = vector.broadcast %select_n3A_939 : vector<1x1xf32> to vector<8x640xf32>
      %min3A_964 = arith.minimumf %min3A_963, %get3A_954 : vector<8x640xf32>
      %max3A_965 = vector.broadcast %select_n3A_911 : vector<1x1xf32> to vector<8x640xf32>
      %max3A_966 = arith.maximumf %max3A_965, %get3A_948 : vector<8x640xf32>
      %sub3A_967 = arith.subf %min3A_964, %max3A_966 : vector<8x640xf32>
      %max3A_968 = arith.constant 0.000000e+00 : f32
      %max3A_969 = vector.broadcast %max3A_968 : f32 to vector<8x640xf32>
      %max3A_970 = arith.maximumf %sub3A_967, %max3A_969 : vector<8x640xf32>
      %mul3A_971 = arith.mulf %max3A_962, %max3A_970 : vector<8x640xf32>
      %get3A_972 = arith.constant 0 : index
      %get3A_973 = arith.constant 0 : index
      %get3A_974 = vector.load %arg4[%get3A_972, %get3A_973] : memref<8x640xf32, #tpu.memory_space<vmem>>, vector<8x640xf32>
      %add3A_975 = vector.broadcast %mul3A_942 : vector<1x1xf32> to vector<8x640xf32>
      %add3A_976 = arith.addf %add3A_975, %get3A_974 : vector<8x640xf32>
      %sub3A_977 = arith.subf %add3A_976, %mul3A_971 : vector<8x640xf32>
      %mul3A_978 = arith.constant 2.000000e-01 : f32
      %mul3A_979 = vector.broadcast %mul3A_978 : f32 to vector<8x640xf32>
      %mul3A_980 = arith.mulf %mul3A_979, %sub3A_977 : vector<8x640xf32>
      %gt3A_981 = arith.cmpf ogt, %mul3A_971, %mul3A_980 : vector<8x640xf32>
      %eq3A_982 = vector.broadcast %shift_right_arithmetic3A_880 : vector<1x1xi32> to vector<8x640xi32>
      %eq3A_983 = arith.cmpi eq, %get3A_778, %eq3A_982 : vector<8x640xi32>
      %and3A_984 = vector.broadcast %lt3A_883 : vector<1x1xi1> to vector<8x640xi1>
      %and3A_985 = arith.andi %eq3A_983, %and3A_984 : vector<8x640xi1>
      %jit3A_986 = arith.constant 16384 : i32
      %broadcast_in_dim3A_987 = vector.broadcast %jit3A_986 : i32 to vector<8x640xi32>
      %select_n3A_988 = arith.select %gt3A_981, %broadcast_in_dim3A_987, %get3A_778 : vector<8x640xi1>, vector<8x640xi32>
      %jit3A_989 = arith.constant 12288 : i32
      %broadcast_in_dim3A_990 = vector.broadcast %jit3A_989 : i32 to vector<8x640xi32>
      %select_n3A_991 = arith.select %and3A_985, %broadcast_in_dim3A_990, %select_n3A_988 : vector<8x640xi1>, vector<8x640xi32>
      %swap3A_992 = arith.constant 0 : index
      %swap3A_993 = arith.constant 0 : index
      %swap3A_994 = vector.load %arg7[%swap3A_992, %swap3A_993] : memref<8x640xi32, #tpu.memory_space<vmem>>, vector<8x640xi32>
      tpu.vector_store %arg7[%swap3A_992, %swap3A_993], %select_n3A_991 {strides = array<i32>} : memref<8x640xi32, #tpu.memory_space<vmem>>, vector<8x640xi32>,
      %scan3A_995 = arith.constant 4 : i32
      %get3A_996 = arith.constant 0 : index
      %get3A_997 = arith.constant 0 : index
      %get3A_998 = vector.load %arg7[%get3A_996, %get3A_997] : memref<8x640xi32, #tpu.memory_space<vmem>>, vector<8x640xi32>
      %shift_left3A_999 = arith.constant 16 : i32
      %shift_left3A_1000 = vector.broadcast %shift_left3A_999 : i32 to vector<8x640xi32>
      %shift_left3A_1001 = arith.shli %get3A_998, %shift_left3A_1000 : vector<8x640xi32>
      %get3A_1002 = arith.constant 0 : index
      %get3A_1003 = arith.constant 0 : index
      %get3A_1004 = vector.load %arg8[%get3A_1002, %get3A_1003] : memref<8x640xi32, #tpu.memory_space<vmem>>, vector<8x640xi32>
      %or3A_1005 = arith.ori %shift_left3A_1001, %get3A_1004 : vector<8x640xi32>
      %bitcast_convert_type3A_1006 = tpu.bitcast %or3A_1005 : vector<8x640xi32> -> vector<8x640xf32>
      %reduce_min3A_1007 = arith.constant dense<0x7F800000> : vector<8xf32>
      %reduce_min3A_1008 = vector.multi_reduction <minimumf>, %bitcast_convert_type3A_1006, %reduce_min3A_1007 [1] : vector<8x640xf32> to vector<8xf32>
      %broadcast_in_dim3A_1009 = vector.shape_cast %reduce_min3A_1008 : vector<8xf32> to vector<8x1xf32>
      %reduce_min3A_1010 = arith.constant dense<0x7F800000> : vector<1xf32>
      %reduce_min3A_1011 = vector.multi_reduction <minimumf>, %broadcast_in_dim3A_1009, %reduce_min3A_1010 [0] : vector<8x1xf32> to vector<1xf32>
      %broadcast_in_dim3A_1012 = vector.shape_cast %reduce_min3A_1011 : vector<1xf32> to vector<1x1xf32>
      %bitcast_convert_type3A_1013 = tpu.bitcast %broadcast_in_dim3A_1012 : vector<1x1xf32> -> vector<1x1xi32>
      %get3A_1014 = arith.constant 0 : index
      %get3A_1015 = arith.constant 0 : index
      %get3A_1016 = vector.load %arg9[%get3A_1014, %get3A_1015] : memref<8x640xi32, #tpu.memory_space<vmem>>, vector<8x640xi32>
      %or3A_1017 = arith.ori %shift_left3A_1001, %get3A_1016 : vector<8x640xi32>
      %bitcast_convert_type3A_1018 = tpu.bitcast %or3A_1017 : vector<8x640xi32> -> vector<8x640xf32>
      %reduce_min3A_1019 = arith.constant dense<0x7F800000> : vector<8xf32>
      %reduce_min3A_1020 = vector.multi_reduction <minimumf>, %bitcast_convert_type3A_1018, %reduce_min3A_1019 [1] : vector<8x640xf32> to vector<8xf32>
      %broadcast_in_dim3A_1021 = vector.shape_cast %reduce_min3A_1020 : vector<8xf32> to vector<8x1xf32>
      %reduce_min3A_1022 = arith.constant dense<0x7F800000> : vector<1xf32>
      %reduce_min3A_1023 = vector.multi_reduction <minimumf>, %broadcast_in_dim3A_1021, %reduce_min3A_1022 [0] : vector<8x1xf32> to vector<1xf32>
      %broadcast_in_dim3A_1024 = vector.shape_cast %reduce_min3A_1023 : vector<1xf32> to vector<1x1xf32>
      %bitcast_convert_type3A_1025 = tpu.bitcast %broadcast_in_dim3A_1024 : vector<1x1xf32> -> vector<1x1xi32>
      %get3A_1026 = arith.constant 0 : index
      %get3A_1027 = arith.constant 0 : index
      %get3A_1028 = vector.load %arg10[%get3A_1026, %get3A_1027] : memref<8x640xi32, #tpu.memory_space<vmem>>, vector<8x640xi32>
      %or3A_1029 = arith.ori %shift_left3A_1001, %get3A_1028 : vector<8x640xi32>
      %bitcast_convert_type3A_1030 = tpu.bitcast %or3A_1029 : vector<8x640xi32> -> vector<8x640xf32>
      %reduce_min3A_1031 = arith.constant dense<0x7F800000> : vector<8xf32>
      %reduce_min3A_1032 = vector.multi_reduction <minimumf>, %bitcast_convert_type3A_1030, %reduce_min3A_1031 [1] : vector<8x640xf32> to vector<8xf32>
      %broadcast_in_dim3A_1033 = vector.shape_cast %reduce_min3A_1032 : vector<8xf32> to vector<8x1xf32>
      %reduce_min3A_1034 = arith.constant dense<0x7F800000> : vector<1xf32>
      %reduce_min3A_1035 = vector.multi_reduction <minimumf>, %broadcast_in_dim3A_1033, %reduce_min3A_1034 [0] : vector<8x1xf32> to vector<1xf32>
      %broadcast_in_dim3A_1036 = vector.shape_cast %reduce_min3A_1035 : vector<1xf32> to vector<1x1xf32>
      %bitcast_convert_type3A_1037 = tpu.bitcast %broadcast_in_dim3A_1036 : vector<1x1xf32> -> vector<1x1xi32>
      %get3A_1038 = arith.constant 0 : index
      %get3A_1039 = arith.constant 0 : index
      %get3A_1040 = vector.load %arg11[%get3A_1038, %get3A_1039] : memref<8x640xi32, #tpu.memory_space<vmem>>, vector<8x640xi32>
      %or3A_1041 = arith.ori %shift_left3A_1001, %get3A_1040 : vector<8x640xi32>
      %bitcast_convert_type3A_1042 = tpu.bitcast %or3A_1041 : vector<8x640xi32> -> vector<8x640xf32>
      %reduce_min3A_1043 = arith.constant dense<0x7F800000> : vector<8xf32>
      %reduce_min3A_1044 = vector.multi_reduction <minimumf>, %bitcast_convert_type3A_1042, %reduce_min3A_1043 [1] : vector<8x640xf32> to vector<8xf32>
      %broadcast_in_dim3A_1045 = vector.shape_cast %reduce_min3A_1044 : vector<8xf32> to vector<8x1xf32>
      %reduce_min3A_1046 = arith.constant dense<0x7F800000> : vector<1xf32>
      %reduce_min3A_1047 = vector.multi_reduction <minimumf>, %broadcast_in_dim3A_1045, %reduce_min3A_1046 [0] : vector<8x1xf32> to vector<1xf32>
      %broadcast_in_dim3A_1048 = vector.shape_cast %reduce_min3A_1047 : vector<1xf32> to vector<1x1xf32>
      %bitcast_convert_type3A_1049 = tpu.bitcast %broadcast_in_dim3A_1048 : vector<1x1xf32> -> vector<1x1xi32>
      %get3A_1050 = arith.constant 0 : index
      %get3A_1051 = arith.constant 0 : index
      %get3A_1052 = vector.load %arg12[%get3A_1050, %get3A_1051] : memref<8x640xi32, #tpu.memory_space<vmem>>, vector<8x640xi32>
      %or3A_1053 = arith.ori %shift_left3A_1001, %get3A_1052 : vector<8x640xi32>
      %bitcast_convert_type3A_1054 = tpu.bitcast %or3A_1053 : vector<8x640xi32> -> vector<8x640xf32>
      %reduce_min3A_1055 = arith.constant dense<0x7F800000> : vector<8xf32>
      %reduce_min3A_1056 = vector.multi_reduction <minimumf>, %bitcast_convert_type3A_1054, %reduce_min3A_1055 [1] : vector<8x640xf32> to vector<8xf32>
      %broadcast_in_dim3A_1057 = vector.shape_cast %reduce_min3A_1056 : vector<8xf32> to vector<8x1xf32>
      %reduce_min3A_1058 = arith.constant dense<0x7F800000> : vector<1xf32>
      %reduce_min3A_1059 = vector.multi_reduction <minimumf>, %broadcast_in_dim3A_1057, %reduce_min3A_1058 [0] : vector<8x1xf32> to vector<1xf32>
      %broadcast_in_dim3A_1060 = vector.shape_cast %reduce_min3A_1059 : vector<1xf32> to vector<1x1xf32>
      %bitcast_convert_type3A_1061 = tpu.bitcast %broadcast_in_dim3A_1060 : vector<1x1xf32> -> vector<1x1xi32>
      %get3A_1062 = arith.constant 0 : index
      %get3A_1063 = arith.constant 0 : index
      %get3A_1064 = vector.load %arg13[%get3A_1062, %get3A_1063] : memref<8x640xi32, #tpu.memory_space<vmem>>, vector<8x640xi32>
      %or3A_1065 = arith.ori %shift_left3A_1001, %get3A_1064 : vector<8x640xi32>
      %bitcast_convert_type3A_1066 = tpu.bitcast %or3A_1065 : vector<8x640xi32> -> vector<8x640xf32>
      %reduce_min3A_1067 = arith.constant dense<0x7F800000> : vector<8xf32>
      %reduce_min3A_1068 = vector.multi_reduction <minimumf>, %bitcast_convert_type3A_1066, %reduce_min3A_1067 [1] : vector<8x640xf32> to vector<8xf32>
      %broadcast_in_dim3A_1069 = vector.shape_cast %reduce_min3A_1068 : vector<8xf32> to vector<8x1xf32>
      %reduce_min3A_1070 = arith.constant dense<0x7F800000> : vector<1xf32>
      %reduce_min3A_1071 = vector.multi_reduction <minimumf>, %broadcast_in_dim3A_1069, %reduce_min3A_1070 [0] : vector<8x1xf32> to vector<1xf32>
      %broadcast_in_dim3A_1072 = vector.shape_cast %reduce_min3A_1071 : vector<1xf32> to vector<1x1xf32>
      %bitcast_convert_type3A_1073 = tpu.bitcast %broadcast_in_dim3A_1072 : vector<1x1xf32> -> vector<1x1xi32>
      %get3A_1074 = arith.constant 0 : index
      %get3A_1075 = arith.constant 0 : index
      %get3A_1076 = vector.load %arg14[%get3A_1074, %get3A_1075] : memref<8x640xi32, #tpu.memory_space<vmem>>, vector<8x640xi32>
      %or3A_1077 = arith.ori %shift_left3A_1001, %get3A_1076 : vector<8x640xi32>
      %bitcast_convert_type3A_1078 = tpu.bitcast %or3A_1077 : vector<8x640xi32> -> vector<8x640xf32>
      %reduce_min3A_1079 = arith.constant dense<0x7F800000> : vector<8xf32>
      %reduce_min3A_1080 = vector.multi_reduction <minimumf>, %bitcast_convert_type3A_1078, %reduce_min3A_1079 [1] : vector<8x640xf32> to vector<8xf32>
      %broadcast_in_dim3A_1081 = vector.shape_cast %reduce_min3A_1080 : vector<8xf32> to vector<8x1xf32>
      %reduce_min3A_1082 = arith.constant dense<0x7F800000> : vector<1xf32>
      %reduce_min3A_1083 = vector.multi_reduction <minimumf>, %broadcast_in_dim3A_1081, %reduce_min3A_1082 [0] : vector<8x1xf32> to vector<1xf32>
      %broadcast_in_dim3A_1084 = vector.shape_cast %reduce_min3A_1083 : vector<1xf32> to vector<1x1xf32>
      %bitcast_convert_type3A_1085 = tpu.bitcast %broadcast_in_dim3A_1084 : vector<1x1xf32> -> vector<1x1xi32>
      %get3A_1086 = arith.constant 0 : index
      %get3A_1087 = arith.constant 0 : index
      %get3A_1088 = vector.load %arg15[%get3A_1086, %get3A_1087] : memref<8x640xi32, #tpu.memory_space<vmem>>, vector<8x640xi32>
      %or3A_1089 = arith.ori %shift_left3A_1001, %get3A_1088 : vector<8x640xi32>
      %bitcast_convert_type3A_1090 = tpu.bitcast %or3A_1089 : vector<8x640xi32> -> vector<8x640xf32>
      %reduce_min3A_1091 = arith.constant dense<0x7F800000> : vector<8xf32>
      %reduce_min3A_1092 = vector.multi_reduction <minimumf>, %bitcast_convert_type3A_1090, %reduce_min3A_1091 [1] : vector<8x640xf32> to vector<8xf32>
      %broadcast_in_dim3A_1093 = vector.shape_cast %reduce_min3A_1092 : vector<8xf32> to vector<8x1xf32>
      %reduce_min3A_1094 = arith.constant dense<0x7F800000> : vector<1xf32>
      %reduce_min3A_1095 = vector.multi_reduction <minimumf>, %broadcast_in_dim3A_1093, %reduce_min3A_1094 [0] : vector<8x1xf32> to vector<1xf32>
      %broadcast_in_dim3A_1096 = vector.shape_cast %reduce_min3A_1095 : vector<1xf32> to vector<1x1xf32>
      %bitcast_convert_type3A_1097 = tpu.bitcast %broadcast_in_dim3A_1096 : vector<1x1xf32> -> vector<1x1xi32>
      %shift_right_arithmetic3A_1098 = arith.constant 16 : i32
      %shift_right_arithmetic3A_1099 = vector.broadcast %shift_right_arithmetic3A_1098 : i32 to vector<1x1xi32>
      %shift_right_arithmetic3A_1100 = arith.shrsi %bitcast_convert_type3A_1013, %shift_right_arithmetic3A_1099 : vector<1x1xi32>
      %lt3A_1101 = arith.constant 8320 : i32
      %lt3A_1102 = vector.broadcast %lt3A_1101 : i32 to vector<1x1xi32>
      %lt3A_1103 = arith.cmpi slt, %shift_right_arithmetic3A_1100, %lt3A_1102 : vector<1x1xi32>
      %and3A_1104 = arith.constant 65535 : i32
      %and3A_1105 = vector.broadcast %and3A_1104 : i32 to vector<1x1xi32>
      %and3A_1106 = arith.andi %bitcast_convert_type3A_1013, %and3A_1105 : vector<1x1xi32>
      %shift_left3A_1107 = arith.constant 16 : i32
      %shift_left3A_1108 = vector.broadcast %shift_left3A_1107 : i32 to vector<1x1xi32>
      %shift_left3A_1109 = arith.shli %and3A_1106, %shift_left3A_1108 : vector<1x1xi32>
      %and3A_1110 = arith.constant 65535 : i32
      %and3A_1111 = vector.broadcast %and3A_1110 : i32 to vector<1x1xi32>
      %and3A_1112 = arith.andi %bitcast_convert_type3A_1025, %and3A_1111 : vector<1x1xi32>
      %or3A_1113 = arith.ori %shift_left3A_1109, %and3A_1112 : vector<1x1xi32>
      %bitcast_convert_type3A_1114 = tpu.bitcast %or3A_1113 : vector<1x1xi32> -> vector<1x1xf32>
      %jit3A_1115 = arith.constant -1.000000e+30 : f32
      %broadcast_in_dim3A_1116 = vector.broadcast %jit3A_1115 : f32 to vector<1x1xf32>
      %select_n3A_1117 = arith.select %lt3A_1103, %bitcast_convert_type3A_1114, %broadcast_in_dim3A_1116 : vector<1x1xi1>, vector<1x1xf32>
      %and3A_1118 = arith.constant 65535 : i32
      %and3A_1119 = vector.broadcast %and3A_1118 : i32 to vector<1x1xi32>
      %and3A_1120 = arith.andi %bitcast_convert_type3A_1037, %and3A_1119 : vector<1x1xi32>
      %shift_left3A_1121 = arith.constant 16 : i32
      %shift_left3A_1122 = vector.broadcast %shift_left3A_1121 : i32 to vector<1x1xi32>
      %shift_left3A_1123 = arith.shli %and3A_1120, %shift_left3A_1122 : vector<1x1xi32>
      %and3A_1124 = arith.constant 65535 : i32
      %and3A_1125 = vector.broadcast %and3A_1124 : i32 to vector<1x1xi32>
      %and3A_1126 = arith.andi %bitcast_convert_type3A_1049, %and3A_1125 : vector<1x1xi32>
      %or3A_1127 = arith.ori %shift_left3A_1123, %and3A_1126 : vector<1x1xi32>
      %bitcast_convert_type3A_1128 = tpu.bitcast %or3A_1127 : vector<1x1xi32> -> vector<1x1xf32>
      %jit3A_1129 = arith.constant -1.000000e+30 : f32
      %broadcast_in_dim3A_1130 = vector.broadcast %jit3A_1129 : f32 to vector<1x1xf32>
      %select_n3A_1131 = arith.select %lt3A_1103, %bitcast_convert_type3A_1128, %broadcast_in_dim3A_1130 : vector<1x1xi1>, vector<1x1xf32>
      %and3A_1132 = arith.constant 65535 : i32
      %and3A_1133 = vector.broadcast %and3A_1132 : i32 to vector<1x1xi32>
      %and3A_1134 = arith.andi %bitcast_convert_type3A_1061, %and3A_1133 : vector<1x1xi32>
      %shift_left3A_1135 = arith.constant 16 : i32
      %shift_left3A_1136 = vector.broadcast %shift_left3A_1135 : i32 to vector<1x1xi32>
      %shift_left3A_1137 = arith.shli %and3A_1134, %shift_left3A_1136 : vector<1x1xi32>
      %and3A_1138 = arith.constant 65535 : i32
      %and3A_1139 = vector.broadcast %and3A_1138 : i32 to vector<1x1xi32>
      %and3A_1140 = arith.andi %bitcast_convert_type3A_1073, %and3A_1139 : vector<1x1xi32>
      %or3A_1141 = arith.ori %shift_left3A_1137, %and3A_1140 : vector<1x1xi32>
      %bitcast_convert_type3A_1142 = tpu.bitcast %or3A_1141 : vector<1x1xi32> -> vector<1x1xf32>
      %jit3A_1143 = arith.constant -1.000000e+30 : f32
      %broadcast_in_dim3A_1144 = vector.broadcast %jit3A_1143 : f32 to vector<1x1xf32>
      %select_n3A_1145 = arith.select %lt3A_1103, %bitcast_convert_type3A_1142, %broadcast_in_dim3A_1144 : vector<1x1xi1>, vector<1x1xf32>
      %and3A_1146 = arith.constant 65535 : i32
      %and3A_1147 = vector.broadcast %and3A_1146 : i32 to vector<1x1xi32>
      %and3A_1148 = arith.andi %bitcast_convert_type3A_1085, %and3A_1147 : vector<1x1xi32>
      %shift_left3A_1149 = arith.constant 16 : i32
      %shift_left3A_1150 = vector.broadcast %shift_left3A_1149 : i32 to vector<1x1xi32>
      %shift_left3A_1151 = arith.shli %and3A_1148, %shift_left3A_1150 : vector<1x1xi32>
      %and3A_1152 = arith.constant 65535 : i32
      %and3A_1153 = vector.broadcast %and3A_1152 : i32 to vector<1x1xi32>
      %and3A_1154 = arith.andi %bitcast_convert_type3A_1097, %and3A_1153 : vector<1x1xi32>
      %or3A_1155 = arith.ori %shift_left3A_1151, %and3A_1154 : vector<1x1xi32>
      %bitcast_convert_type3A_1156 = tpu.bitcast %or3A_1155 : vector<1x1xi32> -> vector<1x1xf32>
      %jit3A_1157 = arith.constant -1.000000e+30 : f32
      %broadcast_in_dim3A_1158 = vector.broadcast %jit3A_1157 : f32 to vector<1x1xf32>
      %select_n3A_1159 = arith.select %lt3A_1103, %bitcast_convert_type3A_1156, %broadcast_in_dim3A_1158 : vector<1x1xi1>, vector<1x1xf32>
      %sub3A_1160 = arith.subf %select_n3A_1145, %select_n3A_1117 : vector<1x1xf32>
      %sub3A_1161 = arith.subf %select_n3A_1159, %select_n3A_1131 : vector<1x1xf32>
      %mul3A_1162 = arith.mulf %sub3A_1160, %sub3A_1161 : vector<1x1xf32>
      %get3A_1163 = arith.constant 0 : index
      %get3A_1164 = arith.constant 0 : index
      %get3A_1165 = vector.load %arg0[%get3A_1163, %get3A_1164] : memref<8x640xf32, #tpu.memory_space<vmem>>, vector<8x640xf32>
      %get3A_1166 = arith.constant 0 : index
      %get3A_1167 = arith.constant 0 : index
      %get3A_1168 = vector.load %arg1[%get3A_1166, %get3A_1167] : memref<8x640xf32, #tpu.memory_space<vmem>>, vector<8x640xf32>
      %get3A_1169 = arith.constant 0 : index
      %get3A_1170 = arith.constant 0 : index
      %get3A_1171 = vector.load %arg2[%get3A_1169, %get3A_1170] : memref<8x640xf32, #tpu.memory_space<vmem>>, vector<8x640xf32>
      %get3A_1172 = arith.constant 0 : index
      %get3A_1173 = arith.constant 0 : index
      %get3A_1174 = vector.load %arg3[%get3A_1172, %get3A_1173] : memref<8x640xf32, #tpu.memory_space<vmem>>, vector<8x640xf32>
      %min3A_1175 = vector.broadcast %select_n3A_1145 : vector<1x1xf32> to vector<8x640xf32>
      %min3A_1176 = arith.minimumf %min3A_1175, %get3A_1171 : vector<8x640xf32>
      %max3A_1177 = vector.broadcast %select_n3A_1117 : vector<1x1xf32> to vector<8x640xf32>
      %max3A_1178 = arith.maximumf %max3A_1177, %get3A_1165 : vector<8x640xf32>
      %sub3A_1179 = arith.subf %min3A_1176, %max3A_1178 : vector<8x640xf32>
      %max3A_1180 = arith.constant 0.000000e+00 : f32
      %max3A_1181 = vector.broadcast %max3A_1180 : f32 to vector<8x640xf32>
      %max3A_1182 = arith.maximumf %sub3A_1179, %max3A_1181 : vector<8x640xf32>
      %min3A_1183 = vector.broadcast %select_n3A_1159 : vector<1x1xf32> to vector<8x640xf32>
      %min3A_1184 = arith.minimumf %min3A_1183, %get3A_1174 : vector<8x640xf32>
      %max3A_1185 = vector.broadcast %select_n3A_1131 : vector<1x1xf32> to vector<8x640xf32>
      %max3A_1186 = arith.maximumf %max3A_1185, %get3A_1168 : vector<8x640xf32>
      %sub3A_1187 = arith.subf %min3A_1184, %max3A_1186 : vector<8x640xf32>
      %max3A_1188 = arith.constant 0.000000e+00 : f32
      %max3A_1189 = vector.broadcast %max3A_1188 : f32 to vector<8x640xf32>
      %max3A_1190 = arith.maximumf %sub3A_1187, %max3A_1189 : vector<8x640xf32>
      %mul3A_1191 = arith.mulf %max3A_1182, %max3A_1190 : vector<8x640xf32>
      %get3A_1192 = arith.constant 0 : index
      %get3A_1193 = arith.constant 0 : index
      %get3A_1194 = vector.load %arg4[%get3A_1192, %get3A_1193] : memref<8x640xf32, #tpu.memory_space<vmem>>, vector<8x640xf32>
      %add3A_1195 = vector.broadcast %mul3A_1162 : vector<1x1xf32> to vector<8x640xf32>
      %add3A_1196 = arith.addf %add3A_1195, %get3A_1194 : vector<8x640xf32>
      %sub3A_1197 = arith.subf %add3A_1196, %mul3A_1191 : vector<8x640xf32>
      %mul3A_1198 = arith.constant 2.000000e-01 : f32
      %mul3A_1199 = vector.broadcast %mul3A_1198 : f32 to vector<8x640xf32>
      %mul3A_1200 = arith.mulf %mul3A_1199, %sub3A_1197 : vector<8x640xf32>
      %gt3A_1201 = arith.cmpf ogt, %mul3A_1191, %mul3A_1200 : vector<8x640xf32>
      %eq3A_1202 = vector.broadcast %shift_right_arithmetic3A_1100 : vector<1x1xi32> to vector<8x640xi32>
      %eq3A_1203 = arith.cmpi eq, %get3A_998, %eq3A_1202 : vector<8x640xi32>
      %and3A_1204 = vector.broadcast %lt3A_1103 : vector<1x1xi1> to vector<8x640xi1>
      %and3A_1205 = arith.andi %eq3A_1203, %and3A_1204 : vector<8x640xi1>
      %jit3A_1206 = arith.constant 16384 : i32
      %broadcast_in_dim3A_1207 = vector.broadcast %jit3A_1206 : i32 to vector<8x640xi32>
      %select_n3A_1208 = arith.select %gt3A_1201, %broadcast_in_dim3A_1207, %get3A_998 : vector<8x640xi1>, vector<8x640xi32>
      %jit3A_1209 = arith.constant 12288 : i32
      %broadcast_in_dim3A_1210 = vector.broadcast %jit3A_1209 : i32 to vector<8x640xi32>
      %select_n3A_1211 = arith.select %and3A_1205, %broadcast_in_dim3A_1210, %select_n3A_1208 : vector<8x640xi1>, vector<8x640xi32>
      %swap3A_1212 = arith.constant 0 : index
      %swap3A_1213 = arith.constant 0 : index
      %swap3A_1214 = vector.load %arg7[%swap3A_1212, %swap3A_1213] : memref<8x640xi32, #tpu.memory_space<vmem>>, vector<8x640xi32>
      tpu.vector_store %arg7[%swap3A_1212, %swap3A_1213], %select_n3A_1211 {strides = array<i32>} : memref<8x640xi32, #tpu.memory_space<vmem>>, vector<8x640xi32>,
      %scan3A_1215 = arith.constant 5 : i32
      %get3A_1216 = arith.constant 0 : index
      %get3A_1217 = arith.constant 0 : index
      %get3A_1218 = vector.load %arg7[%get3A_1216, %get3A_1217] : memref<8x640xi32, #tpu.memory_space<vmem>>, vector<8x640xi32>
      %shift_left3A_1219 = arith.constant 16 : i32
      %shift_left3A_1220 = vector.broadcast %shift_left3A_1219 : i32 to vector<8x640xi32>
      %shift_left3A_1221 = arith.shli %get3A_1218, %shift_left3A_1220 : vector<8x640xi32>
      %get3A_1222 = arith.constant 0 : index
      %get3A_1223 = arith.constant 0 : index
      %get3A_1224 = vector.load %arg8[%get3A_1222, %get3A_1223] : memref<8x640xi32, #tpu.memory_space<vmem>>, vector<8x640xi32>
      %or3A_1225 = arith.ori %shift_left3A_1221, %get3A_1224 : vector<8x640xi32>
      %bitcast_convert_type3A_1226 = tpu.bitcast %or3A_1225 : vector<8x640xi32> -> vector<8x640xf32>
      %reduce_min3A_1227 = arith.constant dense<0x7F800000> : vector<8xf32>
      %reduce_min3A_1228 = vector.multi_reduction <minimumf>, %bitcast_convert_type3A_1226, %reduce_min3A_1227 [1] : vector<8x640xf32> to vector<8xf32>
      %broadcast_in_dim3A_1229 = vector.shape_cast %reduce_min3A_1228 : vector<8xf32> to vector<8x1xf32>
      %reduce_min3A_1230 = arith.constant dense<0x7F800000> : vector<1xf32>
      %reduce_min3A_1231 = vector.multi_reduction <minimumf>, %broadcast_in_dim3A_1229, %reduce_min3A_1230 [0] : vector<8x1xf32> to vector<1xf32>
      %broadcast_in_dim3A_1232 = vector.shape_cast %reduce_min3A_1231 : vector<1xf32> to vector<1x1xf32>
      %bitcast_convert_type3A_1233 = tpu.bitcast %broadcast_in_dim3A_1232 : vector<1x1xf32> -> vector<1x1xi32>
      %get3A_1234 = arith.constant 0 : index
      %get3A_1235 = arith.constant 0 : index
      %get3A_1236 = vector.load %arg9[%get3A_1234, %get3A_1235] : memref<8x640xi32, #tpu.memory_space<vmem>>, vector<8x640xi32>
      %or3A_1237 = arith.ori %shift_left3A_1221, %get3A_1236 : vector<8x640xi32>
      %bitcast_convert_type3A_1238 = tpu.bitcast %or3A_1237 : vector<8x640xi32> -> vector<8x640xf32>
      %reduce_min3A_1239 = arith.constant dense<0x7F800000> : vector<8xf32>
      %reduce_min3A_1240 = vector.multi_reduction <minimumf>, %bitcast_convert_type3A_1238, %reduce_min3A_1239 [1] : vector<8x640xf32> to vector<8xf32>
      %broadcast_in_dim3A_1241 = vector.shape_cast %reduce_min3A_1240 : vector<8xf32> to vector<8x1xf32>
      %reduce_min3A_1242 = arith.constant dense<0x7F800000> : vector<1xf32>
      %reduce_min3A_1243 = vector.multi_reduction <minimumf>, %broadcast_in_dim3A_1241, %reduce_min3A_1242 [0] : vector<8x1xf32> to vector<1xf32>
      %broadcast_in_dim3A_1244 = vector.shape_cast %reduce_min3A_1243 : vector<1xf32> to vector<1x1xf32>
      %bitcast_convert_type3A_1245 = tpu.bitcast %broadcast_in_dim3A_1244 : vector<1x1xf32> -> vector<1x1xi32>
      %get3A_1246 = arith.constant 0 : index
      %get3A_1247 = arith.constant 0 : index
      %get3A_1248 = vector.load %arg10[%get3A_1246, %get3A_1247] : memref<8x640xi32, #tpu.memory_space<vmem>>, vector<8x640xi32>
      %or3A_1249 = arith.ori %shift_left3A_1221, %get3A_1248 : vector<8x640xi32>
      %bitcast_convert_type3A_1250 = tpu.bitcast %or3A_1249 : vector<8x640xi32> -> vector<8x640xf32>
      %reduce_min3A_1251 = arith.constant dense<0x7F800000> : vector<8xf32>
      %reduce_min3A_1252 = vector.multi_reduction <minimumf>, %bitcast_convert_type3A_1250, %reduce_min3A_1251 [1] : vector<8x640xf32> to vector<8xf32>
      %broadcast_in_dim3A_1253 = vector.shape_cast %reduce_min3A_1252 : vector<8xf32> to vector<8x1xf32>
      %reduce_min3A_1254 = arith.constant dense<0x7F800000> : vector<1xf32>
      %reduce_min3A_1255 = vector.multi_reduction <minimumf>, %broadcast_in_dim3A_1253, %reduce_min3A_1254 [0] : vector<8x1xf32> to vector<1xf32>
      %broadcast_in_dim3A_1256 = vector.shape_cast %reduce_min3A_1255 : vector<1xf32> to vector<1x1xf32>
      %bitcast_convert_type3A_1257 = tpu.bitcast %broadcast_in_dim3A_1256 : vector<1x1xf32> -> vector<1x1xi32>
      %get3A_1258 = arith.constant 0 : index
      %get3A_1259 = arith.constant 0 : index
      %get3A_1260 = vector.load %arg11[%get3A_1258, %get3A_1259] : memref<8x640xi32, #tpu.memory_space<vmem>>, vector<8x640xi32>
      %or3A_1261 = arith.ori %shift_left3A_1221, %get3A_1260 : vector<8x640xi32>
      %bitcast_convert_type3A_1262 = tpu.bitcast %or3A_1261 : vector<8x640xi32> -> vector<8x640xf32>
      %reduce_min3A_1263 = arith.constant dense<0x7F800000> : vector<8xf32>
      %reduce_min3A_1264 = vector.multi_reduction <minimumf>, %bitcast_convert_type3A_1262, %reduce_min3A_1263 [1] : vector<8x640xf32> to vector<8xf32>
      %broadcast_in_dim3A_1265 = vector.shape_cast %reduce_min3A_1264 : vector<8xf32> to vector<8x1xf32>
      %reduce_min3A_1266 = arith.constant dense<0x7F800000> : vector<1xf32>
      %reduce_min3A_1267 = vector.multi_reduction <minimumf>, %broadcast_in_dim3A_1265, %reduce_min3A_1266 [0] : vector<8x1xf32> to vector<1xf32>
      %broadcast_in_dim3A_1268 = vector.shape_cast %reduce_min3A_1267 : vector<1xf32> to vector<1x1xf32>
      %bitcast_convert_type3A_1269 = tpu.bitcast %broadcast_in_dim3A_1268 : vector<1x1xf32> -> vector<1x1xi32>
      %get3A_1270 = arith.constant 0 : index
      %get3A_1271 = arith.constant 0 : index
      %get3A_1272 = vector.load %arg12[%get3A_1270, %get3A_1271] : memref<8x640xi32, #tpu.memory_space<vmem>>, vector<8x640xi32>
      %or3A_1273 = arith.ori %shift_left3A_1221, %get3A_1272 : vector<8x640xi32>
      %bitcast_convert_type3A_1274 = tpu.bitcast %or3A_1273 : vector<8x640xi32> -> vector<8x640xf32>
      %reduce_min3A_1275 = arith.constant dense<0x7F800000> : vector<8xf32>
      %reduce_min3A_1276 = vector.multi_reduction <minimumf>, %bitcast_convert_type3A_1274, %reduce_min3A_1275 [1] : vector<8x640xf32> to vector<8xf32>
      %broadcast_in_dim3A_1277 = vector.shape_cast %reduce_min3A_1276 : vector<8xf32> to vector<8x1xf32>
      %reduce_min3A_1278 = arith.constant dense<0x7F800000> : vector<1xf32>
      %reduce_min3A_1279 = vector.multi_reduction <minimumf>, %broadcast_in_dim3A_1277, %reduce_min3A_1278 [0] : vector<8x1xf32> to vector<1xf32>
      %broadcast_in_dim3A_1280 = vector.shape_cast %reduce_min3A_1279 : vector<1xf32> to vector<1x1xf32>
      %bitcast_convert_type3A_1281 = tpu.bitcast %broadcast_in_dim3A_1280 : vector<1x1xf32> -> vector<1x1xi32>
      %get3A_1282 = arith.constant 0 : index
      %get3A_1283 = arith.constant 0 : index
      %get3A_1284 = vector.load %arg13[%get3A_1282, %get3A_1283] : memref<8x640xi32, #tpu.memory_space<vmem>>, vector<8x640xi32>
      %or3A_1285 = arith.ori %shift_left3A_1221, %get3A_1284 : vector<8x640xi32>
      %bitcast_convert_type3A_1286 = tpu.bitcast %or3A_1285 : vector<8x640xi32> -> vector<8x640xf32>
      %reduce_min3A_1287 = arith.constant dense<0x7F800000> : vector<8xf32>
      %reduce_min3A_1288 = vector.multi_reduction <minimumf>, %bitcast_convert_type3A_1286, %reduce_min3A_1287 [1] : vector<8x640xf32> to vector<8xf32>
      %broadcast_in_dim3A_1289 = vector.shape_cast %reduce_min3A_1288 : vector<8xf32> to vector<8x1xf32>
      %reduce_min3A_1290 = arith.constant dense<0x7F800000> : vector<1xf32>
      %reduce_min3A_1291 = vector.multi_reduction <minimumf>, %broadcast_in_dim3A_1289, %reduce_min3A_1290 [0] : vector<8x1xf32> to vector<1xf32>
      %broadcast_in_dim3A_1292 = vector.shape_cast %reduce_min3A_1291 : vector<1xf32> to vector<1x1xf32>
      %bitcast_convert_type3A_1293 = tpu.bitcast %broadcast_in_dim3A_1292 : vector<1x1xf32> -> vector<1x1xi32>
      %get3A_1294 = arith.constant 0 : index
      %get3A_1295 = arith.constant 0 : index
      %get3A_1296 = vector.load %arg14[%get3A_1294, %get3A_1295] : memref<8x640xi32, #tpu.memory_space<vmem>>, vector<8x640xi32>
      %or3A_1297 = arith.ori %shift_left3A_1221, %get3A_1296 : vector<8x640xi32>
      %bitcast_convert_type3A_1298 = tpu.bitcast %or3A_1297 : vector<8x640xi32> -> vector<8x640xf32>
      %reduce_min3A_1299 = arith.constant dense<0x7F800000> : vector<8xf32>
      %reduce_min3A_1300 = vector.multi_reduction <minimumf>, %bitcast_convert_type3A_1298, %reduce_min3A_1299 [1] : vector<8x640xf32> to vector<8xf32>
      %broadcast_in_dim3A_1301 = vector.shape_cast %reduce_min3A_1300 : vector<8xf32> to vector<8x1xf32>
      %reduce_min3A_1302 = arith.constant dense<0x7F800000> : vector<1xf32>
      %reduce_min3A_1303 = vector.multi_reduction <minimumf>, %broadcast_in_dim3A_1301, %reduce_min3A_1302 [0] : vector<8x1xf32> to vector<1xf32>
      %broadcast_in_dim3A_1304 = vector.shape_cast %reduce_min3A_1303 : vector<1xf32> to vector<1x1xf32>
      %bitcast_convert_type3A_1305 = tpu.bitcast %broadcast_in_dim3A_1304 : vector<1x1xf32> -> vector<1x1xi32>
      %get3A_1306 = arith.constant 0 : index
      %get3A_1307 = arith.constant 0 : index
      %get3A_1308 = vector.load %arg15[%get3A_1306, %get3A_1307] : memref<8x640xi32, #tpu.memory_space<vmem>>, vector<8x640xi32>
      %or3A_1309 = arith.ori %shift_left3A_1221, %get3A_1308 : vector<8x640xi32>
      %bitcast_convert_type3A_1310 = tpu.bitcast %or3A_1309 : vector<8x640xi32> -> vector<8x640xf32>
      %reduce_min3A_1311 = arith.constant dense<0x7F800000> : vector<8xf32>
      %reduce_min3A_1312 = vector.multi_reduction <minimumf>, %bitcast_convert_type3A_1310, %reduce_min3A_1311 [1] : vector<8x640xf32> to vector<8xf32>
      %broadcast_in_dim3A_1313 = vector.shape_cast %reduce_min3A_1312 : vector<8xf32> to vector<8x1xf32>
      %reduce_min3A_1314 = arith.constant dense<0x7F800000> : vector<1xf32>
      %reduce_min3A_1315 = vector.multi_reduction <minimumf>, %broadcast_in_dim3A_1313, %reduce_min3A_1314 [0] : vector<8x1xf32> to vector<1xf32>
      %broadcast_in_dim3A_1316 = vector.shape_cast %reduce_min3A_1315 : vector<1xf32> to vector<1x1xf32>
      %bitcast_convert_type3A_1317 = tpu.bitcast %broadcast_in_dim3A_1316 : vector<1x1xf32> -> vector<1x1xi32>
      %shift_right_arithmetic3A_1318 = arith.constant 16 : i32
      %shift_right_arithmetic3A_1319 = vector.broadcast %shift_right_arithmetic3A_1318 : i32 to vector<1x1xi32>
      %shift_right_arithmetic3A_1320 = arith.shrsi %bitcast_convert_type3A_1233, %shift_right_arithmetic3A_1319 : vector<1x1xi32>
      %lt3A_1321 = arith.constant 8320 : i32
      %lt3A_1322 = vector.broadcast %lt3A_1321 : i32 to vector<1x1xi32>
      %lt3A_1323 = arith.cmpi slt, %shift_right_arithmetic3A_1320, %lt3A_1322 : vector<1x1xi32>
      %and3A_1324 = arith.constant 65535 : i32
      %and3A_1325 = vector.broadcast %and3A_1324 : i32 to vector<1x1xi32>
      %and3A_1326 = arith.andi %bitcast_convert_type3A_1233, %and3A_1325 : vector<1x1xi32>
      %shift_left3A_1327 = arith.constant 16 : i32
      %shift_left3A_1328 = vector.broadcast %shift_left3A_1327 : i32 to vector<1x1xi32>
      %shift_left3A_1329 = arith.shli %and3A_1326, %shift_left3A_1328 : vector<1x1xi32>
      %and3A_1330 = arith.constant 65535 : i32
      %and3A_1331 = vector.broadcast %and3A_1330 : i32 to vector<1x1xi32>
      %and3A_1332 = arith.andi %bitcast_convert_type3A_1245, %and3A_1331 : vector<1x1xi32>
      %or3A_1333 = arith.ori %shift_left3A_1329, %and3A_1332 : vector<1x1xi32>
      %bitcast_convert_type3A_1334 = tpu.bitcast %or3A_1333 : vector<1x1xi32> -> vector<1x1xf32>
      %jit3A_1335 = arith.constant -1.000000e+30 : f32
      %broadcast_in_dim3A_1336 = vector.broadcast %jit3A_1335 : f32 to vector<1x1xf32>
      %select_n3A_1337 = arith.select %lt3A_1323, %bitcast_convert_type3A_1334, %broadcast_in_dim3A_1336 : vector<1x1xi1>, vector<1x1xf32>
      %and3A_1338 = arith.constant 65535 : i32
      %and3A_1339 = vector.broadcast %and3A_1338 : i32 to vector<1x1xi32>
      %and3A_1340 = arith.andi %bitcast_convert_type3A_1257, %and3A_1339 : vector<1x1xi32>
      %shift_left3A_1341 = arith.constant 16 : i32
      %shift_left3A_1342 = vector.broadcast %shift_left3A_1341 : i32 to vector<1x1xi32>
      %shift_left3A_1343 = arith.shli %and3A_1340, %shift_left3A_1342 : vector<1x1xi32>
      %and3A_1344 = arith.constant 65535 : i32
      %and3A_1345 = vector.broadcast %and3A_1344 : i32 to vector<1x1xi32>
      %and3A_1346 = arith.andi %bitcast_convert_type3A_1269, %and3A_1345 : vector<1x1xi32>
      %or3A_1347 = arith.ori %shift_left3A_1343, %and3A_1346 : vector<1x1xi32>
      %bitcast_convert_type3A_1348 = tpu.bitcast %or3A_1347 : vector<1x1xi32> -> vector<1x1xf32>
      %jit3A_1349 = arith.constant -1.000000e+30 : f32
      %broadcast_in_dim3A_1350 = vector.broadcast %jit3A_1349 : f32 to vector<1x1xf32>
      %select_n3A_1351 = arith.select %lt3A_1323, %bitcast_convert_type3A_1348, %broadcast_in_dim3A_1350 : vector<1x1xi1>, vector<1x1xf32>
      %and3A_1352 = arith.constant 65535 : i32
      %and3A_1353 = vector.broadcast %and3A_1352 : i32 to vector<1x1xi32>
      %and3A_1354 = arith.andi %bitcast_convert_type3A_1281, %and3A_1353 : vector<1x1xi32>
      %shift_left3A_1355 = arith.constant 16 : i32
      %shift_left3A_1356 = vector.broadcast %shift_left3A_1355 : i32 to vector<1x1xi32>
      %shift_left3A_1357 = arith.shli %and3A_1354, %shift_left3A_1356 : vector<1x1xi32>
      %and3A_1358 = arith.constant 65535 : i32
      %and3A_1359 = vector.broadcast %and3A_1358 : i32 to vector<1x1xi32>
      %and3A_1360 = arith.andi %bitcast_convert_type3A_1293, %and3A_1359 : vector<1x1xi32>
      %or3A_1361 = arith.ori %shift_left3A_1357, %and3A_1360 : vector<1x1xi32>
      %bitcast_convert_type3A_1362 = tpu.bitcast %or3A_1361 : vector<1x1xi32> -> vector<1x1xf32>
      %jit3A_1363 = arith.constant -1.000000e+30 : f32
      %broadcast_in_dim3A_1364 = vector.broadcast %jit3A_1363 : f32 to vector<1x1xf32>
      %select_n3A_1365 = arith.select %lt3A_1323, %bitcast_convert_type3A_1362, %broadcast_in_dim3A_1364 : vector<1x1xi1>, vector<1x1xf32>
      %and3A_1366 = arith.constant 65535 : i32
      %and3A_1367 = vector.broadcast %and3A_1366 : i32 to vector<1x1xi32>
      %and3A_1368 = arith.andi %bitcast_convert_type3A_1305, %and3A_1367 : vector<1x1xi32>
      %shift_left3A_1369 = arith.constant 16 : i32
      %shift_left3A_1370 = vector.broadcast %shift_left3A_1369 : i32 to vector<1x1xi32>
      %shift_left3A_1371 = arith.shli %and3A_1368, %shift_left3A_1370 : vector<1x1xi32>
      %and3A_1372 = arith.constant 65535 : i32
      %and3A_1373 = vector.broadcast %and3A_1372 : i32 to vector<1x1xi32>
      %and3A_1374 = arith.andi %bitcast_convert_type3A_1317, %and3A_1373 : vector<1x1xi32>
      %or3A_1375 = arith.ori %shift_left3A_1371, %and3A_1374 : vector<1x1xi32>
      %bitcast_convert_type3A_1376 = tpu.bitcast %or3A_1375 : vector<1x1xi32> -> vector<1x1xf32>
      %jit3A_1377 = arith.constant -1.000000e+30 : f32
      %broadcast_in_dim3A_1378 = vector.broadcast %jit3A_1377 : f32 to vector<1x1xf32>
      %select_n3A_1379 = arith.select %lt3A_1323, %bitcast_convert_type3A_1376, %broadcast_in_dim3A_1378 : vector<1x1xi1>, vector<1x1xf32>
      %sub3A_1380 = arith.subf %select_n3A_1365, %select_n3A_1337 : vector<1x1xf32>
      %sub3A_1381 = arith.subf %select_n3A_1379, %select_n3A_1351 : vector<1x1xf32>
      %mul3A_1382 = arith.mulf %sub3A_1380, %sub3A_1381 : vector<1x1xf32>
      %get3A_1383 = arith.constant 0 : index
      %get3A_1384 = arith.constant 0 : index
      %get3A_1385 = vector.load %arg0[%get3A_1383, %get3A_1384] : memref<8x640xf32, #tpu.memory_space<vmem>>, vector<8x640xf32>
      %get3A_1386 = arith.constant 0 : index
      %get3A_1387 = arith.constant 0 : index
      %get3A_1388 = vector.load %arg1[%get3A_1386, %get3A_1387] : memref<8x640xf32, #tpu.memory_space<vmem>>, vector<8x640xf32>
      %get3A_1389 = arith.constant 0 : index
      %get3A_1390 = arith.constant 0 : index
      %get3A_1391 = vector.load %arg2[%get3A_1389, %get3A_1390] : memref<8x640xf32, #tpu.memory_space<vmem>>, vector<8x640xf32>
      %get3A_1392 = arith.constant 0 : index
      %get3A_1393 = arith.constant 0 : index
      %get3A_1394 = vector.load %arg3[%get3A_1392, %get3A_1393] : memref<8x640xf32, #tpu.memory_space<vmem>>, vector<8x640xf32>
      %min3A_1395 = vector.broadcast %select_n3A_1365 : vector<1x1xf32> to vector<8x640xf32>
      %min3A_1396 = arith.minimumf %min3A_1395, %get3A_1391 : vector<8x640xf32>
      %max3A_1397 = vector.broadcast %select_n3A_1337 : vector<1x1xf32> to vector<8x640xf32>
      %max3A_1398 = arith.maximumf %max3A_1397, %get3A_1385 : vector<8x640xf32>
      %sub3A_1399 = arith.subf %min3A_1396, %max3A_1398 : vector<8x640xf32>
      %max3A_1400 = arith.constant 0.000000e+00 : f32
      %max3A_1401 = vector.broadcast %max3A_1400 : f32 to vector<8x640xf32>
      %max3A_1402 = arith.maximumf %sub3A_1399, %max3A_1401 : vector<8x640xf32>
      %min3A_1403 = vector.broadcast %select_n3A_1379 : vector<1x1xf32> to vector<8x640xf32>
      %min3A_1404 = arith.minimumf %min3A_1403, %get3A_1394 : vector<8x640xf32>
      %max3A_1405 = vector.broadcast %select_n3A_1351 : vector<1x1xf32> to vector<8x640xf32>
      %max3A_1406 = arith.maximumf %max3A_1405, %get3A_1388 : vector<8x640xf32>
      %sub3A_1407 = arith.subf %min3A_1404, %max3A_1406 : vector<8x640xf32>
      %max3A_1408 = arith.constant 0.000000e+00 : f32
      %max3A_1409 = vector.broadcast %max3A_1408 : f32 to vector<8x640xf32>
      %max3A_1410 = arith.maximumf %sub3A_1407, %max3A_1409 : vector<8x640xf32>
      %mul3A_1411 = arith.mulf %max3A_1402, %max3A_1410 : vector<8x640xf32>
      %get3A_1412 = arith.constant 0 : index
      %get3A_1413 = arith.constant 0 : index
      %get3A_1414 = vector.load %arg4[%get3A_1412, %get3A_1413] : memref<8x640xf32, #tpu.memory_space<vmem>>, vector<8x640xf32>
      %add3A_1415 = vector.broadcast %mul3A_1382 : vector<1x1xf32> to vector<8x640xf32>
      %add3A_1416 = arith.addf %add3A_1415, %get3A_1414 : vector<8x640xf32>
      %sub3A_1417 = arith.subf %add3A_1416, %mul3A_1411 : vector<8x640xf32>
      %mul3A_1418 = arith.constant 2.000000e-01 : f32
      %mul3A_1419 = vector.broadcast %mul3A_1418 : f32 to vector<8x640xf32>
      %mul3A_1420 = arith.mulf %mul3A_1419, %sub3A_1417 : vector<8x640xf32>
      %gt3A_1421 = arith.cmpf ogt, %mul3A_1411, %mul3A_1420 : vector<8x640xf32>
      %eq3A_1422 = vector.broadcast %shift_right_arithmetic3A_1320 : vector<1x1xi32> to vector<8x640xi32>
      %eq3A_1423 = arith.cmpi eq, %get3A_1218, %eq3A_1422 : vector<8x640xi32>
      %and3A_1424 = vector.broadcast %lt3A_1323 : vector<1x1xi1> to vector<8x640xi1>
      %and3A_1425 = arith.andi %eq3A_1423, %and3A_1424 : vector<8x640xi1>
      %jit3A_1426 = arith.constant 16384 : i32
      %broadcast_in_dim3A_1427 = vector.broadcast %jit3A_1426 : i32 to vector<8x640xi32>
      %select_n3A_1428 = arith.select %gt3A_1421, %broadcast_in_dim3A_1427, %get3A_1218 : vector<8x640xi1>, vector<8x640xi32>
      %jit3A_1429 = arith.constant 12288 : i32
      %broadcast_in_dim3A_1430 = vector.broadcast %jit3A_1429 : i32 to vector<8x640xi32>
      %select_n3A_1431 = arith.select %and3A_1425, %broadcast_in_dim3A_1430, %select_n3A_1428 : vector<8x640xi1>, vector<8x640xi32>
      %swap3A_1432 = arith.constant 0 : index
      %swap3A_1433 = arith.constant 0 : index
      %swap3A_1434 = vector.load %arg7[%swap3A_1432, %swap3A_1433] : memref<8x640xi32, #tpu.memory_space<vmem>>, vector<8x640xi32>
      tpu.vector_store %arg7[%swap3A_1432, %swap3A_1433], %select_n3A_1431 {strides = array<i32>} : memref<8x640xi32, #tpu.memory_space<vmem>>, vector<8x640xi32>,
      %scan3A_1435 = arith.constant 6 : i32
      %get3A_1436 = arith.constant 0 : index
      %get3A_1437 = arith.constant 0 : index
      %get3A_1438 = vector.load %arg7[%get3A_1436, %get3A_1437] : memref<8x640xi32, #tpu.memory_space<vmem>>, vector<8x640xi32>
      %shift_left3A_1439 = arith.constant 16 : i32
      %shift_left3A_1440 = vector.broadcast %shift_left3A_1439 : i32 to vector<8x640xi32>
      %shift_left3A_1441 = arith.shli %get3A_1438, %shift_left3A_1440 : vector<8x640xi32>
      %get3A_1442 = arith.constant 0 : index
      %get3A_1443 = arith.constant 0 : index
      %get3A_1444 = vector.load %arg8[%get3A_1442, %get3A_1443] : memref<8x640xi32, #tpu.memory_space<vmem>>, vector<8x640xi32>
      %or3A_1445 = arith.ori %shift_left3A_1441, %get3A_1444 : vector<8x640xi32>
      %bitcast_convert_type3A_1446 = tpu.bitcast %or3A_1445 : vector<8x640xi32> -> vector<8x640xf32>
      %reduce_min3A_1447 = arith.constant dense<0x7F800000> : vector<8xf32>
      %reduce_min3A_1448 = vector.multi_reduction <minimumf>, %bitcast_convert_type3A_1446, %reduce_min3A_1447 [1] : vector<8x640xf32> to vector<8xf32>
      %broadcast_in_dim3A_1449 = vector.shape_cast %reduce_min3A_1448 : vector<8xf32> to vector<8x1xf32>
      %reduce_min3A_1450 = arith.constant dense<0x7F800000> : vector<1xf32>
      %reduce_min3A_1451 = vector.multi_reduction <minimumf>, %broadcast_in_dim3A_1449, %reduce_min3A_1450 [0] : vector<8x1xf32> to vector<1xf32>
      %broadcast_in_dim3A_1452 = vector.shape_cast %reduce_min3A_1451 : vector<1xf32> to vector<1x1xf32>
      %bitcast_convert_type3A_1453 = tpu.bitcast %broadcast_in_dim3A_1452 : vector<1x1xf32> -> vector<1x1xi32>
      %get3A_1454 = arith.constant 0 : index
      %get3A_1455 = arith.constant 0 : index
      %get3A_1456 = vector.load %arg9[%get3A_1454, %get3A_1455] : memref<8x640xi32, #tpu.memory_space<vmem>>, vector<8x640xi32>
      %or3A_1457 = arith.ori %shift_left3A_1441, %get3A_1456 : vector<8x640xi32>
      %bitcast_convert_type3A_1458 = tpu.bitcast %or3A_1457 : vector<8x640xi32> -> vector<8x640xf32>
      %reduce_min3A_1459 = arith.constant dense<0x7F800000> : vector<8xf32>
      %reduce_min3A_1460 = vector.multi_reduction <minimumf>, %bitcast_convert_type3A_1458, %reduce_min3A_1459 [1] : vector<8x640xf32> to vector<8xf32>
      %broadcast_in_dim3A_1461 = vector.shape_cast %reduce_min3A_1460 : vector<8xf32> to vector<8x1xf32>
      %reduce_min3A_1462 = arith.constant dense<0x7F800000> : vector<1xf32>
      %reduce_min3A_1463 = vector.multi_reduction <minimumf>, %broadcast_in_dim3A_1461, %reduce_min3A_1462 [0] : vector<8x1xf32> to vector<1xf32>
      %broadcast_in_dim3A_1464 = vector.shape_cast %reduce_min3A_1463 : vector<1xf32> to vector<1x1xf32>
      %bitcast_convert_type3A_1465 = tpu.bitcast %broadcast_in_dim3A_1464 : vector<1x1xf32> -> vector<1x1xi32>
      %get3A_1466 = arith.constant 0 : index
      %get3A_1467 = arith.constant 0 : index
      %get3A_1468 = vector.load %arg10[%get3A_1466, %get3A_1467] : memref<8x640xi32, #tpu.memory_space<vmem>>, vector<8x640xi32>
      %or3A_1469 = arith.ori %shift_left3A_1441, %get3A_1468 : vector<8x640xi32>
      %bitcast_convert_type3A_1470 = tpu.bitcast %or3A_1469 : vector<8x640xi32> -> vector<8x640xf32>
      %reduce_min3A_1471 = arith.constant dense<0x7F800000> : vector<8xf32>
      %reduce_min3A_1472 = vector.multi_reduction <minimumf>, %bitcast_convert_type3A_1470, %reduce_min3A_1471 [1] : vector<8x640xf32> to vector<8xf32>
      %broadcast_in_dim3A_1473 = vector.shape_cast %reduce_min3A_1472 : vector<8xf32> to vector<8x1xf32>
      %reduce_min3A_1474 = arith.constant dense<0x7F800000> : vector<1xf32>
      %reduce_min3A_1475 = vector.multi_reduction <minimumf>, %broadcast_in_dim3A_1473, %reduce_min3A_1474 [0] : vector<8x1xf32> to vector<1xf32>
      %broadcast_in_dim3A_1476 = vector.shape_cast %reduce_min3A_1475 : vector<1xf32> to vector<1x1xf32>
      %bitcast_convert_type3A_1477 = tpu.bitcast %broadcast_in_dim3A_1476 : vector<1x1xf32> -> vector<1x1xi32>
      %get3A_1478 = arith.constant 0 : index
      %get3A_1479 = arith.constant 0 : index
      %get3A_1480 = vector.load %arg11[%get3A_1478, %get3A_1479] : memref<8x640xi32, #tpu.memory_space<vmem>>, vector<8x640xi32>
      %or3A_1481 = arith.ori %shift_left3A_1441, %get3A_1480 : vector<8x640xi32>
      %bitcast_convert_type3A_1482 = tpu.bitcast %or3A_1481 : vector<8x640xi32> -> vector<8x640xf32>
      %reduce_min3A_1483 = arith.constant dense<0x7F800000> : vector<8xf32>
      %reduce_min3A_1484 = vector.multi_reduction <minimumf>, %bitcast_convert_type3A_1482, %reduce_min3A_1483 [1] : vector<8x640xf32> to vector<8xf32>
      %broadcast_in_dim3A_1485 = vector.shape_cast %reduce_min3A_1484 : vector<8xf32> to vector<8x1xf32>
      %reduce_min3A_1486 = arith.constant dense<0x7F800000> : vector<1xf32>
      %reduce_min3A_1487 = vector.multi_reduction <minimumf>, %broadcast_in_dim3A_1485, %reduce_min3A_1486 [0] : vector<8x1xf32> to vector<1xf32>
      %broadcast_in_dim3A_1488 = vector.shape_cast %reduce_min3A_1487 : vector<1xf32> to vector<1x1xf32>
      %bitcast_convert_type3A_1489 = tpu.bitcast %broadcast_in_dim3A_1488 : vector<1x1xf32> -> vector<1x1xi32>
      %get3A_1490 = arith.constant 0 : index
      %get3A_1491 = arith.constant 0 : index
      %get3A_1492 = vector.load %arg12[%get3A_1490, %get3A_1491] : memref<8x640xi32, #tpu.memory_space<vmem>>, vector<8x640xi32>
      %or3A_1493 = arith.ori %shift_left3A_1441, %get3A_1492 : vector<8x640xi32>
      %bitcast_convert_type3A_1494 = tpu.bitcast %or3A_1493 : vector<8x640xi32> -> vector<8x640xf32>
      %reduce_min3A_1495 = arith.constant dense<0x7F800000> : vector<8xf32>
      %reduce_min3A_1496 = vector.multi_reduction <minimumf>, %bitcast_convert_type3A_1494, %reduce_min3A_1495 [1] : vector<8x640xf32> to vector<8xf32>
      %broadcast_in_dim3A_1497 = vector.shape_cast %reduce_min3A_1496 : vector<8xf32> to vector<8x1xf32>
      %reduce_min3A_1498 = arith.constant dense<0x7F800000> : vector<1xf32>
      %reduce_min3A_1499 = vector.multi_reduction <minimumf>, %broadcast_in_dim3A_1497, %reduce_min3A_1498 [0] : vector<8x1xf32> to vector<1xf32>
      %broadcast_in_dim3A_1500 = vector.shape_cast %reduce_min3A_1499 : vector<1xf32> to vector<1x1xf32>
      %bitcast_convert_type3A_1501 = tpu.bitcast %broadcast_in_dim3A_1500 : vector<1x1xf32> -> vector<1x1xi32>
      %get3A_1502 = arith.constant 0 : index
      %get3A_1503 = arith.constant 0 : index
      %get3A_1504 = vector.load %arg13[%get3A_1502, %get3A_1503] : memref<8x640xi32, #tpu.memory_space<vmem>>, vector<8x640xi32>
      %or3A_1505 = arith.ori %shift_left3A_1441, %get3A_1504 : vector<8x640xi32>
      %bitcast_convert_type3A_1506 = tpu.bitcast %or3A_1505 : vector<8x640xi32> -> vector<8x640xf32>
      %reduce_min3A_1507 = arith.constant dense<0x7F800000> : vector<8xf32>
      %reduce_min3A_1508 = vector.multi_reduction <minimumf>, %bitcast_convert_type3A_1506, %reduce_min3A_1507 [1] : vector<8x640xf32> to vector<8xf32>
      %broadcast_in_dim3A_1509 = vector.shape_cast %reduce_min3A_1508 : vector<8xf32> to vector<8x1xf32>
      %reduce_min3A_1510 = arith.constant dense<0x7F800000> : vector<1xf32>
      %reduce_min3A_1511 = vector.multi_reduction <minimumf>, %broadcast_in_dim3A_1509, %reduce_min3A_1510 [0] : vector<8x1xf32> to vector<1xf32>
      %broadcast_in_dim3A_1512 = vector.shape_cast %reduce_min3A_1511 : vector<1xf32> to vector<1x1xf32>
      %bitcast_convert_type3A_1513 = tpu.bitcast %broadcast_in_dim3A_1512 : vector<1x1xf32> -> vector<1x1xi32>
      %get3A_1514 = arith.constant 0 : index
      %get3A_1515 = arith.constant 0 : index
      %get3A_1516 = vector.load %arg14[%get3A_1514, %get3A_1515] : memref<8x640xi32, #tpu.memory_space<vmem>>, vector<8x640xi32>
      %or3A_1517 = arith.ori %shift_left3A_1441, %get3A_1516 : vector<8x640xi32>
      %bitcast_convert_type3A_1518 = tpu.bitcast %or3A_1517 : vector<8x640xi32> -> vector<8x640xf32>
      %reduce_min3A_1519 = arith.constant dense<0x7F800000> : vector<8xf32>
      %reduce_min3A_1520 = vector.multi_reduction <minimumf>, %bitcast_convert_type3A_1518, %reduce_min3A_1519 [1] : vector<8x640xf32> to vector<8xf32>
      %broadcast_in_dim3A_1521 = vector.shape_cast %reduce_min3A_1520 : vector<8xf32> to vector<8x1xf32>
      %reduce_min3A_1522 = arith.constant dense<0x7F800000> : vector<1xf32>
      %reduce_min3A_1523 = vector.multi_reduction <minimumf>, %broadcast_in_dim3A_1521, %reduce_min3A_1522 [0] : vector<8x1xf32> to vector<1xf32>
      %broadcast_in_dim3A_1524 = vector.shape_cast %reduce_min3A_1523 : vector<1xf32> to vector<1x1xf32>
      %bitcast_convert_type3A_1525 = tpu.bitcast %broadcast_in_dim3A_1524 : vector<1x1xf32> -> vector<1x1xi32>
      %get3A_1526 = arith.constant 0 : index
      %get3A_1527 = arith.constant 0 : index
      %get3A_1528 = vector.load %arg15[%get3A_1526, %get3A_1527] : memref<8x640xi32, #tpu.memory_space<vmem>>, vector<8x640xi32>
      %or3A_1529 = arith.ori %shift_left3A_1441, %get3A_1528 : vector<8x640xi32>
      %bitcast_convert_type3A_1530 = tpu.bitcast %or3A_1529 : vector<8x640xi32> -> vector<8x640xf32>
      %reduce_min3A_1531 = arith.constant dense<0x7F800000> : vector<8xf32>
      %reduce_min3A_1532 = vector.multi_reduction <minimumf>, %bitcast_convert_type3A_1530, %reduce_min3A_1531 [1] : vector<8x640xf32> to vector<8xf32>
      %broadcast_in_dim3A_1533 = vector.shape_cast %reduce_min3A_1532 : vector<8xf32> to vector<8x1xf32>
      %reduce_min3A_1534 = arith.constant dense<0x7F800000> : vector<1xf32>
      %reduce_min3A_1535 = vector.multi_reduction <minimumf>, %broadcast_in_dim3A_1533, %reduce_min3A_1534 [0] : vector<8x1xf32> to vector<1xf32>
      %broadcast_in_dim3A_1536 = vector.shape_cast %reduce_min3A_1535 : vector<1xf32> to vector<1x1xf32>
      %bitcast_convert_type3A_1537 = tpu.bitcast %broadcast_in_dim3A_1536 : vector<1x1xf32> -> vector<1x1xi32>
      %shift_right_arithmetic3A_1538 = arith.constant 16 : i32
      %shift_right_arithmetic3A_1539 = vector.broadcast %shift_right_arithmetic3A_1538 : i32 to vector<1x1xi32>
      %shift_right_arithmetic3A_1540 = arith.shrsi %bitcast_convert_type3A_1453, %shift_right_arithmetic3A_1539 : vector<1x1xi32>
      %lt3A_1541 = arith.constant 8320 : i32
      %lt3A_1542 = vector.broadcast %lt3A_1541 : i32 to vector<1x1xi32>
      %lt3A_1543 = arith.cmpi slt, %shift_right_arithmetic3A_1540, %lt3A_1542 : vector<1x1xi32>
      %and3A_1544 = arith.constant 65535 : i32
      %and3A_1545 = vector.broadcast %and3A_1544 : i32 to vector<1x1xi32>
      %and3A_1546 = arith.andi %bitcast_convert_type3A_1453, %and3A_1545 : vector<1x1xi32>
      %shift_left3A_1547 = arith.constant 16 : i32
      %shift_left3A_1548 = vector.broadcast %shift_left3A_1547 : i32 to vector<1x1xi32>
      %shift_left3A_1549 = arith.shli %and3A_1546, %shift_left3A_1548 : vector<1x1xi32>
      %and3A_1550 = arith.constant 65535 : i32
      %and3A_1551 = vector.broadcast %and3A_1550 : i32 to vector<1x1xi32>
      %and3A_1552 = arith.andi %bitcast_convert_type3A_1465, %and3A_1551 : vector<1x1xi32>
      %or3A_1553 = arith.ori %shift_left3A_1549, %and3A_1552 : vector<1x1xi32>
      %bitcast_convert_type3A_1554 = tpu.bitcast %or3A_1553 : vector<1x1xi32> -> vector<1x1xf32>
      %jit3A_1555 = arith.constant -1.000000e+30 : f32
      %broadcast_in_dim3A_1556 = vector.broadcast %jit3A_1555 : f32 to vector<1x1xf32>
      %select_n3A_1557 = arith.select %lt3A_1543, %bitcast_convert_type3A_1554, %broadcast_in_dim3A_1556 : vector<1x1xi1>, vector<1x1xf32>
      %and3A_1558 = arith.constant 65535 : i32
      %and3A_1559 = vector.broadcast %and3A_1558 : i32 to vector<1x1xi32>
      %and3A_1560 = arith.andi %bitcast_convert_type3A_1477, %and3A_1559 : vector<1x1xi32>
      %shift_left3A_1561 = arith.constant 16 : i32
      %shift_left3A_1562 = vector.broadcast %shift_left3A_1561 : i32 to vector<1x1xi32>
      %shift_left3A_1563 = arith.shli %and3A_1560, %shift_left3A_1562 : vector<1x1xi32>
      %and3A_1564 = arith.constant 65535 : i32
      %and3A_1565 = vector.broadcast %and3A_1564 : i32 to vector<1x1xi32>
      %and3A_1566 = arith.andi %bitcast_convert_type3A_1489, %and3A_1565 : vector<1x1xi32>
      %or3A_1567 = arith.ori %shift_left3A_1563, %and3A_1566 : vector<1x1xi32>
      %bitcast_convert_type3A_1568 = tpu.bitcast %or3A_1567 : vector<1x1xi32> -> vector<1x1xf32>
      %jit3A_1569 = arith.constant -1.000000e+30 : f32
      %broadcast_in_dim3A_1570 = vector.broadcast %jit3A_1569 : f32 to vector<1x1xf32>
      %select_n3A_1571 = arith.select %lt3A_1543, %bitcast_convert_type3A_1568, %broadcast_in_dim3A_1570 : vector<1x1xi1>, vector<1x1xf32>
      %and3A_1572 = arith.constant 65535 : i32
      %and3A_1573 = vector.broadcast %and3A_1572 : i32 to vector<1x1xi32>
      %and3A_1574 = arith.andi %bitcast_convert_type3A_1501, %and3A_1573 : vector<1x1xi32>
      %shift_left3A_1575 = arith.constant 16 : i32
      %shift_left3A_1576 = vector.broadcast %shift_left3A_1575 : i32 to vector<1x1xi32>
      %shift_left3A_1577 = arith.shli %and3A_1574, %shift_left3A_1576 : vector<1x1xi32>
      %and3A_1578 = arith.constant 65535 : i32
      %and3A_1579 = vector.broadcast %and3A_1578 : i32 to vector<1x1xi32>
      %and3A_1580 = arith.andi %bitcast_convert_type3A_1513, %and3A_1579 : vector<1x1xi32>
      %or3A_1581 = arith.ori %shift_left3A_1577, %and3A_1580 : vector<1x1xi32>
      %bitcast_convert_type3A_1582 = tpu.bitcast %or3A_1581 : vector<1x1xi32> -> vector<1x1xf32>
      %jit3A_1583 = arith.constant -1.000000e+30 : f32
      %broadcast_in_dim3A_1584 = vector.broadcast %jit3A_1583 : f32 to vector<1x1xf32>
      %select_n3A_1585 = arith.select %lt3A_1543, %bitcast_convert_type3A_1582, %broadcast_in_dim3A_1584 : vector<1x1xi1>, vector<1x1xf32>
      %and3A_1586 = arith.constant 65535 : i32
      %and3A_1587 = vector.broadcast %and3A_1586 : i32 to vector<1x1xi32>
      %and3A_1588 = arith.andi %bitcast_convert_type3A_1525, %and3A_1587 : vector<1x1xi32>
      %shift_left3A_1589 = arith.constant 16 : i32
      %shift_left3A_1590 = vector.broadcast %shift_left3A_1589 : i32 to vector<1x1xi32>
      %shift_left3A_1591 = arith.shli %and3A_1588, %shift_left3A_1590 : vector<1x1xi32>
      %and3A_1592 = arith.constant 65535 : i32
      %and3A_1593 = vector.broadcast %and3A_1592 : i32 to vector<1x1xi32>
      %and3A_1594 = arith.andi %bitcast_convert_type3A_1537, %and3A_1593 : vector<1x1xi32>
      %or3A_1595 = arith.ori %shift_left3A_1591, %and3A_1594 : vector<1x1xi32>
      %bitcast_convert_type3A_1596 = tpu.bitcast %or3A_1595 : vector<1x1xi32> -> vector<1x1xf32>
      %jit3A_1597 = arith.constant -1.000000e+30 : f32
      %broadcast_in_dim3A_1598 = vector.broadcast %jit3A_1597 : f32 to vector<1x1xf32>
      %select_n3A_1599 = arith.select %lt3A_1543, %bitcast_convert_type3A_1596, %broadcast_in_dim3A_1598 : vector<1x1xi1>, vector<1x1xf32>
      %sub3A_1600 = arith.subf %select_n3A_1585, %select_n3A_1557 : vector<1x1xf32>
      %sub3A_1601 = arith.subf %select_n3A_1599, %select_n3A_1571 : vector<1x1xf32>
      %mul3A_1602 = arith.mulf %sub3A_1600, %sub3A_1601 : vector<1x1xf32>
      %get3A_1603 = arith.constant 0 : index
      %get3A_1604 = arith.constant 0 : index
      %get3A_1605 = vector.load %arg0[%get3A_1603, %get3A_1604] : memref<8x640xf32, #tpu.memory_space<vmem>>, vector<8x640xf32>
      %get3A_1606 = arith.constant 0 : index
      %get3A_1607 = arith.constant 0 : index
      %get3A_1608 = vector.load %arg1[%get3A_1606, %get3A_1607] : memref<8x640xf32, #tpu.memory_space<vmem>>, vector<8x640xf32>
      %get3A_1609 = arith.constant 0 : index
      %get3A_1610 = arith.constant 0 : index
      %get3A_1611 = vector.load %arg2[%get3A_1609, %get3A_1610] : memref<8x640xf32, #tpu.memory_space<vmem>>, vector<8x640xf32>
      %get3A_1612 = arith.constant 0 : index
      %get3A_1613 = arith.constant 0 : index
      %get3A_1614 = vector.load %arg3[%get3A_1612, %get3A_1613] : memref<8x640xf32, #tpu.memory_space<vmem>>, vector<8x640xf32>
      %min3A_1615 = vector.broadcast %select_n3A_1585 : vector<1x1xf32> to vector<8x640xf32>
      %min3A_1616 = arith.minimumf %min3A_1615, %get3A_1611 : vector<8x640xf32>
      %max3A_1617 = vector.broadcast %select_n3A_1557 : vector<1x1xf32> to vector<8x640xf32>
      %max3A_1618 = arith.maximumf %max3A_1617, %get3A_1605 : vector<8x640xf32>
      %sub3A_1619 = arith.subf %min3A_1616, %max3A_1618 : vector<8x640xf32>
      %max3A_1620 = arith.constant 0.000000e+00 : f32
      %max3A_1621 = vector.broadcast %max3A_1620 : f32 to vector<8x640xf32>
      %max3A_1622 = arith.maximumf %sub3A_1619, %max3A_1621 : vector<8x640xf32>
      %min3A_1623 = vector.broadcast %select_n3A_1599 : vector<1x1xf32> to vector<8x640xf32>
      %min3A_1624 = arith.minimumf %min3A_1623, %get3A_1614 : vector<8x640xf32>
      %max3A_1625 = vector.broadcast %select_n3A_1571 : vector<1x1xf32> to vector<8x640xf32>
      %max3A_1626 = arith.maximumf %max3A_1625, %get3A_1608 : vector<8x640xf32>
      %sub3A_1627 = arith.subf %min3A_1624, %max3A_1626 : vector<8x640xf32>
      %max3A_1628 = arith.constant 0.000000e+00 : f32
      %max3A_1629 = vector.broadcast %max3A_1628 : f32 to vector<8x640xf32>
      %max3A_1630 = arith.maximumf %sub3A_1627, %max3A_1629 : vector<8x640xf32>
      %mul3A_1631 = arith.mulf %max3A_1622, %max3A_1630 : vector<8x640xf32>
      %get3A_1632 = arith.constant 0 : index
      %get3A_1633 = arith.constant 0 : index
      %get3A_1634 = vector.load %arg4[%get3A_1632, %get3A_1633] : memref<8x640xf32, #tpu.memory_space<vmem>>, vector<8x640xf32>
      %add3A_1635 = vector.broadcast %mul3A_1602 : vector<1x1xf32> to vector<8x640xf32>
      %add3A_1636 = arith.addf %add3A_1635, %get3A_1634 : vector<8x640xf32>
      %sub3A_1637 = arith.subf %add3A_1636, %mul3A_1631 : vector<8x640xf32>
      %mul3A_1638 = arith.constant 2.000000e-01 : f32
      %mul3A_1639 = vector.broadcast %mul3A_1638 : f32 to vector<8x640xf32>
      %mul3A_1640 = arith.mulf %mul3A_1639, %sub3A_1637 : vector<8x640xf32>
      %gt3A_1641 = arith.cmpf ogt, %mul3A_1631, %mul3A_1640 : vector<8x640xf32>
      %eq3A_1642 = vector.broadcast %shift_right_arithmetic3A_1540 : vector<1x1xi32> to vector<8x640xi32>
      %eq3A_1643 = arith.cmpi eq, %get3A_1438, %eq3A_1642 : vector<8x640xi32>
      %and3A_1644 = vector.broadcast %lt3A_1543 : vector<1x1xi1> to vector<8x640xi1>
      %and3A_1645 = arith.andi %eq3A_1643, %and3A_1644 : vector<8x640xi1>
      %jit3A_1646 = arith.constant 16384 : i32
      %broadcast_in_dim3A_1647 = vector.broadcast %jit3A_1646 : i32 to vector<8x640xi32>
      %select_n3A_1648 = arith.select %gt3A_1641, %broadcast_in_dim3A_1647, %get3A_1438 : vector<8x640xi1>, vector<8x640xi32>
      %jit3A_1649 = arith.constant 12288 : i32
      %broadcast_in_dim3A_1650 = vector.broadcast %jit3A_1649 : i32 to vector<8x640xi32>
      %select_n3A_1651 = arith.select %and3A_1645, %broadcast_in_dim3A_1650, %select_n3A_1648 : vector<8x640xi1>, vector<8x640xi32>
      %swap3A_1652 = arith.constant 0 : index
      %swap3A_1653 = arith.constant 0 : index
      %swap3A_1654 = vector.load %arg7[%swap3A_1652, %swap3A_1653] : memref<8x640xi32, #tpu.memory_space<vmem>>, vector<8x640xi32>
      tpu.vector_store %arg7[%swap3A_1652, %swap3A_1653], %select_n3A_1651 {strides = array<i32>} : memref<8x640xi32, #tpu.memory_space<vmem>>, vector<8x640xi32>,
      %scan3A_1655 = arith.constant 7 : i32
      %get3A_1656 = arith.constant 0 : index
      %get3A_1657 = arith.constant 0 : index
      %get3A_1658 = vector.load %arg7[%get3A_1656, %get3A_1657] : memref<8x640xi32, #tpu.memory_space<vmem>>, vector<8x640xi32>
      %shift_left3A_1659 = arith.constant 16 : i32
      %shift_left3A_1660 = vector.broadcast %shift_left3A_1659 : i32 to vector<8x640xi32>
      %shift_left3A_1661 = arith.shli %get3A_1658, %shift_left3A_1660 : vector<8x640xi32>
      %get3A_1662 = arith.constant 0 : index
      %get3A_1663 = arith.constant 0 : index
      %get3A_1664 = vector.load %arg8[%get3A_1662, %get3A_1663] : memref<8x640xi32, #tpu.memory_space<vmem>>, vector<8x640xi32>
      %or3A_1665 = arith.ori %shift_left3A_1661, %get3A_1664 : vector<8x640xi32>
      %bitcast_convert_type3A_1666 = tpu.bitcast %or3A_1665 : vector<8x640xi32> -> vector<8x640xf32>
      %reduce_min3A_1667 = arith.constant dense<0x7F800000> : vector<8xf32>
      %reduce_min3A_1668 = vector.multi_reduction <minimumf>, %bitcast_convert_type3A_1666, %reduce_min3A_1667 [1] : vector<8x640xf32> to vector<8xf32>
      %broadcast_in_dim3A_1669 = vector.shape_cast %reduce_min3A_1668 : vector<8xf32> to vector<8x1xf32>
      %reduce_min3A_1670 = arith.constant dense<0x7F800000> : vector<1xf32>
      %reduce_min3A_1671 = vector.multi_reduction <minimumf>, %broadcast_in_dim3A_1669, %reduce_min3A_1670 [0] : vector<8x1xf32> to vector<1xf32>
      %broadcast_in_dim3A_1672 = vector.shape_cast %reduce_min3A_1671 : vector<1xf32> to vector<1x1xf32>
      %bitcast_convert_type3A_1673 = tpu.bitcast %broadcast_in_dim3A_1672 : vector<1x1xf32> -> vector<1x1xi32>
      %get3A_1674 = arith.constant 0 : index
      %get3A_1675 = arith.constant 0 : index
      %get3A_1676 = vector.load %arg9[%get3A_1674, %get3A_1675] : memref<8x640xi32, #tpu.memory_space<vmem>>, vector<8x640xi32>
      %or3A_1677 = arith.ori %shift_left3A_1661, %get3A_1676 : vector<8x640xi32>
      %bitcast_convert_type3A_1678 = tpu.bitcast %or3A_1677 : vector<8x640xi32> -> vector<8x640xf32>
      %reduce_min3A_1679 = arith.constant dense<0x7F800000> : vector<8xf32>
      %reduce_min3A_1680 = vector.multi_reduction <minimumf>, %bitcast_convert_type3A_1678, %reduce_min3A_1679 [1] : vector<8x640xf32> to vector<8xf32>
      %broadcast_in_dim3A_1681 = vector.shape_cast %reduce_min3A_1680 : vector<8xf32> to vector<8x1xf32>
      %reduce_min3A_1682 = arith.constant dense<0x7F800000> : vector<1xf32>
      %reduce_min3A_1683 = vector.multi_reduction <minimumf>, %broadcast_in_dim3A_1681, %reduce_min3A_1682 [0] : vector<8x1xf32> to vector<1xf32>
      %broadcast_in_dim3A_1684 = vector.shape_cast %reduce_min3A_1683 : vector<1xf32> to vector<1x1xf32>
      %bitcast_convert_type3A_1685 = tpu.bitcast %broadcast_in_dim3A_1684 : vector<1x1xf32> -> vector<1x1xi32>
      %get3A_1686 = arith.constant 0 : index
      %get3A_1687 = arith.constant 0 : index
      %get3A_1688 = vector.load %arg10[%get3A_1686, %get3A_1687] : memref<8x640xi32, #tpu.memory_space<vmem>>, vector<8x640xi32>
      %or3A_1689 = arith.ori %shift_left3A_1661, %get3A_1688 : vector<8x640xi32>
      %bitcast_convert_type3A_1690 = tpu.bitcast %or3A_1689 : vector<8x640xi32> -> vector<8x640xf32>
      %reduce_min3A_1691 = arith.constant dense<0x7F800000> : vector<8xf32>
      %reduce_min3A_1692 = vector.multi_reduction <minimumf>, %bitcast_convert_type3A_1690, %reduce_min3A_1691 [1] : vector<8x640xf32> to vector<8xf32>
      %broadcast_in_dim3A_1693 = vector.shape_cast %reduce_min3A_1692 : vector<8xf32> to vector<8x1xf32>
      %reduce_min3A_1694 = arith.constant dense<0x7F800000> : vector<1xf32>
      %reduce_min3A_1695 = vector.multi_reduction <minimumf>, %broadcast_in_dim3A_1693, %reduce_min3A_1694 [0] : vector<8x1xf32> to vector<1xf32>
      %broadcast_in_dim3A_1696 = vector.shape_cast %reduce_min3A_1695 : vector<1xf32> to vector<1x1xf32>
      %bitcast_convert_type3A_1697 = tpu.bitcast %broadcast_in_dim3A_1696 : vector<1x1xf32> -> vector<1x1xi32>
      %get3A_1698 = arith.constant 0 : index
      %get3A_1699 = arith.constant 0 : index
      %get3A_1700 = vector.load %arg11[%get3A_1698, %get3A_1699] : memref<8x640xi32, #tpu.memory_space<vmem>>, vector<8x640xi32>
      %or3A_1701 = arith.ori %shift_left3A_1661, %get3A_1700 : vector<8x640xi32>
      %bitcast_convert_type3A_1702 = tpu.bitcast %or3A_1701 : vector<8x640xi32> -> vector<8x640xf32>
      %reduce_min3A_1703 = arith.constant dense<0x7F800000> : vector<8xf32>
      %reduce_min3A_1704 = vector.multi_reduction <minimumf>, %bitcast_convert_type3A_1702, %reduce_min3A_1703 [1] : vector<8x640xf32> to vector<8xf32>
      %broadcast_in_dim3A_1705 = vector.shape_cast %reduce_min3A_1704 : vector<8xf32> to vector<8x1xf32>
      %reduce_min3A_1706 = arith.constant dense<0x7F800000> : vector<1xf32>
      %reduce_min3A_1707 = vector.multi_reduction <minimumf>, %broadcast_in_dim3A_1705, %reduce_min3A_1706 [0] : vector<8x1xf32> to vector<1xf32>
      %broadcast_in_dim3A_1708 = vector.shape_cast %reduce_min3A_1707 : vector<1xf32> to vector<1x1xf32>
      %bitcast_convert_type3A_1709 = tpu.bitcast %broadcast_in_dim3A_1708 : vector<1x1xf32> -> vector<1x1xi32>
      %get3A_1710 = arith.constant 0 : index
      %get3A_1711 = arith.constant 0 : index
      %get3A_1712 = vector.load %arg12[%get3A_1710, %get3A_1711] : memref<8x640xi32, #tpu.memory_space<vmem>>, vector<8x640xi32>
      %or3A_1713 = arith.ori %shift_left3A_1661, %get3A_1712 : vector<8x640xi32>
      %bitcast_convert_type3A_1714 = tpu.bitcast %or3A_1713 : vector<8x640xi32> -> vector<8x640xf32>
      %reduce_min3A_1715 = arith.constant dense<0x7F800000> : vector<8xf32>
      %reduce_min3A_1716 = vector.multi_reduction <minimumf>, %bitcast_convert_type3A_1714, %reduce_min3A_1715 [1] : vector<8x640xf32> to vector<8xf32>
      %broadcast_in_dim3A_1717 = vector.shape_cast %reduce_min3A_1716 : vector<8xf32> to vector<8x1xf32>
      %reduce_min3A_1718 = arith.constant dense<0x7F800000> : vector<1xf32>
      %reduce_min3A_1719 = vector.multi_reduction <minimumf>, %broadcast_in_dim3A_1717, %reduce_min3A_1718 [0] : vector<8x1xf32> to vector<1xf32>
      %broadcast_in_dim3A_1720 = vector.shape_cast %reduce_min3A_1719 : vector<1xf32> to vector<1x1xf32>
      %bitcast_convert_type3A_1721 = tpu.bitcast %broadcast_in_dim3A_1720 : vector<1x1xf32> -> vector<1x1xi32>
      %get3A_1722 = arith.constant 0 : index
      %get3A_1723 = arith.constant 0 : index
      %get3A_1724 = vector.load %arg13[%get3A_1722, %get3A_1723] : memref<8x640xi32, #tpu.memory_space<vmem>>, vector<8x640xi32>
      %or3A_1725 = arith.ori %shift_left3A_1661, %get3A_1724 : vector<8x640xi32>
      %bitcast_convert_type3A_1726 = tpu.bitcast %or3A_1725 : vector<8x640xi32> -> vector<8x640xf32>
      %reduce_min3A_1727 = arith.constant dense<0x7F800000> : vector<8xf32>
      %reduce_min3A_1728 = vector.multi_reduction <minimumf>, %bitcast_convert_type3A_1726, %reduce_min3A_1727 [1] : vector<8x640xf32> to vector<8xf32>
      %broadcast_in_dim3A_1729 = vector.shape_cast %reduce_min3A_1728 : vector<8xf32> to vector<8x1xf32>
      %reduce_min3A_1730 = arith.constant dense<0x7F800000> : vector<1xf32>
      %reduce_min3A_1731 = vector.multi_reduction <minimumf>, %broadcast_in_dim3A_1729, %reduce_min3A_1730 [0] : vector<8x1xf32> to vector<1xf32>
      %broadcast_in_dim3A_1732 = vector.shape_cast %reduce_min3A_1731 : vector<1xf32> to vector<1x1xf32>
      %bitcast_convert_type3A_1733 = tpu.bitcast %broadcast_in_dim3A_1732 : vector<1x1xf32> -> vector<1x1xi32>
      %get3A_1734 = arith.constant 0 : index
      %get3A_1735 = arith.constant 0 : index
      %get3A_1736 = vector.load %arg14[%get3A_1734, %get3A_1735] : memref<8x640xi32, #tpu.memory_space<vmem>>, vector<8x640xi32>
      %or3A_1737 = arith.ori %shift_left3A_1661, %get3A_1736 : vector<8x640xi32>
      %bitcast_convert_type3A_1738 = tpu.bitcast %or3A_1737 : vector<8x640xi32> -> vector<8x640xf32>
      %reduce_min3A_1739 = arith.constant dense<0x7F800000> : vector<8xf32>
      %reduce_min3A_1740 = vector.multi_reduction <minimumf>, %bitcast_convert_type3A_1738, %reduce_min3A_1739 [1] : vector<8x640xf32> to vector<8xf32>
      %broadcast_in_dim3A_1741 = vector.shape_cast %reduce_min3A_1740 : vector<8xf32> to vector<8x1xf32>
      %reduce_min3A_1742 = arith.constant dense<0x7F800000> : vector<1xf32>
      %reduce_min3A_1743 = vector.multi_reduction <minimumf>, %broadcast_in_dim3A_1741, %reduce_min3A_1742 [0] : vector<8x1xf32> to vector<1xf32>
      %broadcast_in_dim3A_1744 = vector.shape_cast %reduce_min3A_1743 : vector<1xf32> to vector<1x1xf32>
      %bitcast_convert_type3A_1745 = tpu.bitcast %broadcast_in_dim3A_1744 : vector<1x1xf32> -> vector<1x1xi32>
      %get3A_1746 = arith.constant 0 : index
      %get3A_1747 = arith.constant 0 : index
      %get3A_1748 = vector.load %arg15[%get3A_1746, %get3A_1747] : memref<8x640xi32, #tpu.memory_space<vmem>>, vector<8x640xi32>
      %or3A_1749 = arith.ori %shift_left3A_1661, %get3A_1748 : vector<8x640xi32>
      %bitcast_convert_type3A_1750 = tpu.bitcast %or3A_1749 : vector<8x640xi32> -> vector<8x640xf32>
      %reduce_min3A_1751 = arith.constant dense<0x7F800000> : vector<8xf32>
      %reduce_min3A_1752 = vector.multi_reduction <minimumf>, %bitcast_convert_type3A_1750, %reduce_min3A_1751 [1] : vector<8x640xf32> to vector<8xf32>
      %broadcast_in_dim3A_1753 = vector.shape_cast %reduce_min3A_1752 : vector<8xf32> to vector<8x1xf32>
      %reduce_min3A_1754 = arith.constant dense<0x7F800000> : vector<1xf32>
      %reduce_min3A_1755 = vector.multi_reduction <minimumf>, %broadcast_in_dim3A_1753, %reduce_min3A_1754 [0] : vector<8x1xf32> to vector<1xf32>
      %broadcast_in_dim3A_1756 = vector.shape_cast %reduce_min3A_1755 : vector<1xf32> to vector<1x1xf32>
      %bitcast_convert_type3A_1757 = tpu.bitcast %broadcast_in_dim3A_1756 : vector<1x1xf32> -> vector<1x1xi32>
      %shift_right_arithmetic3A_1758 = arith.constant 16 : i32
      %shift_right_arithmetic3A_1759 = vector.broadcast %shift_right_arithmetic3A_1758 : i32 to vector<1x1xi32>
      %shift_right_arithmetic3A_1760 = arith.shrsi %bitcast_convert_type3A_1673, %shift_right_arithmetic3A_1759 : vector<1x1xi32>
      %lt3A_1761 = arith.constant 8320 : i32
      %lt3A_1762 = vector.broadcast %lt3A_1761 : i32 to vector<1x1xi32>
      %lt3A_1763 = arith.cmpi slt, %shift_right_arithmetic3A_1760, %lt3A_1762 : vector<1x1xi32>
      %and3A_1764 = arith.constant 65535 : i32
      %and3A_1765 = vector.broadcast %and3A_1764 : i32 to vector<1x1xi32>
      %and3A_1766 = arith.andi %bitcast_convert_type3A_1673, %and3A_1765 : vector<1x1xi32>
      %shift_left3A_1767 = arith.constant 16 : i32
      %shift_left3A_1768 = vector.broadcast %shift_left3A_1767 : i32 to vector<1x1xi32>
      %shift_left3A_1769 = arith.shli %and3A_1766, %shift_left3A_1768 : vector<1x1xi32>
      %and3A_1770 = arith.constant 65535 : i32
      %and3A_1771 = vector.broadcast %and3A_1770 : i32 to vector<1x1xi32>
      %and3A_1772 = arith.andi %bitcast_convert_type3A_1685, %and3A_1771 : vector<1x1xi32>
      %or3A_1773 = arith.ori %shift_left3A_1769, %and3A_1772 : vector<1x1xi32>
      %bitcast_convert_type3A_1774 = tpu.bitcast %or3A_1773 : vector<1x1xi32> -> vector<1x1xf32>
      %jit3A_1775 = arith.constant -1.000000e+30 : f32
      %broadcast_in_dim3A_1776 = vector.broadcast %jit3A_1775 : f32 to vector<1x1xf32>
      %select_n3A_1777 = arith.select %lt3A_1763, %bitcast_convert_type3A_1774, %broadcast_in_dim3A_1776 : vector<1x1xi1>, vector<1x1xf32>
      %and3A_1778 = arith.constant 65535 : i32
      %and3A_1779 = vector.broadcast %and3A_1778 : i32 to vector<1x1xi32>
      %and3A_1780 = arith.andi %bitcast_convert_type3A_1697, %and3A_1779 : vector<1x1xi32>
      %shift_left3A_1781 = arith.constant 16 : i32
      %shift_left3A_1782 = vector.broadcast %shift_left3A_1781 : i32 to vector<1x1xi32>
      %shift_left3A_1783 = arith.shli %and3A_1780, %shift_left3A_1782 : vector<1x1xi32>
      %and3A_1784 = arith.constant 65535 : i32
      %and3A_1785 = vector.broadcast %and3A_1784 : i32 to vector<1x1xi32>
      %and3A_1786 = arith.andi %bitcast_convert_type3A_1709, %and3A_1785 : vector<1x1xi32>
      %or3A_1787 = arith.ori %shift_left3A_1783, %and3A_1786 : vector<1x1xi32>
      %bitcast_convert_type3A_1788 = tpu.bitcast %or3A_1787 : vector<1x1xi32> -> vector<1x1xf32>
      %jit3A_1789 = arith.constant -1.000000e+30 : f32
      %broadcast_in_dim3A_1790 = vector.broadcast %jit3A_1789 : f32 to vector<1x1xf32>
      %select_n3A_1791 = arith.select %lt3A_1763, %bitcast_convert_type3A_1788, %broadcast_in_dim3A_1790 : vector<1x1xi1>, vector<1x1xf32>
      %and3A_1792 = arith.constant 65535 : i32
      %and3A_1793 = vector.broadcast %and3A_1792 : i32 to vector<1x1xi32>
      %and3A_1794 = arith.andi %bitcast_convert_type3A_1721, %and3A_1793 : vector<1x1xi32>
      %shift_left3A_1795 = arith.constant 16 : i32
      %shift_left3A_1796 = vector.broadcast %shift_left3A_1795 : i32 to vector<1x1xi32>
      %shift_left3A_1797 = arith.shli %and3A_1794, %shift_left3A_1796 : vector<1x1xi32>
      %and3A_1798 = arith.constant 65535 : i32
      %and3A_1799 = vector.broadcast %and3A_1798 : i32 to vector<1x1xi32>
      %and3A_1800 = arith.andi %bitcast_convert_type3A_1733, %and3A_1799 : vector<1x1xi32>
      %or3A_1801 = arith.ori %shift_left3A_1797, %and3A_1800 : vector<1x1xi32>
      %bitcast_convert_type3A_1802 = tpu.bitcast %or3A_1801 : vector<1x1xi32> -> vector<1x1xf32>
      %jit3A_1803 = arith.constant -1.000000e+30 : f32
      %broadcast_in_dim3A_1804 = vector.broadcast %jit3A_1803 : f32 to vector<1x1xf32>
      %select_n3A_1805 = arith.select %lt3A_1763, %bitcast_convert_type3A_1802, %broadcast_in_dim3A_1804 : vector<1x1xi1>, vector<1x1xf32>
      %and3A_1806 = arith.constant 65535 : i32
      %and3A_1807 = vector.broadcast %and3A_1806 : i32 to vector<1x1xi32>
      %and3A_1808 = arith.andi %bitcast_convert_type3A_1745, %and3A_1807 : vector<1x1xi32>
      %shift_left3A_1809 = arith.constant 16 : i32
      %shift_left3A_1810 = vector.broadcast %shift_left3A_1809 : i32 to vector<1x1xi32>
      %shift_left3A_1811 = arith.shli %and3A_1808, %shift_left3A_1810 : vector<1x1xi32>
      %and3A_1812 = arith.constant 65535 : i32
      %and3A_1813 = vector.broadcast %and3A_1812 : i32 to vector<1x1xi32>
      %and3A_1814 = arith.andi %bitcast_convert_type3A_1757, %and3A_1813 : vector<1x1xi32>
      %or3A_1815 = arith.ori %shift_left3A_1811, %and3A_1814 : vector<1x1xi32>
      %bitcast_convert_type3A_1816 = tpu.bitcast %or3A_1815 : vector<1x1xi32> -> vector<1x1xf32>
      %jit3A_1817 = arith.constant -1.000000e+30 : f32
      %broadcast_in_dim3A_1818 = vector.broadcast %jit3A_1817 : f32 to vector<1x1xf32>
      %select_n3A_1819 = arith.select %lt3A_1763, %bitcast_convert_type3A_1816, %broadcast_in_dim3A_1818 : vector<1x1xi1>, vector<1x1xf32>
      %sub3A_1820 = arith.subf %select_n3A_1805, %select_n3A_1777 : vector<1x1xf32>
      %sub3A_1821 = arith.subf %select_n3A_1819, %select_n3A_1791 : vector<1x1xf32>
      %mul3A_1822 = arith.mulf %sub3A_1820, %sub3A_1821 : vector<1x1xf32>
      %get3A_1823 = arith.constant 0 : index
      %get3A_1824 = arith.constant 0 : index
      %get3A_1825 = vector.load %arg0[%get3A_1823, %get3A_1824] : memref<8x640xf32, #tpu.memory_space<vmem>>, vector<8x640xf32>
      %get3A_1826 = arith.constant 0 : index
      %get3A_1827 = arith.constant 0 : index
      %get3A_1828 = vector.load %arg1[%get3A_1826, %get3A_1827] : memref<8x640xf32, #tpu.memory_space<vmem>>, vector<8x640xf32>
      %get3A_1829 = arith.constant 0 : index
      %get3A_1830 = arith.constant 0 : index
      %get3A_1831 = vector.load %arg2[%get3A_1829, %get3A_1830] : memref<8x640xf32, #tpu.memory_space<vmem>>, vector<8x640xf32>
      %get3A_1832 = arith.constant 0 : index
      %get3A_1833 = arith.constant 0 : index
      %get3A_1834 = vector.load %arg3[%get3A_1832, %get3A_1833] : memref<8x640xf32, #tpu.memory_space<vmem>>, vector<8x640xf32>
      %min3A_1835 = vector.broadcast %select_n3A_1805 : vector<1x1xf32> to vector<8x640xf32>
      %min3A_1836 = arith.minimumf %min3A_1835, %get3A_1831 : vector<8x640xf32>
      %max3A_1837 = vector.broadcast %select_n3A_1777 : vector<1x1xf32> to vector<8x640xf32>
      %max3A_1838 = arith.maximumf %max3A_1837, %get3A_1825 : vector<8x640xf32>
      %sub3A_1839 = arith.subf %min3A_1836, %max3A_1838 : vector<8x640xf32>
      %max3A_1840 = arith.constant 0.000000e+00 : f32
      %max3A_1841 = vector.broadcast %max3A_1840 : f32 to vector<8x640xf32>
      %max3A_1842 = arith.maximumf %sub3A_1839, %max3A_1841 : vector<8x640xf32>
      %min3A_1843 = vector.broadcast %select_n3A_1819 : vector<1x1xf32> to vector<8x640xf32>
      %min3A_1844 = arith.minimumf %min3A_1843, %get3A_1834 : vector<8x640xf32>
      %max3A_1845 = vector.broadcast %select_n3A_1791 : vector<1x1xf32> to vector<8x640xf32>
      %max3A_1846 = arith.maximumf %max3A_1845, %get3A_1828 : vector<8x640xf32>
      %sub3A_1847 = arith.subf %min3A_1844, %max3A_1846 : vector<8x640xf32>
      %max3A_1848 = arith.constant 0.000000e+00 : f32
      %max3A_1849 = vector.broadcast %max3A_1848 : f32 to vector<8x640xf32>
      %max3A_1850 = arith.maximumf %sub3A_1847, %max3A_1849 : vector<8x640xf32>
      %mul3A_1851 = arith.mulf %max3A_1842, %max3A_1850 : vector<8x640xf32>
      %get3A_1852 = arith.constant 0 : index
      %get3A_1853 = arith.constant 0 : index
      %get3A_1854 = vector.load %arg4[%get3A_1852, %get3A_1853] : memref<8x640xf32, #tpu.memory_space<vmem>>, vector<8x640xf32>
      %add3A_1855 = vector.broadcast %mul3A_1822 : vector<1x1xf32> to vector<8x640xf32>
      %add3A_1856 = arith.addf %add3A_1855, %get3A_1854 : vector<8x640xf32>
      %sub3A_1857 = arith.subf %add3A_1856, %mul3A_1851 : vector<8x640xf32>
      %mul3A_1858 = arith.constant 2.000000e-01 : f32
      %mul3A_1859 = vector.broadcast %mul3A_1858 : f32 to vector<8x640xf32>
      %mul3A_1860 = arith.mulf %mul3A_1859, %sub3A_1857 : vector<8x640xf32>
      %gt3A_1861 = arith.cmpf ogt, %mul3A_1851, %mul3A_1860 : vector<8x640xf32>
      %eq3A_1862 = vector.broadcast %shift_right_arithmetic3A_1760 : vector<1x1xi32> to vector<8x640xi32>
      %eq3A_1863 = arith.cmpi eq, %get3A_1658, %eq3A_1862 : vector<8x640xi32>
      %and3A_1864 = vector.broadcast %lt3A_1763 : vector<1x1xi1> to vector<8x640xi1>
      %and3A_1865 = arith.andi %eq3A_1863, %and3A_1864 : vector<8x640xi1>
      %jit3A_1866 = arith.constant 16384 : i32
      %broadcast_in_dim3A_1867 = vector.broadcast %jit3A_1866 : i32 to vector<8x640xi32>
      %select_n3A_1868 = arith.select %gt3A_1861, %broadcast_in_dim3A_1867, %get3A_1658 : vector<8x640xi1>, vector<8x640xi32>
      %jit3A_1869 = arith.constant 12288 : i32
      %broadcast_in_dim3A_1870 = vector.broadcast %jit3A_1869 : i32 to vector<8x640xi32>
      %select_n3A_1871 = arith.select %and3A_1865, %broadcast_in_dim3A_1870, %select_n3A_1868 : vector<8x640xi1>, vector<8x640xi32>
      %swap3A_1872 = arith.constant 0 : index
      %swap3A_1873 = arith.constant 0 : index
      %swap3A_1874 = vector.load %arg7[%swap3A_1872, %swap3A_1873] : memref<8x640xi32, #tpu.memory_space<vmem>>, vector<8x640xi32>
      tpu.vector_store %arg7[%swap3A_1872, %swap3A_1873], %select_n3A_1871 {strides = array<i32>} : memref<8x640xi32, #tpu.memory_space<vmem>>, vector<8x640xi32>,
      %scan3A_1875 = arith.constant 8 : i32
      %get3A_1876 = arith.constant 0 : index
      %get3A_1877 = arith.constant 0 : index
      %get3A_1878 = vector.load %arg7[%get3A_1876, %get3A_1877] : memref<8x640xi32, #tpu.memory_space<vmem>>, vector<8x640xi32>
      %shift_left3A_1879 = arith.constant 16 : i32
      %shift_left3A_1880 = vector.broadcast %shift_left3A_1879 : i32 to vector<8x640xi32>
      %shift_left3A_1881 = arith.shli %get3A_1878, %shift_left3A_1880 : vector<8x640xi32>
      %get3A_1882 = arith.constant 0 : index
      %get3A_1883 = arith.constant 0 : index
      %get3A_1884 = vector.load %arg8[%get3A_1882, %get3A_1883] : memref<8x640xi32, #tpu.memory_space<vmem>>, vector<8x640xi32>
      %or3A_1885 = arith.ori %shift_left3A_1881, %get3A_1884 : vector<8x640xi32>
      %bitcast_convert_type3A_1886 = tpu.bitcast %or3A_1885 : vector<8x640xi32> -> vector<8x640xf32>
      %reduce_min3A_1887 = arith.constant dense<0x7F800000> : vector<8xf32>
      %reduce_min3A_1888 = vector.multi_reduction <minimumf>, %bitcast_convert_type3A_1886, %reduce_min3A_1887 [1] : vector<8x640xf32> to vector<8xf32>
      %broadcast_in_dim3A_1889 = vector.shape_cast %reduce_min3A_1888 : vector<8xf32> to vector<8x1xf32>
      %reduce_min3A_1890 = arith.constant dense<0x7F800000> : vector<1xf32>
      %reduce_min3A_1891 = vector.multi_reduction <minimumf>, %broadcast_in_dim3A_1889, %reduce_min3A_1890 [0] : vector<8x1xf32> to vector<1xf32>
      %broadcast_in_dim3A_1892 = vector.shape_cast %reduce_min3A_1891 : vector<1xf32> to vector<1x1xf32>
      %bitcast_convert_type3A_1893 = tpu.bitcast %broadcast_in_dim3A_1892 : vector<1x1xf32> -> vector<1x1xi32>
      %get3A_1894 = arith.constant 0 : index
      %get3A_1895 = arith.constant 0 : index
      %get3A_1896 = vector.load %arg9[%get3A_1894, %get3A_1895] : memref<8x640xi32, #tpu.memory_space<vmem>>, vector<8x640xi32>
      %or3A_1897 = arith.ori %shift_left3A_1881, %get3A_1896 : vector<8x640xi32>
      %bitcast_convert_type3A_1898 = tpu.bitcast %or3A_1897 : vector<8x640xi32> -> vector<8x640xf32>
      %reduce_min3A_1899 = arith.constant dense<0x7F800000> : vector<8xf32>
      %reduce_min3A_1900 = vector.multi_reduction <minimumf>, %bitcast_convert_type3A_1898, %reduce_min3A_1899 [1] : vector<8x640xf32> to vector<8xf32>
      %broadcast_in_dim3A_1901 = vector.shape_cast %reduce_min3A_1900 : vector<8xf32> to vector<8x1xf32>
      %reduce_min3A_1902 = arith.constant dense<0x7F800000> : vector<1xf32>
      %reduce_min3A_1903 = vector.multi_reduction <minimumf>, %broadcast_in_dim3A_1901, %reduce_min3A_1902 [0] : vector<8x1xf32> to vector<1xf32>
      %broadcast_in_dim3A_1904 = vector.shape_cast %reduce_min3A_1903 : vector<1xf32> to vector<1x1xf32>
      %bitcast_convert_type3A_1905 = tpu.bitcast %broadcast_in_dim3A_1904 : vector<1x1xf32> -> vector<1x1xi32>
      %get3A_1906 = arith.constant 0 : index
      %get3A_1907 = arith.constant 0 : index
      %get3A_1908 = vector.load %arg10[%get3A_1906, %get3A_1907] : memref<8x640xi32, #tpu.memory_space<vmem>>, vector<8x640xi32>
      %or3A_1909 = arith.ori %shift_left3A_1881, %get3A_1908 : vector<8x640xi32>
      %bitcast_convert_type3A_1910 = tpu.bitcast %or3A_1909 : vector<8x640xi32> -> vector<8x640xf32>
      %reduce_min3A_1911 = arith.constant dense<0x7F800000> : vector<8xf32>
      %reduce_min3A_1912 = vector.multi_reduction <minimumf>, %bitcast_convert_type3A_1910, %reduce_min3A_1911 [1] : vector<8x640xf32> to vector<8xf32>
      %broadcast_in_dim3A_1913 = vector.shape_cast %reduce_min3A_1912 : vector<8xf32> to vector<8x1xf32>
      %reduce_min3A_1914 = arith.constant dense<0x7F800000> : vector<1xf32>
      %reduce_min3A_1915 = vector.multi_reduction <minimumf>, %broadcast_in_dim3A_1913, %reduce_min3A_1914 [0] : vector<8x1xf32> to vector<1xf32>
      %broadcast_in_dim3A_1916 = vector.shape_cast %reduce_min3A_1915 : vector<1xf32> to vector<1x1xf32>
      %bitcast_convert_type3A_1917 = tpu.bitcast %broadcast_in_dim3A_1916 : vector<1x1xf32> -> vector<1x1xi32>
      %get3A_1918 = arith.constant 0 : index
      %get3A_1919 = arith.constant 0 : index
      %get3A_1920 = vector.load %arg11[%get3A_1918, %get3A_1919] : memref<8x640xi32, #tpu.memory_space<vmem>>, vector<8x640xi32>
      %or3A_1921 = arith.ori %shift_left3A_1881, %get3A_1920 : vector<8x640xi32>
      %bitcast_convert_type3A_1922 = tpu.bitcast %or3A_1921 : vector<8x640xi32> -> vector<8x640xf32>
      %reduce_min3A_1923 = arith.constant dense<0x7F800000> : vector<8xf32>
      %reduce_min3A_1924 = vector.multi_reduction <minimumf>, %bitcast_convert_type3A_1922, %reduce_min3A_1923 [1] : vector<8x640xf32> to vector<8xf32>
      %broadcast_in_dim3A_1925 = vector.shape_cast %reduce_min3A_1924 : vector<8xf32> to vector<8x1xf32>
      %reduce_min3A_1926 = arith.constant dense<0x7F800000> : vector<1xf32>
      %reduce_min3A_1927 = vector.multi_reduction <minimumf>, %broadcast_in_dim3A_1925, %reduce_min3A_1926 [0] : vector<8x1xf32> to vector<1xf32>
      %broadcast_in_dim3A_1928 = vector.shape_cast %reduce_min3A_1927 : vector<1xf32> to vector<1x1xf32>
      %bitcast_convert_type3A_1929 = tpu.bitcast %broadcast_in_dim3A_1928 : vector<1x1xf32> -> vector<1x1xi32>
      %get3A_1930 = arith.constant 0 : index
      %get3A_1931 = arith.constant 0 : index
      %get3A_1932 = vector.load %arg12[%get3A_1930, %get3A_1931] : memref<8x640xi32, #tpu.memory_space<vmem>>, vector<8x640xi32>
      %or3A_1933 = arith.ori %shift_left3A_1881, %get3A_1932 : vector<8x640xi32>
      %bitcast_convert_type3A_1934 = tpu.bitcast %or3A_1933 : vector<8x640xi32> -> vector<8x640xf32>
      %reduce_min3A_1935 = arith.constant dense<0x7F800000> : vector<8xf32>
      %reduce_min3A_1936 = vector.multi_reduction <minimumf>, %bitcast_convert_type3A_1934, %reduce_min3A_1935 [1] : vector<8x640xf32> to vector<8xf32>
      %broadcast_in_dim3A_1937 = vector.shape_cast %reduce_min3A_1936 : vector<8xf32> to vector<8x1xf32>
      %reduce_min3A_1938 = arith.constant dense<0x7F800000> : vector<1xf32>
      %reduce_min3A_1939 = vector.multi_reduction <minimumf>, %broadcast_in_dim3A_1937, %reduce_min3A_1938 [0] : vector<8x1xf32> to vector<1xf32>
      %broadcast_in_dim3A_1940 = vector.shape_cast %reduce_min3A_1939 : vector<1xf32> to vector<1x1xf32>
      %bitcast_convert_type3A_1941 = tpu.bitcast %broadcast_in_dim3A_1940 : vector<1x1xf32> -> vector<1x1xi32>
      %get3A_1942 = arith.constant 0 : index
      %get3A_1943 = arith.constant 0 : index
      %get3A_1944 = vector.load %arg13[%get3A_1942, %get3A_1943] : memref<8x640xi32, #tpu.memory_space<vmem>>, vector<8x640xi32>
      %or3A_1945 = arith.ori %shift_left3A_1881, %get3A_1944 : vector<8x640xi32>
      %bitcast_convert_type3A_1946 = tpu.bitcast %or3A_1945 : vector<8x640xi32> -> vector<8x640xf32>
      %reduce_min3A_1947 = arith.constant dense<0x7F800000> : vector<8xf32>
      %reduce_min3A_1948 = vector.multi_reduction <minimumf>, %bitcast_convert_type3A_1946, %reduce_min3A_1947 [1] : vector<8x640xf32> to vector<8xf32>
      %broadcast_in_dim3A_1949 = vector.shape_cast %reduce_min3A_1948 : vector<8xf32> to vector<8x1xf32>
      %reduce_min3A_1950 = arith.constant dense<0x7F800000> : vector<1xf32>
      %reduce_min3A_1951 = vector.multi_reduction <minimumf>, %broadcast_in_dim3A_1949, %reduce_min3A_1950 [0] : vector<8x1xf32> to vector<1xf32>
      %broadcast_in_dim3A_1952 = vector.shape_cast %reduce_min3A_1951 : vector<1xf32> to vector<1x1xf32>
      %bitcast_convert_type3A_1953 = tpu.bitcast %broadcast_in_dim3A_1952 : vector<1x1xf32> -> vector<1x1xi32>
      %get3A_1954 = arith.constant 0 : index
      %get3A_1955 = arith.constant 0 : index
      %get3A_1956 = vector.load %arg14[%get3A_1954, %get3A_1955] : memref<8x640xi32, #tpu.memory_space<vmem>>, vector<8x640xi32>
      %or3A_1957 = arith.ori %shift_left3A_1881, %get3A_1956 : vector<8x640xi32>
      %bitcast_convert_type3A_1958 = tpu.bitcast %or3A_1957 : vector<8x640xi32> -> vector<8x640xf32>
      %reduce_min3A_1959 = arith.constant dense<0x7F800000> : vector<8xf32>
      %reduce_min3A_1960 = vector.multi_reduction <minimumf>, %bitcast_convert_type3A_1958, %reduce_min3A_1959 [1] : vector<8x640xf32> to vector<8xf32>
      %broadcast_in_dim3A_1961 = vector.shape_cast %reduce_min3A_1960 : vector<8xf32> to vector<8x1xf32>
      %reduce_min3A_1962 = arith.constant dense<0x7F800000> : vector<1xf32>
      %reduce_min3A_1963 = vector.multi_reduction <minimumf>, %broadcast_in_dim3A_1961, %reduce_min3A_1962 [0] : vector<8x1xf32> to vector<1xf32>
      %broadcast_in_dim3A_1964 = vector.shape_cast %reduce_min3A_1963 : vector<1xf32> to vector<1x1xf32>
      %bitcast_convert_type3A_1965 = tpu.bitcast %broadcast_in_dim3A_1964 : vector<1x1xf32> -> vector<1x1xi32>
      %get3A_1966 = arith.constant 0 : index
      %get3A_1967 = arith.constant 0 : index
      %get3A_1968 = vector.load %arg15[%get3A_1966, %get3A_1967] : memref<8x640xi32, #tpu.memory_space<vmem>>, vector<8x640xi32>
      %or3A_1969 = arith.ori %shift_left3A_1881, %get3A_1968 : vector<8x640xi32>
      %bitcast_convert_type3A_1970 = tpu.bitcast %or3A_1969 : vector<8x640xi32> -> vector<8x640xf32>
      %reduce_min3A_1971 = arith.constant dense<0x7F800000> : vector<8xf32>
      %reduce_min3A_1972 = vector.multi_reduction <minimumf>, %bitcast_convert_type3A_1970, %reduce_min3A_1971 [1] : vector<8x640xf32> to vector<8xf32>
      %broadcast_in_dim3A_1973 = vector.shape_cast %reduce_min3A_1972 : vector<8xf32> to vector<8x1xf32>
      %reduce_min3A_1974 = arith.constant dense<0x7F800000> : vector<1xf32>
      %reduce_min3A_1975 = vector.multi_reduction <minimumf>, %broadcast_in_dim3A_1973, %reduce_min3A_1974 [0] : vector<8x1xf32> to vector<1xf32>
      %broadcast_in_dim3A_1976 = vector.shape_cast %reduce_min3A_1975 : vector<1xf32> to vector<1x1xf32>
      %bitcast_convert_type3A_1977 = tpu.bitcast %broadcast_in_dim3A_1976 : vector<1x1xf32> -> vector<1x1xi32>
      %shift_right_arithmetic3A_1978 = arith.constant 16 : i32
      %shift_right_arithmetic3A_1979 = vector.broadcast %shift_right_arithmetic3A_1978 : i32 to vector<1x1xi32>
      %shift_right_arithmetic3A_1980 = arith.shrsi %bitcast_convert_type3A_1893, %shift_right_arithmetic3A_1979 : vector<1x1xi32>
      %lt3A_1981 = arith.constant 8320 : i32
      %lt3A_1982 = vector.broadcast %lt3A_1981 : i32 to vector<1x1xi32>
      %lt3A_1983 = arith.cmpi slt, %shift_right_arithmetic3A_1980, %lt3A_1982 : vector<1x1xi32>
      %and3A_1984 = arith.constant 65535 : i32
      %and3A_1985 = vector.broadcast %and3A_1984 : i32 to vector<1x1xi32>
      %and3A_1986 = arith.andi %bitcast_convert_type3A_1893, %and3A_1985 : vector<1x1xi32>
      %shift_left3A_1987 = arith.constant 16 : i32
      %shift_left3A_1988 = vector.broadcast %shift_left3A_1987 : i32 to vector<1x1xi32>
      %shift_left3A_1989 = arith.shli %and3A_1986, %shift_left3A_1988 : vector<1x1xi32>
      %and3A_1990 = arith.constant 65535 : i32
      %and3A_1991 = vector.broadcast %and3A_1990 : i32 to vector<1x1xi32>
      %and3A_1992 = arith.andi %bitcast_convert_type3A_1905, %and3A_1991 : vector<1x1xi32>
      %or3A_1993 = arith.ori %shift_left3A_1989, %and3A_1992 : vector<1x1xi32>
      %bitcast_convert_type3A_1994 = tpu.bitcast %or3A_1993 : vector<1x1xi32> -> vector<1x1xf32>
      %jit3A_1995 = arith.constant -1.000000e+30 : f32
      %broadcast_in_dim3A_1996 = vector.broadcast %jit3A_1995 : f32 to vector<1x1xf32>
      %select_n3A_1997 = arith.select %lt3A_1983, %bitcast_convert_type3A_1994, %broadcast_in_dim3A_1996 : vector<1x1xi1>, vector<1x1xf32>
      %and3A_1998 = arith.constant 65535 : i32
      %and3A_1999 = vector.broadcast %and3A_1998 : i32 to vector<1x1xi32>
      %and3A_2000 = arith.andi %bitcast_convert_type3A_1917, %and3A_1999 : vector<1x1xi32>
      %shift_left3A_2001 = arith.constant 16 : i32
      %shift_left3A_2002 = vector.broadcast %shift_left3A_2001 : i32 to vector<1x1xi32>
      %shift_left3A_2003 = arith.shli %and3A_2000, %shift_left3A_2002 : vector<1x1xi32>
      %and3A_2004 = arith.constant 65535 : i32
      %and3A_2005 = vector.broadcast %and3A_2004 : i32 to vector<1x1xi32>
      %and3A_2006 = arith.andi %bitcast_convert_type3A_1929, %and3A_2005 : vector<1x1xi32>
      %or3A_2007 = arith.ori %shift_left3A_2003, %and3A_2006 : vector<1x1xi32>
      %bitcast_convert_type3A_2008 = tpu.bitcast %or3A_2007 : vector<1x1xi32> -> vector<1x1xf32>
      %jit3A_2009 = arith.constant -1.000000e+30 : f32
      %broadcast_in_dim3A_2010 = vector.broadcast %jit3A_2009 : f32 to vector<1x1xf32>
      %select_n3A_2011 = arith.select %lt3A_1983, %bitcast_convert_type3A_2008, %broadcast_in_dim3A_2010 : vector<1x1xi1>, vector<1x1xf32>
      %and3A_2012 = arith.constant 65535 : i32
      %and3A_2013 = vector.broadcast %and3A_2012 : i32 to vector<1x1xi32>
      %and3A_2014 = arith.andi %bitcast_convert_type3A_1941, %and3A_2013 : vector<1x1xi32>
      %shift_left3A_2015 = arith.constant 16 : i32
      %shift_left3A_2016 = vector.broadcast %shift_left3A_2015 : i32 to vector<1x1xi32>
      %shift_left3A_2017 = arith.shli %and3A_2014, %shift_left3A_2016 : vector<1x1xi32>
      %and3A_2018 = arith.constant 65535 : i32
      %and3A_2019 = vector.broadcast %and3A_2018 : i32 to vector<1x1xi32>
      %and3A_2020 = arith.andi %bitcast_convert_type3A_1953, %and3A_2019 : vector<1x1xi32>
      %or3A_2021 = arith.ori %shift_left3A_2017, %and3A_2020 : vector<1x1xi32>
      %bitcast_convert_type3A_2022 = tpu.bitcast %or3A_2021 : vector<1x1xi32> -> vector<1x1xf32>
      %jit3A_2023 = arith.constant -1.000000e+30 : f32
      %broadcast_in_dim3A_2024 = vector.broadcast %jit3A_2023 : f32 to vector<1x1xf32>
      %select_n3A_2025 = arith.select %lt3A_1983, %bitcast_convert_type3A_2022, %broadcast_in_dim3A_2024 : vector<1x1xi1>, vector<1x1xf32>
      %and3A_2026 = arith.constant 65535 : i32
      %and3A_2027 = vector.broadcast %and3A_2026 : i32 to vector<1x1xi32>
      %and3A_2028 = arith.andi %bitcast_convert_type3A_1965, %and3A_2027 : vector<1x1xi32>
      %shift_left3A_2029 = arith.constant 16 : i32
      %shift_left3A_2030 = vector.broadcast %shift_left3A_2029 : i32 to vector<1x1xi32>
      %shift_left3A_2031 = arith.shli %and3A_2028, %shift_left3A_2030 : vector<1x1xi32>
      %and3A_2032 = arith.constant 65535 : i32
      %and3A_2033 = vector.broadcast %and3A_2032 : i32 to vector<1x1xi32>
      %and3A_2034 = arith.andi %bitcast_convert_type3A_1977, %and3A_2033 : vector<1x1xi32>
      %or3A_2035 = arith.ori %shift_left3A_2031, %and3A_2034 : vector<1x1xi32>
      %bitcast_convert_type3A_2036 = tpu.bitcast %or3A_2035 : vector<1x1xi32> -> vector<1x1xf32>
      %jit3A_2037 = arith.constant -1.000000e+30 : f32
      %broadcast_in_dim3A_2038 = vector.broadcast %jit3A_2037 : f32 to vector<1x1xf32>
      %select_n3A_2039 = arith.select %lt3A_1983, %bitcast_convert_type3A_2036, %broadcast_in_dim3A_2038 : vector<1x1xi1>, vector<1x1xf32>
      %sub3A_2040 = arith.subf %select_n3A_2025, %select_n3A_1997 : vector<1x1xf32>
      %sub3A_2041 = arith.subf %select_n3A_2039, %select_n3A_2011 : vector<1x1xf32>
      %mul3A_2042 = arith.mulf %sub3A_2040, %sub3A_2041 : vector<1x1xf32>
      %get3A_2043 = arith.constant 0 : index
      %get3A_2044 = arith.constant 0 : index
      %get3A_2045 = vector.load %arg0[%get3A_2043, %get3A_2044] : memref<8x640xf32, #tpu.memory_space<vmem>>, vector<8x640xf32>
      %get3A_2046 = arith.constant 0 : index
      %get3A_2047 = arith.constant 0 : index
      %get3A_2048 = vector.load %arg1[%get3A_2046, %get3A_2047] : memref<8x640xf32, #tpu.memory_space<vmem>>, vector<8x640xf32>
      %get3A_2049 = arith.constant 0 : index
      %get3A_2050 = arith.constant 0 : index
      %get3A_2051 = vector.load %arg2[%get3A_2049, %get3A_2050] : memref<8x640xf32, #tpu.memory_space<vmem>>, vector<8x640xf32>
      %get3A_2052 = arith.constant 0 : index
      %get3A_2053 = arith.constant 0 : index
      %get3A_2054 = vector.load %arg3[%get3A_2052, %get3A_2053] : memref<8x640xf32, #tpu.memory_space<vmem>>, vector<8x640xf32>
      %min3A_2055 = vector.broadcast %select_n3A_2025 : vector<1x1xf32> to vector<8x640xf32>
      %min3A_2056 = arith.minimumf %min3A_2055, %get3A_2051 : vector<8x640xf32>
      %max3A_2057 = vector.broadcast %select_n3A_1997 : vector<1x1xf32> to vector<8x640xf32>
      %max3A_2058 = arith.maximumf %max3A_2057, %get3A_2045 : vector<8x640xf32>
      %sub3A_2059 = arith.subf %min3A_2056, %max3A_2058 : vector<8x640xf32>
      %max3A_2060 = arith.constant 0.000000e+00 : f32
      %max3A_2061 = vector.broadcast %max3A_2060 : f32 to vector<8x640xf32>
      %max3A_2062 = arith.maximumf %sub3A_2059, %max3A_2061 : vector<8x640xf32>
      %min3A_2063 = vector.broadcast %select_n3A_2039 : vector<1x1xf32> to vector<8x640xf32>
      %min3A_2064 = arith.minimumf %min3A_2063, %get3A_2054 : vector<8x640xf32>
      %max3A_2065 = vector.broadcast %select_n3A_2011 : vector<1x1xf32> to vector<8x640xf32>
      %max3A_2066 = arith.maximumf %max3A_2065, %get3A_2048 : vector<8x640xf32>
      %sub3A_2067 = arith.subf %min3A_2064, %max3A_2066 : vector<8x640xf32>
      %max3A_2068 = arith.constant 0.000000e+00 : f32
      %max3A_2069 = vector.broadcast %max3A_2068 : f32 to vector<8x640xf32>
      %max3A_2070 = arith.maximumf %sub3A_2067, %max3A_2069 : vector<8x640xf32>
      %mul3A_2071 = arith.mulf %max3A_2062, %max3A_2070 : vector<8x640xf32>
      %get3A_2072 = arith.constant 0 : index
      %get3A_2073 = arith.constant 0 : index
      %get3A_2074 = vector.load %arg4[%get3A_2072, %get3A_2073] : memref<8x640xf32, #tpu.memory_space<vmem>>, vector<8x640xf32>
      %add3A_2075 = vector.broadcast %mul3A_2042 : vector<1x1xf32> to vector<8x640xf32>
      %add3A_2076 = arith.addf %add3A_2075, %get3A_2074 : vector<8x640xf32>
      %sub3A_2077 = arith.subf %add3A_2076, %mul3A_2071 : vector<8x640xf32>
      %mul3A_2078 = arith.constant 2.000000e-01 : f32
      %mul3A_2079 = vector.broadcast %mul3A_2078 : f32 to vector<8x640xf32>
      %mul3A_2080 = arith.mulf %mul3A_2079, %sub3A_2077 : vector<8x640xf32>
      %gt3A_2081 = arith.cmpf ogt, %mul3A_2071, %mul3A_2080 : vector<8x640xf32>
      %eq3A_2082 = vector.broadcast %shift_right_arithmetic3A_1980 : vector<1x1xi32> to vector<8x640xi32>
      %eq3A_2083 = arith.cmpi eq, %get3A_1878, %eq3A_2082 : vector<8x640xi32>
      %and3A_2084 = vector.broadcast %lt3A_1983 : vector<1x1xi1> to vector<8x640xi1>
      %and3A_2085 = arith.andi %eq3A_2083, %and3A_2084 : vector<8x640xi1>
      %jit3A_2086 = arith.constant 16384 : i32
      %broadcast_in_dim3A_2087 = vector.broadcast %jit3A_2086 : i32 to vector<8x640xi32>
      %select_n3A_2088 = arith.select %gt3A_2081, %broadcast_in_dim3A_2087, %get3A_1878 : vector<8x640xi1>, vector<8x640xi32>
      %jit3A_2089 = arith.constant 12288 : i32
      %broadcast_in_dim3A_2090 = vector.broadcast %jit3A_2089 : i32 to vector<8x640xi32>
      %select_n3A_2091 = arith.select %and3A_2085, %broadcast_in_dim3A_2090, %select_n3A_2088 : vector<8x640xi1>, vector<8x640xi32>
      %swap3A_2092 = arith.constant 0 : index
      %swap3A_2093 = arith.constant 0 : index
      %swap3A_2094 = vector.load %arg7[%swap3A_2092, %swap3A_2093] : memref<8x640xi32, #tpu.memory_space<vmem>>, vector<8x640xi32>
      tpu.vector_store %arg7[%swap3A_2092, %swap3A_2093], %select_n3A_2091 {strides = array<i32>} : memref<8x640xi32, #tpu.memory_space<vmem>>, vector<8x640xi32>,
      %scan3A_2095 = arith.constant 9 : i32
      %get3A_2096 = arith.constant 0 : index
      %get3A_2097 = arith.constant 0 : index
      %get3A_2098 = vector.load %arg7[%get3A_2096, %get3A_2097] : memref<8x640xi32, #tpu.memory_space<vmem>>, vector<8x640xi32>
      %shift_left3A_2099 = arith.constant 16 : i32
      %shift_left3A_2100 = vector.broadcast %shift_left3A_2099 : i32 to vector<8x640xi32>
      %shift_left3A_2101 = arith.shli %get3A_2098, %shift_left3A_2100 : vector<8x640xi32>
      %get3A_2102 = arith.constant 0 : index
      %get3A_2103 = arith.constant 0 : index
      %get3A_2104 = vector.load %arg8[%get3A_2102, %get3A_2103] : memref<8x640xi32, #tpu.memory_space<vmem>>, vector<8x640xi32>
      %or3A_2105 = arith.ori %shift_left3A_2101, %get3A_2104 : vector<8x640xi32>
      %bitcast_convert_type3A_2106 = tpu.bitcast %or3A_2105 : vector<8x640xi32> -> vector<8x640xf32>
      %reduce_min3A_2107 = arith.constant dense<0x7F800000> : vector<8xf32>
      %reduce_min3A_2108 = vector.multi_reduction <minimumf>, %bitcast_convert_type3A_2106, %reduce_min3A_2107 [1] : vector<8x640xf32> to vector<8xf32>
      %broadcast_in_dim3A_2109 = vector.shape_cast %reduce_min3A_2108 : vector<8xf32> to vector<8x1xf32>
      %reduce_min3A_2110 = arith.constant dense<0x7F800000> : vector<1xf32>
      %reduce_min3A_2111 = vector.multi_reduction <minimumf>, %broadcast_in_dim3A_2109, %reduce_min3A_2110 [0] : vector<8x1xf32> to vector<1xf32>
      %broadcast_in_dim3A_2112 = vector.shape_cast %reduce_min3A_2111 : vector<1xf32> to vector<1x1xf32>
      %bitcast_convert_type3A_2113 = tpu.bitcast %broadcast_in_dim3A_2112 : vector<1x1xf32> -> vector<1x1xi32>
      %get3A_2114 = arith.constant 0 : index
      %get3A_2115 = arith.constant 0 : index
      %get3A_2116 = vector.load %arg9[%get3A_2114, %get3A_2115] : memref<8x640xi32, #tpu.memory_space<vmem>>, vector<8x640xi32>
      %or3A_2117 = arith.ori %shift_left3A_2101, %get3A_2116 : vector<8x640xi32>
      %bitcast_convert_type3A_2118 = tpu.bitcast %or3A_2117 : vector<8x640xi32> -> vector<8x640xf32>
      %reduce_min3A_2119 = arith.constant dense<0x7F800000> : vector<8xf32>
      %reduce_min3A_2120 = vector.multi_reduction <minimumf>, %bitcast_convert_type3A_2118, %reduce_min3A_2119 [1] : vector<8x640xf32> to vector<8xf32>
      %broadcast_in_dim3A_2121 = vector.shape_cast %reduce_min3A_2120 : vector<8xf32> to vector<8x1xf32>
      %reduce_min3A_2122 = arith.constant dense<0x7F800000> : vector<1xf32>
      %reduce_min3A_2123 = vector.multi_reduction <minimumf>, %broadcast_in_dim3A_2121, %reduce_min3A_2122 [0] : vector<8x1xf32> to vector<1xf32>
      %broadcast_in_dim3A_2124 = vector.shape_cast %reduce_min3A_2123 : vector<1xf32> to vector<1x1xf32>
      %bitcast_convert_type3A_2125 = tpu.bitcast %broadcast_in_dim3A_2124 : vector<1x1xf32> -> vector<1x1xi32>
      %get3A_2126 = arith.constant 0 : index
      %get3A_2127 = arith.constant 0 : index
      %get3A_2128 = vector.load %arg10[%get3A_2126, %get3A_2127] : memref<8x640xi32, #tpu.memory_space<vmem>>, vector<8x640xi32>
      %or3A_2129 = arith.ori %shift_left3A_2101, %get3A_2128 : vector<8x640xi32>
      %bitcast_convert_type3A_2130 = tpu.bitcast %or3A_2129 : vector<8x640xi32> -> vector<8x640xf32>
      %reduce_min3A_2131 = arith.constant dense<0x7F800000> : vector<8xf32>
      %reduce_min3A_2132 = vector.multi_reduction <minimumf>, %bitcast_convert_type3A_2130, %reduce_min3A_2131 [1] : vector<8x640xf32> to vector<8xf32>
      %broadcast_in_dim3A_2133 = vector.shape_cast %reduce_min3A_2132 : vector<8xf32> to vector<8x1xf32>
      %reduce_min3A_2134 = arith.constant dense<0x7F800000> : vector<1xf32>
      %reduce_min3A_2135 = vector.multi_reduction <minimumf>, %broadcast_in_dim3A_2133, %reduce_min3A_2134 [0] : vector<8x1xf32> to vector<1xf32>
      %broadcast_in_dim3A_2136 = vector.shape_cast %reduce_min3A_2135 : vector<1xf32> to vector<1x1xf32>
      %bitcast_convert_type3A_2137 = tpu.bitcast %broadcast_in_dim3A_2136 : vector<1x1xf32> -> vector<1x1xi32>
      %get3A_2138 = arith.constant 0 : index
      %get3A_2139 = arith.constant 0 : index
      %get3A_2140 = vector.load %arg11[%get3A_2138, %get3A_2139] : memref<8x640xi32, #tpu.memory_space<vmem>>, vector<8x640xi32>
      %or3A_2141 = arith.ori %shift_left3A_2101, %get3A_2140 : vector<8x640xi32>
      %bitcast_convert_type3A_2142 = tpu.bitcast %or3A_2141 : vector<8x640xi32> -> vector<8x640xf32>
      %reduce_min3A_2143 = arith.constant dense<0x7F800000> : vector<8xf32>
      %reduce_min3A_2144 = vector.multi_reduction <minimumf>, %bitcast_convert_type3A_2142, %reduce_min3A_2143 [1] : vector<8x640xf32> to vector<8xf32>
      %broadcast_in_dim3A_2145 = vector.shape_cast %reduce_min3A_2144 : vector<8xf32> to vector<8x1xf32>
      %reduce_min3A_2146 = arith.constant dense<0x7F800000> : vector<1xf32>
      %reduce_min3A_2147 = vector.multi_reduction <minimumf>, %broadcast_in_dim3A_2145, %reduce_min3A_2146 [0] : vector<8x1xf32> to vector<1xf32>
      %broadcast_in_dim3A_2148 = vector.shape_cast %reduce_min3A_2147 : vector<1xf32> to vector<1x1xf32>
      %bitcast_convert_type3A_2149 = tpu.bitcast %broadcast_in_dim3A_2148 : vector<1x1xf32> -> vector<1x1xi32>
      %get3A_2150 = arith.constant 0 : index
      %get3A_2151 = arith.constant 0 : index
      %get3A_2152 = vector.load %arg12[%get3A_2150, %get3A_2151] : memref<8x640xi32, #tpu.memory_space<vmem>>, vector<8x640xi32>
      %or3A_2153 = arith.ori %shift_left3A_2101, %get3A_2152 : vector<8x640xi32>
      %bitcast_convert_type3A_2154 = tpu.bitcast %or3A_2153 : vector<8x640xi32> -> vector<8x640xf32>
      %reduce_min3A_2155 = arith.constant dense<0x7F800000> : vector<8xf32>
      %reduce_min3A_2156 = vector.multi_reduction <minimumf>, %bitcast_convert_type3A_2154, %reduce_min3A_2155 [1] : vector<8x640xf32> to vector<8xf32>
      %broadcast_in_dim3A_2157 = vector.shape_cast %reduce_min3A_2156 : vector<8xf32> to vector<8x1xf32>
      %reduce_min3A_2158 = arith.constant dense<0x7F800000> : vector<1xf32>
      %reduce_min3A_2159 = vector.multi_reduction <minimumf>, %broadcast_in_dim3A_2157, %reduce_min3A_2158 [0] : vector<8x1xf32> to vector<1xf32>
      %broadcast_in_dim3A_2160 = vector.shape_cast %reduce_min3A_2159 : vector<1xf32> to vector<1x1xf32>
      %bitcast_convert_type3A_2161 = tpu.bitcast %broadcast_in_dim3A_2160 : vector<1x1xf32> -> vector<1x1xi32>
      %get3A_2162 = arith.constant 0 : index
      %get3A_2163 = arith.constant 0 : index
      %get3A_2164 = vector.load %arg13[%get3A_2162, %get3A_2163] : memref<8x640xi32, #tpu.memory_space<vmem>>, vector<8x640xi32>
      %or3A_2165 = arith.ori %shift_left3A_2101, %get3A_2164 : vector<8x640xi32>
      %bitcast_convert_type3A_2166 = tpu.bitcast %or3A_2165 : vector<8x640xi32> -> vector<8x640xf32>
      %reduce_min3A_2167 = arith.constant dense<0x7F800000> : vector<8xf32>
      %reduce_min3A_2168 = vector.multi_reduction <minimumf>, %bitcast_convert_type3A_2166, %reduce_min3A_2167 [1] : vector<8x640xf32> to vector<8xf32>
      %broadcast_in_dim3A_2169 = vector.shape_cast %reduce_min3A_2168 : vector<8xf32> to vector<8x1xf32>
      %reduce_min3A_2170 = arith.constant dense<0x7F800000> : vector<1xf32>
      %reduce_min3A_2171 = vector.multi_reduction <minimumf>, %broadcast_in_dim3A_2169, %reduce_min3A_2170 [0] : vector<8x1xf32> to vector<1xf32>
      %broadcast_in_dim3A_2172 = vector.shape_cast %reduce_min3A_2171 : vector<1xf32> to vector<1x1xf32>
      %bitcast_convert_type3A_2173 = tpu.bitcast %broadcast_in_dim3A_2172 : vector<1x1xf32> -> vector<1x1xi32>
      %get3A_2174 = arith.constant 0 : index
      %get3A_2175 = arith.constant 0 : index
      %get3A_2176 = vector.load %arg14[%get3A_2174, %get3A_2175] : memref<8x640xi32, #tpu.memory_space<vmem>>, vector<8x640xi32>
      %or3A_2177 = arith.ori %shift_left3A_2101, %get3A_2176 : vector<8x640xi32>
      %bitcast_convert_type3A_2178 = tpu.bitcast %or3A_2177 : vector<8x640xi32> -> vector<8x640xf32>
      %reduce_min3A_2179 = arith.constant dense<0x7F800000> : vector<8xf32>
      %reduce_min3A_2180 = vector.multi_reduction <minimumf>, %bitcast_convert_type3A_2178, %reduce_min3A_2179 [1] : vector<8x640xf32> to vector<8xf32>
      %broadcast_in_dim3A_2181 = vector.shape_cast %reduce_min3A_2180 : vector<8xf32> to vector<8x1xf32>
      %reduce_min3A_2182 = arith.constant dense<0x7F800000> : vector<1xf32>
      %reduce_min3A_2183 = vector.multi_reduction <minimumf>, %broadcast_in_dim3A_2181, %reduce_min3A_2182 [0] : vector<8x1xf32> to vector<1xf32>
      %broadcast_in_dim3A_2184 = vector.shape_cast %reduce_min3A_2183 : vector<1xf32> to vector<1x1xf32>
      %bitcast_convert_type3A_2185 = tpu.bitcast %broadcast_in_dim3A_2184 : vector<1x1xf32> -> vector<1x1xi32>
      %get3A_2186 = arith.constant 0 : index
      %get3A_2187 = arith.constant 0 : index
      %get3A_2188 = vector.load %arg15[%get3A_2186, %get3A_2187] : memref<8x640xi32, #tpu.memory_space<vmem>>, vector<8x640xi32>
      %or3A_2189 = arith.ori %shift_left3A_2101, %get3A_2188 : vector<8x640xi32>
      %bitcast_convert_type3A_2190 = tpu.bitcast %or3A_2189 : vector<8x640xi32> -> vector<8x640xf32>
      %reduce_min3A_2191 = arith.constant dense<0x7F800000> : vector<8xf32>
      %reduce_min3A_2192 = vector.multi_reduction <minimumf>, %bitcast_convert_type3A_2190, %reduce_min3A_2191 [1] : vector<8x640xf32> to vector<8xf32>
      %broadcast_in_dim3A_2193 = vector.shape_cast %reduce_min3A_2192 : vector<8xf32> to vector<8x1xf32>
      %reduce_min3A_2194 = arith.constant dense<0x7F800000> : vector<1xf32>
      %reduce_min3A_2195 = vector.multi_reduction <minimumf>, %broadcast_in_dim3A_2193, %reduce_min3A_2194 [0] : vector<8x1xf32> to vector<1xf32>
      %broadcast_in_dim3A_2196 = vector.shape_cast %reduce_min3A_2195 : vector<1xf32> to vector<1x1xf32>
      %bitcast_convert_type3A_2197 = tpu.bitcast %broadcast_in_dim3A_2196 : vector<1x1xf32> -> vector<1x1xi32>
      %shift_right_arithmetic3A_2198 = arith.constant 16 : i32
      %shift_right_arithmetic3A_2199 = vector.broadcast %shift_right_arithmetic3A_2198 : i32 to vector<1x1xi32>
      %shift_right_arithmetic3A_2200 = arith.shrsi %bitcast_convert_type3A_2113, %shift_right_arithmetic3A_2199 : vector<1x1xi32>
      %lt3A_2201 = arith.constant 8320 : i32
      %lt3A_2202 = vector.broadcast %lt3A_2201 : i32 to vector<1x1xi32>
      %lt3A_2203 = arith.cmpi slt, %shift_right_arithmetic3A_2200, %lt3A_2202 : vector<1x1xi32>
      %and3A_2204 = arith.constant 65535 : i32
      %and3A_2205 = vector.broadcast %and3A_2204 : i32 to vector<1x1xi32>
      %and3A_2206 = arith.andi %bitcast_convert_type3A_2113, %and3A_2205 : vector<1x1xi32>
      %shift_left3A_2207 = arith.constant 16 : i32
      %shift_left3A_2208 = vector.broadcast %shift_left3A_2207 : i32 to vector<1x1xi32>
      %shift_left3A_2209 = arith.shli %and3A_2206, %shift_left3A_2208 : vector<1x1xi32>
      %and3A_2210 = arith.constant 65535 : i32
      %and3A_2211 = vector.broadcast %and3A_2210 : i32 to vector<1x1xi32>
      %and3A_2212 = arith.andi %bitcast_convert_type3A_2125, %and3A_2211 : vector<1x1xi32>
      %or3A_2213 = arith.ori %shift_left3A_2209, %and3A_2212 : vector<1x1xi32>
      %bitcast_convert_type3A_2214 = tpu.bitcast %or3A_2213 : vector<1x1xi32> -> vector<1x1xf32>
      %jit3A_2215 = arith.constant -1.000000e+30 : f32
      %broadcast_in_dim3A_2216 = vector.broadcast %jit3A_2215 : f32 to vector<1x1xf32>
      %select_n3A_2217 = arith.select %lt3A_2203, %bitcast_convert_type3A_2214, %broadcast_in_dim3A_2216 : vector<1x1xi1>, vector<1x1xf32>
      %and3A_2218 = arith.constant 65535 : i32
      %and3A_2219 = vector.broadcast %and3A_2218 : i32 to vector<1x1xi32>
      %and3A_2220 = arith.andi %bitcast_convert_type3A_2137, %and3A_2219 : vector<1x1xi32>
      %shift_left3A_2221 = arith.constant 16 : i32
      %shift_left3A_2222 = vector.broadcast %shift_left3A_2221 : i32 to vector<1x1xi32>
      %shift_left3A_2223 = arith.shli %and3A_2220, %shift_left3A_2222 : vector<1x1xi32>
      %and3A_2224 = arith.constant 65535 : i32
      %and3A_2225 = vector.broadcast %and3A_2224 : i32 to vector<1x1xi32>
      %and3A_2226 = arith.andi %bitcast_convert_type3A_2149, %and3A_2225 : vector<1x1xi32>
      %or3A_2227 = arith.ori %shift_left3A_2223, %and3A_2226 : vector<1x1xi32>
      %bitcast_convert_type3A_2228 = tpu.bitcast %or3A_2227 : vector<1x1xi32> -> vector<1x1xf32>
      %jit3A_2229 = arith.constant -1.000000e+30 : f32
      %broadcast_in_dim3A_2230 = vector.broadcast %jit3A_2229 : f32 to vector<1x1xf32>
      %select_n3A_2231 = arith.select %lt3A_2203, %bitcast_convert_type3A_2228, %broadcast_in_dim3A_2230 : vector<1x1xi1>, vector<1x1xf32>
      %and3A_2232 = arith.constant 65535 : i32
      %and3A_2233 = vector.broadcast %and3A_2232 : i32 to vector<1x1xi32>
      %and3A_2234 = arith.andi %bitcast_convert_type3A_2161, %and3A_2233 : vector<1x1xi32>
      %shift_left3A_2235 = arith.constant 16 : i32
      %shift_left3A_2236 = vector.broadcast %shift_left3A_2235 : i32 to vector<1x1xi32>
      %shift_left3A_2237 = arith.shli %and3A_2234, %shift_left3A_2236 : vector<1x1xi32>
      %and3A_2238 = arith.constant 65535 : i32
      %and3A_2239 = vector.broadcast %and3A_2238 : i32 to vector<1x1xi32>
      %and3A_2240 = arith.andi %bitcast_convert_type3A_2173, %and3A_2239 : vector<1x1xi32>
      %or3A_2241 = arith.ori %shift_left3A_2237, %and3A_2240 : vector<1x1xi32>
      %bitcast_convert_type3A_2242 = tpu.bitcast %or3A_2241 : vector<1x1xi32> -> vector<1x1xf32>
      %jit3A_2243 = arith.constant -1.000000e+30 : f32
      %broadcast_in_dim3A_2244 = vector.broadcast %jit3A_2243 : f32 to vector<1x1xf32>
      %select_n3A_2245 = arith.select %lt3A_2203, %bitcast_convert_type3A_2242, %broadcast_in_dim3A_2244 : vector<1x1xi1>, vector<1x1xf32>
      %and3A_2246 = arith.constant 65535 : i32
      %and3A_2247 = vector.broadcast %and3A_2246 : i32 to vector<1x1xi32>
      %and3A_2248 = arith.andi %bitcast_convert_type3A_2185, %and3A_2247 : vector<1x1xi32>
      %shift_left3A_2249 = arith.constant 16 : i32
      %shift_left3A_2250 = vector.broadcast %shift_left3A_2249 : i32 to vector<1x1xi32>
      %shift_left3A_2251 = arith.shli %and3A_2248, %shift_left3A_2250 : vector<1x1xi32>
      %and3A_2252 = arith.constant 65535 : i32
      %and3A_2253 = vector.broadcast %and3A_2252 : i32 to vector<1x1xi32>
      %and3A_2254 = arith.andi %bitcast_convert_type3A_2197, %and3A_2253 : vector<1x1xi32>
      %or3A_2255 = arith.ori %shift_left3A_2251, %and3A_2254 : vector<1x1xi32>
      %bitcast_convert_type3A_2256 = tpu.bitcast %or3A_2255 : vector<1x1xi32> -> vector<1x1xf32>
      %jit3A_2257 = arith.constant -1.000000e+30 : f32
      %broadcast_in_dim3A_2258 = vector.broadcast %jit3A_2257 : f32 to vector<1x1xf32>
      %select_n3A_2259 = arith.select %lt3A_2203, %bitcast_convert_type3A_2256, %broadcast_in_dim3A_2258 : vector<1x1xi1>, vector<1x1xf32>
      %sub3A_2260 = arith.subf %select_n3A_2245, %select_n3A_2217 : vector<1x1xf32>
      %sub3A_2261 = arith.subf %select_n3A_2259, %select_n3A_2231 : vector<1x1xf32>
      %mul3A_2262 = arith.mulf %sub3A_2260, %sub3A_2261 : vector<1x1xf32>
      %get3A_2263 = arith.constant 0 : index
      %get3A_2264 = arith.constant 0 : index
      %get3A_2265 = vector.load %arg0[%get3A_2263, %get3A_2264] : memref<8x640xf32, #tpu.memory_space<vmem>>, vector<8x640xf32>
      %get3A_2266 = arith.constant 0 : index
      %get3A_2267 = arith.constant 0 : index
      %get3A_2268 = vector.load %arg1[%get3A_2266, %get3A_2267] : memref<8x640xf32, #tpu.memory_space<vmem>>, vector<8x640xf32>
      %get3A_2269 = arith.constant 0 : index
      %get3A_2270 = arith.constant 0 : index
      %get3A_2271 = vector.load %arg2[%get3A_2269, %get3A_2270] : memref<8x640xf32, #tpu.memory_space<vmem>>, vector<8x640xf32>
      %get3A_2272 = arith.constant 0 : index
      %get3A_2273 = arith.constant 0 : index
      %get3A_2274 = vector.load %arg3[%get3A_2272, %get3A_2273] : memref<8x640xf32, #tpu.memory_space<vmem>>, vector<8x640xf32>
      %min3A_2275 = vector.broadcast %select_n3A_2245 : vector<1x1xf32> to vector<8x640xf32>
      %min3A_2276 = arith.minimumf %min3A_2275, %get3A_2271 : vector<8x640xf32>
      %max3A_2277 = vector.broadcast %select_n3A_2217 : vector<1x1xf32> to vector<8x640xf32>
      %max3A_2278 = arith.maximumf %max3A_2277, %get3A_2265 : vector<8x640xf32>
      %sub3A_2279 = arith.subf %min3A_2276, %max3A_2278 : vector<8x640xf32>
      %max3A_2280 = arith.constant 0.000000e+00 : f32
      %max3A_2281 = vector.broadcast %max3A_2280 : f32 to vector<8x640xf32>
      %max3A_2282 = arith.maximumf %sub3A_2279, %max3A_2281 : vector<8x640xf32>
      %min3A_2283 = vector.broadcast %select_n3A_2259 : vector<1x1xf32> to vector<8x640xf32>
      %min3A_2284 = arith.minimumf %min3A_2283, %get3A_2274 : vector<8x640xf32>
      %max3A_2285 = vector.broadcast %select_n3A_2231 : vector<1x1xf32> to vector<8x640xf32>
      %max3A_2286 = arith.maximumf %max3A_2285, %get3A_2268 : vector<8x640xf32>
      %sub3A_2287 = arith.subf %min3A_2284, %max3A_2286 : vector<8x640xf32>
      %max3A_2288 = arith.constant 0.000000e+00 : f32
      %max3A_2289 = vector.broadcast %max3A_2288 : f32 to vector<8x640xf32>
      %max3A_2290 = arith.maximumf %sub3A_2287, %max3A_2289 : vector<8x640xf32>
      %mul3A_2291 = arith.mulf %max3A_2282, %max3A_2290 : vector<8x640xf32>
      %get3A_2292 = arith.constant 0 : index
      %get3A_2293 = arith.constant 0 : index
      %get3A_2294 = vector.load %arg4[%get3A_2292, %get3A_2293] : memref<8x640xf32, #tpu.memory_space<vmem>>, vector<8x640xf32>
      %add3A_2295 = vector.broadcast %mul3A_2262 : vector<1x1xf32> to vector<8x640xf32>
      %add3A_2296 = arith.addf %add3A_2295, %get3A_2294 : vector<8x640xf32>
      %sub3A_2297 = arith.subf %add3A_2296, %mul3A_2291 : vector<8x640xf32>
      %mul3A_2298 = arith.constant 2.000000e-01 : f32
      %mul3A_2299 = vector.broadcast %mul3A_2298 : f32 to vector<8x640xf32>
      %mul3A_2300 = arith.mulf %mul3A_2299, %sub3A_2297 : vector<8x640xf32>
      %gt3A_2301 = arith.cmpf ogt, %mul3A_2291, %mul3A_2300 : vector<8x640xf32>
      %eq3A_2302 = vector.broadcast %shift_right_arithmetic3A_2200 : vector<1x1xi32> to vector<8x640xi32>
      %eq3A_2303 = arith.cmpi eq, %get3A_2098, %eq3A_2302 : vector<8x640xi32>
      %and3A_2304 = vector.broadcast %lt3A_2203 : vector<1x1xi1> to vector<8x640xi1>
      %and3A_2305 = arith.andi %eq3A_2303, %and3A_2304 : vector<8x640xi1>
      %jit3A_2306 = arith.constant 16384 : i32
      %broadcast_in_dim3A_2307 = vector.broadcast %jit3A_2306 : i32 to vector<8x640xi32>
      %select_n3A_2308 = arith.select %gt3A_2301, %broadcast_in_dim3A_2307, %get3A_2098 : vector<8x640xi1>, vector<8x640xi32>
      %jit3A_2309 = arith.constant 12288 : i32
      %broadcast_in_dim3A_2310 = vector.broadcast %jit3A_2309 : i32 to vector<8x640xi32>
      %select_n3A_2311 = arith.select %and3A_2305, %broadcast_in_dim3A_2310, %select_n3A_2308 : vector<8x640xi1>, vector<8x640xi32>
      %swap3A_2312 = arith.constant 0 : index
      %swap3A_2313 = arith.constant 0 : index
      %swap3A_2314 = vector.load %arg7[%swap3A_2312, %swap3A_2313] : memref<8x640xi32, #tpu.memory_space<vmem>>, vector<8x640xi32>
      tpu.vector_store %arg7[%swap3A_2312, %swap3A_2313], %select_n3A_2311 {strides = array<i32>} : memref<8x640xi32, #tpu.memory_space<vmem>>, vector<8x640xi32>,
      %scan3A_2315 = arith.constant 10 : i32
      %get3A_2316 = arith.constant 0 : index
      %get3A_2317 = arith.constant 0 : index
      %get3A_2318 = vector.load %arg7[%get3A_2316, %get3A_2317] : memref<8x640xi32, #tpu.memory_space<vmem>>, vector<8x640xi32>
      %shift_left3A_2319 = arith.constant 16 : i32
      %shift_left3A_2320 = vector.broadcast %shift_left3A_2319 : i32 to vector<8x640xi32>
      %shift_left3A_2321 = arith.shli %get3A_2318, %shift_left3A_2320 : vector<8x640xi32>
      %get3A_2322 = arith.constant 0 : index
      %get3A_2323 = arith.constant 0 : index
      %get3A_2324 = vector.load %arg8[%get3A_2322, %get3A_2323] : memref<8x640xi32, #tpu.memory_space<vmem>>, vector<8x640xi32>
      %or3A_2325 = arith.ori %shift_left3A_2321, %get3A_2324 : vector<8x640xi32>
      %bitcast_convert_type3A_2326 = tpu.bitcast %or3A_2325 : vector<8x640xi32> -> vector<8x640xf32>
      %reduce_min3A_2327 = arith.constant dense<0x7F800000> : vector<8xf32>
      %reduce_min3A_2328 = vector.multi_reduction <minimumf>, %bitcast_convert_type3A_2326, %reduce_min3A_2327 [1] : vector<8x640xf32> to vector<8xf32>
      %broadcast_in_dim3A_2329 = vector.shape_cast %reduce_min3A_2328 : vector<8xf32> to vector<8x1xf32>
      %reduce_min3A_2330 = arith.constant dense<0x7F800000> : vector<1xf32>
      %reduce_min3A_2331 = vector.multi_reduction <minimumf>, %broadcast_in_dim3A_2329, %reduce_min3A_2330 [0] : vector<8x1xf32> to vector<1xf32>
      %broadcast_in_dim3A_2332 = vector.shape_cast %reduce_min3A_2331 : vector<1xf32> to vector<1x1xf32>
      %bitcast_convert_type3A_2333 = tpu.bitcast %broadcast_in_dim3A_2332 : vector<1x1xf32> -> vector<1x1xi32>
      %get3A_2334 = arith.constant 0 : index
      %get3A_2335 = arith.constant 0 : index
      %get3A_2336 = vector.load %arg9[%get3A_2334, %get3A_2335] : memref<8x640xi32, #tpu.memory_space<vmem>>, vector<8x640xi32>
      %or3A_2337 = arith.ori %shift_left3A_2321, %get3A_2336 : vector<8x640xi32>
      %bitcast_convert_type3A_2338 = tpu.bitcast %or3A_2337 : vector<8x640xi32> -> vector<8x640xf32>
      %reduce_min3A_2339 = arith.constant dense<0x7F800000> : vector<8xf32>
      %reduce_min3A_2340 = vector.multi_reduction <minimumf>, %bitcast_convert_type3A_2338, %reduce_min3A_2339 [1] : vector<8x640xf32> to vector<8xf32>
      %broadcast_in_dim3A_2341 = vector.shape_cast %reduce_min3A_2340 : vector<8xf32> to vector<8x1xf32>
      %reduce_min3A_2342 = arith.constant dense<0x7F800000> : vector<1xf32>
      %reduce_min3A_2343 = vector.multi_reduction <minimumf>, %broadcast_in_dim3A_2341, %reduce_min3A_2342 [0] : vector<8x1xf32> to vector<1xf32>
      %broadcast_in_dim3A_2344 = vector.shape_cast %reduce_min3A_2343 : vector<1xf32> to vector<1x1xf32>
      %bitcast_convert_type3A_2345 = tpu.bitcast %broadcast_in_dim3A_2344 : vector<1x1xf32> -> vector<1x1xi32>
      %get3A_2346 = arith.constant 0 : index
      %get3A_2347 = arith.constant 0 : index
      %get3A_2348 = vector.load %arg10[%get3A_2346, %get3A_2347] : memref<8x640xi32, #tpu.memory_space<vmem>>, vector<8x640xi32>
      %or3A_2349 = arith.ori %shift_left3A_2321, %get3A_2348 : vector<8x640xi32>
      %bitcast_convert_type3A_2350 = tpu.bitcast %or3A_2349 : vector<8x640xi32> -> vector<8x640xf32>
      %reduce_min3A_2351 = arith.constant dense<0x7F800000> : vector<8xf32>
      %reduce_min3A_2352 = vector.multi_reduction <minimumf>, %bitcast_convert_type3A_2350, %reduce_min3A_2351 [1] : vector<8x640xf32> to vector<8xf32>
      %broadcast_in_dim3A_2353 = vector.shape_cast %reduce_min3A_2352 : vector<8xf32> to vector<8x1xf32>
      %reduce_min3A_2354 = arith.constant dense<0x7F800000> : vector<1xf32>
      %reduce_min3A_2355 = vector.multi_reduction <minimumf>, %broadcast_in_dim3A_2353, %reduce_min3A_2354 [0] : vector<8x1xf32> to vector<1xf32>
      %broadcast_in_dim3A_2356 = vector.shape_cast %reduce_min3A_2355 : vector<1xf32> to vector<1x1xf32>
      %bitcast_convert_type3A_2357 = tpu.bitcast %broadcast_in_dim3A_2356 : vector<1x1xf32> -> vector<1x1xi32>
      %get3A_2358 = arith.constant 0 : index
      %get3A_2359 = arith.constant 0 : index
      %get3A_2360 = vector.load %arg11[%get3A_2358, %get3A_2359] : memref<8x640xi32, #tpu.memory_space<vmem>>, vector<8x640xi32>
      %or3A_2361 = arith.ori %shift_left3A_2321, %get3A_2360 : vector<8x640xi32>
      %bitcast_convert_type3A_2362 = tpu.bitcast %or3A_2361 : vector<8x640xi32> -> vector<8x640xf32>
      %reduce_min3A_2363 = arith.constant dense<0x7F800000> : vector<8xf32>
      %reduce_min3A_2364 = vector.multi_reduction <minimumf>, %bitcast_convert_type3A_2362, %reduce_min3A_2363 [1] : vector<8x640xf32> to vector<8xf32>
      %broadcast_in_dim3A_2365 = vector.shape_cast %reduce_min3A_2364 : vector<8xf32> to vector<8x1xf32>
      %reduce_min3A_2366 = arith.constant dense<0x7F800000> : vector<1xf32>
      %reduce_min3A_2367 = vector.multi_reduction <minimumf>, %broadcast_in_dim3A_2365, %reduce_min3A_2366 [0] : vector<8x1xf32> to vector<1xf32>
      %broadcast_in_dim3A_2368 = vector.shape_cast %reduce_min3A_2367 : vector<1xf32> to vector<1x1xf32>
      %bitcast_convert_type3A_2369 = tpu.bitcast %broadcast_in_dim3A_2368 : vector<1x1xf32> -> vector<1x1xi32>
      %get3A_2370 = arith.constant 0 : index
      %get3A_2371 = arith.constant 0 : index
      %get3A_2372 = vector.load %arg12[%get3A_2370, %get3A_2371] : memref<8x640xi32, #tpu.memory_space<vmem>>, vector<8x640xi32>
      %or3A_2373 = arith.ori %shift_left3A_2321, %get3A_2372 : vector<8x640xi32>
      %bitcast_convert_type3A_2374 = tpu.bitcast %or3A_2373 : vector<8x640xi32> -> vector<8x640xf32>
      %reduce_min3A_2375 = arith.constant dense<0x7F800000> : vector<8xf32>
      %reduce_min3A_2376 = vector.multi_reduction <minimumf>, %bitcast_convert_type3A_2374, %reduce_min3A_2375 [1] : vector<8x640xf32> to vector<8xf32>
      %broadcast_in_dim3A_2377 = vector.shape_cast %reduce_min3A_2376 : vector<8xf32> to vector<8x1xf32>
      %reduce_min3A_2378 = arith.constant dense<0x7F800000> : vector<1xf32>
      %reduce_min3A_2379 = vector.multi_reduction <minimumf>, %broadcast_in_dim3A_2377, %reduce_min3A_2378 [0] : vector<8x1xf32> to vector<1xf32>
      %broadcast_in_dim3A_2380 = vector.shape_cast %reduce_min3A_2379 : vector<1xf32> to vector<1x1xf32>
      %bitcast_convert_type3A_2381 = tpu.bitcast %broadcast_in_dim3A_2380 : vector<1x1xf32> -> vector<1x1xi32>
      %get3A_2382 = arith.constant 0 : index
      %get3A_2383 = arith.constant 0 : index
      %get3A_2384 = vector.load %arg13[%get3A_2382, %get3A_2383] : memref<8x640xi32, #tpu.memory_space<vmem>>, vector<8x640xi32>
      %or3A_2385 = arith.ori %shift_left3A_2321, %get3A_2384 : vector<8x640xi32>
      %bitcast_convert_type3A_2386 = tpu.bitcast %or3A_2385 : vector<8x640xi32> -> vector<8x640xf32>
      %reduce_min3A_2387 = arith.constant dense<0x7F800000> : vector<8xf32>
      %reduce_min3A_2388 = vector.multi_reduction <minimumf>, %bitcast_convert_type3A_2386, %reduce_min3A_2387 [1] : vector<8x640xf32> to vector<8xf32>
      %broadcast_in_dim3A_2389 = vector.shape_cast %reduce_min3A_2388 : vector<8xf32> to vector<8x1xf32>
      %reduce_min3A_2390 = arith.constant dense<0x7F800000> : vector<1xf32>
      %reduce_min3A_2391 = vector.multi_reduction <minimumf>, %broadcast_in_dim3A_2389, %reduce_min3A_2390 [0] : vector<8x1xf32> to vector<1xf32>
      %broadcast_in_dim3A_2392 = vector.shape_cast %reduce_min3A_2391 : vector<1xf32> to vector<1x1xf32>
      %bitcast_convert_type3A_2393 = tpu.bitcast %broadcast_in_dim3A_2392 : vector<1x1xf32> -> vector<1x1xi32>
      %get3A_2394 = arith.constant 0 : index
      %get3A_2395 = arith.constant 0 : index
      %get3A_2396 = vector.load %arg14[%get3A_2394, %get3A_2395] : memref<8x640xi32, #tpu.memory_space<vmem>>, vector<8x640xi32>
      %or3A_2397 = arith.ori %shift_left3A_2321, %get3A_2396 : vector<8x640xi32>
      %bitcast_convert_type3A_2398 = tpu.bitcast %or3A_2397 : vector<8x640xi32> -> vector<8x640xf32>
      %reduce_min3A_2399 = arith.constant dense<0x7F800000> : vector<8xf32>
      %reduce_min3A_2400 = vector.multi_reduction <minimumf>, %bitcast_convert_type3A_2398, %reduce_min3A_2399 [1] : vector<8x640xf32> to vector<8xf32>
      %broadcast_in_dim3A_2401 = vector.shape_cast %reduce_min3A_2400 : vector<8xf32> to vector<8x1xf32>
      %reduce_min3A_2402 = arith.constant dense<0x7F800000> : vector<1xf32>
      %reduce_min3A_2403 = vector.multi_reduction <minimumf>, %broadcast_in_dim3A_2401, %reduce_min3A_2402 [0] : vector<8x1xf32> to vector<1xf32>
      %broadcast_in_dim3A_2404 = vector.shape_cast %reduce_min3A_2403 : vector<1xf32> to vector<1x1xf32>
      %bitcast_convert_type3A_2405 = tpu.bitcast %broadcast_in_dim3A_2404 : vector<1x1xf32> -> vector<1x1xi32>
      %get3A_2406 = arith.constant 0 : index
      %get3A_2407 = arith.constant 0 : index
      %get3A_2408 = vector.load %arg15[%get3A_2406, %get3A_2407] : memref<8x640xi32, #tpu.memory_space<vmem>>, vector<8x640xi32>
      %or3A_2409 = arith.ori %shift_left3A_2321, %get3A_2408 : vector<8x640xi32>
      %bitcast_convert_type3A_2410 = tpu.bitcast %or3A_2409 : vector<8x640xi32> -> vector<8x640xf32>
      %reduce_min3A_2411 = arith.constant dense<0x7F800000> : vector<8xf32>
      %reduce_min3A_2412 = vector.multi_reduction <minimumf>, %bitcast_convert_type3A_2410, %reduce_min3A_2411 [1] : vector<8x640xf32> to vector<8xf32>
      %broadcast_in_dim3A_2413 = vector.shape_cast %reduce_min3A_2412 : vector<8xf32> to vector<8x1xf32>
      %reduce_min3A_2414 = arith.constant dense<0x7F800000> : vector<1xf32>
      %reduce_min3A_2415 = vector.multi_reduction <minimumf>, %broadcast_in_dim3A_2413, %reduce_min3A_2414 [0] : vector<8x1xf32> to vector<1xf32>
      %broadcast_in_dim3A_2416 = vector.shape_cast %reduce_min3A_2415 : vector<1xf32> to vector<1x1xf32>
      %bitcast_convert_type3A_2417 = tpu.bitcast %broadcast_in_dim3A_2416 : vector<1x1xf32> -> vector<1x1xi32>
      %shift_right_arithmetic3A_2418 = arith.constant 16 : i32
      %shift_right_arithmetic3A_2419 = vector.broadcast %shift_right_arithmetic3A_2418 : i32 to vector<1x1xi32>
      %shift_right_arithmetic3A_2420 = arith.shrsi %bitcast_convert_type3A_2333, %shift_right_arithmetic3A_2419 : vector<1x1xi32>
      %lt3A_2421 = arith.constant 8320 : i32
      %lt3A_2422 = vector.broadcast %lt3A_2421 : i32 to vector<1x1xi32>
      %lt3A_2423 = arith.cmpi slt, %shift_right_arithmetic3A_2420, %lt3A_2422 : vector<1x1xi32>
      %and3A_2424 = arith.constant 65535 : i32
      %and3A_2425 = vector.broadcast %and3A_2424 : i32 to vector<1x1xi32>
      %and3A_2426 = arith.andi %bitcast_convert_type3A_2333, %and3A_2425 : vector<1x1xi32>
      %shift_left3A_2427 = arith.constant 16 : i32
      %shift_left3A_2428 = vector.broadcast %shift_left3A_2427 : i32 to vector<1x1xi32>
      %shift_left3A_2429 = arith.shli %and3A_2426, %shift_left3A_2428 : vector<1x1xi32>
      %and3A_2430 = arith.constant 65535 : i32
      %and3A_2431 = vector.broadcast %and3A_2430 : i32 to vector<1x1xi32>
      %and3A_2432 = arith.andi %bitcast_convert_type3A_2345, %and3A_2431 : vector<1x1xi32>
      %or3A_2433 = arith.ori %shift_left3A_2429, %and3A_2432 : vector<1x1xi32>
      %bitcast_convert_type3A_2434 = tpu.bitcast %or3A_2433 : vector<1x1xi32> -> vector<1x1xf32>
      %jit3A_2435 = arith.constant -1.000000e+30 : f32
      %broadcast_in_dim3A_2436 = vector.broadcast %jit3A_2435 : f32 to vector<1x1xf32>
      %select_n3A_2437 = arith.select %lt3A_2423, %bitcast_convert_type3A_2434, %broadcast_in_dim3A_2436 : vector<1x1xi1>, vector<1x1xf32>
      %and3A_2438 = arith.constant 65535 : i32
      %and3A_2439 = vector.broadcast %and3A_2438 : i32 to vector<1x1xi32>
      %and3A_2440 = arith.andi %bitcast_convert_type3A_2357, %and3A_2439 : vector<1x1xi32>
      %shift_left3A_2441 = arith.constant 16 : i32
      %shift_left3A_2442 = vector.broadcast %shift_left3A_2441 : i32 to vector<1x1xi32>
      %shift_left3A_2443 = arith.shli %and3A_2440, %shift_left3A_2442 : vector<1x1xi32>
      %and3A_2444 = arith.constant 65535 : i32
      %and3A_2445 = vector.broadcast %and3A_2444 : i32 to vector<1x1xi32>
      %and3A_2446 = arith.andi %bitcast_convert_type3A_2369, %and3A_2445 : vector<1x1xi32>
      %or3A_2447 = arith.ori %shift_left3A_2443, %and3A_2446 : vector<1x1xi32>
      %bitcast_convert_type3A_2448 = tpu.bitcast %or3A_2447 : vector<1x1xi32> -> vector<1x1xf32>
      %jit3A_2449 = arith.constant -1.000000e+30 : f32
      %broadcast_in_dim3A_2450 = vector.broadcast %jit3A_2449 : f32 to vector<1x1xf32>
      %select_n3A_2451 = arith.select %lt3A_2423, %bitcast_convert_type3A_2448, %broadcast_in_dim3A_2450 : vector<1x1xi1>, vector<1x1xf32>
      %and3A_2452 = arith.constant 65535 : i32
      %and3A_2453 = vector.broadcast %and3A_2452 : i32 to vector<1x1xi32>
      %and3A_2454 = arith.andi %bitcast_convert_type3A_2381, %and3A_2453 : vector<1x1xi32>
      %shift_left3A_2455 = arith.constant 16 : i32
      %shift_left3A_2456 = vector.broadcast %shift_left3A_2455 : i32 to vector<1x1xi32>
      %shift_left3A_2457 = arith.shli %and3A_2454, %shift_left3A_2456 : vector<1x1xi32>
      %and3A_2458 = arith.constant 65535 : i32
      %and3A_2459 = vector.broadcast %and3A_2458 : i32 to vector<1x1xi32>
      %and3A_2460 = arith.andi %bitcast_convert_type3A_2393, %and3A_2459 : vector<1x1xi32>
      %or3A_2461 = arith.ori %shift_left3A_2457, %and3A_2460 : vector<1x1xi32>
      %bitcast_convert_type3A_2462 = tpu.bitcast %or3A_2461 : vector<1x1xi32> -> vector<1x1xf32>
      %jit3A_2463 = arith.constant -1.000000e+30 : f32
      %broadcast_in_dim3A_2464 = vector.broadcast %jit3A_2463 : f32 to vector<1x1xf32>
      %select_n3A_2465 = arith.select %lt3A_2423, %bitcast_convert_type3A_2462, %broadcast_in_dim3A_2464 : vector<1x1xi1>, vector<1x1xf32>
      %and3A_2466 = arith.constant 65535 : i32
      %and3A_2467 = vector.broadcast %and3A_2466 : i32 to vector<1x1xi32>
      %and3A_2468 = arith.andi %bitcast_convert_type3A_2405, %and3A_2467 : vector<1x1xi32>
      %shift_left3A_2469 = arith.constant 16 : i32
      %shift_left3A_2470 = vector.broadcast %shift_left3A_2469 : i32 to vector<1x1xi32>
      %shift_left3A_2471 = arith.shli %and3A_2468, %shift_left3A_2470 : vector<1x1xi32>
      %and3A_2472 = arith.constant 65535 : i32
      %and3A_2473 = vector.broadcast %and3A_2472 : i32 to vector<1x1xi32>
      %and3A_2474 = arith.andi %bitcast_convert_type3A_2417, %and3A_2473 : vector<1x1xi32>
      %or3A_2475 = arith.ori %shift_left3A_2471, %and3A_2474 : vector<1x1xi32>
      %bitcast_convert_type3A_2476 = tpu.bitcast %or3A_2475 : vector<1x1xi32> -> vector<1x1xf32>
      %jit3A_2477 = arith.constant -1.000000e+30 : f32
      %broadcast_in_dim3A_2478 = vector.broadcast %jit3A_2477 : f32 to vector<1x1xf32>
      %select_n3A_2479 = arith.select %lt3A_2423, %bitcast_convert_type3A_2476, %broadcast_in_dim3A_2478 : vector<1x1xi1>, vector<1x1xf32>
      %sub3A_2480 = arith.subf %select_n3A_2465, %select_n3A_2437 : vector<1x1xf32>
      %sub3A_2481 = arith.subf %select_n3A_2479, %select_n3A_2451 : vector<1x1xf32>
      %mul3A_2482 = arith.mulf %sub3A_2480, %sub3A_2481 : vector<1x1xf32>
      %get3A_2483 = arith.constant 0 : index
      %get3A_2484 = arith.constant 0 : index
      %get3A_2485 = vector.load %arg0[%get3A_2483, %get3A_2484] : memref<8x640xf32, #tpu.memory_space<vmem>>, vector<8x640xf32>
      %get3A_2486 = arith.constant 0 : index
      %get3A_2487 = arith.constant 0 : index
      %get3A_2488 = vector.load %arg1[%get3A_2486, %get3A_2487] : memref<8x640xf32, #tpu.memory_space<vmem>>, vector<8x640xf32>
      %get3A_2489 = arith.constant 0 : index
      %get3A_2490 = arith.constant 0 : index
      %get3A_2491 = vector.load %arg2[%get3A_2489, %get3A_2490] : memref<8x640xf32, #tpu.memory_space<vmem>>, vector<8x640xf32>
      %get3A_2492 = arith.constant 0 : index
      %get3A_2493 = arith.constant 0 : index
      %get3A_2494 = vector.load %arg3[%get3A_2492, %get3A_2493] : memref<8x640xf32, #tpu.memory_space<vmem>>, vector<8x640xf32>
      %min3A_2495 = vector.broadcast %select_n3A_2465 : vector<1x1xf32> to vector<8x640xf32>
      %min3A_2496 = arith.minimumf %min3A_2495, %get3A_2491 : vector<8x640xf32>
      %max3A_2497 = vector.broadcast %select_n3A_2437 : vector<1x1xf32> to vector<8x640xf32>
      %max3A_2498 = arith.maximumf %max3A_2497, %get3A_2485 : vector<8x640xf32>
      %sub3A_2499 = arith.subf %min3A_2496, %max3A_2498 : vector<8x640xf32>
      %max3A_2500 = arith.constant 0.000000e+00 : f32
      %max3A_2501 = vector.broadcast %max3A_2500 : f32 to vector<8x640xf32>
      %max3A_2502 = arith.maximumf %sub3A_2499, %max3A_2501 : vector<8x640xf32>
      %min3A_2503 = vector.broadcast %select_n3A_2479 : vector<1x1xf32> to vector<8x640xf32>
      %min3A_2504 = arith.minimumf %min3A_2503, %get3A_2494 : vector<8x640xf32>
      %max3A_2505 = vector.broadcast %select_n3A_2451 : vector<1x1xf32> to vector<8x640xf32>
      %max3A_2506 = arith.maximumf %max3A_2505, %get3A_2488 : vector<8x640xf32>
      %sub3A_2507 = arith.subf %min3A_2504, %max3A_2506 : vector<8x640xf32>
      %max3A_2508 = arith.constant 0.000000e+00 : f32
      %max3A_2509 = vector.broadcast %max3A_2508 : f32 to vector<8x640xf32>
      %max3A_2510 = arith.maximumf %sub3A_2507, %max3A_2509 : vector<8x640xf32>
      %mul3A_2511 = arith.mulf %max3A_2502, %max3A_2510 : vector<8x640xf32>
      %get3A_2512 = arith.constant 0 : index
      %get3A_2513 = arith.constant 0 : index
      %get3A_2514 = vector.load %arg4[%get3A_2512, %get3A_2513] : memref<8x640xf32, #tpu.memory_space<vmem>>, vector<8x640xf32>
      %add3A_2515 = vector.broadcast %mul3A_2482 : vector<1x1xf32> to vector<8x640xf32>
      %add3A_2516 = arith.addf %add3A_2515, %get3A_2514 : vector<8x640xf32>
      %sub3A_2517 = arith.subf %add3A_2516, %mul3A_2511 : vector<8x640xf32>
      %mul3A_2518 = arith.constant 2.000000e-01 : f32
      %mul3A_2519 = vector.broadcast %mul3A_2518 : f32 to vector<8x640xf32>
      %mul3A_2520 = arith.mulf %mul3A_2519, %sub3A_2517 : vector<8x640xf32>
      %gt3A_2521 = arith.cmpf ogt, %mul3A_2511, %mul3A_2520 : vector<8x640xf32>
      %eq3A_2522 = vector.broadcast %shift_right_arithmetic3A_2420 : vector<1x1xi32> to vector<8x640xi32>
      %eq3A_2523 = arith.cmpi eq, %get3A_2318, %eq3A_2522 : vector<8x640xi32>
      %and3A_2524 = vector.broadcast %lt3A_2423 : vector<1x1xi1> to vector<8x640xi1>
      %and3A_2525 = arith.andi %eq3A_2523, %and3A_2524 : vector<8x640xi1>
      %jit3A_2526 = arith.constant 16384 : i32
      %broadcast_in_dim3A_2527 = vector.broadcast %jit3A_2526 : i32 to vector<8x640xi32>
      %select_n3A_2528 = arith.select %gt3A_2521, %broadcast_in_dim3A_2527, %get3A_2318 : vector<8x640xi1>, vector<8x640xi32>
      %jit3A_2529 = arith.constant 12288 : i32
      %broadcast_in_dim3A_2530 = vector.broadcast %jit3A_2529 : i32 to vector<8x640xi32>
      %select_n3A_2531 = arith.select %and3A_2525, %broadcast_in_dim3A_2530, %select_n3A_2528 : vector<8x640xi1>, vector<8x640xi32>
      %swap3A_2532 = arith.constant 0 : index
      %swap3A_2533 = arith.constant 0 : index
      %swap3A_2534 = vector.load %arg7[%swap3A_2532, %swap3A_2533] : memref<8x640xi32, #tpu.memory_space<vmem>>, vector<8x640xi32>
      tpu.vector_store %arg7[%swap3A_2532, %swap3A_2533], %select_n3A_2531 {strides = array<i32>} : memref<8x640xi32, #tpu.memory_space<vmem>>, vector<8x640xi32>,
      %scan3A_2535 = arith.constant 11 : i32
      %get3A_2536 = arith.constant 0 : index
      %get3A_2537 = arith.constant 0 : index
      %get3A_2538 = vector.load %arg7[%get3A_2536, %get3A_2537] : memref<8x640xi32, #tpu.memory_space<vmem>>, vector<8x640xi32>
      %shift_left3A_2539 = arith.constant 16 : i32
      %shift_left3A_2540 = vector.broadcast %shift_left3A_2539 : i32 to vector<8x640xi32>
      %shift_left3A_2541 = arith.shli %get3A_2538, %shift_left3A_2540 : vector<8x640xi32>
      %get3A_2542 = arith.constant 0 : index
      %get3A_2543 = arith.constant 0 : index
      %get3A_2544 = vector.load %arg8[%get3A_2542, %get3A_2543] : memref<8x640xi32, #tpu.memory_space<vmem>>, vector<8x640xi32>
      %or3A_2545 = arith.ori %shift_left3A_2541, %get3A_2544 : vector<8x640xi32>
      %bitcast_convert_type3A_2546 = tpu.bitcast %or3A_2545 : vector<8x640xi32> -> vector<8x640xf32>
      %reduce_min3A_2547 = arith.constant dense<0x7F800000> : vector<8xf32>
      %reduce_min3A_2548 = vector.multi_reduction <minimumf>, %bitcast_convert_type3A_2546, %reduce_min3A_2547 [1] : vector<8x640xf32> to vector<8xf32>
      %broadcast_in_dim3A_2549 = vector.shape_cast %reduce_min3A_2548 : vector<8xf32> to vector<8x1xf32>
      %reduce_min3A_2550 = arith.constant dense<0x7F800000> : vector<1xf32>
      %reduce_min3A_2551 = vector.multi_reduction <minimumf>, %broadcast_in_dim3A_2549, %reduce_min3A_2550 [0] : vector<8x1xf32> to vector<1xf32>
      %broadcast_in_dim3A_2552 = vector.shape_cast %reduce_min3A_2551 : vector<1xf32> to vector<1x1xf32>
      %bitcast_convert_type3A_2553 = tpu.bitcast %broadcast_in_dim3A_2552 : vector<1x1xf32> -> vector<1x1xi32>
      %get3A_2554 = arith.constant 0 : index
      %get3A_2555 = arith.constant 0 : index
      %get3A_2556 = vector.load %arg9[%get3A_2554, %get3A_2555] : memref<8x640xi32, #tpu.memory_space<vmem>>, vector<8x640xi32>
      %or3A_2557 = arith.ori %shift_left3A_2541, %get3A_2556 : vector<8x640xi32>
      %bitcast_convert_type3A_2558 = tpu.bitcast %or3A_2557 : vector<8x640xi32> -> vector<8x640xf32>
      %reduce_min3A_2559 = arith.constant dense<0x7F800000> : vector<8xf32>
      %reduce_min3A_2560 = vector.multi_reduction <minimumf>, %bitcast_convert_type3A_2558, %reduce_min3A_2559 [1] : vector<8x640xf32> to vector<8xf32>
      %broadcast_in_dim3A_2561 = vector.shape_cast %reduce_min3A_2560 : vector<8xf32> to vector<8x1xf32>
      %reduce_min3A_2562 = arith.constant dense<0x7F800000> : vector<1xf32>
      %reduce_min3A_2563 = vector.multi_reduction <minimumf>, %broadcast_in_dim3A_2561, %reduce_min3A_2562 [0] : vector<8x1xf32> to vector<1xf32>
      %broadcast_in_dim3A_2564 = vector.shape_cast %reduce_min3A_2563 : vector<1xf32> to vector<1x1xf32>
      %bitcast_convert_type3A_2565 = tpu.bitcast %broadcast_in_dim3A_2564 : vector<1x1xf32> -> vector<1x1xi32>
      %get3A_2566 = arith.constant 0 : index
      %get3A_2567 = arith.constant 0 : index
      %get3A_2568 = vector.load %arg10[%get3A_2566, %get3A_2567] : memref<8x640xi32, #tpu.memory_space<vmem>>, vector<8x640xi32>
      %or3A_2569 = arith.ori %shift_left3A_2541, %get3A_2568 : vector<8x640xi32>
      %bitcast_convert_type3A_2570 = tpu.bitcast %or3A_2569 : vector<8x640xi32> -> vector<8x640xf32>
      %reduce_min3A_2571 = arith.constant dense<0x7F800000> : vector<8xf32>
      %reduce_min3A_2572 = vector.multi_reduction <minimumf>, %bitcast_convert_type3A_2570, %reduce_min3A_2571 [1] : vector<8x640xf32> to vector<8xf32>
      %broadcast_in_dim3A_2573 = vector.shape_cast %reduce_min3A_2572 : vector<8xf32> to vector<8x1xf32>
      %reduce_min3A_2574 = arith.constant dense<0x7F800000> : vector<1xf32>
      %reduce_min3A_2575 = vector.multi_reduction <minimumf>, %broadcast_in_dim3A_2573, %reduce_min3A_2574 [0] : vector<8x1xf32> to vector<1xf32>
      %broadcast_in_dim3A_2576 = vector.shape_cast %reduce_min3A_2575 : vector<1xf32> to vector<1x1xf32>
      %bitcast_convert_type3A_2577 = tpu.bitcast %broadcast_in_dim3A_2576 : vector<1x1xf32> -> vector<1x1xi32>
      %get3A_2578 = arith.constant 0 : index
      %get3A_2579 = arith.constant 0 : index
      %get3A_2580 = vector.load %arg11[%get3A_2578, %get3A_2579] : memref<8x640xi32, #tpu.memory_space<vmem>>, vector<8x640xi32>
      %or3A_2581 = arith.ori %shift_left3A_2541, %get3A_2580 : vector<8x640xi32>
      %bitcast_convert_type3A_2582 = tpu.bitcast %or3A_2581 : vector<8x640xi32> -> vector<8x640xf32>
      %reduce_min3A_2583 = arith.constant dense<0x7F800000> : vector<8xf32>
      %reduce_min3A_2584 = vector.multi_reduction <minimumf>, %bitcast_convert_type3A_2582, %reduce_min3A_2583 [1] : vector<8x640xf32> to vector<8xf32>
      %broadcast_in_dim3A_2585 = vector.shape_cast %reduce_min3A_2584 : vector<8xf32> to vector<8x1xf32>
      %reduce_min3A_2586 = arith.constant dense<0x7F800000> : vector<1xf32>
      %reduce_min3A_2587 = vector.multi_reduction <minimumf>, %broadcast_in_dim3A_2585, %reduce_min3A_2586 [0] : vector<8x1xf32> to vector<1xf32>
      %broadcast_in_dim3A_2588 = vector.shape_cast %reduce_min3A_2587 : vector<1xf32> to vector<1x1xf32>
      %bitcast_convert_type3A_2589 = tpu.bitcast %broadcast_in_dim3A_2588 : vector<1x1xf32> -> vector<1x1xi32>
      %get3A_2590 = arith.constant 0 : index
      %get3A_2591 = arith.constant 0 : index
      %get3A_2592 = vector.load %arg12[%get3A_2590, %get3A_2591] : memref<8x640xi32, #tpu.memory_space<vmem>>, vector<8x640xi32>
      %or3A_2593 = arith.ori %shift_left3A_2541, %get3A_2592 : vector<8x640xi32>
      %bitcast_convert_type3A_2594 = tpu.bitcast %or3A_2593 : vector<8x640xi32> -> vector<8x640xf32>
      %reduce_min3A_2595 = arith.constant dense<0x7F800000> : vector<8xf32>
      %reduce_min3A_2596 = vector.multi_reduction <minimumf>, %bitcast_convert_type3A_2594, %reduce_min3A_2595 [1] : vector<8x640xf32> to vector<8xf32>
      %broadcast_in_dim3A_2597 = vector.shape_cast %reduce_min3A_2596 : vector<8xf32> to vector<8x1xf32>
      %reduce_min3A_2598 = arith.constant dense<0x7F800000> : vector<1xf32>
      %reduce_min3A_2599 = vector.multi_reduction <minimumf>, %broadcast_in_dim3A_2597, %reduce_min3A_2598 [0] : vector<8x1xf32> to vector<1xf32>
      %broadcast_in_dim3A_2600 = vector.shape_cast %reduce_min3A_2599 : vector<1xf32> to vector<1x1xf32>
      %bitcast_convert_type3A_2601 = tpu.bitcast %broadcast_in_dim3A_2600 : vector<1x1xf32> -> vector<1x1xi32>
      %get3A_2602 = arith.constant 0 : index
      %get3A_2603 = arith.constant 0 : index
      %get3A_2604 = vector.load %arg13[%get3A_2602, %get3A_2603] : memref<8x640xi32, #tpu.memory_space<vmem>>, vector<8x640xi32>
      %or3A_2605 = arith.ori %shift_left3A_2541, %get3A_2604 : vector<8x640xi32>
      %bitcast_convert_type3A_2606 = tpu.bitcast %or3A_2605 : vector<8x640xi32> -> vector<8x640xf32>
      %reduce_min3A_2607 = arith.constant dense<0x7F800000> : vector<8xf32>
      %reduce_min3A_2608 = vector.multi_reduction <minimumf>, %bitcast_convert_type3A_2606, %reduce_min3A_2607 [1] : vector<8x640xf32> to vector<8xf32>
      %broadcast_in_dim3A_2609 = vector.shape_cast %reduce_min3A_2608 : vector<8xf32> to vector<8x1xf32>
      %reduce_min3A_2610 = arith.constant dense<0x7F800000> : vector<1xf32>
      %reduce_min3A_2611 = vector.multi_reduction <minimumf>, %broadcast_in_dim3A_2609, %reduce_min3A_2610 [0] : vector<8x1xf32> to vector<1xf32>
      %broadcast_in_dim3A_2612 = vector.shape_cast %reduce_min3A_2611 : vector<1xf32> to vector<1x1xf32>
      %bitcast_convert_type3A_2613 = tpu.bitcast %broadcast_in_dim3A_2612 : vector<1x1xf32> -> vector<1x1xi32>
      %get3A_2614 = arith.constant 0 : index
      %get3A_2615 = arith.constant 0 : index
      %get3A_2616 = vector.load %arg14[%get3A_2614, %get3A_2615] : memref<8x640xi32, #tpu.memory_space<vmem>>, vector<8x640xi32>
      %or3A_2617 = arith.ori %shift_left3A_2541, %get3A_2616 : vector<8x640xi32>
      %bitcast_convert_type3A_2618 = tpu.bitcast %or3A_2617 : vector<8x640xi32> -> vector<8x640xf32>
      %reduce_min3A_2619 = arith.constant dense<0x7F800000> : vector<8xf32>
      %reduce_min3A_2620 = vector.multi_reduction <minimumf>, %bitcast_convert_type3A_2618, %reduce_min3A_2619 [1] : vector<8x640xf32> to vector<8xf32>
      %broadcast_in_dim3A_2621 = vector.shape_cast %reduce_min3A_2620 : vector<8xf32> to vector<8x1xf32>
      %reduce_min3A_2622 = arith.constant dense<0x7F800000> : vector<1xf32>
      %reduce_min3A_2623 = vector.multi_reduction <minimumf>, %broadcast_in_dim3A_2621, %reduce_min3A_2622 [0] : vector<8x1xf32> to vector<1xf32>
      %broadcast_in_dim3A_2624 = vector.shape_cast %reduce_min3A_2623 : vector<1xf32> to vector<1x1xf32>
      %bitcast_convert_type3A_2625 = tpu.bitcast %broadcast_in_dim3A_2624 : vector<1x1xf32> -> vector<1x1xi32>
      %get3A_2626 = arith.constant 0 : index
      %get3A_2627 = arith.constant 0 : index
      %get3A_2628 = vector.load %arg15[%get3A_2626, %get3A_2627] : memref<8x640xi32, #tpu.memory_space<vmem>>, vector<8x640xi32>
      %or3A_2629 = arith.ori %shift_left3A_2541, %get3A_2628 : vector<8x640xi32>
      %bitcast_convert_type3A_2630 = tpu.bitcast %or3A_2629 : vector<8x640xi32> -> vector<8x640xf32>
      %reduce_min3A_2631 = arith.constant dense<0x7F800000> : vector<8xf32>
      %reduce_min3A_2632 = vector.multi_reduction <minimumf>, %bitcast_convert_type3A_2630, %reduce_min3A_2631 [1] : vector<8x640xf32> to vector<8xf32>
      %broadcast_in_dim3A_2633 = vector.shape_cast %reduce_min3A_2632 : vector<8xf32> to vector<8x1xf32>
      %reduce_min3A_2634 = arith.constant dense<0x7F800000> : vector<1xf32>
      %reduce_min3A_2635 = vector.multi_reduction <minimumf>, %broadcast_in_dim3A_2633, %reduce_min3A_2634 [0] : vector<8x1xf32> to vector<1xf32>
      %broadcast_in_dim3A_2636 = vector.shape_cast %reduce_min3A_2635 : vector<1xf32> to vector<1x1xf32>
      %bitcast_convert_type3A_2637 = tpu.bitcast %broadcast_in_dim3A_2636 : vector<1x1xf32> -> vector<1x1xi32>
      %shift_right_arithmetic3A_2638 = arith.constant 16 : i32
      %shift_right_arithmetic3A_2639 = vector.broadcast %shift_right_arithmetic3A_2638 : i32 to vector<1x1xi32>
      %shift_right_arithmetic3A_2640 = arith.shrsi %bitcast_convert_type3A_2553, %shift_right_arithmetic3A_2639 : vector<1x1xi32>
      %lt3A_2641 = arith.constant 8320 : i32
      %lt3A_2642 = vector.broadcast %lt3A_2641 : i32 to vector<1x1xi32>
      %lt3A_2643 = arith.cmpi slt, %shift_right_arithmetic3A_2640, %lt3A_2642 : vector<1x1xi32>
      %and3A_2644 = arith.constant 65535 : i32
      %and3A_2645 = vector.broadcast %and3A_2644 : i32 to vector<1x1xi32>
      %and3A_2646 = arith.andi %bitcast_convert_type3A_2553, %and3A_2645 : vector<1x1xi32>
      %shift_left3A_2647 = arith.constant 16 : i32
      %shift_left3A_2648 = vector.broadcast %shift_left3A_2647 : i32 to vector<1x1xi32>
      %shift_left3A_2649 = arith.shli %and3A_2646, %shift_left3A_2648 : vector<1x1xi32>
      %and3A_2650 = arith.constant 65535 : i32
      %and3A_2651 = vector.broadcast %and3A_2650 : i32 to vector<1x1xi32>
      %and3A_2652 = arith.andi %bitcast_convert_type3A_2565, %and3A_2651 : vector<1x1xi32>
      %or3A_2653 = arith.ori %shift_left3A_2649, %and3A_2652 : vector<1x1xi32>
      %bitcast_convert_type3A_2654 = tpu.bitcast %or3A_2653 : vector<1x1xi32> -> vector<1x1xf32>
      %jit3A_2655 = arith.constant -1.000000e+30 : f32
      %broadcast_in_dim3A_2656 = vector.broadcast %jit3A_2655 : f32 to vector<1x1xf32>
      %select_n3A_2657 = arith.select %lt3A_2643, %bitcast_convert_type3A_2654, %broadcast_in_dim3A_2656 : vector<1x1xi1>, vector<1x1xf32>
      %and3A_2658 = arith.constant 65535 : i32
      %and3A_2659 = vector.broadcast %and3A_2658 : i32 to vector<1x1xi32>
      %and3A_2660 = arith.andi %bitcast_convert_type3A_2577, %and3A_2659 : vector<1x1xi32>
      %shift_left3A_2661 = arith.constant 16 : i32
      %shift_left3A_2662 = vector.broadcast %shift_left3A_2661 : i32 to vector<1x1xi32>
      %shift_left3A_2663 = arith.shli %and3A_2660, %shift_left3A_2662 : vector<1x1xi32>
      %and3A_2664 = arith.constant 65535 : i32
      %and3A_2665 = vector.broadcast %and3A_2664 : i32 to vector<1x1xi32>
      %and3A_2666 = arith.andi %bitcast_convert_type3A_2589, %and3A_2665 : vector<1x1xi32>
      %or3A_2667 = arith.ori %shift_left3A_2663, %and3A_2666 : vector<1x1xi32>
      %bitcast_convert_type3A_2668 = tpu.bitcast %or3A_2667 : vector<1x1xi32> -> vector<1x1xf32>
      %jit3A_2669 = arith.constant -1.000000e+30 : f32
      %broadcast_in_dim3A_2670 = vector.broadcast %jit3A_2669 : f32 to vector<1x1xf32>
      %select_n3A_2671 = arith.select %lt3A_2643, %bitcast_convert_type3A_2668, %broadcast_in_dim3A_2670 : vector<1x1xi1>, vector<1x1xf32>
      %and3A_2672 = arith.constant 65535 : i32
      %and3A_2673 = vector.broadcast %and3A_2672 : i32 to vector<1x1xi32>
      %and3A_2674 = arith.andi %bitcast_convert_type3A_2601, %and3A_2673 : vector<1x1xi32>
      %shift_left3A_2675 = arith.constant 16 : i32
      %shift_left3A_2676 = vector.broadcast %shift_left3A_2675 : i32 to vector<1x1xi32>
      %shift_left3A_2677 = arith.shli %and3A_2674, %shift_left3A_2676 : vector<1x1xi32>
      %and3A_2678 = arith.constant 65535 : i32
      %and3A_2679 = vector.broadcast %and3A_2678 : i32 to vector<1x1xi32>
      %and3A_2680 = arith.andi %bitcast_convert_type3A_2613, %and3A_2679 : vector<1x1xi32>
      %or3A_2681 = arith.ori %shift_left3A_2677, %and3A_2680 : vector<1x1xi32>
      %bitcast_convert_type3A_2682 = tpu.bitcast %or3A_2681 : vector<1x1xi32> -> vector<1x1xf32>
      %jit3A_2683 = arith.constant -1.000000e+30 : f32
      %broadcast_in_dim3A_2684 = vector.broadcast %jit3A_2683 : f32 to vector<1x1xf32>
      %select_n3A_2685 = arith.select %lt3A_2643, %bitcast_convert_type3A_2682, %broadcast_in_dim3A_2684 : vector<1x1xi1>, vector<1x1xf32>
      %and3A_2686 = arith.constant 65535 : i32
      %and3A_2687 = vector.broadcast %and3A_2686 : i32 to vector<1x1xi32>
      %and3A_2688 = arith.andi %bitcast_convert_type3A_2625, %and3A_2687 : vector<1x1xi32>
      %shift_left3A_2689 = arith.constant 16 : i32
      %shift_left3A_2690 = vector.broadcast %shift_left3A_2689 : i32 to vector<1x1xi32>
      %shift_left3A_2691 = arith.shli %and3A_2688, %shift_left3A_2690 : vector<1x1xi32>
      %and3A_2692 = arith.constant 65535 : i32
      %and3A_2693 = vector.broadcast %and3A_2692 : i32 to vector<1x1xi32>
      %and3A_2694 = arith.andi %bitcast_convert_type3A_2637, %and3A_2693 : vector<1x1xi32>
      %or3A_2695 = arith.ori %shift_left3A_2691, %and3A_2694 : vector<1x1xi32>
      %bitcast_convert_type3A_2696 = tpu.bitcast %or3A_2695 : vector<1x1xi32> -> vector<1x1xf32>
      %jit3A_2697 = arith.constant -1.000000e+30 : f32
      %broadcast_in_dim3A_2698 = vector.broadcast %jit3A_2697 : f32 to vector<1x1xf32>
      %select_n3A_2699 = arith.select %lt3A_2643, %bitcast_convert_type3A_2696, %broadcast_in_dim3A_2698 : vector<1x1xi1>, vector<1x1xf32>
      %sub3A_2700 = arith.subf %select_n3A_2685, %select_n3A_2657 : vector<1x1xf32>
      %sub3A_2701 = arith.subf %select_n3A_2699, %select_n3A_2671 : vector<1x1xf32>
      %mul3A_2702 = arith.mulf %sub3A_2700, %sub3A_2701 : vector<1x1xf32>
      %get3A_2703 = arith.constant 0 : index
      %get3A_2704 = arith.constant 0 : index
      %get3A_2705 = vector.load %arg0[%get3A_2703, %get3A_2704] : memref<8x640xf32, #tpu.memory_space<vmem>>, vector<8x640xf32>
      %get3A_2706 = arith.constant 0 : index
      %get3A_2707 = arith.constant 0 : index
      %get3A_2708 = vector.load %arg1[%get3A_2706, %get3A_2707] : memref<8x640xf32, #tpu.memory_space<vmem>>, vector<8x640xf32>
      %get3A_2709 = arith.constant 0 : index
      %get3A_2710 = arith.constant 0 : index
      %get3A_2711 = vector.load %arg2[%get3A_2709, %get3A_2710] : memref<8x640xf32, #tpu.memory_space<vmem>>, vector<8x640xf32>
      %get3A_2712 = arith.constant 0 : index
      %get3A_2713 = arith.constant 0 : index
      %get3A_2714 = vector.load %arg3[%get3A_2712, %get3A_2713] : memref<8x640xf32, #tpu.memory_space<vmem>>, vector<8x640xf32>
      %min3A_2715 = vector.broadcast %select_n3A_2685 : vector<1x1xf32> to vector<8x640xf32>
      %min3A_2716 = arith.minimumf %min3A_2715, %get3A_2711 : vector<8x640xf32>
      %max3A_2717 = vector.broadcast %select_n3A_2657 : vector<1x1xf32> to vector<8x640xf32>
      %max3A_2718 = arith.maximumf %max3A_2717, %get3A_2705 : vector<8x640xf32>
      %sub3A_2719 = arith.subf %min3A_2716, %max3A_2718 : vector<8x640xf32>
      %max3A_2720 = arith.constant 0.000000e+00 : f32
      %max3A_2721 = vector.broadcast %max3A_2720 : f32 to vector<8x640xf32>
      %max3A_2722 = arith.maximumf %sub3A_2719, %max3A_2721 : vector<8x640xf32>
      %min3A_2723 = vector.broadcast %select_n3A_2699 : vector<1x1xf32> to vector<8x640xf32>
      %min3A_2724 = arith.minimumf %min3A_2723, %get3A_2714 : vector<8x640xf32>
      %max3A_2725 = vector.broadcast %select_n3A_2671 : vector<1x1xf32> to vector<8x640xf32>
      %max3A_2726 = arith.maximumf %max3A_2725, %get3A_2708 : vector<8x640xf32>
      %sub3A_2727 = arith.subf %min3A_2724, %max3A_2726 : vector<8x640xf32>
      %max3A_2728 = arith.constant 0.000000e+00 : f32
      %max3A_2729 = vector.broadcast %max3A_2728 : f32 to vector<8x640xf32>
      %max3A_2730 = arith.maximumf %sub3A_2727, %max3A_2729 : vector<8x640xf32>
      %mul3A_2731 = arith.mulf %max3A_2722, %max3A_2730 : vector<8x640xf32>
      %get3A_2732 = arith.constant 0 : index
      %get3A_2733 = arith.constant 0 : index
      %get3A_2734 = vector.load %arg4[%get3A_2732, %get3A_2733] : memref<8x640xf32, #tpu.memory_space<vmem>>, vector<8x640xf32>
      %add3A_2735 = vector.broadcast %mul3A_2702 : vector<1x1xf32> to vector<8x640xf32>
      %add3A_2736 = arith.addf %add3A_2735, %get3A_2734 : vector<8x640xf32>
      %sub3A_2737 = arith.subf %add3A_2736, %mul3A_2731 : vector<8x640xf32>
      %mul3A_2738 = arith.constant 2.000000e-01 : f32
      %mul3A_2739 = vector.broadcast %mul3A_2738 : f32 to vector<8x640xf32>
      %mul3A_2740 = arith.mulf %mul3A_2739, %sub3A_2737 : vector<8x640xf32>
      %gt3A_2741 = arith.cmpf ogt, %mul3A_2731, %mul3A_2740 : vector<8x640xf32>
      %eq3A_2742 = vector.broadcast %shift_right_arithmetic3A_2640 : vector<1x1xi32> to vector<8x640xi32>
      %eq3A_2743 = arith.cmpi eq, %get3A_2538, %eq3A_2742 : vector<8x640xi32>
      %and3A_2744 = vector.broadcast %lt3A_2643 : vector<1x1xi1> to vector<8x640xi1>
      %and3A_2745 = arith.andi %eq3A_2743, %and3A_2744 : vector<8x640xi1>
      %jit3A_2746 = arith.constant 16384 : i32
      %broadcast_in_dim3A_2747 = vector.broadcast %jit3A_2746 : i32 to vector<8x640xi32>
      %select_n3A_2748 = arith.select %gt3A_2741, %broadcast_in_dim3A_2747, %get3A_2538 : vector<8x640xi1>, vector<8x640xi32>
      %jit3A_2749 = arith.constant 12288 : i32
      %broadcast_in_dim3A_2750 = vector.broadcast %jit3A_2749 : i32 to vector<8x640xi32>
      %select_n3A_2751 = arith.select %and3A_2745, %broadcast_in_dim3A_2750, %select_n3A_2748 : vector<8x640xi1>, vector<8x640xi32>
      %swap3A_2752 = arith.constant 0 : index
      %swap3A_2753 = arith.constant 0 : index
      %swap3A_2754 = vector.load %arg7[%swap3A_2752, %swap3A_2753] : memref<8x640xi32, #tpu.memory_space<vmem>>, vector<8x640xi32>
      tpu.vector_store %arg7[%swap3A_2752, %swap3A_2753], %select_n3A_2751 {strides = array<i32>} : memref<8x640xi32, #tpu.memory_space<vmem>>, vector<8x640xi32>,
      %scan3A_2755 = arith.constant 12 : i32
      %get3A_2756 = arith.constant 0 : index
      %get3A_2757 = arith.constant 0 : index
      %get3A_2758 = vector.load %arg7[%get3A_2756, %get3A_2757] : memref<8x640xi32, #tpu.memory_space<vmem>>, vector<8x640xi32>
      %shift_left3A_2759 = arith.constant 16 : i32
      %shift_left3A_2760 = vector.broadcast %shift_left3A_2759 : i32 to vector<8x640xi32>
      %shift_left3A_2761 = arith.shli %get3A_2758, %shift_left3A_2760 : vector<8x640xi32>
      %get3A_2762 = arith.constant 0 : index
      %get3A_2763 = arith.constant 0 : index
      %get3A_2764 = vector.load %arg8[%get3A_2762, %get3A_2763] : memref<8x640xi32, #tpu.memory_space<vmem>>, vector<8x640xi32>
      %or3A_2765 = arith.ori %shift_left3A_2761, %get3A_2764 : vector<8x640xi32>
      %bitcast_convert_type3A_2766 = tpu.bitcast %or3A_2765 : vector<8x640xi32> -> vector<8x640xf32>
      %reduce_min3A_2767 = arith.constant dense<0x7F800000> : vector<8xf32>
      %reduce_min3A_2768 = vector.multi_reduction <minimumf>, %bitcast_convert_type3A_2766, %reduce_min3A_2767 [1] : vector<8x640xf32> to vector<8xf32>
      %broadcast_in_dim3A_2769 = vector.shape_cast %reduce_min3A_2768 : vector<8xf32> to vector<8x1xf32>
      %reduce_min3A_2770 = arith.constant dense<0x7F800000> : vector<1xf32>
      %reduce_min3A_2771 = vector.multi_reduction <minimumf>, %broadcast_in_dim3A_2769, %reduce_min3A_2770 [0] : vector<8x1xf32> to vector<1xf32>
      %broadcast_in_dim3A_2772 = vector.shape_cast %reduce_min3A_2771 : vector<1xf32> to vector<1x1xf32>
      %bitcast_convert_type3A_2773 = tpu.bitcast %broadcast_in_dim3A_2772 : vector<1x1xf32> -> vector<1x1xi32>
      %get3A_2774 = arith.constant 0 : index
      %get3A_2775 = arith.constant 0 : index
      %get3A_2776 = vector.load %arg9[%get3A_2774, %get3A_2775] : memref<8x640xi32, #tpu.memory_space<vmem>>, vector<8x640xi32>
      %or3A_2777 = arith.ori %shift_left3A_2761, %get3A_2776 : vector<8x640xi32>
      %bitcast_convert_type3A_2778 = tpu.bitcast %or3A_2777 : vector<8x640xi32> -> vector<8x640xf32>
      %reduce_min3A_2779 = arith.constant dense<0x7F800000> : vector<8xf32>
      %reduce_min3A_2780 = vector.multi_reduction <minimumf>, %bitcast_convert_type3A_2778, %reduce_min3A_2779 [1] : vector<8x640xf32> to vector<8xf32>
      %broadcast_in_dim3A_2781 = vector.shape_cast %reduce_min3A_2780 : vector<8xf32> to vector<8x1xf32>
      %reduce_min3A_2782 = arith.constant dense<0x7F800000> : vector<1xf32>
      %reduce_min3A_2783 = vector.multi_reduction <minimumf>, %broadcast_in_dim3A_2781, %reduce_min3A_2782 [0] : vector<8x1xf32> to vector<1xf32>
      %broadcast_in_dim3A_2784 = vector.shape_cast %reduce_min3A_2783 : vector<1xf32> to vector<1x1xf32>
      %bitcast_convert_type3A_2785 = tpu.bitcast %broadcast_in_dim3A_2784 : vector<1x1xf32> -> vector<1x1xi32>
      %get3A_2786 = arith.constant 0 : index
      %get3A_2787 = arith.constant 0 : index
      %get3A_2788 = vector.load %arg10[%get3A_2786, %get3A_2787] : memref<8x640xi32, #tpu.memory_space<vmem>>, vector<8x640xi32>
      %or3A_2789 = arith.ori %shift_left3A_2761, %get3A_2788 : vector<8x640xi32>
      %bitcast_convert_type3A_2790 = tpu.bitcast %or3A_2789 : vector<8x640xi32> -> vector<8x640xf32>
      %reduce_min3A_2791 = arith.constant dense<0x7F800000> : vector<8xf32>
      %reduce_min3A_2792 = vector.multi_reduction <minimumf>, %bitcast_convert_type3A_2790, %reduce_min3A_2791 [1] : vector<8x640xf32> to vector<8xf32>
      %broadcast_in_dim3A_2793 = vector.shape_cast %reduce_min3A_2792 : vector<8xf32> to vector<8x1xf32>
      %reduce_min3A_2794 = arith.constant dense<0x7F800000> : vector<1xf32>
      %reduce_min3A_2795 = vector.multi_reduction <minimumf>, %broadcast_in_dim3A_2793, %reduce_min3A_2794 [0] : vector<8x1xf32> to vector<1xf32>
      %broadcast_in_dim3A_2796 = vector.shape_cast %reduce_min3A_2795 : vector<1xf32> to vector<1x1xf32>
      %bitcast_convert_type3A_2797 = tpu.bitcast %broadcast_in_dim3A_2796 : vector<1x1xf32> -> vector<1x1xi32>
      %get3A_2798 = arith.constant 0 : index
      %get3A_2799 = arith.constant 0 : index
      %get3A_2800 = vector.load %arg11[%get3A_2798, %get3A_2799] : memref<8x640xi32, #tpu.memory_space<vmem>>, vector<8x640xi32>
      %or3A_2801 = arith.ori %shift_left3A_2761, %get3A_2800 : vector<8x640xi32>
      %bitcast_convert_type3A_2802 = tpu.bitcast %or3A_2801 : vector<8x640xi32> -> vector<8x640xf32>
      %reduce_min3A_2803 = arith.constant dense<0x7F800000> : vector<8xf32>
      %reduce_min3A_2804 = vector.multi_reduction <minimumf>, %bitcast_convert_type3A_2802, %reduce_min3A_2803 [1] : vector<8x640xf32> to vector<8xf32>
      %broadcast_in_dim3A_2805 = vector.shape_cast %reduce_min3A_2804 : vector<8xf32> to vector<8x1xf32>
      %reduce_min3A_2806 = arith.constant dense<0x7F800000> : vector<1xf32>
      %reduce_min3A_2807 = vector.multi_reduction <minimumf>, %broadcast_in_dim3A_2805, %reduce_min3A_2806 [0] : vector<8x1xf32> to vector<1xf32>
      %broadcast_in_dim3A_2808 = vector.shape_cast %reduce_min3A_2807 : vector<1xf32> to vector<1x1xf32>
      %bitcast_convert_type3A_2809 = tpu.bitcast %broadcast_in_dim3A_2808 : vector<1x1xf32> -> vector<1x1xi32>
      %get3A_2810 = arith.constant 0 : index
      %get3A_2811 = arith.constant 0 : index
      %get3A_2812 = vector.load %arg12[%get3A_2810, %get3A_2811] : memref<8x640xi32, #tpu.memory_space<vmem>>, vector<8x640xi32>
      %or3A_2813 = arith.ori %shift_left3A_2761, %get3A_2812 : vector<8x640xi32>
      %bitcast_convert_type3A_2814 = tpu.bitcast %or3A_2813 : vector<8x640xi32> -> vector<8x640xf32>
      %reduce_min3A_2815 = arith.constant dense<0x7F800000> : vector<8xf32>
      %reduce_min3A_2816 = vector.multi_reduction <minimumf>, %bitcast_convert_type3A_2814, %reduce_min3A_2815 [1] : vector<8x640xf32> to vector<8xf32>
      %broadcast_in_dim3A_2817 = vector.shape_cast %reduce_min3A_2816 : vector<8xf32> to vector<8x1xf32>
      %reduce_min3A_2818 = arith.constant dense<0x7F800000> : vector<1xf32>
      %reduce_min3A_2819 = vector.multi_reduction <minimumf>, %broadcast_in_dim3A_2817, %reduce_min3A_2818 [0] : vector<8x1xf32> to vector<1xf32>
      %broadcast_in_dim3A_2820 = vector.shape_cast %reduce_min3A_2819 : vector<1xf32> to vector<1x1xf32>
      %bitcast_convert_type3A_2821 = tpu.bitcast %broadcast_in_dim3A_2820 : vector<1x1xf32> -> vector<1x1xi32>
      %get3A_2822 = arith.constant 0 : index
      %get3A_2823 = arith.constant 0 : index
      %get3A_2824 = vector.load %arg13[%get3A_2822, %get3A_2823] : memref<8x640xi32, #tpu.memory_space<vmem>>, vector<8x640xi32>
      %or3A_2825 = arith.ori %shift_left3A_2761, %get3A_2824 : vector<8x640xi32>
      %bitcast_convert_type3A_2826 = tpu.bitcast %or3A_2825 : vector<8x640xi32> -> vector<8x640xf32>
      %reduce_min3A_2827 = arith.constant dense<0x7F800000> : vector<8xf32>
      %reduce_min3A_2828 = vector.multi_reduction <minimumf>, %bitcast_convert_type3A_2826, %reduce_min3A_2827 [1] : vector<8x640xf32> to vector<8xf32>
      %broadcast_in_dim3A_2829 = vector.shape_cast %reduce_min3A_2828 : vector<8xf32> to vector<8x1xf32>
      %reduce_min3A_2830 = arith.constant dense<0x7F800000> : vector<1xf32>
      %reduce_min3A_2831 = vector.multi_reduction <minimumf>, %broadcast_in_dim3A_2829, %reduce_min3A_2830 [0] : vector<8x1xf32> to vector<1xf32>
      %broadcast_in_dim3A_2832 = vector.shape_cast %reduce_min3A_2831 : vector<1xf32> to vector<1x1xf32>
      %bitcast_convert_type3A_2833 = tpu.bitcast %broadcast_in_dim3A_2832 : vector<1x1xf32> -> vector<1x1xi32>
      %get3A_2834 = arith.constant 0 : index
      %get3A_2835 = arith.constant 0 : index
      %get3A_2836 = vector.load %arg14[%get3A_2834, %get3A_2835] : memref<8x640xi32, #tpu.memory_space<vmem>>, vector<8x640xi32>
      %or3A_2837 = arith.ori %shift_left3A_2761, %get3A_2836 : vector<8x640xi32>
      %bitcast_convert_type3A_2838 = tpu.bitcast %or3A_2837 : vector<8x640xi32> -> vector<8x640xf32>
      %reduce_min3A_2839 = arith.constant dense<0x7F800000> : vector<8xf32>
      %reduce_min3A_2840 = vector.multi_reduction <minimumf>, %bitcast_convert_type3A_2838, %reduce_min3A_2839 [1] : vector<8x640xf32> to vector<8xf32>
      %broadcast_in_dim3A_2841 = vector.shape_cast %reduce_min3A_2840 : vector<8xf32> to vector<8x1xf32>
      %reduce_min3A_2842 = arith.constant dense<0x7F800000> : vector<1xf32>
      %reduce_min3A_2843 = vector.multi_reduction <minimumf>, %broadcast_in_dim3A_2841, %reduce_min3A_2842 [0] : vector<8x1xf32> to vector<1xf32>
      %broadcast_in_dim3A_2844 = vector.shape_cast %reduce_min3A_2843 : vector<1xf32> to vector<1x1xf32>
      %bitcast_convert_type3A_2845 = tpu.bitcast %broadcast_in_dim3A_2844 : vector<1x1xf32> -> vector<1x1xi32>
      %get3A_2846 = arith.constant 0 : index
      %get3A_2847 = arith.constant 0 : index
      %get3A_2848 = vector.load %arg15[%get3A_2846, %get3A_2847] : memref<8x640xi32, #tpu.memory_space<vmem>>, vector<8x640xi32>
      %or3A_2849 = arith.ori %shift_left3A_2761, %get3A_2848 : vector<8x640xi32>
      %bitcast_convert_type3A_2850 = tpu.bitcast %or3A_2849 : vector<8x640xi32> -> vector<8x640xf32>
      %reduce_min3A_2851 = arith.constant dense<0x7F800000> : vector<8xf32>
      %reduce_min3A_2852 = vector.multi_reduction <minimumf>, %bitcast_convert_type3A_2850, %reduce_min3A_2851 [1] : vector<8x640xf32> to vector<8xf32>
      %broadcast_in_dim3A_2853 = vector.shape_cast %reduce_min3A_2852 : vector<8xf32> to vector<8x1xf32>
      %reduce_min3A_2854 = arith.constant dense<0x7F800000> : vector<1xf32>
      %reduce_min3A_2855 = vector.multi_reduction <minimumf>, %broadcast_in_dim3A_2853, %reduce_min3A_2854 [0] : vector<8x1xf32> to vector<1xf32>
      %broadcast_in_dim3A_2856 = vector.shape_cast %reduce_min3A_2855 : vector<1xf32> to vector<1x1xf32>
      %bitcast_convert_type3A_2857 = tpu.bitcast %broadcast_in_dim3A_2856 : vector<1x1xf32> -> vector<1x1xi32>
      %shift_right_arithmetic3A_2858 = arith.constant 16 : i32
      %shift_right_arithmetic3A_2859 = vector.broadcast %shift_right_arithmetic3A_2858 : i32 to vector<1x1xi32>
      %shift_right_arithmetic3A_2860 = arith.shrsi %bitcast_convert_type3A_2773, %shift_right_arithmetic3A_2859 : vector<1x1xi32>
      %lt3A_2861 = arith.constant 8320 : i32
      %lt3A_2862 = vector.broadcast %lt3A_2861 : i32 to vector<1x1xi32>
      %lt3A_2863 = arith.cmpi slt, %shift_right_arithmetic3A_2860, %lt3A_2862 : vector<1x1xi32>
      %and3A_2864 = arith.constant 65535 : i32
      %and3A_2865 = vector.broadcast %and3A_2864 : i32 to vector<1x1xi32>
      %and3A_2866 = arith.andi %bitcast_convert_type3A_2773, %and3A_2865 : vector<1x1xi32>
      %shift_left3A_2867 = arith.constant 16 : i32
      %shift_left3A_2868 = vector.broadcast %shift_left3A_2867 : i32 to vector<1x1xi32>
      %shift_left3A_2869 = arith.shli %and3A_2866, %shift_left3A_2868 : vector<1x1xi32>
      %and3A_2870 = arith.constant 65535 : i32
      %and3A_2871 = vector.broadcast %and3A_2870 : i32 to vector<1x1xi32>
      %and3A_2872 = arith.andi %bitcast_convert_type3A_2785, %and3A_2871 : vector<1x1xi32>
      %or3A_2873 = arith.ori %shift_left3A_2869, %and3A_2872 : vector<1x1xi32>
      %bitcast_convert_type3A_2874 = tpu.bitcast %or3A_2873 : vector<1x1xi32> -> vector<1x1xf32>
      %jit3A_2875 = arith.constant -1.000000e+30 : f32
      %broadcast_in_dim3A_2876 = vector.broadcast %jit3A_2875 : f32 to vector<1x1xf32>
      %select_n3A_2877 = arith.select %lt3A_2863, %bitcast_convert_type3A_2874, %broadcast_in_dim3A_2876 : vector<1x1xi1>, vector<1x1xf32>
      %and3A_2878 = arith.constant 65535 : i32
      %and3A_2879 = vector.broadcast %and3A_2878 : i32 to vector<1x1xi32>
      %and3A_2880 = arith.andi %bitcast_convert_type3A_2797, %and3A_2879 : vector<1x1xi32>
      %shift_left3A_2881 = arith.constant 16 : i32
      %shift_left3A_2882 = vector.broadcast %shift_left3A_2881 : i32 to vector<1x1xi32>
      %shift_left3A_2883 = arith.shli %and3A_2880, %shift_left3A_2882 : vector<1x1xi32>
      %and3A_2884 = arith.constant 65535 : i32
      %and3A_2885 = vector.broadcast %and3A_2884 : i32 to vector<1x1xi32>
      %and3A_2886 = arith.andi %bitcast_convert_type3A_2809, %and3A_2885 : vector<1x1xi32>
      %or3A_2887 = arith.ori %shift_left3A_2883, %and3A_2886 : vector<1x1xi32>
      %bitcast_convert_type3A_2888 = tpu.bitcast %or3A_2887 : vector<1x1xi32> -> vector<1x1xf32>
      %jit3A_2889 = arith.constant -1.000000e+30 : f32
      %broadcast_in_dim3A_2890 = vector.broadcast %jit3A_2889 : f32 to vector<1x1xf32>
      %select_n3A_2891 = arith.select %lt3A_2863, %bitcast_convert_type3A_2888, %broadcast_in_dim3A_2890 : vector<1x1xi1>, vector<1x1xf32>
      %and3A_2892 = arith.constant 65535 : i32
      %and3A_2893 = vector.broadcast %and3A_2892 : i32 to vector<1x1xi32>
      %and3A_2894 = arith.andi %bitcast_convert_type3A_2821, %and3A_2893 : vector<1x1xi32>
      %shift_left3A_2895 = arith.constant 16 : i32
      %shift_left3A_2896 = vector.broadcast %shift_left3A_2895 : i32 to vector<1x1xi32>
      %shift_left3A_2897 = arith.shli %and3A_2894, %shift_left3A_2896 : vector<1x1xi32>
      %and3A_2898 = arith.constant 65535 : i32
      %and3A_2899 = vector.broadcast %and3A_2898 : i32 to vector<1x1xi32>
      %and3A_2900 = arith.andi %bitcast_convert_type3A_2833, %and3A_2899 : vector<1x1xi32>
      %or3A_2901 = arith.ori %shift_left3A_2897, %and3A_2900 : vector<1x1xi32>
      %bitcast_convert_type3A_2902 = tpu.bitcast %or3A_2901 : vector<1x1xi32> -> vector<1x1xf32>
      %jit3A_2903 = arith.constant -1.000000e+30 : f32
      %broadcast_in_dim3A_2904 = vector.broadcast %jit3A_2903 : f32 to vector<1x1xf32>
      %select_n3A_2905 = arith.select %lt3A_2863, %bitcast_convert_type3A_2902, %broadcast_in_dim3A_2904 : vector<1x1xi1>, vector<1x1xf32>
      %and3A_2906 = arith.constant 65535 : i32
      %and3A_2907 = vector.broadcast %and3A_2906 : i32 to vector<1x1xi32>
      %and3A_2908 = arith.andi %bitcast_convert_type3A_2845, %and3A_2907 : vector<1x1xi32>
      %shift_left3A_2909 = arith.constant 16 : i32
      %shift_left3A_2910 = vector.broadcast %shift_left3A_2909 : i32 to vector<1x1xi32>
      %shift_left3A_2911 = arith.shli %and3A_2908, %shift_left3A_2910 : vector<1x1xi32>
      %and3A_2912 = arith.constant 65535 : i32
      %and3A_2913 = vector.broadcast %and3A_2912 : i32 to vector<1x1xi32>
      %and3A_2914 = arith.andi %bitcast_convert_type3A_2857, %and3A_2913 : vector<1x1xi32>
      %or3A_2915 = arith.ori %shift_left3A_2911, %and3A_2914 : vector<1x1xi32>
      %bitcast_convert_type3A_2916 = tpu.bitcast %or3A_2915 : vector<1x1xi32> -> vector<1x1xf32>
      %jit3A_2917 = arith.constant -1.000000e+30 : f32
      %broadcast_in_dim3A_2918 = vector.broadcast %jit3A_2917 : f32 to vector<1x1xf32>
      %select_n3A_2919 = arith.select %lt3A_2863, %bitcast_convert_type3A_2916, %broadcast_in_dim3A_2918 : vector<1x1xi1>, vector<1x1xf32>
      %sub3A_2920 = arith.subf %select_n3A_2905, %select_n3A_2877 : vector<1x1xf32>
      %sub3A_2921 = arith.subf %select_n3A_2919, %select_n3A_2891 : vector<1x1xf32>
      %mul3A_2922 = arith.mulf %sub3A_2920, %sub3A_2921 : vector<1x1xf32>
      %get3A_2923 = arith.constant 0 : index
      %get3A_2924 = arith.constant 0 : index
      %get3A_2925 = vector.load %arg0[%get3A_2923, %get3A_2924] : memref<8x640xf32, #tpu.memory_space<vmem>>, vector<8x640xf32>
      %get3A_2926 = arith.constant 0 : index
      %get3A_2927 = arith.constant 0 : index
      %get3A_2928 = vector.load %arg1[%get3A_2926, %get3A_2927] : memref<8x640xf32, #tpu.memory_space<vmem>>, vector<8x640xf32>
      %get3A_2929 = arith.constant 0 : index
      %get3A_2930 = arith.constant 0 : index
      %get3A_2931 = vector.load %arg2[%get3A_2929, %get3A_2930] : memref<8x640xf32, #tpu.memory_space<vmem>>, vector<8x640xf32>
      %get3A_2932 = arith.constant 0 : index
      %get3A_2933 = arith.constant 0 : index
      %get3A_2934 = vector.load %arg3[%get3A_2932, %get3A_2933] : memref<8x640xf32, #tpu.memory_space<vmem>>, vector<8x640xf32>
      %min3A_2935 = vector.broadcast %select_n3A_2905 : vector<1x1xf32> to vector<8x640xf32>
      %min3A_2936 = arith.minimumf %min3A_2935, %get3A_2931 : vector<8x640xf32>
      %max3A_2937 = vector.broadcast %select_n3A_2877 : vector<1x1xf32> to vector<8x640xf32>
      %max3A_2938 = arith.maximumf %max3A_2937, %get3A_2925 : vector<8x640xf32>
      %sub3A_2939 = arith.subf %min3A_2936, %max3A_2938 : vector<8x640xf32>
      %max3A_2940 = arith.constant 0.000000e+00 : f32
      %max3A_2941 = vector.broadcast %max3A_2940 : f32 to vector<8x640xf32>
      %max3A_2942 = arith.maximumf %sub3A_2939, %max3A_2941 : vector<8x640xf32>
      %min3A_2943 = vector.broadcast %select_n3A_2919 : vector<1x1xf32> to vector<8x640xf32>
      %min3A_2944 = arith.minimumf %min3A_2943, %get3A_2934 : vector<8x640xf32>
      %max3A_2945 = vector.broadcast %select_n3A_2891 : vector<1x1xf32> to vector<8x640xf32>
      %max3A_2946 = arith.maximumf %max3A_2945, %get3A_2928 : vector<8x640xf32>
      %sub3A_2947 = arith.subf %min3A_2944, %max3A_2946 : vector<8x640xf32>
      %max3A_2948 = arith.constant 0.000000e+00 : f32
      %max3A_2949 = vector.broadcast %max3A_2948 : f32 to vector<8x640xf32>
      %max3A_2950 = arith.maximumf %sub3A_2947, %max3A_2949 : vector<8x640xf32>
      %mul3A_2951 = arith.mulf %max3A_2942, %max3A_2950 : vector<8x640xf32>
      %get3A_2952 = arith.constant 0 : index
      %get3A_2953 = arith.constant 0 : index
      %get3A_2954 = vector.load %arg4[%get3A_2952, %get3A_2953] : memref<8x640xf32, #tpu.memory_space<vmem>>, vector<8x640xf32>
      %add3A_2955 = vector.broadcast %mul3A_2922 : vector<1x1xf32> to vector<8x640xf32>
      %add3A_2956 = arith.addf %add3A_2955, %get3A_2954 : vector<8x640xf32>
      %sub3A_2957 = arith.subf %add3A_2956, %mul3A_2951 : vector<8x640xf32>
      %mul3A_2958 = arith.constant 2.000000e-01 : f32
      %mul3A_2959 = vector.broadcast %mul3A_2958 : f32 to vector<8x640xf32>
      %mul3A_2960 = arith.mulf %mul3A_2959, %sub3A_2957 : vector<8x640xf32>
      %gt3A_2961 = arith.cmpf ogt, %mul3A_2951, %mul3A_2960 : vector<8x640xf32>
      %eq3A_2962 = vector.broadcast %shift_right_arithmetic3A_2860 : vector<1x1xi32> to vector<8x640xi32>
      %eq3A_2963 = arith.cmpi eq, %get3A_2758, %eq3A_2962 : vector<8x640xi32>
      %and3A_2964 = vector.broadcast %lt3A_2863 : vector<1x1xi1> to vector<8x640xi1>
      %and3A_2965 = arith.andi %eq3A_2963, %and3A_2964 : vector<8x640xi1>
      %jit3A_2966 = arith.constant 16384 : i32
      %broadcast_in_dim3A_2967 = vector.broadcast %jit3A_2966 : i32 to vector<8x640xi32>
      %select_n3A_2968 = arith.select %gt3A_2961, %broadcast_in_dim3A_2967, %get3A_2758 : vector<8x640xi1>, vector<8x640xi32>
      %jit3A_2969 = arith.constant 12288 : i32
      %broadcast_in_dim3A_2970 = vector.broadcast %jit3A_2969 : i32 to vector<8x640xi32>
      %select_n3A_2971 = arith.select %and3A_2965, %broadcast_in_dim3A_2970, %select_n3A_2968 : vector<8x640xi1>, vector<8x640xi32>
      %swap3A_2972 = arith.constant 0 : index
      %swap3A_2973 = arith.constant 0 : index
      %swap3A_2974 = vector.load %arg7[%swap3A_2972, %swap3A_2973] : memref<8x640xi32, #tpu.memory_space<vmem>>, vector<8x640xi32>
      tpu.vector_store %arg7[%swap3A_2972, %swap3A_2973], %select_n3A_2971 {strides = array<i32>} : memref<8x640xi32, #tpu.memory_space<vmem>>, vector<8x640xi32>,
      %scan3A_2975 = arith.constant 13 : i32
      %get3A_2976 = arith.constant 0 : index
      %get3A_2977 = arith.constant 0 : index
      %get3A_2978 = vector.load %arg7[%get3A_2976, %get3A_2977] : memref<8x640xi32, #tpu.memory_space<vmem>>, vector<8x640xi32>
      %shift_left3A_2979 = arith.constant 16 : i32
      %shift_left3A_2980 = vector.broadcast %shift_left3A_2979 : i32 to vector<8x640xi32>
      %shift_left3A_2981 = arith.shli %get3A_2978, %shift_left3A_2980 : vector<8x640xi32>
      %get3A_2982 = arith.constant 0 : index
      %get3A_2983 = arith.constant 0 : index
      %get3A_2984 = vector.load %arg8[%get3A_2982, %get3A_2983] : memref<8x640xi32, #tpu.memory_space<vmem>>, vector<8x640xi32>
      %or3A_2985 = arith.ori %shift_left3A_2981, %get3A_2984 : vector<8x640xi32>
      %bitcast_convert_type3A_2986 = tpu.bitcast %or3A_2985 : vector<8x640xi32> -> vector<8x640xf32>
      %reduce_min3A_2987 = arith.constant dense<0x7F800000> : vector<8xf32>
      %reduce_min3A_2988 = vector.multi_reduction <minimumf>, %bitcast_convert_type3A_2986, %reduce_min3A_2987 [1] : vector<8x640xf32> to vector<8xf32>
      %broadcast_in_dim3A_2989 = vector.shape_cast %reduce_min3A_2988 : vector<8xf32> to vector<8x1xf32>
      %reduce_min3A_2990 = arith.constant dense<0x7F800000> : vector<1xf32>
      %reduce_min3A_2991 = vector.multi_reduction <minimumf>, %broadcast_in_dim3A_2989, %reduce_min3A_2990 [0] : vector<8x1xf32> to vector<1xf32>
      %broadcast_in_dim3A_2992 = vector.shape_cast %reduce_min3A_2991 : vector<1xf32> to vector<1x1xf32>
      %bitcast_convert_type3A_2993 = tpu.bitcast %broadcast_in_dim3A_2992 : vector<1x1xf32> -> vector<1x1xi32>
      %get3A_2994 = arith.constant 0 : index
      %get3A_2995 = arith.constant 0 : index
      %get3A_2996 = vector.load %arg9[%get3A_2994, %get3A_2995] : memref<8x640xi32, #tpu.memory_space<vmem>>, vector<8x640xi32>
      %or3A_2997 = arith.ori %shift_left3A_2981, %get3A_2996 : vector<8x640xi32>
      %bitcast_convert_type3A_2998 = tpu.bitcast %or3A_2997 : vector<8x640xi32> -> vector<8x640xf32>
      %reduce_min3A_2999 = arith.constant dense<0x7F800000> : vector<8xf32>
      %reduce_min3A_3000 = vector.multi_reduction <minimumf>, %bitcast_convert_type3A_2998, %reduce_min3A_2999 [1] : vector<8x640xf32> to vector<8xf32>
      %broadcast_in_dim3A_3001 = vector.shape_cast %reduce_min3A_3000 : vector<8xf32> to vector<8x1xf32>
      %reduce_min3A_3002 = arith.constant dense<0x7F800000> : vector<1xf32>
      %reduce_min3A_3003 = vector.multi_reduction <minimumf>, %broadcast_in_dim3A_3001, %reduce_min3A_3002 [0] : vector<8x1xf32> to vector<1xf32>
      %broadcast_in_dim3A_3004 = vector.shape_cast %reduce_min3A_3003 : vector<1xf32> to vector<1x1xf32>
      %bitcast_convert_type3A_3005 = tpu.bitcast %broadcast_in_dim3A_3004 : vector<1x1xf32> -> vector<1x1xi32>
      %get3A_3006 = arith.constant 0 : index
      %get3A_3007 = arith.constant 0 : index
      %get3A_3008 = vector.load %arg10[%get3A_3006, %get3A_3007] : memref<8x640xi32, #tpu.memory_space<vmem>>, vector<8x640xi32>
      %or3A_3009 = arith.ori %shift_left3A_2981, %get3A_3008 : vector<8x640xi32>
      %bitcast_convert_type3A_3010 = tpu.bitcast %or3A_3009 : vector<8x640xi32> -> vector<8x640xf32>
      %reduce_min3A_3011 = arith.constant dense<0x7F800000> : vector<8xf32>
      %reduce_min3A_3012 = vector.multi_reduction <minimumf>, %bitcast_convert_type3A_3010, %reduce_min3A_3011 [1] : vector<8x640xf32> to vector<8xf32>
      %broadcast_in_dim3A_3013 = vector.shape_cast %reduce_min3A_3012 : vector<8xf32> to vector<8x1xf32>
      %reduce_min3A_3014 = arith.constant dense<0x7F800000> : vector<1xf32>
      %reduce_min3A_3015 = vector.multi_reduction <minimumf>, %broadcast_in_dim3A_3013, %reduce_min3A_3014 [0] : vector<8x1xf32> to vector<1xf32>
      %broadcast_in_dim3A_3016 = vector.shape_cast %reduce_min3A_3015 : vector<1xf32> to vector<1x1xf32>
      %bitcast_convert_type3A_3017 = tpu.bitcast %broadcast_in_dim3A_3016 : vector<1x1xf32> -> vector<1x1xi32>
      %get3A_3018 = arith.constant 0 : index
      %get3A_3019 = arith.constant 0 : index
      %get3A_3020 = vector.load %arg11[%get3A_3018, %get3A_3019] : memref<8x640xi32, #tpu.memory_space<vmem>>, vector<8x640xi32>
      %or3A_3021 = arith.ori %shift_left3A_2981, %get3A_3020 : vector<8x640xi32>
      %bitcast_convert_type3A_3022 = tpu.bitcast %or3A_3021 : vector<8x640xi32> -> vector<8x640xf32>
      %reduce_min3A_3023 = arith.constant dense<0x7F800000> : vector<8xf32>
      %reduce_min3A_3024 = vector.multi_reduction <minimumf>, %bitcast_convert_type3A_3022, %reduce_min3A_3023 [1] : vector<8x640xf32> to vector<8xf32>
      %broadcast_in_dim3A_3025 = vector.shape_cast %reduce_min3A_3024 : vector<8xf32> to vector<8x1xf32>
      %reduce_min3A_3026 = arith.constant dense<0x7F800000> : vector<1xf32>
      %reduce_min3A_3027 = vector.multi_reduction <minimumf>, %broadcast_in_dim3A_3025, %reduce_min3A_3026 [0] : vector<8x1xf32> to vector<1xf32>
      %broadcast_in_dim3A_3028 = vector.shape_cast %reduce_min3A_3027 : vector<1xf32> to vector<1x1xf32>
      %bitcast_convert_type3A_3029 = tpu.bitcast %broadcast_in_dim3A_3028 : vector<1x1xf32> -> vector<1x1xi32>
      %get3A_3030 = arith.constant 0 : index
      %get3A_3031 = arith.constant 0 : index
      %get3A_3032 = vector.load %arg12[%get3A_3030, %get3A_3031] : memref<8x640xi32, #tpu.memory_space<vmem>>, vector<8x640xi32>
      %or3A_3033 = arith.ori %shift_left3A_2981, %get3A_3032 : vector<8x640xi32>
      %bitcast_convert_type3A_3034 = tpu.bitcast %or3A_3033 : vector<8x640xi32> -> vector<8x640xf32>
      %reduce_min3A_3035 = arith.constant dense<0x7F800000> : vector<8xf32>
      %reduce_min3A_3036 = vector.multi_reduction <minimumf>, %bitcast_convert_type3A_3034, %reduce_min3A_3035 [1] : vector<8x640xf32> to vector<8xf32>
      %broadcast_in_dim3A_3037 = vector.shape_cast %reduce_min3A_3036 : vector<8xf32> to vector<8x1xf32>
      %reduce_min3A_3038 = arith.constant dense<0x7F800000> : vector<1xf32>
      %reduce_min3A_3039 = vector.multi_reduction <minimumf>, %broadcast_in_dim3A_3037, %reduce_min3A_3038 [0] : vector<8x1xf32> to vector<1xf32>
      %broadcast_in_dim3A_3040 = vector.shape_cast %reduce_min3A_3039 : vector<1xf32> to vector<1x1xf32>
      %bitcast_convert_type3A_3041 = tpu.bitcast %broadcast_in_dim3A_3040 : vector<1x1xf32> -> vector<1x1xi32>
      %get3A_3042 = arith.constant 0 : index
      %get3A_3043 = arith.constant 0 : index
      %get3A_3044 = vector.load %arg13[%get3A_3042, %get3A_3043] : memref<8x640xi32, #tpu.memory_space<vmem>>, vector<8x640xi32>
      %or3A_3045 = arith.ori %shift_left3A_2981, %get3A_3044 : vector<8x640xi32>
      %bitcast_convert_type3A_3046 = tpu.bitcast %or3A_3045 : vector<8x640xi32> -> vector<8x640xf32>
      %reduce_min3A_3047 = arith.constant dense<0x7F800000> : vector<8xf32>
      %reduce_min3A_3048 = vector.multi_reduction <minimumf>, %bitcast_convert_type3A_3046, %reduce_min3A_3047 [1] : vector<8x640xf32> to vector<8xf32>
      %broadcast_in_dim3A_3049 = vector.shape_cast %reduce_min3A_3048 : vector<8xf32> to vector<8x1xf32>
      %reduce_min3A_3050 = arith.constant dense<0x7F800000> : vector<1xf32>
      %reduce_min3A_3051 = vector.multi_reduction <minimumf>, %broadcast_in_dim3A_3049, %reduce_min3A_3050 [0] : vector<8x1xf32> to vector<1xf32>
      %broadcast_in_dim3A_3052 = vector.shape_cast %reduce_min3A_3051 : vector<1xf32> to vector<1x1xf32>
      %bitcast_convert_type3A_3053 = tpu.bitcast %broadcast_in_dim3A_3052 : vector<1x1xf32> -> vector<1x1xi32>
      %get3A_3054 = arith.constant 0 : index
      %get3A_3055 = arith.constant 0 : index
      %get3A_3056 = vector.load %arg14[%get3A_3054, %get3A_3055] : memref<8x640xi32, #tpu.memory_space<vmem>>, vector<8x640xi32>
      %or3A_3057 = arith.ori %shift_left3A_2981, %get3A_3056 : vector<8x640xi32>
      %bitcast_convert_type3A_3058 = tpu.bitcast %or3A_3057 : vector<8x640xi32> -> vector<8x640xf32>
      %reduce_min3A_3059 = arith.constant dense<0x7F800000> : vector<8xf32>
      %reduce_min3A_3060 = vector.multi_reduction <minimumf>, %bitcast_convert_type3A_3058, %reduce_min3A_3059 [1] : vector<8x640xf32> to vector<8xf32>
      %broadcast_in_dim3A_3061 = vector.shape_cast %reduce_min3A_3060 : vector<8xf32> to vector<8x1xf32>
      %reduce_min3A_3062 = arith.constant dense<0x7F800000> : vector<1xf32>
      %reduce_min3A_3063 = vector.multi_reduction <minimumf>, %broadcast_in_dim3A_3061, %reduce_min3A_3062 [0] : vector<8x1xf32> to vector<1xf32>
      %broadcast_in_dim3A_3064 = vector.shape_cast %reduce_min3A_3063 : vector<1xf32> to vector<1x1xf32>
      %bitcast_convert_type3A_3065 = tpu.bitcast %broadcast_in_dim3A_3064 : vector<1x1xf32> -> vector<1x1xi32>
      %get3A_3066 = arith.constant 0 : index
      %get3A_3067 = arith.constant 0 : index
      %get3A_3068 = vector.load %arg15[%get3A_3066, %get3A_3067] : memref<8x640xi32, #tpu.memory_space<vmem>>, vector<8x640xi32>
      %or3A_3069 = arith.ori %shift_left3A_2981, %get3A_3068 : vector<8x640xi32>
      %bitcast_convert_type3A_3070 = tpu.bitcast %or3A_3069 : vector<8x640xi32> -> vector<8x640xf32>
      %reduce_min3A_3071 = arith.constant dense<0x7F800000> : vector<8xf32>
      %reduce_min3A_3072 = vector.multi_reduction <minimumf>, %bitcast_convert_type3A_3070, %reduce_min3A_3071 [1] : vector<8x640xf32> to vector<8xf32>
      %broadcast_in_dim3A_3073 = vector.shape_cast %reduce_min3A_3072 : vector<8xf32> to vector<8x1xf32>
      %reduce_min3A_3074 = arith.constant dense<0x7F800000> : vector<1xf32>
      %reduce_min3A_3075 = vector.multi_reduction <minimumf>, %broadcast_in_dim3A_3073, %reduce_min3A_3074 [0] : vector<8x1xf32> to vector<1xf32>
      %broadcast_in_dim3A_3076 = vector.shape_cast %reduce_min3A_3075 : vector<1xf32> to vector<1x1xf32>
      %bitcast_convert_type3A_3077 = tpu.bitcast %broadcast_in_dim3A_3076 : vector<1x1xf32> -> vector<1x1xi32>
      %shift_right_arithmetic3A_3078 = arith.constant 16 : i32
      %shift_right_arithmetic3A_3079 = vector.broadcast %shift_right_arithmetic3A_3078 : i32 to vector<1x1xi32>
      %shift_right_arithmetic3A_3080 = arith.shrsi %bitcast_convert_type3A_2993, %shift_right_arithmetic3A_3079 : vector<1x1xi32>
      %lt3A_3081 = arith.constant 8320 : i32
      %lt3A_3082 = vector.broadcast %lt3A_3081 : i32 to vector<1x1xi32>
      %lt3A_3083 = arith.cmpi slt, %shift_right_arithmetic3A_3080, %lt3A_3082 : vector<1x1xi32>
      %and3A_3084 = arith.constant 65535 : i32
      %and3A_3085 = vector.broadcast %and3A_3084 : i32 to vector<1x1xi32>
      %and3A_3086 = arith.andi %bitcast_convert_type3A_2993, %and3A_3085 : vector<1x1xi32>
      %shift_left3A_3087 = arith.constant 16 : i32
      %shift_left3A_3088 = vector.broadcast %shift_left3A_3087 : i32 to vector<1x1xi32>
      %shift_left3A_3089 = arith.shli %and3A_3086, %shift_left3A_3088 : vector<1x1xi32>
      %and3A_3090 = arith.constant 65535 : i32
      %and3A_3091 = vector.broadcast %and3A_3090 : i32 to vector<1x1xi32>
      %and3A_3092 = arith.andi %bitcast_convert_type3A_3005, %and3A_3091 : vector<1x1xi32>
      %or3A_3093 = arith.ori %shift_left3A_3089, %and3A_3092 : vector<1x1xi32>
      %bitcast_convert_type3A_3094 = tpu.bitcast %or3A_3093 : vector<1x1xi32> -> vector<1x1xf32>
      %jit3A_3095 = arith.constant -1.000000e+30 : f32
      %broadcast_in_dim3A_3096 = vector.broadcast %jit3A_3095 : f32 to vector<1x1xf32>
      %select_n3A_3097 = arith.select %lt3A_3083, %bitcast_convert_type3A_3094, %broadcast_in_dim3A_3096 : vector<1x1xi1>, vector<1x1xf32>
      %and3A_3098 = arith.constant 65535 : i32
      %and3A_3099 = vector.broadcast %and3A_3098 : i32 to vector<1x1xi32>
      %and3A_3100 = arith.andi %bitcast_convert_type3A_3017, %and3A_3099 : vector<1x1xi32>
      %shift_left3A_3101 = arith.constant 16 : i32
      %shift_left3A_3102 = vector.broadcast %shift_left3A_3101 : i32 to vector<1x1xi32>
      %shift_left3A_3103 = arith.shli %and3A_3100, %shift_left3A_3102 : vector<1x1xi32>
      %and3A_3104 = arith.constant 65535 : i32
      %and3A_3105 = vector.broadcast %and3A_3104 : i32 to vector<1x1xi32>
      %and3A_3106 = arith.andi %bitcast_convert_type3A_3029, %and3A_3105 : vector<1x1xi32>
      %or3A_3107 = arith.ori %shift_left3A_3103, %and3A_3106 : vector<1x1xi32>
      %bitcast_convert_type3A_3108 = tpu.bitcast %or3A_3107 : vector<1x1xi32> -> vector<1x1xf32>
      %jit3A_3109 = arith.constant -1.000000e+30 : f32
      %broadcast_in_dim3A_3110 = vector.broadcast %jit3A_3109 : f32 to vector<1x1xf32>
      %select_n3A_3111 = arith.select %lt3A_3083, %bitcast_convert_type3A_3108, %broadcast_in_dim3A_3110 : vector<1x1xi1>, vector<1x1xf32>
      %and3A_3112 = arith.constant 65535 : i32
      %and3A_3113 = vector.broadcast %and3A_3112 : i32 to vector<1x1xi32>
      %and3A_3114 = arith.andi %bitcast_convert_type3A_3041, %and3A_3113 : vector<1x1xi32>
      %shift_left3A_3115 = arith.constant 16 : i32
      %shift_left3A_3116 = vector.broadcast %shift_left3A_3115 : i32 to vector<1x1xi32>
      %shift_left3A_3117 = arith.shli %and3A_3114, %shift_left3A_3116 : vector<1x1xi32>
      %and3A_3118 = arith.constant 65535 : i32
      %and3A_3119 = vector.broadcast %and3A_3118 : i32 to vector<1x1xi32>
      %and3A_3120 = arith.andi %bitcast_convert_type3A_3053, %and3A_3119 : vector<1x1xi32>
      %or3A_3121 = arith.ori %shift_left3A_3117, %and3A_3120 : vector<1x1xi32>
      %bitcast_convert_type3A_3122 = tpu.bitcast %or3A_3121 : vector<1x1xi32> -> vector<1x1xf32>
      %jit3A_3123 = arith.constant -1.000000e+30 : f32
      %broadcast_in_dim3A_3124 = vector.broadcast %jit3A_3123 : f32 to vector<1x1xf32>
      %select_n3A_3125 = arith.select %lt3A_3083, %bitcast_convert_type3A_3122, %broadcast_in_dim3A_3124 : vector<1x1xi1>, vector<1x1xf32>
      %and3A_3126 = arith.constant 65535 : i32
      %and3A_3127 = vector.broadcast %and3A_3126 : i32 to vector<1x1xi32>
      %and3A_3128 = arith.andi %bitcast_convert_type3A_3065, %and3A_3127 : vector<1x1xi32>
      %shift_left3A_3129 = arith.constant 16 : i32
      %shift_left3A_3130 = vector.broadcast %shift_left3A_3129 : i32 to vector<1x1xi32>
      %shift_left3A_3131 = arith.shli %and3A_3128, %shift_left3A_3130 : vector<1x1xi32>
      %and3A_3132 = arith.constant 65535 : i32
      %and3A_3133 = vector.broadcast %and3A_3132 : i32 to vector<1x1xi32>
      %and3A_3134 = arith.andi %bitcast_convert_type3A_3077, %and3A_3133 : vector<1x1xi32>
      %or3A_3135 = arith.ori %shift_left3A_3131, %and3A_3134 : vector<1x1xi32>
      %bitcast_convert_type3A_3136 = tpu.bitcast %or3A_3135 : vector<1x1xi32> -> vector<1x1xf32>
      %jit3A_3137 = arith.constant -1.000000e+30 : f32
      %broadcast_in_dim3A_3138 = vector.broadcast %jit3A_3137 : f32 to vector<1x1xf32>
      %select_n3A_3139 = arith.select %lt3A_3083, %bitcast_convert_type3A_3136, %broadcast_in_dim3A_3138 : vector<1x1xi1>, vector<1x1xf32>
      %sub3A_3140 = arith.subf %select_n3A_3125, %select_n3A_3097 : vector<1x1xf32>
      %sub3A_3141 = arith.subf %select_n3A_3139, %select_n3A_3111 : vector<1x1xf32>
      %mul3A_3142 = arith.mulf %sub3A_3140, %sub3A_3141 : vector<1x1xf32>
      %get3A_3143 = arith.constant 0 : index
      %get3A_3144 = arith.constant 0 : index
      %get3A_3145 = vector.load %arg0[%get3A_3143, %get3A_3144] : memref<8x640xf32, #tpu.memory_space<vmem>>, vector<8x640xf32>
      %get3A_3146 = arith.constant 0 : index
      %get3A_3147 = arith.constant 0 : index
      %get3A_3148 = vector.load %arg1[%get3A_3146, %get3A_3147] : memref<8x640xf32, #tpu.memory_space<vmem>>, vector<8x640xf32>
      %get3A_3149 = arith.constant 0 : index
      %get3A_3150 = arith.constant 0 : index
      %get3A_3151 = vector.load %arg2[%get3A_3149, %get3A_3150] : memref<8x640xf32, #tpu.memory_space<vmem>>, vector<8x640xf32>
      %get3A_3152 = arith.constant 0 : index
      %get3A_3153 = arith.constant 0 : index
      %get3A_3154 = vector.load %arg3[%get3A_3152, %get3A_3153] : memref<8x640xf32, #tpu.memory_space<vmem>>, vector<8x640xf32>
      %min3A_3155 = vector.broadcast %select_n3A_3125 : vector<1x1xf32> to vector<8x640xf32>
      %min3A_3156 = arith.minimumf %min3A_3155, %get3A_3151 : vector<8x640xf32>
      %max3A_3157 = vector.broadcast %select_n3A_3097 : vector<1x1xf32> to vector<8x640xf32>
      %max3A_3158 = arith.maximumf %max3A_3157, %get3A_3145 : vector<8x640xf32>
      %sub3A_3159 = arith.subf %min3A_3156, %max3A_3158 : vector<8x640xf32>
      %max3A_3160 = arith.constant 0.000000e+00 : f32
      %max3A_3161 = vector.broadcast %max3A_3160 : f32 to vector<8x640xf32>
      %max3A_3162 = arith.maximumf %sub3A_3159, %max3A_3161 : vector<8x640xf32>
      %min3A_3163 = vector.broadcast %select_n3A_3139 : vector<1x1xf32> to vector<8x640xf32>
      %min3A_3164 = arith.minimumf %min3A_3163, %get3A_3154 : vector<8x640xf32>
      %max3A_3165 = vector.broadcast %select_n3A_3111 : vector<1x1xf32> to vector<8x640xf32>
      %max3A_3166 = arith.maximumf %max3A_3165, %get3A_3148 : vector<8x640xf32>
      %sub3A_3167 = arith.subf %min3A_3164, %max3A_3166 : vector<8x640xf32>
      %max3A_3168 = arith.constant 0.000000e+00 : f32
      %max3A_3169 = vector.broadcast %max3A_3168 : f32 to vector<8x640xf32>
      %max3A_3170 = arith.maximumf %sub3A_3167, %max3A_3169 : vector<8x640xf32>
      %mul3A_3171 = arith.mulf %max3A_3162, %max3A_3170 : vector<8x640xf32>
      %get3A_3172 = arith.constant 0 : index
      %get3A_3173 = arith.constant 0 : index
      %get3A_3174 = vector.load %arg4[%get3A_3172, %get3A_3173] : memref<8x640xf32, #tpu.memory_space<vmem>>, vector<8x640xf32>
      %add3A_3175 = vector.broadcast %mul3A_3142 : vector<1x1xf32> to vector<8x640xf32>
      %add3A_3176 = arith.addf %add3A_3175, %get3A_3174 : vector<8x640xf32>
      %sub3A_3177 = arith.subf %add3A_3176, %mul3A_3171 : vector<8x640xf32>
      %mul3A_3178 = arith.constant 2.000000e-01 : f32
      %mul3A_3179 = vector.broadcast %mul3A_3178 : f32 to vector<8x640xf32>
      %mul3A_3180 = arith.mulf %mul3A_3179, %sub3A_3177 : vector<8x640xf32>
      %gt3A_3181 = arith.cmpf ogt, %mul3A_3171, %mul3A_3180 : vector<8x640xf32>
      %eq3A_3182 = vector.broadcast %shift_right_arithmetic3A_3080 : vector<1x1xi32> to vector<8x640xi32>
      %eq3A_3183 = arith.cmpi eq, %get3A_2978, %eq3A_3182 : vector<8x640xi32>
      %and3A_3184 = vector.broadcast %lt3A_3083 : vector<1x1xi1> to vector<8x640xi1>
      %and3A_3185 = arith.andi %eq3A_3183, %and3A_3184 : vector<8x640xi1>
      %jit3A_3186 = arith.constant 16384 : i32
      %broadcast_in_dim3A_3187 = vector.broadcast %jit3A_3186 : i32 to vector<8x640xi32>
      %select_n3A_3188 = arith.select %gt3A_3181, %broadcast_in_dim3A_3187, %get3A_2978 : vector<8x640xi1>, vector<8x640xi32>
      %jit3A_3189 = arith.constant 12288 : i32
      %broadcast_in_dim3A_3190 = vector.broadcast %jit3A_3189 : i32 to vector<8x640xi32>
      %select_n3A_3191 = arith.select %and3A_3185, %broadcast_in_dim3A_3190, %select_n3A_3188 : vector<8x640xi1>, vector<8x640xi32>
      %swap3A_3192 = arith.constant 0 : index
      %swap3A_3193 = arith.constant 0 : index
      %swap3A_3194 = vector.load %arg7[%swap3A_3192, %swap3A_3193] : memref<8x640xi32, #tpu.memory_space<vmem>>, vector<8x640xi32>
      tpu.vector_store %arg7[%swap3A_3192, %swap3A_3193], %select_n3A_3191 {strides = array<i32>} : memref<8x640xi32, #tpu.memory_space<vmem>>, vector<8x640xi32>,
      %scan3A_3195 = arith.constant 14 : i32
      %get3A_3196 = arith.constant 0 : index
      %get3A_3197 = arith.constant 0 : index
      %get3A_3198 = vector.load %arg7[%get3A_3196, %get3A_3197] : memref<8x640xi32, #tpu.memory_space<vmem>>, vector<8x640xi32>
      %shift_left3A_3199 = arith.constant 16 : i32
      %shift_left3A_3200 = vector.broadcast %shift_left3A_3199 : i32 to vector<8x640xi32>
      %shift_left3A_3201 = arith.shli %get3A_3198, %shift_left3A_3200 : vector<8x640xi32>
      %get3A_3202 = arith.constant 0 : index
      %get3A_3203 = arith.constant 0 : index
      %get3A_3204 = vector.load %arg8[%get3A_3202, %get3A_3203] : memref<8x640xi32, #tpu.memory_space<vmem>>, vector<8x640xi32>
      %or3A_3205 = arith.ori %shift_left3A_3201, %get3A_3204 : vector<8x640xi32>
      %bitcast_convert_type3A_3206 = tpu.bitcast %or3A_3205 : vector<8x640xi32> -> vector<8x640xf32>
      %reduce_min3A_3207 = arith.constant dense<0x7F800000> : vector<8xf32>
      %reduce_min3A_3208 = vector.multi_reduction <minimumf>, %bitcast_convert_type3A_3206, %reduce_min3A_3207 [1] : vector<8x640xf32> to vector<8xf32>
      %broadcast_in_dim3A_3209 = vector.shape_cast %reduce_min3A_3208 : vector<8xf32> to vector<8x1xf32>
      %reduce_min3A_3210 = arith.constant dense<0x7F800000> : vector<1xf32>
      %reduce_min3A_3211 = vector.multi_reduction <minimumf>, %broadcast_in_dim3A_3209, %reduce_min3A_3210 [0] : vector<8x1xf32> to vector<1xf32>
      %broadcast_in_dim3A_3212 = vector.shape_cast %reduce_min3A_3211 : vector<1xf32> to vector<1x1xf32>
      %bitcast_convert_type3A_3213 = tpu.bitcast %broadcast_in_dim3A_3212 : vector<1x1xf32> -> vector<1x1xi32>
      %get3A_3214 = arith.constant 0 : index
      %get3A_3215 = arith.constant 0 : index
      %get3A_3216 = vector.load %arg9[%get3A_3214, %get3A_3215] : memref<8x640xi32, #tpu.memory_space<vmem>>, vector<8x640xi32>
      %or3A_3217 = arith.ori %shift_left3A_3201, %get3A_3216 : vector<8x640xi32>
      %bitcast_convert_type3A_3218 = tpu.bitcast %or3A_3217 : vector<8x640xi32> -> vector<8x640xf32>
      %reduce_min3A_3219 = arith.constant dense<0x7F800000> : vector<8xf32>
      %reduce_min3A_3220 = vector.multi_reduction <minimumf>, %bitcast_convert_type3A_3218, %reduce_min3A_3219 [1] : vector<8x640xf32> to vector<8xf32>
      %broadcast_in_dim3A_3221 = vector.shape_cast %reduce_min3A_3220 : vector<8xf32> to vector<8x1xf32>
      %reduce_min3A_3222 = arith.constant dense<0x7F800000> : vector<1xf32>
      %reduce_min3A_3223 = vector.multi_reduction <minimumf>, %broadcast_in_dim3A_3221, %reduce_min3A_3222 [0] : vector<8x1xf32> to vector<1xf32>
      %broadcast_in_dim3A_3224 = vector.shape_cast %reduce_min3A_3223 : vector<1xf32> to vector<1x1xf32>
      %bitcast_convert_type3A_3225 = tpu.bitcast %broadcast_in_dim3A_3224 : vector<1x1xf32> -> vector<1x1xi32>
      %get3A_3226 = arith.constant 0 : index
      %get3A_3227 = arith.constant 0 : index
      %get3A_3228 = vector.load %arg10[%get3A_3226, %get3A_3227] : memref<8x640xi32, #tpu.memory_space<vmem>>, vector<8x640xi32>
      %or3A_3229 = arith.ori %shift_left3A_3201, %get3A_3228 : vector<8x640xi32>
      %bitcast_convert_type3A_3230 = tpu.bitcast %or3A_3229 : vector<8x640xi32> -> vector<8x640xf32>
      %reduce_min3A_3231 = arith.constant dense<0x7F800000> : vector<8xf32>
      %reduce_min3A_3232 = vector.multi_reduction <minimumf>, %bitcast_convert_type3A_3230, %reduce_min3A_3231 [1] : vector<8x640xf32> to vector<8xf32>
      %broadcast_in_dim3A_3233 = vector.shape_cast %reduce_min3A_3232 : vector<8xf32> to vector<8x1xf32>
      %reduce_min3A_3234 = arith.constant dense<0x7F800000> : vector<1xf32>
      %reduce_min3A_3235 = vector.multi_reduction <minimumf>, %broadcast_in_dim3A_3233, %reduce_min3A_3234 [0] : vector<8x1xf32> to vector<1xf32>
      %broadcast_in_dim3A_3236 = vector.shape_cast %reduce_min3A_3235 : vector<1xf32> to vector<1x1xf32>
      %bitcast_convert_type3A_3237 = tpu.bitcast %broadcast_in_dim3A_3236 : vector<1x1xf32> -> vector<1x1xi32>
      %get3A_3238 = arith.constant 0 : index
      %get3A_3239 = arith.constant 0 : index
      %get3A_3240 = vector.load %arg11[%get3A_3238, %get3A_3239] : memref<8x640xi32, #tpu.memory_space<vmem>>, vector<8x640xi32>
      %or3A_3241 = arith.ori %shift_left3A_3201, %get3A_3240 : vector<8x640xi32>
      %bitcast_convert_type3A_3242 = tpu.bitcast %or3A_3241 : vector<8x640xi32> -> vector<8x640xf32>
      %reduce_min3A_3243 = arith.constant dense<0x7F800000> : vector<8xf32>
      %reduce_min3A_3244 = vector.multi_reduction <minimumf>, %bitcast_convert_type3A_3242, %reduce_min3A_3243 [1] : vector<8x640xf32> to vector<8xf32>
      %broadcast_in_dim3A_3245 = vector.shape_cast %reduce_min3A_3244 : vector<8xf32> to vector<8x1xf32>
      %reduce_min3A_3246 = arith.constant dense<0x7F800000> : vector<1xf32>
      %reduce_min3A_3247 = vector.multi_reduction <minimumf>, %broadcast_in_dim3A_3245, %reduce_min3A_3246 [0] : vector<8x1xf32> to vector<1xf32>
      %broadcast_in_dim3A_3248 = vector.shape_cast %reduce_min3A_3247 : vector<1xf32> to vector<1x1xf32>
      %bitcast_convert_type3A_3249 = tpu.bitcast %broadcast_in_dim3A_3248 : vector<1x1xf32> -> vector<1x1xi32>
      %get3A_3250 = arith.constant 0 : index
      %get3A_3251 = arith.constant 0 : index
      %get3A_3252 = vector.load %arg12[%get3A_3250, %get3A_3251] : memref<8x640xi32, #tpu.memory_space<vmem>>, vector<8x640xi32>
      %or3A_3253 = arith.ori %shift_left3A_3201, %get3A_3252 : vector<8x640xi32>
      %bitcast_convert_type3A_3254 = tpu.bitcast %or3A_3253 : vector<8x640xi32> -> vector<8x640xf32>
      %reduce_min3A_3255 = arith.constant dense<0x7F800000> : vector<8xf32>
      %reduce_min3A_3256 = vector.multi_reduction <minimumf>, %bitcast_convert_type3A_3254, %reduce_min3A_3255 [1] : vector<8x640xf32> to vector<8xf32>
      %broadcast_in_dim3A_3257 = vector.shape_cast %reduce_min3A_3256 : vector<8xf32> to vector<8x1xf32>
      %reduce_min3A_3258 = arith.constant dense<0x7F800000> : vector<1xf32>
      %reduce_min3A_3259 = vector.multi_reduction <minimumf>, %broadcast_in_dim3A_3257, %reduce_min3A_3258 [0] : vector<8x1xf32> to vector<1xf32>
      %broadcast_in_dim3A_3260 = vector.shape_cast %reduce_min3A_3259 : vector<1xf32> to vector<1x1xf32>
      %bitcast_convert_type3A_3261 = tpu.bitcast %broadcast_in_dim3A_3260 : vector<1x1xf32> -> vector<1x1xi32>
      %get3A_3262 = arith.constant 0 : index
      %get3A_3263 = arith.constant 0 : index
      %get3A_3264 = vector.load %arg13[%get3A_3262, %get3A_3263] : memref<8x640xi32, #tpu.memory_space<vmem>>, vector<8x640xi32>
      %or3A_3265 = arith.ori %shift_left3A_3201, %get3A_3264 : vector<8x640xi32>
      %bitcast_convert_type3A_3266 = tpu.bitcast %or3A_3265 : vector<8x640xi32> -> vector<8x640xf32>
      %reduce_min3A_3267 = arith.constant dense<0x7F800000> : vector<8xf32>
      %reduce_min3A_3268 = vector.multi_reduction <minimumf>, %bitcast_convert_type3A_3266, %reduce_min3A_3267 [1] : vector<8x640xf32> to vector<8xf32>
      %broadcast_in_dim3A_3269 = vector.shape_cast %reduce_min3A_3268 : vector<8xf32> to vector<8x1xf32>
      %reduce_min3A_3270 = arith.constant dense<0x7F800000> : vector<1xf32>
      %reduce_min3A_3271 = vector.multi_reduction <minimumf>, %broadcast_in_dim3A_3269, %reduce_min3A_3270 [0] : vector<8x1xf32> to vector<1xf32>
      %broadcast_in_dim3A_3272 = vector.shape_cast %reduce_min3A_3271 : vector<1xf32> to vector<1x1xf32>
      %bitcast_convert_type3A_3273 = tpu.bitcast %broadcast_in_dim3A_3272 : vector<1x1xf32> -> vector<1x1xi32>
      %get3A_3274 = arith.constant 0 : index
      %get3A_3275 = arith.constant 0 : index
      %get3A_3276 = vector.load %arg14[%get3A_3274, %get3A_3275] : memref<8x640xi32, #tpu.memory_space<vmem>>, vector<8x640xi32>
      %or3A_3277 = arith.ori %shift_left3A_3201, %get3A_3276 : vector<8x640xi32>
      %bitcast_convert_type3A_3278 = tpu.bitcast %or3A_3277 : vector<8x640xi32> -> vector<8x640xf32>
      %reduce_min3A_3279 = arith.constant dense<0x7F800000> : vector<8xf32>
      %reduce_min3A_3280 = vector.multi_reduction <minimumf>, %bitcast_convert_type3A_3278, %reduce_min3A_3279 [1] : vector<8x640xf32> to vector<8xf32>
      %broadcast_in_dim3A_3281 = vector.shape_cast %reduce_min3A_3280 : vector<8xf32> to vector<8x1xf32>
      %reduce_min3A_3282 = arith.constant dense<0x7F800000> : vector<1xf32>
      %reduce_min3A_3283 = vector.multi_reduction <minimumf>, %broadcast_in_dim3A_3281, %reduce_min3A_3282 [0] : vector<8x1xf32> to vector<1xf32>
      %broadcast_in_dim3A_3284 = vector.shape_cast %reduce_min3A_3283 : vector<1xf32> to vector<1x1xf32>
      %bitcast_convert_type3A_3285 = tpu.bitcast %broadcast_in_dim3A_3284 : vector<1x1xf32> -> vector<1x1xi32>
      %get3A_3286 = arith.constant 0 : index
      %get3A_3287 = arith.constant 0 : index
      %get3A_3288 = vector.load %arg15[%get3A_3286, %get3A_3287] : memref<8x640xi32, #tpu.memory_space<vmem>>, vector<8x640xi32>
      %or3A_3289 = arith.ori %shift_left3A_3201, %get3A_3288 : vector<8x640xi32>
      %bitcast_convert_type3A_3290 = tpu.bitcast %or3A_3289 : vector<8x640xi32> -> vector<8x640xf32>
      %reduce_min3A_3291 = arith.constant dense<0x7F800000> : vector<8xf32>
      %reduce_min3A_3292 = vector.multi_reduction <minimumf>, %bitcast_convert_type3A_3290, %reduce_min3A_3291 [1] : vector<8x640xf32> to vector<8xf32>
      %broadcast_in_dim3A_3293 = vector.shape_cast %reduce_min3A_3292 : vector<8xf32> to vector<8x1xf32>
      %reduce_min3A_3294 = arith.constant dense<0x7F800000> : vector<1xf32>
      %reduce_min3A_3295 = vector.multi_reduction <minimumf>, %broadcast_in_dim3A_3293, %reduce_min3A_3294 [0] : vector<8x1xf32> to vector<1xf32>
      %broadcast_in_dim3A_3296 = vector.shape_cast %reduce_min3A_3295 : vector<1xf32> to vector<1x1xf32>
      %bitcast_convert_type3A_3297 = tpu.bitcast %broadcast_in_dim3A_3296 : vector<1x1xf32> -> vector<1x1xi32>
      %shift_right_arithmetic3A_3298 = arith.constant 16 : i32
      %shift_right_arithmetic3A_3299 = vector.broadcast %shift_right_arithmetic3A_3298 : i32 to vector<1x1xi32>
      %shift_right_arithmetic3A_3300 = arith.shrsi %bitcast_convert_type3A_3213, %shift_right_arithmetic3A_3299 : vector<1x1xi32>
      %lt3A_3301 = arith.constant 8320 : i32
      %lt3A_3302 = vector.broadcast %lt3A_3301 : i32 to vector<1x1xi32>
      %lt3A_3303 = arith.cmpi slt, %shift_right_arithmetic3A_3300, %lt3A_3302 : vector<1x1xi32>
      %and3A_3304 = arith.constant 65535 : i32
      %and3A_3305 = vector.broadcast %and3A_3304 : i32 to vector<1x1xi32>
      %and3A_3306 = arith.andi %bitcast_convert_type3A_3213, %and3A_3305 : vector<1x1xi32>
      %shift_left3A_3307 = arith.constant 16 : i32
      %shift_left3A_3308 = vector.broadcast %shift_left3A_3307 : i32 to vector<1x1xi32>
      %shift_left3A_3309 = arith.shli %and3A_3306, %shift_left3A_3308 : vector<1x1xi32>
      %and3A_3310 = arith.constant 65535 : i32
      %and3A_3311 = vector.broadcast %and3A_3310 : i32 to vector<1x1xi32>
      %and3A_3312 = arith.andi %bitcast_convert_type3A_3225, %and3A_3311 : vector<1x1xi32>
      %or3A_3313 = arith.ori %shift_left3A_3309, %and3A_3312 : vector<1x1xi32>
      %bitcast_convert_type3A_3314 = tpu.bitcast %or3A_3313 : vector<1x1xi32> -> vector<1x1xf32>
      %jit3A_3315 = arith.constant -1.000000e+30 : f32
      %broadcast_in_dim3A_3316 = vector.broadcast %jit3A_3315 : f32 to vector<1x1xf32>
      %select_n3A_3317 = arith.select %lt3A_3303, %bitcast_convert_type3A_3314, %broadcast_in_dim3A_3316 : vector<1x1xi1>, vector<1x1xf32>
      %and3A_3318 = arith.constant 65535 : i32
      %and3A_3319 = vector.broadcast %and3A_3318 : i32 to vector<1x1xi32>
      %and3A_3320 = arith.andi %bitcast_convert_type3A_3237, %and3A_3319 : vector<1x1xi32>
      %shift_left3A_3321 = arith.constant 16 : i32
      %shift_left3A_3322 = vector.broadcast %shift_left3A_3321 : i32 to vector<1x1xi32>
      %shift_left3A_3323 = arith.shli %and3A_3320, %shift_left3A_3322 : vector<1x1xi32>
      %and3A_3324 = arith.constant 65535 : i32
      %and3A_3325 = vector.broadcast %and3A_3324 : i32 to vector<1x1xi32>
      %and3A_3326 = arith.andi %bitcast_convert_type3A_3249, %and3A_3325 : vector<1x1xi32>
      %or3A_3327 = arith.ori %shift_left3A_3323, %and3A_3326 : vector<1x1xi32>
      %bitcast_convert_type3A_3328 = tpu.bitcast %or3A_3327 : vector<1x1xi32> -> vector<1x1xf32>
      %jit3A_3329 = arith.constant -1.000000e+30 : f32
      %broadcast_in_dim3A_3330 = vector.broadcast %jit3A_3329 : f32 to vector<1x1xf32>
      %select_n3A_3331 = arith.select %lt3A_3303, %bitcast_convert_type3A_3328, %broadcast_in_dim3A_3330 : vector<1x1xi1>, vector<1x1xf32>
      %and3A_3332 = arith.constant 65535 : i32
      %and3A_3333 = vector.broadcast %and3A_3332 : i32 to vector<1x1xi32>
      %and3A_3334 = arith.andi %bitcast_convert_type3A_3261, %and3A_3333 : vector<1x1xi32>
      %shift_left3A_3335 = arith.constant 16 : i32
      %shift_left3A_3336 = vector.broadcast %shift_left3A_3335 : i32 to vector<1x1xi32>
      %shift_left3A_3337 = arith.shli %and3A_3334, %shift_left3A_3336 : vector<1x1xi32>
      %and3A_3338 = arith.constant 65535 : i32
      %and3A_3339 = vector.broadcast %and3A_3338 : i32 to vector<1x1xi32>
      %and3A_3340 = arith.andi %bitcast_convert_type3A_3273, %and3A_3339 : vector<1x1xi32>
      %or3A_3341 = arith.ori %shift_left3A_3337, %and3A_3340 : vector<1x1xi32>
      %bitcast_convert_type3A_3342 = tpu.bitcast %or3A_3341 : vector<1x1xi32> -> vector<1x1xf32>
      %jit3A_3343 = arith.constant -1.000000e+30 : f32
      %broadcast_in_dim3A_3344 = vector.broadcast %jit3A_3343 : f32 to vector<1x1xf32>
      %select_n3A_3345 = arith.select %lt3A_3303, %bitcast_convert_type3A_3342, %broadcast_in_dim3A_3344 : vector<1x1xi1>, vector<1x1xf32>
      %and3A_3346 = arith.constant 65535 : i32
      %and3A_3347 = vector.broadcast %and3A_3346 : i32 to vector<1x1xi32>
      %and3A_3348 = arith.andi %bitcast_convert_type3A_3285, %and3A_3347 : vector<1x1xi32>
      %shift_left3A_3349 = arith.constant 16 : i32
      %shift_left3A_3350 = vector.broadcast %shift_left3A_3349 : i32 to vector<1x1xi32>
      %shift_left3A_3351 = arith.shli %and3A_3348, %shift_left3A_3350 : vector<1x1xi32>
      %and3A_3352 = arith.constant 65535 : i32
      %and3A_3353 = vector.broadcast %and3A_3352 : i32 to vector<1x1xi32>
      %and3A_3354 = arith.andi %bitcast_convert_type3A_3297, %and3A_3353 : vector<1x1xi32>
      %or3A_3355 = arith.ori %shift_left3A_3351, %and3A_3354 : vector<1x1xi32>
      %bitcast_convert_type3A_3356 = tpu.bitcast %or3A_3355 : vector<1x1xi32> -> vector<1x1xf32>
      %jit3A_3357 = arith.constant -1.000000e+30 : f32
      %broadcast_in_dim3A_3358 = vector.broadcast %jit3A_3357 : f32 to vector<1x1xf32>
      %select_n3A_3359 = arith.select %lt3A_3303, %bitcast_convert_type3A_3356, %broadcast_in_dim3A_3358 : vector<1x1xi1>, vector<1x1xf32>
      %sub3A_3360 = arith.subf %select_n3A_3345, %select_n3A_3317 : vector<1x1xf32>
      %sub3A_3361 = arith.subf %select_n3A_3359, %select_n3A_3331 : vector<1x1xf32>
      %mul3A_3362 = arith.mulf %sub3A_3360, %sub3A_3361 : vector<1x1xf32>
      %get3A_3363 = arith.constant 0 : index
      %get3A_3364 = arith.constant 0 : index
      %get3A_3365 = vector.load %arg0[%get3A_3363, %get3A_3364] : memref<8x640xf32, #tpu.memory_space<vmem>>, vector<8x640xf32>
      %get3A_3366 = arith.constant 0 : index
      %get3A_3367 = arith.constant 0 : index
      %get3A_3368 = vector.load %arg1[%get3A_3366, %get3A_3367] : memref<8x640xf32, #tpu.memory_space<vmem>>, vector<8x640xf32>
      %get3A_3369 = arith.constant 0 : index
      %get3A_3370 = arith.constant 0 : index
      %get3A_3371 = vector.load %arg2[%get3A_3369, %get3A_3370] : memref<8x640xf32, #tpu.memory_space<vmem>>, vector<8x640xf32>
      %get3A_3372 = arith.constant 0 : index
      %get3A_3373 = arith.constant 0 : index
      %get3A_3374 = vector.load %arg3[%get3A_3372, %get3A_3373] : memref<8x640xf32, #tpu.memory_space<vmem>>, vector<8x640xf32>
      %min3A_3375 = vector.broadcast %select_n3A_3345 : vector<1x1xf32> to vector<8x640xf32>
      %min3A_3376 = arith.minimumf %min3A_3375, %get3A_3371 : vector<8x640xf32>
      %max3A_3377 = vector.broadcast %select_n3A_3317 : vector<1x1xf32> to vector<8x640xf32>
      %max3A_3378 = arith.maximumf %max3A_3377, %get3A_3365 : vector<8x640xf32>
      %sub3A_3379 = arith.subf %min3A_3376, %max3A_3378 : vector<8x640xf32>
      %max3A_3380 = arith.constant 0.000000e+00 : f32
      %max3A_3381 = vector.broadcast %max3A_3380 : f32 to vector<8x640xf32>
      %max3A_3382 = arith.maximumf %sub3A_3379, %max3A_3381 : vector<8x640xf32>
      %min3A_3383 = vector.broadcast %select_n3A_3359 : vector<1x1xf32> to vector<8x640xf32>
      %min3A_3384 = arith.minimumf %min3A_3383, %get3A_3374 : vector<8x640xf32>
      %max3A_3385 = vector.broadcast %select_n3A_3331 : vector<1x1xf32> to vector<8x640xf32>
      %max3A_3386 = arith.maximumf %max3A_3385, %get3A_3368 : vector<8x640xf32>
      %sub3A_3387 = arith.subf %min3A_3384, %max3A_3386 : vector<8x640xf32>
      %max3A_3388 = arith.constant 0.000000e+00 : f32
      %max3A_3389 = vector.broadcast %max3A_3388 : f32 to vector<8x640xf32>
      %max3A_3390 = arith.maximumf %sub3A_3387, %max3A_3389 : vector<8x640xf32>
      %mul3A_3391 = arith.mulf %max3A_3382, %max3A_3390 : vector<8x640xf32>
      %get3A_3392 = arith.constant 0 : index
      %get3A_3393 = arith.constant 0 : index
      %get3A_3394 = vector.load %arg4[%get3A_3392, %get3A_3393] : memref<8x640xf32, #tpu.memory_space<vmem>>, vector<8x640xf32>
      %add3A_3395 = vector.broadcast %mul3A_3362 : vector<1x1xf32> to vector<8x640xf32>
      %add3A_3396 = arith.addf %add3A_3395, %get3A_3394 : vector<8x640xf32>
      %sub3A_3397 = arith.subf %add3A_3396, %mul3A_3391 : vector<8x640xf32>
      %mul3A_3398 = arith.constant 2.000000e-01 : f32
      %mul3A_3399 = vector.broadcast %mul3A_3398 : f32 to vector<8x640xf32>
      %mul3A_3400 = arith.mulf %mul3A_3399, %sub3A_3397 : vector<8x640xf32>
      %gt3A_3401 = arith.cmpf ogt, %mul3A_3391, %mul3A_3400 : vector<8x640xf32>
      %eq3A_3402 = vector.broadcast %shift_right_arithmetic3A_3300 : vector<1x1xi32> to vector<8x640xi32>
      %eq3A_3403 = arith.cmpi eq, %get3A_3198, %eq3A_3402 : vector<8x640xi32>
      %and3A_3404 = vector.broadcast %lt3A_3303 : vector<1x1xi1> to vector<8x640xi1>
      %and3A_3405 = arith.andi %eq3A_3403, %and3A_3404 : vector<8x640xi1>
      %jit3A_3406 = arith.constant 16384 : i32
      %broadcast_in_dim3A_3407 = vector.broadcast %jit3A_3406 : i32 to vector<8x640xi32>
      %select_n3A_3408 = arith.select %gt3A_3401, %broadcast_in_dim3A_3407, %get3A_3198 : vector<8x640xi1>, vector<8x640xi32>
      %jit3A_3409 = arith.constant 12288 : i32
      %broadcast_in_dim3A_3410 = vector.broadcast %jit3A_3409 : i32 to vector<8x640xi32>
      %select_n3A_3411 = arith.select %and3A_3405, %broadcast_in_dim3A_3410, %select_n3A_3408 : vector<8x640xi1>, vector<8x640xi32>
      %swap3A_3412 = arith.constant 0 : index
      %swap3A_3413 = arith.constant 0 : index
      %swap3A_3414 = vector.load %arg7[%swap3A_3412, %swap3A_3413] : memref<8x640xi32, #tpu.memory_space<vmem>>, vector<8x640xi32>
      tpu.vector_store %arg7[%swap3A_3412, %swap3A_3413], %select_n3A_3411 {strides = array<i32>} : memref<8x640xi32, #tpu.memory_space<vmem>>, vector<8x640xi32>,
      %scan3A_3415 = arith.constant 15 : i32
      %get3A_3416 = arith.constant 0 : index
      %get3A_3417 = arith.constant 0 : index
      %get3A_3418 = vector.load %arg7[%get3A_3416, %get3A_3417] : memref<8x640xi32, #tpu.memory_space<vmem>>, vector<8x640xi32>
      %shift_left3A_3419 = arith.constant 16 : i32
      %shift_left3A_3420 = vector.broadcast %shift_left3A_3419 : i32 to vector<8x640xi32>
      %shift_left3A_3421 = arith.shli %get3A_3418, %shift_left3A_3420 : vector<8x640xi32>
      %get3A_3422 = arith.constant 0 : index
      %get3A_3423 = arith.constant 0 : index
      %get3A_3424 = vector.load %arg8[%get3A_3422, %get3A_3423] : memref<8x640xi32, #tpu.memory_space<vmem>>, vector<8x640xi32>
      %or3A_3425 = arith.ori %shift_left3A_3421, %get3A_3424 : vector<8x640xi32>
      %bitcast_convert_type3A_3426 = tpu.bitcast %or3A_3425 : vector<8x640xi32> -> vector<8x640xf32>
      %reduce_min3A_3427 = arith.constant dense<0x7F800000> : vector<8xf32>
      %reduce_min3A_3428 = vector.multi_reduction <minimumf>, %bitcast_convert_type3A_3426, %reduce_min3A_3427 [1] : vector<8x640xf32> to vector<8xf32>
      %broadcast_in_dim3A_3429 = vector.shape_cast %reduce_min3A_3428 : vector<8xf32> to vector<8x1xf32>
      %reduce_min3A_3430 = arith.constant dense<0x7F800000> : vector<1xf32>
      %reduce_min3A_3431 = vector.multi_reduction <minimumf>, %broadcast_in_dim3A_3429, %reduce_min3A_3430 [0] : vector<8x1xf32> to vector<1xf32>
      %broadcast_in_dim3A_3432 = vector.shape_cast %reduce_min3A_3431 : vector<1xf32> to vector<1x1xf32>
      %bitcast_convert_type3A_3433 = tpu.bitcast %broadcast_in_dim3A_3432 : vector<1x1xf32> -> vector<1x1xi32>
      %get3A_3434 = arith.constant 0 : index
      %get3A_3435 = arith.constant 0 : index
      %get3A_3436 = vector.load %arg9[%get3A_3434, %get3A_3435] : memref<8x640xi32, #tpu.memory_space<vmem>>, vector<8x640xi32>
      %or3A_3437 = arith.ori %shift_left3A_3421, %get3A_3436 : vector<8x640xi32>
      %bitcast_convert_type3A_3438 = tpu.bitcast %or3A_3437 : vector<8x640xi32> -> vector<8x640xf32>
      %reduce_min3A_3439 = arith.constant dense<0x7F800000> : vector<8xf32>
      %reduce_min3A_3440 = vector.multi_reduction <minimumf>, %bitcast_convert_type3A_3438, %reduce_min3A_3439 [1] : vector<8x640xf32> to vector<8xf32>
      %broadcast_in_dim3A_3441 = vector.shape_cast %reduce_min3A_3440 : vector<8xf32> to vector<8x1xf32>
      %reduce_min3A_3442 = arith.constant dense<0x7F800000> : vector<1xf32>
      %reduce_min3A_3443 = vector.multi_reduction <minimumf>, %broadcast_in_dim3A_3441, %reduce_min3A_3442 [0] : vector<8x1xf32> to vector<1xf32>
      %broadcast_in_dim3A_3444 = vector.shape_cast %reduce_min3A_3443 : vector<1xf32> to vector<1x1xf32>
      %bitcast_convert_type3A_3445 = tpu.bitcast %broadcast_in_dim3A_3444 : vector<1x1xf32> -> vector<1x1xi32>
      %get3A_3446 = arith.constant 0 : index
      %get3A_3447 = arith.constant 0 : index
      %get3A_3448 = vector.load %arg10[%get3A_3446, %get3A_3447] : memref<8x640xi32, #tpu.memory_space<vmem>>, vector<8x640xi32>
      %or3A_3449 = arith.ori %shift_left3A_3421, %get3A_3448 : vector<8x640xi32>
      %bitcast_convert_type3A_3450 = tpu.bitcast %or3A_3449 : vector<8x640xi32> -> vector<8x640xf32>
      %reduce_min3A_3451 = arith.constant dense<0x7F800000> : vector<8xf32>
      %reduce_min3A_3452 = vector.multi_reduction <minimumf>, %bitcast_convert_type3A_3450, %reduce_min3A_3451 [1] : vector<8x640xf32> to vector<8xf32>
      %broadcast_in_dim3A_3453 = vector.shape_cast %reduce_min3A_3452 : vector<8xf32> to vector<8x1xf32>
      %reduce_min3A_3454 = arith.constant dense<0x7F800000> : vector<1xf32>
      %reduce_min3A_3455 = vector.multi_reduction <minimumf>, %broadcast_in_dim3A_3453, %reduce_min3A_3454 [0] : vector<8x1xf32> to vector<1xf32>
      %broadcast_in_dim3A_3456 = vector.shape_cast %reduce_min3A_3455 : vector<1xf32> to vector<1x1xf32>
      %bitcast_convert_type3A_3457 = tpu.bitcast %broadcast_in_dim3A_3456 : vector<1x1xf32> -> vector<1x1xi32>
      %get3A_3458 = arith.constant 0 : index
      %get3A_3459 = arith.constant 0 : index
      %get3A_3460 = vector.load %arg11[%get3A_3458, %get3A_3459] : memref<8x640xi32, #tpu.memory_space<vmem>>, vector<8x640xi32>
      %or3A_3461 = arith.ori %shift_left3A_3421, %get3A_3460 : vector<8x640xi32>
      %bitcast_convert_type3A_3462 = tpu.bitcast %or3A_3461 : vector<8x640xi32> -> vector<8x640xf32>
      %reduce_min3A_3463 = arith.constant dense<0x7F800000> : vector<8xf32>
      %reduce_min3A_3464 = vector.multi_reduction <minimumf>, %bitcast_convert_type3A_3462, %reduce_min3A_3463 [1] : vector<8x640xf32> to vector<8xf32>
      %broadcast_in_dim3A_3465 = vector.shape_cast %reduce_min3A_3464 : vector<8xf32> to vector<8x1xf32>
      %reduce_min3A_3466 = arith.constant dense<0x7F800000> : vector<1xf32>
      %reduce_min3A_3467 = vector.multi_reduction <minimumf>, %broadcast_in_dim3A_3465, %reduce_min3A_3466 [0] : vector<8x1xf32> to vector<1xf32>
      %broadcast_in_dim3A_3468 = vector.shape_cast %reduce_min3A_3467 : vector<1xf32> to vector<1x1xf32>
      %bitcast_convert_type3A_3469 = tpu.bitcast %broadcast_in_dim3A_3468 : vector<1x1xf32> -> vector<1x1xi32>
      %get3A_3470 = arith.constant 0 : index
      %get3A_3471 = arith.constant 0 : index
      %get3A_3472 = vector.load %arg12[%get3A_3470, %get3A_3471] : memref<8x640xi32, #tpu.memory_space<vmem>>, vector<8x640xi32>
      %or3A_3473 = arith.ori %shift_left3A_3421, %get3A_3472 : vector<8x640xi32>
      %bitcast_convert_type3A_3474 = tpu.bitcast %or3A_3473 : vector<8x640xi32> -> vector<8x640xf32>
      %reduce_min3A_3475 = arith.constant dense<0x7F800000> : vector<8xf32>
      %reduce_min3A_3476 = vector.multi_reduction <minimumf>, %bitcast_convert_type3A_3474, %reduce_min3A_3475 [1] : vector<8x640xf32> to vector<8xf32>
      %broadcast_in_dim3A_3477 = vector.shape_cast %reduce_min3A_3476 : vector<8xf32> to vector<8x1xf32>
      %reduce_min3A_3478 = arith.constant dense<0x7F800000> : vector<1xf32>
      %reduce_min3A_3479 = vector.multi_reduction <minimumf>, %broadcast_in_dim3A_3477, %reduce_min3A_3478 [0] : vector<8x1xf32> to vector<1xf32>
      %broadcast_in_dim3A_3480 = vector.shape_cast %reduce_min3A_3479 : vector<1xf32> to vector<1x1xf32>
      %bitcast_convert_type3A_3481 = tpu.bitcast %broadcast_in_dim3A_3480 : vector<1x1xf32> -> vector<1x1xi32>
      %get3A_3482 = arith.constant 0 : index
      %get3A_3483 = arith.constant 0 : index
      %get3A_3484 = vector.load %arg13[%get3A_3482, %get3A_3483] : memref<8x640xi32, #tpu.memory_space<vmem>>, vector<8x640xi32>
      %or3A_3485 = arith.ori %shift_left3A_3421, %get3A_3484 : vector<8x640xi32>
      %bitcast_convert_type3A_3486 = tpu.bitcast %or3A_3485 : vector<8x640xi32> -> vector<8x640xf32>
      %reduce_min3A_3487 = arith.constant dense<0x7F800000> : vector<8xf32>
      %reduce_min3A_3488 = vector.multi_reduction <minimumf>, %bitcast_convert_type3A_3486, %reduce_min3A_3487 [1] : vector<8x640xf32> to vector<8xf32>
      %broadcast_in_dim3A_3489 = vector.shape_cast %reduce_min3A_3488 : vector<8xf32> to vector<8x1xf32>
      %reduce_min3A_3490 = arith.constant dense<0x7F800000> : vector<1xf32>
      %reduce_min3A_3491 = vector.multi_reduction <minimumf>, %broadcast_in_dim3A_3489, %reduce_min3A_3490 [0] : vector<8x1xf32> to vector<1xf32>
      %broadcast_in_dim3A_3492 = vector.shape_cast %reduce_min3A_3491 : vector<1xf32> to vector<1x1xf32>
      %bitcast_convert_type3A_3493 = tpu.bitcast %broadcast_in_dim3A_3492 : vector<1x1xf32> -> vector<1x1xi32>
      %get3A_3494 = arith.constant 0 : index
      %get3A_3495 = arith.constant 0 : index
      %get3A_3496 = vector.load %arg14[%get3A_3494, %get3A_3495] : memref<8x640xi32, #tpu.memory_space<vmem>>, vector<8x640xi32>
      %or3A_3497 = arith.ori %shift_left3A_3421, %get3A_3496 : vector<8x640xi32>
      %bitcast_convert_type3A_3498 = tpu.bitcast %or3A_3497 : vector<8x640xi32> -> vector<8x640xf32>
      %reduce_min3A_3499 = arith.constant dense<0x7F800000> : vector<8xf32>
      %reduce_min3A_3500 = vector.multi_reduction <minimumf>, %bitcast_convert_type3A_3498, %reduce_min3A_3499 [1] : vector<8x640xf32> to vector<8xf32>
      %broadcast_in_dim3A_3501 = vector.shape_cast %reduce_min3A_3500 : vector<8xf32> to vector<8x1xf32>
      %reduce_min3A_3502 = arith.constant dense<0x7F800000> : vector<1xf32>
      %reduce_min3A_3503 = vector.multi_reduction <minimumf>, %broadcast_in_dim3A_3501, %reduce_min3A_3502 [0] : vector<8x1xf32> to vector<1xf32>
      %broadcast_in_dim3A_3504 = vector.shape_cast %reduce_min3A_3503 : vector<1xf32> to vector<1x1xf32>
      %bitcast_convert_type3A_3505 = tpu.bitcast %broadcast_in_dim3A_3504 : vector<1x1xf32> -> vector<1x1xi32>
      %get3A_3506 = arith.constant 0 : index
      %get3A_3507 = arith.constant 0 : index
      %get3A_3508 = vector.load %arg15[%get3A_3506, %get3A_3507] : memref<8x640xi32, #tpu.memory_space<vmem>>, vector<8x640xi32>
      %or3A_3509 = arith.ori %shift_left3A_3421, %get3A_3508 : vector<8x640xi32>
      %bitcast_convert_type3A_3510 = tpu.bitcast %or3A_3509 : vector<8x640xi32> -> vector<8x640xf32>
      %reduce_min3A_3511 = arith.constant dense<0x7F800000> : vector<8xf32>
      %reduce_min3A_3512 = vector.multi_reduction <minimumf>, %bitcast_convert_type3A_3510, %reduce_min3A_3511 [1] : vector<8x640xf32> to vector<8xf32>
      %broadcast_in_dim3A_3513 = vector.shape_cast %reduce_min3A_3512 : vector<8xf32> to vector<8x1xf32>
      %reduce_min3A_3514 = arith.constant dense<0x7F800000> : vector<1xf32>
      %reduce_min3A_3515 = vector.multi_reduction <minimumf>, %broadcast_in_dim3A_3513, %reduce_min3A_3514 [0] : vector<8x1xf32> to vector<1xf32>
      %broadcast_in_dim3A_3516 = vector.shape_cast %reduce_min3A_3515 : vector<1xf32> to vector<1x1xf32>
      %bitcast_convert_type3A_3517 = tpu.bitcast %broadcast_in_dim3A_3516 : vector<1x1xf32> -> vector<1x1xi32>
      %shift_right_arithmetic3A_3518 = arith.constant 16 : i32
      %shift_right_arithmetic3A_3519 = vector.broadcast %shift_right_arithmetic3A_3518 : i32 to vector<1x1xi32>
      %shift_right_arithmetic3A_3520 = arith.shrsi %bitcast_convert_type3A_3433, %shift_right_arithmetic3A_3519 : vector<1x1xi32>
      %lt3A_3521 = arith.constant 8320 : i32
      %lt3A_3522 = vector.broadcast %lt3A_3521 : i32 to vector<1x1xi32>
      %lt3A_3523 = arith.cmpi slt, %shift_right_arithmetic3A_3520, %lt3A_3522 : vector<1x1xi32>
      %and3A_3524 = arith.constant 65535 : i32
      %and3A_3525 = vector.broadcast %and3A_3524 : i32 to vector<1x1xi32>
      %and3A_3526 = arith.andi %bitcast_convert_type3A_3433, %and3A_3525 : vector<1x1xi32>
      %shift_left3A_3527 = arith.constant 16 : i32
      %shift_left3A_3528 = vector.broadcast %shift_left3A_3527 : i32 to vector<1x1xi32>
      %shift_left3A_3529 = arith.shli %and3A_3526, %shift_left3A_3528 : vector<1x1xi32>
      %and3A_3530 = arith.constant 65535 : i32
      %and3A_3531 = vector.broadcast %and3A_3530 : i32 to vector<1x1xi32>
      %and3A_3532 = arith.andi %bitcast_convert_type3A_3445, %and3A_3531 : vector<1x1xi32>
      %or3A_3533 = arith.ori %shift_left3A_3529, %and3A_3532 : vector<1x1xi32>
      %bitcast_convert_type3A_3534 = tpu.bitcast %or3A_3533 : vector<1x1xi32> -> vector<1x1xf32>
      %jit3A_3535 = arith.constant -1.000000e+30 : f32
      %broadcast_in_dim3A_3536 = vector.broadcast %jit3A_3535 : f32 to vector<1x1xf32>
      %select_n3A_3537 = arith.select %lt3A_3523, %bitcast_convert_type3A_3534, %broadcast_in_dim3A_3536 : vector<1x1xi1>, vector<1x1xf32>
      %and3A_3538 = arith.constant 65535 : i32
      %and3A_3539 = vector.broadcast %and3A_3538 : i32 to vector<1x1xi32>
      %and3A_3540 = arith.andi %bitcast_convert_type3A_3457, %and3A_3539 : vector<1x1xi32>
      %shift_left3A_3541 = arith.constant 16 : i32
      %shift_left3A_3542 = vector.broadcast %shift_left3A_3541 : i32 to vector<1x1xi32>
      %shift_left3A_3543 = arith.shli %and3A_3540, %shift_left3A_3542 : vector<1x1xi32>
      %and3A_3544 = arith.constant 65535 : i32
      %and3A_3545 = vector.broadcast %and3A_3544 : i32 to vector<1x1xi32>
      %and3A_3546 = arith.andi %bitcast_convert_type3A_3469, %and3A_3545 : vector<1x1xi32>
      %or3A_3547 = arith.ori %shift_left3A_3543, %and3A_3546 : vector<1x1xi32>
      %bitcast_convert_type3A_3548 = tpu.bitcast %or3A_3547 : vector<1x1xi32> -> vector<1x1xf32>
      %jit3A_3549 = arith.constant -1.000000e+30 : f32
      %broadcast_in_dim3A_3550 = vector.broadcast %jit3A_3549 : f32 to vector<1x1xf32>
      %select_n3A_3551 = arith.select %lt3A_3523, %bitcast_convert_type3A_3548, %broadcast_in_dim3A_3550 : vector<1x1xi1>, vector<1x1xf32>
      %and3A_3552 = arith.constant 65535 : i32
      %and3A_3553 = vector.broadcast %and3A_3552 : i32 to vector<1x1xi32>
      %and3A_3554 = arith.andi %bitcast_convert_type3A_3481, %and3A_3553 : vector<1x1xi32>
      %shift_left3A_3555 = arith.constant 16 : i32
      %shift_left3A_3556 = vector.broadcast %shift_left3A_3555 : i32 to vector<1x1xi32>
      %shift_left3A_3557 = arith.shli %and3A_3554, %shift_left3A_3556 : vector<1x1xi32>
      %and3A_3558 = arith.constant 65535 : i32
      %and3A_3559 = vector.broadcast %and3A_3558 : i32 to vector<1x1xi32>
      %and3A_3560 = arith.andi %bitcast_convert_type3A_3493, %and3A_3559 : vector<1x1xi32>
      %or3A_3561 = arith.ori %shift_left3A_3557, %and3A_3560 : vector<1x1xi32>
      %bitcast_convert_type3A_3562 = tpu.bitcast %or3A_3561 : vector<1x1xi32> -> vector<1x1xf32>
      %jit3A_3563 = arith.constant -1.000000e+30 : f32
      %broadcast_in_dim3A_3564 = vector.broadcast %jit3A_3563 : f32 to vector<1x1xf32>
      %select_n3A_3565 = arith.select %lt3A_3523, %bitcast_convert_type3A_3562, %broadcast_in_dim3A_3564 : vector<1x1xi1>, vector<1x1xf32>
      %and3A_3566 = arith.constant 65535 : i32
      %and3A_3567 = vector.broadcast %and3A_3566 : i32 to vector<1x1xi32>
      %and3A_3568 = arith.andi %bitcast_convert_type3A_3505, %and3A_3567 : vector<1x1xi32>
      %shift_left3A_3569 = arith.constant 16 : i32
      %shift_left3A_3570 = vector.broadcast %shift_left3A_3569 : i32 to vector<1x1xi32>
      %shift_left3A_3571 = arith.shli %and3A_3568, %shift_left3A_3570 : vector<1x1xi32>
      %and3A_3572 = arith.constant 65535 : i32
      %and3A_3573 = vector.broadcast %and3A_3572 : i32 to vector<1x1xi32>
      %and3A_3574 = arith.andi %bitcast_convert_type3A_3517, %and3A_3573 : vector<1x1xi32>
      %or3A_3575 = arith.ori %shift_left3A_3571, %and3A_3574 : vector<1x1xi32>
      %bitcast_convert_type3A_3576 = tpu.bitcast %or3A_3575 : vector<1x1xi32> -> vector<1x1xf32>
      %jit3A_3577 = arith.constant -1.000000e+30 : f32
      %broadcast_in_dim3A_3578 = vector.broadcast %jit3A_3577 : f32 to vector<1x1xf32>
      %select_n3A_3579 = arith.select %lt3A_3523, %bitcast_convert_type3A_3576, %broadcast_in_dim3A_3578 : vector<1x1xi1>, vector<1x1xf32>
      %sub3A_3580 = arith.subf %select_n3A_3565, %select_n3A_3537 : vector<1x1xf32>
      %sub3A_3581 = arith.subf %select_n3A_3579, %select_n3A_3551 : vector<1x1xf32>
      %mul3A_3582 = arith.mulf %sub3A_3580, %sub3A_3581 : vector<1x1xf32>
      %get3A_3583 = arith.constant 0 : index
      %get3A_3584 = arith.constant 0 : index
      %get3A_3585 = vector.load %arg0[%get3A_3583, %get3A_3584] : memref<8x640xf32, #tpu.memory_space<vmem>>, vector<8x640xf32>
      %get3A_3586 = arith.constant 0 : index
      %get3A_3587 = arith.constant 0 : index
      %get3A_3588 = vector.load %arg1[%get3A_3586, %get3A_3587] : memref<8x640xf32, #tpu.memory_space<vmem>>, vector<8x640xf32>
      %get3A_3589 = arith.constant 0 : index
      %get3A_3590 = arith.constant 0 : index
      %get3A_3591 = vector.load %arg2[%get3A_3589, %get3A_3590] : memref<8x640xf32, #tpu.memory_space<vmem>>, vector<8x640xf32>
      %get3A_3592 = arith.constant 0 : index
      %get3A_3593 = arith.constant 0 : index
      %get3A_3594 = vector.load %arg3[%get3A_3592, %get3A_3593] : memref<8x640xf32, #tpu.memory_space<vmem>>, vector<8x640xf32>
      %min3A_3595 = vector.broadcast %select_n3A_3565 : vector<1x1xf32> to vector<8x640xf32>
      %min3A_3596 = arith.minimumf %min3A_3595, %get3A_3591 : vector<8x640xf32>
      %max3A_3597 = vector.broadcast %select_n3A_3537 : vector<1x1xf32> to vector<8x640xf32>
      %max3A_3598 = arith.maximumf %max3A_3597, %get3A_3585 : vector<8x640xf32>
      %sub3A_3599 = arith.subf %min3A_3596, %max3A_3598 : vector<8x640xf32>
      %max3A_3600 = arith.constant 0.000000e+00 : f32
      %max3A_3601 = vector.broadcast %max3A_3600 : f32 to vector<8x640xf32>
      %max3A_3602 = arith.maximumf %sub3A_3599, %max3A_3601 : vector<8x640xf32>
      %min3A_3603 = vector.broadcast %select_n3A_3579 : vector<1x1xf32> to vector<8x640xf32>
      %min3A_3604 = arith.minimumf %min3A_3603, %get3A_3594 : vector<8x640xf32>
      %max3A_3605 = vector.broadcast %select_n3A_3551 : vector<1x1xf32> to vector<8x640xf32>
      %max3A_3606 = arith.maximumf %max3A_3605, %get3A_3588 : vector<8x640xf32>
      %sub3A_3607 = arith.subf %min3A_3604, %max3A_3606 : vector<8x640xf32>
      %max3A_3608 = arith.constant 0.000000e+00 : f32
      %max3A_3609 = vector.broadcast %max3A_3608 : f32 to vector<8x640xf32>
      %max3A_3610 = arith.maximumf %sub3A_3607, %max3A_3609 : vector<8x640xf32>
      %mul3A_3611 = arith.mulf %max3A_3602, %max3A_3610 : vector<8x640xf32>
      %get3A_3612 = arith.constant 0 : index
      %get3A_3613 = arith.constant 0 : index
      %get3A_3614 = vector.load %arg4[%get3A_3612, %get3A_3613] : memref<8x640xf32, #tpu.memory_space<vmem>>, vector<8x640xf32>
      %add3A_3615 = vector.broadcast %mul3A_3582 : vector<1x1xf32> to vector<8x640xf32>
      %add3A_3616 = arith.addf %add3A_3615, %get3A_3614 : vector<8x640xf32>
      %sub3A_3617 = arith.subf %add3A_3616, %mul3A_3611 : vector<8x640xf32>
      %mul3A_3618 = arith.constant 2.000000e-01 : f32
      %mul3A_3619 = vector.broadcast %mul3A_3618 : f32 to vector<8x640xf32>
      %mul3A_3620 = arith.mulf %mul3A_3619, %sub3A_3617 : vector<8x640xf32>
      %gt3A_3621 = arith.cmpf ogt, %mul3A_3611, %mul3A_3620 : vector<8x640xf32>
      %eq3A_3622 = vector.broadcast %shift_right_arithmetic3A_3520 : vector<1x1xi32> to vector<8x640xi32>
      %eq3A_3623 = arith.cmpi eq, %get3A_3418, %eq3A_3622 : vector<8x640xi32>
      %and3A_3624 = vector.broadcast %lt3A_3523 : vector<1x1xi1> to vector<8x640xi1>
      %and3A_3625 = arith.andi %eq3A_3623, %and3A_3624 : vector<8x640xi1>
      %jit3A_3626 = arith.constant 16384 : i32
      %broadcast_in_dim3A_3627 = vector.broadcast %jit3A_3626 : i32 to vector<8x640xi32>
      %select_n3A_3628 = arith.select %gt3A_3621, %broadcast_in_dim3A_3627, %get3A_3418 : vector<8x640xi1>, vector<8x640xi32>
      %jit3A_3629 = arith.constant 12288 : i32
      %broadcast_in_dim3A_3630 = vector.broadcast %jit3A_3629 : i32 to vector<8x640xi32>
      %select_n3A_3631 = arith.select %and3A_3625, %broadcast_in_dim3A_3630, %select_n3A_3628 : vector<8x640xi1>, vector<8x640xi32>
      %swap3A_3632 = arith.constant 0 : index
      %swap3A_3633 = arith.constant 0 : index
      %swap3A_3634 = vector.load %arg7[%swap3A_3632, %swap3A_3633] : memref<8x640xi32, #tpu.memory_space<vmem>>, vector<8x640xi32>
      tpu.vector_store %arg7[%swap3A_3632, %swap3A_3633], %select_n3A_3631 {strides = array<i32>} : memref<8x640xi32, #tpu.memory_space<vmem>>, vector<8x640xi32>,
      %scan3A_3635 = arith.constant 16 : i32
      %reduce_min3A_3636 = vector.shape_cast %shift_right_arithmetic3A_3520 : vector<1x1xi32> to vector<1x1x1xi32>
      %reduce_min3A_3637 = arith.constant dense<2147483647> : vector<1xi32>
      %reduce_min3A_3638 = vector.multi_reduction <minsi>, %reduce_min3A_3636, %reduce_min3A_3637 [1, 2] : vector<1x1x1xi32> to vector<1xi32>
      %reduce_min3A_3639 = vector.shape_cast %reduce_min3A_3638 : vector<1xi32> to vector<1x1x1xi32>
      %reduce_min3A_3640 = vector.extract %reduce_min3A_3639[0, 0, 0] : i32 from vector<1x1x1xi32>
      scf.yield %reduce_min3A_3640 : i32
    }
    %get3A_105 = arith.constant 0 : index
    %get3A_106 = arith.constant 0 : index
    %get3A_107 = vector.load %arg7[%get3A_105, %get3A_106] : memref<8x640xi32, #tpu.memory_space<vmem>>, vector<8x640xi32>
    %eq3A = arith.constant 12288 : i32
    %eq3A_108 = vector.broadcast %eq3A : i32 to vector<8x640xi32>
    %eq3A_109 = arith.cmpi eq, %get3A_107, %eq3A_108 : vector<8x640xi32>
    %get3A_110 = arith.constant 0 : index
    %get3A_111 = arith.constant 0 : index
    %get3A_112 = vector.load %arg5[%get3A_110, %get3A_111] : memref<8x640xf32, #tpu.memory_space<vmem>>, vector<8x640xf32>
    %jit3A_113 = arith.constant 0.000000e+00 : f32
    %broadcast_in_dim3A_114 = vector.broadcast %jit3A_113 : f32 to vector<8x640xf32>
    %select_n3A_115 = arith.select %eq3A_109, %get3A_112, %broadcast_in_dim3A_114 : vector<8x640xi1>, vector<8x640xf32>
    %swap3A_116 = arith.constant 0 : index
    %swap3A_117 = arith.constant 0 : index
    %swap3A_118 = vector.load %arg6[%swap3A_116, %swap3A_117] : memref<8x640xf32, #tpu.memory_space<vmem>>, vector<8x640xf32>
    tpu.vector_store %arg6[%swap3A_116, %swap3A_117], %select_n3A_115 {strides = array<i32>} : memref<8x640xf32, #tpu.memory_space<vmem>>, vector<8x640xf32>,
    return
  }
}

</mosaic_0001>

<sc_bundles>
// kernel: gather_offload_async_start.1
scs
__scs_entry_jumppad:
0x0: {  	(pc) =	sbr.rel $0x88, $3  }
0x1: {  	(tag) =	ssettag $0x0;
	lr =	simm.s32 $0x1  }
0x2: {  	[smem:$0x3F9F] =	sst lr;
	_ =	strace $0xD0000000  }
0x3: {  	_ = 	snop  }
0x4: {  	_ = 	snop  }
0x5: {  	_ = 	snop  }
0x6: {  	_ = 	snop  }
0x7: {  	_ = 	snop  }
__scs_overlays_trampoline_lowered:
0x8: {  	[smem:$0x3FAE] =	sst s0  }
0x9: {  	[smem:$0x3FAF] =	sst s1  }
0xa: {  	[smem:$0x3FB0] =	sst s2  }
0xb: {  	[smem:$0x3FB1] =	sst s3  }
0xc: {  	[smem:$0x3FB2] =	sst s4  }
0xd: {  	[smem:$0x3FB3] =	sst s5  }
0xe: {  	[smem:$0x3FB4] =	sst s6  }
0xf: {  	[smem:$0x3FB5] =	sst s7  }
0x10: {  	[smem:$0x3FB6] =	sst s8  }
0x11: {  	[smem:$0x3FB7] =	sst s9;
	s0 =	simm.s32 @!p0 $0x0  }
0x12: {  	s1 =	sld [smem:$0x3F9D];
	s0 =	simm.s32 @p0 $0x1  }
0x13: {  	[smem:$0x3FB8] =	sst s0;
	s0 =	simm.s32 @!p1 $0x0  }
0x14: {  	s2 =	sld [smem:$0x3F9C];
	s0 =	simm.s32 @p1 $0x1  }
0x15: {  	[smem:$0x3FB9] =	sst s0;
	s0 =	simm.s32 @!p2 $0x0  }
0x16: {  	s3 =	sld [smem:$0x3FDB];
	s0 =	simm.s32 @p2 $0x1  }
0x17: {  	s4 =	simm.s32 $0x1BF5;
	[smem:$0x3FBB] =	sst s0  }
0x18: {  	s0 =	sld [smem:$0x3F9E];
	_ =	swait.ge [sflag:s4], $0x0  }
0x19: {  	s7 =	sld [smem:$0x3F9F]  }
0x1a: {  	s8 =	sadd.s32 $0xFFFFE003, lr  }
0x1b: {  	s9 =	sadd.s32 $0xFFFFFEF7, lr;
	s5 =	simm.s32 $0xFFFFFFFF;
	p2 =	slt.u32 s8, $0xFFFFF086  }
0x1c: {  	p1 =	slt.u32 s9, $0xF7A;
	s5 =	simm.s32 @!p2 $0x0  }
0x1d: {  	s5 =	simm.s32 @p1 $0x1;
	p0 =	seq.s32 s7, s2  }
0x1e: {  	s7 =	smul.u32 @!p0 $0xF7A, s2;
	p2 =	seq.s32 @!p0 s5, $0x0  }
0x1f: {  	s9 =	smul.u32 $0xF7A, s1;
	s8 =	simm.s32 @!p0 $0x1BF5;
	p2 =	por !p2, p0  }
0x20: {  	[sflag:s8] =	ssyncset.s32 @!p0 $0xFFFFF086;
	s6 =	sadd.s32 @!p0 s3, s7;
	s7 =	simm.s32 @!p0 $0x108  }
0x21: {  	s3 =	sadd.s32 s3, s9;
	s6 =	sadd.s32 @!p0 $0x88, s6;
	s7 =	simm.s32 @p2 $0x1082  }
0x22: {  	[simem:s7], [sflag:s8] =	dma.local @!p0 [hbm:s6], $0xF7A  }
0x23: {  	s9 =	sor.u32 $0xD0000000, s2;
	s6 =	simm.s32 $0x108;
	_ =	swait.ge @!p0 [sflag:s8], $0x0  }
0x24: {  	s3 =	sadd.s32 $0x88, s3;
	s6 =	simm.s32 @!p1 $0x1082;
	[sflag:s4] =	ssyncset.s32 $0xFFFFF086  }
0x25: {  	[simem:s6], [sflag:s4] =	dma.local [hbm:s3], $0xF7A  }
0x26: {  	[smem:$0x3F9F] =	sst s1;
	(tag) =	ssettag s2;
	_ =	strace s9  }
0x27: {  	s1 =	sld [smem:$0x3FAF]  }
0x28: {  	s2 =	sld [smem:$0x3FB0]  }
0x29: {  	s4 =	sld [smem:$0x3FB2]  }
0x2a: {  	p0 =	seq.s32 s5, $0x0;
	s5 =	sld [smem:$0x3FB3]  }
0x2b: {  	s6 =	sld [smem:$0x3FB4]  }
0x2c: {  	s7 =	sld [smem:$0x3FB5]  }
0x2d: {  	s3 =	simm.s32 $0x108;
	s8 =	sld [smem:$0x3FB6]  }
0x2e: {  	s3 =	simm.s32 @!p0 $0x1082;
	s9 =	sld [smem:$0x3FB7]  }
0x2f: {  	lr =	sadd.s32 s0, s3;
	s0 =	sld [smem:$0x3FAE]  }
0x30: {  	s3 =	sld [smem:$0x3FB1]  }
0x31: {  	[smem:$0x3FBA] =	sst s10  }
0x32: {  	s10 =	sld [smem:$0x3FB8];
	_ =	sdelay $0x3  }
0x33: {  	p0 =	seq.s32 s10, $0x1;
	s10 =	sld [smem:$0x3FBA];
	_ =	sdelay $0x3  }
0x34: {  	[smem:$0x3FBA] =	sst s10  }
0x35: {  	s10 =	sld [smem:$0x3FB9];
	_ =	sdelay $0x3  }
0x36: {  	p1 =	seq.s32 s10, $0x1;
	s10 =	sld [smem:$0x3FBA];
	_ =	sdelay $0x3  }
0x37: {  	[smem:$0x3FBA] =	sst s10  }
0x38: {  	s10 =	sld [smem:$0x3FBB]  }
0x39: {  	_ = 	snop;
	(pc) =	sbr.ind lr, $3  }
0x3a: {  	_ = 	snop  }
0x3b: {  	_ = 	snop  }
0x3c: {  	p2 =	seq.s32 s10, $0x1;
	s10 =	sld [smem:$0x3FBA]  }
0x3d: {  	_ =	shalt  }
0x3e: {  	_ =	shalt  }
0x3f: {  	_ =	shalt  }
0x40: {  	_ =	shalt  }
0x41: {  	_ =	shalt  }
0x42: {  	_ =	shalt  }
0x43: {  	_ =	shalt  }
0x44: {  	_ =	shalt  }
0x45: {  	_ =	shalt  }
0x46: {  	_ =	shalt  }
0x47: {  	_ =	shalt  }
0x48: {  	_ =	shalt  }
0x49: {  	_ =	shalt  }
0x4a: {  	_ =	shalt  }
0x4b: {  	_ =	shalt  }
0x4c: {  	_ =	shalt  }
0x4d: {  	_ =	shalt  }
0x4e: {  	_ =	shalt  }
0x4f: {  	_ =	shalt  }
0x50: {  	_ =	shalt  }
0x51: {  	_ =	shalt  }
0x52: {  	_ =	shalt  }
0x53: {  	_ =	shalt  }
0x54: {  	_ =	shalt  }
0x55: {  	_ =	shalt  }
0x56: {  	_ =	shalt  }
0x57: {  	_ =	shalt  }
0x58: {  	_ =	shalt  }
0x59: {  	_ =	shalt  }
0x5a: {  	_ =	shalt  }
0x5b: {  	_ =	shalt  }
0x5c: {  	_ =	shalt  }
0x5d: {  	_ =	shalt  }
0x5e: {  	_ =	shalt  }
0x5f: {  	_ =	shalt  }
0x60: {  	_ =	shalt  }
0x61: {  	_ =	shalt  }
0x62: {  	_ =	shalt  }
0x63: {  	_ =	shalt  }
0x64: {  	_ =	shalt  }
0x65: {  	_ =	shalt  }
0x66: {  	_ =	shalt  }
0x67: {  	_ =	shalt  }
0x68: {  	_ =	shalt  }
0x69: {  	_ =	shalt  }
0x6a: {  	_ =	shalt  }
0x6b: {  	_ =	shalt  }
0x6c: {  	_ =	shalt  }
0x6d: {  	_ =	shalt  }
0x6e: {  	_ =	shalt  }
0x6f: {  	_ =	shalt  }
0x70: {  	_ =	shalt  }
0x71: {  	_ =	shalt  }
0x72: {  	_ =	shalt  }
0x73: {  	_ =	shalt  }
0x74: {  	_ =	shalt  }
0x75: {  	_ =	shalt  }
0x76: {  	_ =	shalt  }
0x77: {  	_ =	shalt  }
0x78: {  	_ =	shalt  }
0x79: {  	_ =	shalt  }
0x7a: {  	_ =	shalt  }
0x7b: {  	_ =	shalt  }
0x7c: {  	_ =	shalt  }
0x7d: {  	_ =	shalt  }
0x7e: {  	_ =	shalt  }
0x7f: {  	_ =	shalt  }
0x80: {  	_ =	shalt  }
0x81: {  	_ =	shalt  }
0x82: {  	_ =	shalt  }
0x83: {  	_ =	shalt  }
0x84: {  	_ =	shalt  }
0x85: {  	_ =	shalt  }
0x86: {  	_ =	shalt  }
0x87: {  	_ =	shalt  }
.Lfunc_end0:
.L_simem_size_0:
called_computation.1_lowered:
.L_overlay_start_0:
0x88: {  	s0 =	sld [smem:$0x3FD9]  }
0x89: {  	s1 =	sld [smem:$0x3FFE];
	_ =	sdelay $0x3  }
0x8a: {  	s0 =	sadd.s32 s1, s0  }
0x8b: {  	[smem:$0x3FC6] =	sst s0  }
0x8c: {  	_ = 	snop  }
0x8d: {  	s0 =	sld [smem:$0x3FC8]  }
0x8e: {  	s16 =	sld [smem:$0x3FD0];
	(tm) =	ssettm $0x1  }
0x8f: {  	s2 =	sld [smem:$0x3FFB];
	_ =	sdelay $0x3  }
0x90: {  	_ =	strace s2  }
0x91: {  	s2 =	sld [smem:$0x3FFC];
	_ =	sdelay $0x3  }
0x92: {  	_ =	strace s2  }
0x93: {  	s2 =	sld [smem:$0x3FFD];
	_ =	sdelay $0x3  }
0x94: {  	_ =	strace s2  }
0x95: {  	_ =	strace $0x8FFFFFFF  }
0x96: {  	s17 =	sld [smem:$0x3FDB];
	_ =	sdelay $0x1  }
0x97: {  	s3 =	simm.s32 $_scs_section_size  }
0x98: {  	s4 =	simm.s32 $_size__tile_overlayer_lowered;
	s5 =	simm.s32 $_tile_overlayer_lowered  }
0x99: {  	s20 =	simm.s32 $0x1BFF;
	s19 =	sshll.u32 s5, $0x1;
	s2 =	sadd.s32 s3, s17  }
0x9a: {  	s6 =	simm.s32 $0x0;
	s18 =	sshll.u32 s4, $0x1;
	s4 =	sadd.s32 s19, s2  }
0x9b: {  	[timem:s6], [sflag:s20] =	dma.local [hbm:s4], s18  }
0x9c: {  	_ =	swait.ge [sflag:s20], s18  }
0x9d: {  	s3 =	ssub.s32 $0x0, s18;
	[sflag:s20] =	ssyncset.done $0x0  }
0x9e: {  	[sflag:s20] =	ssyncadd.s32 s3;
	_ =	sdelay $0x1  }
0x9f: {  	s21 =	simm.s32 $0x1B8B  }
0xa0: {  	_ =	swait.ge [sflag:s21], $0x1  }
0xa1: {  	[sflag:s21] =	ssyncset.done $0x0  }
0xa2: {  	s23 =	simm.s32 $0x1B8E;
	s22 =	sld [smem:$0x3FFE];
	[sflag:s21] =	ssyncadd.s32 $0xFFFFFFFF  }
0xa3: {  	s24 =	simm.s32 $execute0_lowered;
	[smem:$0x3FD2] =	sst s23  }
0xa4: {  	s4 =	sshll.u32 s24, $0x1;
	_ =	strace $0x80000046;
	[dreg:$0x1] =	wrdreg $0xFFFFFFFF  }
0xa5: {  	s25 =	simm.s32 $_size_execute0_lowered;
	s2 =	sadd.s32 s2, s4;
	[dreg:$0x0] =	wrdreg $0x0  }
0xa6: {  	s4 =	sshll.u32 s25, $0x1;
	[dreg:$0x2] =	wrdreg s2  }
0xa7: {  	[dreg:$0x3] =	wrdreg s4  }
0xa8: {  	[dreg:$0x4] =	wrdreg $0xC0  }
0xa9: {  	_ =	task [dreg:s6], $0x5FFFF  }
0xaa: {  	[dreg:$0x1] =	wrdreg $0xFFFFFFFF  }
0xab: {  	[dreg:$0x0] =	wrdreg $0x60  }
0xac: {  	[dreg:$0x2] =	wrdreg s0  }
0xad: {  	[dreg:$0x3] =	wrdreg s16  }
0xae: {  	[dreg:$0x4] =	wrdreg s22  }
0xaf: {  	[dreg:$0x5] =	wrdreg $0xA  }
0xb0: {  	_ =	task.clear_ibuf [dreg:s6], $0x6FFFF;
	_ =	strace $0x90000046  }
0xb1: {  	s26 =	simm.s32 $0xA;
	_ =	strace $0x80000048  }
0xb2: {  	_ =	swait.ge [sflag:s26], $0x1  }
0xb3: {  	[sflag:s26] =	ssyncadd.s32 $0xFFFFFFFF  }
0xb4: {  	_ =	strace $0x90000048  }
0xb5: {  	_ =	sfence  }
0xb6: {  	s28 =	sld [smem:$0x0];
	_ =	sdelay $0x1  }
0xb7: {  	s29 =	srdreg.scid  }
0xb8: {  	s30 =	sshll.u32 s29, $0xD;
	s31 =	sshrl.u32 s29, $0x2  }
0xb9: {  	s1 =	sand.u32 $0x1, s29;
	s2 =	sand.u32 $0x4000, s30;
	s0 =	sadd.s32 s31, s28  }
0xba: {  	s1 =	sor.u32 s2, s1;
	s0 =	sshll.u32 s0, $0x11  }
0xbb: {  	s0 =	sor.u32 s0, s1  }
0xbc: {  	s0 =	sadd.s32 $0x8F2B, s0  }
0xbd: {  	[sflag:s0] =	ssyncadd.remote.s32 $0x1  }
0xbe: {  	_ =	sfence.sel $0xFFFF  }
0xbf: {  	[dreg:$0x0] =	wrdreg $0xFFFFFFFF;
	(pc) =	sbr.abs _section_cstart, $3  }
0xc0: {  	[dreg:$0x1] =	wrdreg $0xFFFFFFFF  }
0xc1: {  	_ =	task.clear_ibuf [dreg:s6], $0x2FFFF;
	_ =	strace $0x9FFFFFFF  }
0xc2: {  	(tm) =	ssettm $0x7FFFFFFF  }
0xc3: {  	_ =	shalt  }
tec
execute0_lowered:
.L_overlay_start_1:
0x0: {  	(tag) =	ssettag $0x1  }
0x1: {  	s2 =	rddreg [dreg:$0x0]  }
0x2: {  	s3 =	rddreg [dreg:$0x1]  }
0x3: {  	s4 =	rddreg [dreg:$0x2];
	s1 =	stileid.u32  }
0x4: {  	s0 =	rddreg [dreg:$0x3];
	_ =	strace $0x80000047;
	s6 =	simm.s32 $0x1  }
0x5: {  	s8 =	simm.s32 $0x2;
	s30 =	simm.s32 $0x3;
	s5 =	sshll.u32 s1, $0x4  }
0x6: {  	s12 =	simm.s32 $0x0;
	s9 =	simm.s32 $0x0;
	s7 =	ssub.s32 $0x1380, s5  }
0x7: {  	s10 =	simm.s32 $0x0;
	[sflag:s6] =	ssyncpa.u1 $0x0;
	s6 =	sshrl.u32 s7, $0x8  }
0x8: {  	[sflag:s8] =	ssyncpa.u1 $0x0;
	s11 =	smov.u32 s5;
	s31 =	sshll.u32 s6, $0x4  }
0x9: {  	[sflag:s30] =	ssyncpa.u1 $0x0;
	s7 =	sadd.s32 $0x2, s6;
	s8 =	sadd.s32 $0x30, s31  }
.LBB2_1:
0xa: {  	p0 =	sgt.u32 s10, s6  }
0xb: {  	s13 =	sxor.u32 @!p0 $0xFFFFFFFF, s9;
	s14 =	sshrl.u32 @!p0 s11, $0x3  }
0xc: {  	s15 =	sand.u32 @!p0 $0x7, s11;
	s13 =	sand.u32 @!p0 $0x10, s13;
	s14 =	sadd.s32 @!p0 s3, s14  }
0xd: {  	[tilespmem:s13], [sflag:$0x2] =	stream.linear.gather @!p0 [hbm4b:s14+s15], $0x10, $0x38;
	[tilespmem:$0x40] =	vst v63  }
0xe: {  	p0 =	seq.s32 s9, $0x0  }
0xf: {  	p1 =	sge.u32 @!p0 s10, s7  }
0x10: {  	p0 =	por p1, p0  }
0x11: {  	s13 =	simm.s32 @!p0 $0x2  }
0x12: {  	_ =	swait.ge @!p0 [sflag:s13], $0x10  }
0x13: {  	[sflag:s13] =	ssyncset.done @!p0 $0x0  }
0x14: {  	[sflag:s13] =	ssyncadd.s32 @!p0 $0xFFFFFFF0;
	s13 =	sand.u32 @!p0 $0x10, s9  }
0x15: {  	(ifvalue) =	ssetifvalue @!p0 $0x7FFFFFFF;
	v0 =	vld.msk @!p0 [tilespmem:s13+$0x0 ss:$0x1], $0xffff;
	_ =	sdelay $0x4  }
0x16: {  	vm0 =	vgt.s32 @!p0 v0, $0x0  }
0x17: {  	v0 =	vnsel @!p0 vm0, $0x0, v0  }
0x18: {  	v0 =	vmin.u32 @!p0 v0, $0x1387;
	_ =	sdelay $0x3  }
0x19: {  	s14 =	simm.s32 @!p0 $0x0;
	s13 =	sor.u32 @!p0 $0x20, s13;
	(ifvalue) =	ssetifvalue @!p0 $0x7FFFFFFF;
	vm0 =	vmmov @!p0 $0xffff  }
0x1a: {  	[tilespmem:s13], [sflag:$0x1] =	stream.indirect_vreg.gather @!p0 [hbm4b:s2+s14], $0x1, v0, vm0, $0x4038;
	[tilespmem:$0x40] =	vst v63  }
0x1b: {  	s14 =	simm.s32 @!p0 $0x1  }
0x1c: {  	_ =	swait.ge @!p0 [sflag:s14], $0x10  }
0x1d: {  	s15 =	sshrl.u32 @!p0 s12, $0x3;
	[sflag:s14] =	ssyncset.done @!p0 $0x0  }
0x1e: {  	s12 =	sand.u32 @!p0 $0x7, s12;
	[sflag:s14] =	ssyncadd.s32 @!p0 $0xFFFFFFF0;
	s14 =	sadd.s32 @!p0 s4, s15  }
0x1f: {  	[hbm4b:s14+s12] =	stream.linear.scatter @!p0 [tilespmem:s13], [sflag:$0x3], $0x10, $0x38;
	[tilespmem:$0x40] =	vst v63  }
0x20: {  	s14 =	sadd.s32 $0x100, s11  }
0x21: {  	s9 =	sadd.s32 $0x10, s9;
	p1 =	sgt.s32 s14, $0x1387  }
0x22: {  	s14 =	smov.u32 @p1 s5;
	p1 =	sne.s32 s8, s9  }
.Ltmp0:
0x23: {  	p0 =	slt.u32 s10, $0x2;
	(pc) =	sbr.rel @p1 .LBB2_1-.Ltmp0, $4  }
0x24: {  	s13 =	simm.s32 @!p0 $0x3  }
0x25: {  	_ =	swait.ge @!p0 [sflag:s13], $0x10  }
0x26: {  	s12 =	smov.u32 s11;
	[sflag:s13] =	ssyncset.done @!p0 $0x0  }
0x27: {  	s10 =	sadd.s32 $0x1, s10;
	s11 =	smov.u32 s14;
	[sflag:s13] =	ssyncadd.s32 @!p0 $0xFFFFFFF0  }
0x28: {  	_ =	sfence.sel $0x180000  }
0x29: {  	s2 =	simm.s32 $0x2;
	[bflag:$0x0] =	sbarrier.arrive $0xFFFF  }
0x2a: {  	s30 =	simm.s32 $0x3;
	[sflag:s2] =	ssyncpa.u1 $0x1  }
0x2b: {  	s31 =	simm.s32 $0x1;
	[sflag:s30] =	ssyncpa.u1 $0x1  }
0x2c: {  	[sflag:s31] =	ssyncpa.u1 $0x1  }
0x2d: {  	p0 =	sne.s32 s1, $0x0;
	_ =	strace $0x90000047  }
0x2e: {  	s0 =	sadd.s32 @!p0 $0x100000, s0;
	[bflag:$0x2] =	sbarrier.arrive $0xFFFF  }
0x2f: {  	[sflag:s0] =	ssyncadd.tile.s32 @!p0 $0x1;
	_ =	shalt  }
.Lfunc_end2:
_tile_overlayer_lowered:
.L_overlay_start_2:
0x30: {  	(tag) =	ssettag $0x2  }
0x31: {  	s0 =	rddreg [dreg:$0x0];
	s2 =	stileid.u32  }
0x32: {  	s1 =	rddreg [dreg:$0x1];
	p0 =	sne.s32 s2, $0x0  }
0x33: {  	s3 =	rddreg [dreg:$0x2];
	[bflag:$0x3] =	sbarrier.arrive $0xFFFF;
	s2 =	simm.s32 @!p0 $0x1C01  }
0x34: {  	[timem:s3], [sflag:s2] =	dma.local @!p0 [hbm:s0], s1  }
0x35: {  	s0 =	simm.s32 @!p0 $0x1  }
0x36: {  	_ =	swait.ge @!p0 [sflag:s0], s1  }
0x37: {  	s1 =	ssub.s32 @!p0 $0x0, s1;
	[sflag:s0] =	ssyncset.done @!p0 $0x0  }
0x38: {  	[sflag:s0] =	ssyncadd.s32 @!p0 s1  }
0x39: {  	[bflag:$0x3] =	sbarrier.arrive $0xFFFF  }
0x3a: {  	_ =	shalt  }

// kernel: gather_offload_async_start
scs
__scs_entry_jumppad:
0x0: {  	(pc) =	sbr.rel $0x88, $3  }
0x1: {  	(tag) =	ssettag $0x0;
	lr =	simm.s32 $0x1  }
0x2: {  	[smem:$0x3F9F] =	sst lr;
	_ =	strace $0xD0000000  }
0x3: {  	_ = 	snop  }
0x4: {  	_ = 	snop  }
0x5: {  	_ = 	snop  }
0x6: {  	_ = 	snop  }
0x7: {  	_ = 	snop  }
__scs_overlays_trampoline_lowered:
0x8: {  	[smem:$0x3FAE] =	sst s0  }
0x9: {  	[smem:$0x3FAF] =	sst s1  }
0xa: {  	[smem:$0x3FB0] =	sst s2  }
0xb: {  	[smem:$0x3FB1] =	sst s3  }
0xc: {  	[smem:$0x3FB2] =	sst s4  }
0xd: {  	[smem:$0x3FB3] =	sst s5  }
0xe: {  	[smem:$0x3FB4] =	sst s6  }
0xf: {  	[smem:$0x3FB5] =	sst s7  }
0x10: {  	[smem:$0x3FB6] =	sst s8  }
0x11: {  	[smem:$0x3FB7] =	sst s9;
	s0 =	simm.s32 @!p0 $0x0  }
0x12: {  	s1 =	sld [smem:$0x3F9D];
	s0 =	simm.s32 @p0 $0x1  }
0x13: {  	[smem:$0x3FB8] =	sst s0;
	s0 =	simm.s32 @!p1 $0x0  }
0x14: {  	s2 =	sld [smem:$0x3F9C];
	s0 =	simm.s32 @p1 $0x1  }
0x15: {  	[smem:$0x3FB9] =	sst s0;
	s0 =	simm.s32 @!p2 $0x0  }
0x16: {  	s3 =	sld [smem:$0x3FDB];
	s0 =	simm.s32 @p2 $0x1  }
0x17: {  	s4 =	simm.s32 $0x1BF5;
	[smem:$0x3FBB] =	sst s0  }
0x18: {  	s0 =	sld [smem:$0x3F9E];
	_ =	swait.ge [sflag:s4], $0x0  }
0x19: {  	s7 =	sld [smem:$0x3F9F]  }
0x1a: {  	s8 =	sadd.s32 $0xFFFFE003, lr  }
0x1b: {  	s9 =	sadd.s32 $0xFFFFFEF7, lr;
	s5 =	simm.s32 $0xFFFFFFFF;
	p2 =	slt.u32 s8, $0xFFFFF086  }
0x1c: {  	p1 =	slt.u32 s9, $0xF7A;
	s5 =	simm.s32 @!p2 $0x0  }
0x1d: {  	s5 =	simm.s32 @p1 $0x1;
	p0 =	seq.s32 s7, s2  }
0x1e: {  	s7 =	smul.u32 @!p0 $0xF7A, s2;
	p2 =	seq.s32 @!p0 s5, $0x0  }
0x1f: {  	s9 =	smul.u32 $0xF7A, s1;
	s8 =	simm.s32 @!p0 $0x1BF5;
	p2 =	por !p2, p0  }
0x20: {  	[sflag:s8] =	ssyncset.s32 @!p0 $0xFFFFF086;
	s6 =	sadd.s32 @!p0 s3, s7;
	s7 =	simm.s32 @!p0 $0x108  }
0x21: {  	s3 =	sadd.s32 s3, s9;
	s6 =	sadd.s32 @!p0 $0x88, s6;
	s7 =	simm.s32 @p2 $0x1082  }
0x22: {  	[simem:s7], [sflag:s8] =	dma.local @!p0 [hbm:s6], $0xF7A  }
0x23: {  	s9 =	sor.u32 $0xD0000000, s2;
	s6 =	simm.s32 $0x108;
	_ =	swait.ge @!p0 [sflag:s8], $0x0  }
0x24: {  	s3 =	sadd.s32 $0x88, s3;
	s6 =	simm.s32 @!p1 $0x1082;
	[sflag:s4] =	ssyncset.s32 $0xFFFFF086  }
0x25: {  	[simem:s6], [sflag:s4] =	dma.local [hbm:s3], $0xF7A  }
0x26: {  	[smem:$0x3F9F] =	sst s1;
	(tag) =	ssettag s2;
	_ =	strace s9  }
0x27: {  	s1 =	sld [smem:$0x3FAF]  }
0x28: {  	s2 =	sld [smem:$0x3FB0]  }
0x29: {  	s4 =	sld [smem:$0x3FB2]  }
0x2a: {  	p0 =	seq.s32 s5, $0x0;
	s5 =	sld [smem:$0x3FB3]  }
0x2b: {  	s6 =	sld [smem:$0x3FB4]  }
0x2c: {  	s7 =	sld [smem:$0x3FB5]  }
0x2d: {  	s3 =	simm.s32 $0x108;
	s8 =	sld [smem:$0x3FB6]  }
0x2e: {  	s3 =	simm.s32 @!p0 $0x1082;
	s9 =	sld [smem:$0x3FB7]  }
0x2f: {  	lr =	sadd.s32 s0, s3;
	s0 =	sld [smem:$0x3FAE]  }
0x30: {  	s3 =	sld [smem:$0x3FB1]  }
0x31: {  	[smem:$0x3FBA] =	sst s10  }
0x32: {  	s10 =	sld [smem:$0x3FB8];
	_ =	sdelay $0x3  }
0x33: {  	p0 =	seq.s32 s10, $0x1;
	s10 =	sld [smem:$0x3FBA];
	_ =	sdelay $0x3  }
0x34: {  	[smem:$0x3FBA] =	sst s10  }
0x35: {  	s10 =	sld [smem:$0x3FB9];
	_ =	sdelay $0x3  }
0x36: {  	p1 =	seq.s32 s10, $0x1;
	s10 =	sld [smem:$0x3FBA];
	_ =	sdelay $0x3  }
0x37: {  	[smem:$0x3FBA] =	sst s10  }
0x38: {  	s10 =	sld [smem:$0x3FBB]  }
0x39: {  	_ = 	snop;
	(pc) =	sbr.ind lr, $3  }
0x3a: {  	_ = 	snop  }
0x3b: {  	_ = 	snop  }
0x3c: {  	p2 =	seq.s32 s10, $0x1;
	s10 =	sld [smem:$0x3FBA]  }
0x3d: {  	_ =	shalt  }
0x3e: {  	_ =	shalt  }
0x3f: {  	_ =	shalt  }
0x40: {  	_ =	shalt  }
0x41: {  	_ =	shalt  }
0x42: {  	_ =	shalt  }
0x43: {  	_ =	shalt  }
0x44: {  	_ =	shalt  }
0x45: {  	_ =	shalt  }
0x46: {  	_ =	shalt  }
0x47: {  	_ =	shalt  }
0x48: {  	_ =	shalt  }
0x49: {  	_ =	shalt  }
0x4a: {  	_ =	shalt  }
0x4b: {  	_ =	shalt  }
0x4c: {  	_ =	shalt  }
0x4d: {  	_ =	shalt  }
0x4e: {  	_ =	shalt  }
0x4f: {  	_ =	shalt  }
0x50: {  	_ =	shalt  }
0x51: {  	_ =	shalt  }
0x52: {  	_ =	shalt  }
0x53: {  	_ =	shalt  }
0x54: {  	_ =	shalt  }
0x55: {  	_ =	shalt  }
0x56: {  	_ =	shalt  }
0x57: {  	_ =	shalt  }
0x58: {  	_ =	shalt  }
0x59: {  	_ =	shalt  }
0x5a: {  	_ =	shalt  }
0x5b: {  	_ =	shalt  }
0x5c: {  	_ =	shalt  }
0x5d: {  	_ =	shalt  }
0x5e: {  	_ =	shalt  }
0x5f: {  	_ =	shalt  }
0x60: {  	_ =	shalt  }
0x61: {  	_ =	shalt  }
0x62: {  	_ =	shalt  }
0x63: {  	_ =	shalt  }
0x64: {  	_ =	shalt  }
0x65: {  	_ =	shalt  }
0x66: {  	_ =	shalt  }
0x67: {  	_ =	shalt  }
0x68: {  	_ =	shalt  }
0x69: {  	_ =	shalt  }
0x6a: {  	_ =	shalt  }
0x6b: {  	_ =	shalt  }
0x6c: {  	_ =	shalt  }
0x6d: {  	_ =	shalt  }
0x6e: {  	_ =	shalt  }
0x6f: {  	_ =	shalt  }
0x70: {  	_ =	shalt  }
0x71: {  	_ =	shalt  }
0x72: {  	_ =	shalt  }
0x73: {  	_ =	shalt  }
0x74: {  	_ =	shalt  }
0x75: {  	_ =	shalt  }
0x76: {  	_ =	shalt  }
0x77: {  	_ =	shalt  }
0x78: {  	_ =	shalt  }
0x79: {  	_ =	shalt  }
0x7a: {  	_ =	shalt  }
0x7b: {  	_ =	shalt  }
0x7c: {  	_ =	shalt  }
0x7d: {  	_ =	shalt  }
0x7e: {  	_ =	shalt  }
0x7f: {  	_ =	shalt  }
0x80: {  	_ =	shalt  }
0x81: {  	_ =	shalt  }
0x82: {  	_ =	shalt  }
0x83: {  	_ =	shalt  }
0x84: {  	_ =	shalt  }
0x85: {  	_ =	shalt  }
0x86: {  	_ =	shalt  }
0x87: {  	_ =	shalt  }
.Lfunc_end0:
.L_simem_size_0:
called_computation_lowered:
.L_overlay_start_0:
0x88: {  	s0 =	sld [smem:$0x3FD9]  }
0x89: {  	s1 =	sld [smem:$0x3FFE];
	_ =	sdelay $0x3  }
0x8a: {  	s0 =	sadd.s32 s1, s0  }
0x8b: {  	[smem:$0x3FC6] =	sst s0  }
0x8c: {  	_ = 	snop  }
0x8d: {  	s0 =	sld [smem:$0x3FD0];
	(tm) =	ssettm $0x1  }
0x8e: {  	s16 =	sld [smem:$0x3FFB];
	_ =	sdelay $0x3  }
0x8f: {  	_ =	strace s16  }
0x90: {  	s1 =	sld [smem:$0x3FFC];
	_ =	sdelay $0x3  }
0x91: {  	_ =	strace s1  }
0x92: {  	s1 =	sld [smem:$0x3FFD];
	_ =	sdelay $0x3  }
0x93: {  	_ =	strace s1  }
0x94: {  	_ =	strace $0x8FFFFFFF  }
0x95: {  	s17 =	sld [smem:$0x3FDB];
	_ =	sdelay $0x1  }
0x96: {  	s2 =	simm.s32 $_scs_section_size  }
0x97: {  	s3 =	simm.s32 $_size__tile_overlayer_lowered;
	s4 =	simm.s32 $_tile_overlayer_lowered  }
0x98: {  	s20 =	simm.s32 $0x1BFF;
	s19 =	sshll.u32 s4, $0x1;
	s1 =	sadd.s32 s2, s17  }
0x99: {  	s5 =	simm.s32 $0x0;
	s18 =	sshll.u32 s3, $0x1;
	s3 =	sadd.s32 s19, s1  }
0x9a: {  	[timem:s5], [sflag:s20] =	dma.local [hbm:s3], s18  }
0x9b: {  	_ =	swait.ge [sflag:s20], s18  }
0x9c: {  	s2 =	ssub.s32 $0x0, s18;
	[sflag:s20] =	ssyncset.done $0x0  }
0x9d: {  	[sflag:s20] =	ssyncadd.s32 s2;
	_ =	sdelay $0x1  }
0x9e: {  	s21 =	simm.s32 $0x1B8B  }
0x9f: {  	_ =	swait.ge [sflag:s21], $0x1  }
0xa0: {  	[sflag:s21] =	ssyncset.done $0x0  }
0xa1: {  	s23 =	simm.s32 $0x1B8E;
	s22 =	sld [smem:$0x3FFE];
	[sflag:s21] =	ssyncadd.s32 $0xFFFFFFFF  }
0xa2: {  	s24 =	simm.s32 $execute0_lowered;
	[smem:$0x3FD2] =	sst s23  }
0xa3: {  	s3 =	sshll.u32 s24, $0x1;
	_ =	strace $0x80000049;
	[dreg:$0x1] =	wrdreg $0xFFFFFFFF  }
0xa4: {  	s25 =	simm.s32 $_size_execute0_lowered;
	s1 =	sadd.s32 s1, s3;
	[dreg:$0x0] =	wrdreg $0x0  }
0xa5: {  	s3 =	sshll.u32 s25, $0x1;
	[dreg:$0x2] =	wrdreg s1  }
0xa6: {  	[dreg:$0x3] =	wrdreg s3  }
0xa7: {  	[dreg:$0x4] =	wrdreg $0xC0  }
0xa8: {  	_ =	task [dreg:s5], $0x5FFFF  }
0xa9: {  	[dreg:$0x1] =	wrdreg $0xFFFFFFFF  }
0xaa: {  	[dreg:$0x0] =	wrdreg $0x60  }
0xab: {  	[dreg:$0x2] =	wrdreg s22  }
0xac: {  	[dreg:$0x3] =	wrdreg s0  }
0xad: {  	[dreg:$0x4] =	wrdreg $0x9  }
0xae: {  	_ =	task.clear_ibuf [dreg:s5], $0x5FFFF;
	_ =	strace $0x90000049  }
0xaf: {  	s26 =	simm.s32 $0x9;
	_ =	strace $0x8000004B  }
0xb0: {  	_ =	swait.ge [sflag:s26], $0x1  }
0xb1: {  	[sflag:s26] =	ssyncadd.s32 $0xFFFFFFFF  }
0xb2: {  	_ =	strace $0x9000004B  }
0xb3: {  	_ =	sfence  }
0xb4: {  	s28 =	sld [smem:$0x0];
	_ =	sdelay $0x1  }
0xb5: {  	s29 =	srdreg.scid  }
0xb6: {  	s30 =	sshll.u32 s29, $0xD;
	s31 =	sshrl.u32 s29, $0x2  }
0xb7: {  	s2 =	sand.u32 $0x4000, s30;
	s1 =	sand.u32 $0x1, s29;
	s0 =	sadd.s32 s31, s28  }
0xb8: {  	s1 =	sor.u32 s2, s1;
	s0 =	sshll.u32 s0, $0x11  }
0xb9: {  	s0 =	sor.u32 s0, s1  }
0xba: {  	s0 =	sadd.s32 $0x8F2B, s0  }
0xbb: {  	[sflag:s0] =	ssyncadd.remote.s32 $0x1  }
0xbc: {  	_ =	sfence.sel $0xFFFF  }
0xbd: {  	[dreg:$0x0] =	wrdreg $0xFFFFFFFF;
	(pc) =	sbr.abs _section_cstart, $3  }
0xbe: {  	[dreg:$0x1] =	wrdreg $0xFFFFFFFF  }
0xbf: {  	_ =	task.clear_ibuf [dreg:s5], $0x2FFFF;
	_ =	strace $0x9FFFFFFF  }
0xc0: {  	(tm) =	ssettm $0x7FFFFFFF  }
0xc1: {  	_ =	shalt  }
tec
execute0_lowered:
.L_overlay_start_1:
0x0: {  	(tag) =	ssettag $0x1  }
0x1: {  	s0 =	stileid.u32  }
0x2: {  	s1 =	smin.u32 s0, $0x9  }
0x3: {  	s1 =	sadd.s32 s0, s1  }
0x4: {  	s2 =	simm.s32 $0x190;
	p0 =	slt.u32 s0, $0x9;
	s1 =	smul.u32 $0xC8, s1  }
0x5: {  	s2 =	simm.s32 @!p0 $0xC8  }
0x6: {  	s2 =	sadd.s32 s2, s1  }
0x7: {  	s3 =	smin.u32 s2, $0x1388  }
0x8: {  	s7 =	ssub.s32 s3, s1  }
0x9: {  	p0 =	sgt.s32 s7, $0x0  }
0xa: {  	s7 =	simm.s32 @!p0 $0x0  }
0xb: {  	s31 =	sand.u32 $0xFFF8, s7  }
0xc: {  	s2 =	sshrl.u32 s31, $0x3  }
0xd: {  	s9 =	rddreg [dreg:$0x0];
	s2 =	smul.u32 $0x147B, s2  }
0xe: {  	s4 =	rddreg [dreg:$0x1];
	s6 =	simm.s32 $0x1  }
0xf: {  	s11 =	simm.s32 $0x3;
	s13 =	simm.s32 $0x0;
	s8 =	sshrl.u32 s2, $0x11  }
0x10: {  	s12 =	simm.s32 $0x0;
	s5 =	sadd.s32 $0x400, s9;
	s10 =	smul.u32 $0xC8, s8  }
.Ltmp0:
0x11: {  	s9 =	sadd.s32 $0x13E00, s9;
	s2 =	rddreg [dreg:$0x2];
	(pc) =	sbr.rel .LBB2_1-.Ltmp0, $4  }
0x12: {  	_ =	strace $0x8000004A;
	p0 =	sne.s32 s7, s10;
	s10 =	simm.s32 $0x1  }
0x13: {  	[sflag:s6] =	ssyncpa.u1 $0x0;
	s7 =	simm.s32 $0x2;
	s10 =	simm.s32 @!p0 $0x0  }
0x14: {  	[sflag:s7] =	ssyncpa.u1 $0x0;
	p0 =	por $0x0, $0x0;
	s8 =	sadd.s32 s8, s10  }
0x15: {  	vm0 =	vmmov $0xff;
	vm1 =	vcmask $0x3F20;
	[sflag:s11] =	ssyncpa.u1 $0x0;
	s11 =	smov.u32 s1;
	s10 =	sadd.s32 $0x1, s8  }
.LBB2_6:
0x16: {  	[hbm:s17] =	stream.linear.scatter [tilespmem:s14], [sflag:$0x3], $0x400, $0x38;
	[tilespmem:$0xC990] =	vst v63  }
.LBB2_7:
0x17: {  	s13 =	sadd.s32 $0xC8, s11  }
0x18: {  	s15 =	smov.u32 s1;
	p2 =	slt.s32 s13, s3  }
0x19: {  	s15 =	smov.u32 @p2 s13;
	p2 =	sne.s32 s12, s10  }
.Ltmp1:
0x1a: {  	p1 =	slt.u32 s12, $0x2;
	(pc) =	sbr.rel @!p2 .LBB2_8-.Ltmp1, $4  }
0x1b: {  	s14 =	simm.s32 @!p1 $0x3  }
0x1c: {  	s16 =	sadd.s32 $0x1, s12;
	_ =	swait.ge @!p1 [sflag:s14], $0x6400  }
0x1d: {  	p0 =	por !p0, !p0;
	s13 =	smov.u32 s11;
	[sflag:s14] =	ssyncset.done @!p1 $0x0  }
0x1e: {  	s12 =	smov.u32 s16;
	s11 =	smov.u32 s15;
	[sflag:s14] =	ssyncadd.s32 @!p1 $0xFFFF9C00  }
.LBB2_1:
0x1f: {  	p1 =	sge.u32 s12, s8  }
0x20: {  	s14 =	sxor.u32 @!p1 $0xFFFFFFFF, s12  }
0x21: {  	s14 =	sand.u32 @!p1 $0x1, s14  }
0x22: {  	s14 =	smul.u32 @!p1 $0x320, s14  }
0x23: {  	s31 =	sadd.s32 $0xFFFFFFFF, s12;
	s15 =	sshrl.u32 @!p1 s11, $0x3  }
0x24: {  	s16 =	sand.u32 @!p1 $0x7, s11;
	s15 =	sadd.s32 @!p1 s4, s15;
	s14 =	sshrl.u32 @!p1 s14, $0x2  }
0x25: {  	[tilespmem:s14], [sflag:$0x2] =	stream.linear.gather @!p1 [hbm4b:s15+s16], $0xC8, $0x38;
	[tilespmem:$0xC990] =	vst v63  }
0x26: {  	p1 =	sge.u32 s31, s8  }
.Ltmp2:
0x27: {  	_ = 	snop;
	(pc) =	sbr.rel @p1 .LBB2_7-.Ltmp2, $1  }
0x28: {  	_ =	sdelay $0x3  }
0x29: {  	s14 =	simm.s32 $0x1  }
0x2a: {  	s14 =	simm.s32 @!p0 $0x0  }
0x2b: {  	s15 =	smul.u32 $0x320, s14  }
0x2c: {  	_ =	swait.ge [sflag:s7], $0xC8  }
0x2d: {  	[sflag:s7] =	ssyncset.done $0x0;
	s16 =	sshrl.u32 s15, $0x2  }
0x2e: {  	[sflag:s7] =	ssyncadd.s32 $0xFFFFFF38;
	s15 =	sadd.s32 $0x0, s16  }
0x2f: {  	v0 =	vld.msk [tilespmem:s15+$0x0 ss:$0x1], $0xffff;
	_ =	sdelay $0x4  }
0x30: {  	vm2 =	vgt.s32 v0, $0x0  }
0x31: {  	v0 =	vnsel vm2, $0x0, v0  }
0x32: {  	v0 =	vmin.u32 v0, $0x1387  }
0x33: {  	v0 =	vshll.u32 v0, $0x4  }
0x34: {  	s14 =	smul.u32 $0x19000, s14  }
0x35: {  	s31 =	sand.u32 $0x1, s12  }
0x36: {  	s17 =	smul.u32 $0x320, s31;
	s14 =	sshrl.u32 s14, $0x2  }
0x37: {  	s19 =	smul.u32 $0x19000, s31;
	s14 =	sor.u32 $0x190, s14  }
0x38: {  	[tilespmem:s14], [sflag:$0x1] =	stream.indirect_vreg.gather [hbm:s5], $0x80, v0, vm0, $0x38;
	[tilespmem:$0xC990] =	vst v63  }
0x39: {  	s18 =	sshrl.u32 s17, $0x2;
	s20 =	sadd.s32 $0x10, s16;
	s15 =	sadd.s32 $0x400, s14  }
0x3a: {  	[tilespmem:s15], [sflag:$0x1] =	stream.indirect_vreg.gather [hbm:s5], $0x80, v0, vm1, $0x38;
	[tilespmem:$0xC990] =	vst v63  }
0x3b: {  	s17 =	sshrl.u32 s19, $0x2;
	s19 =	smov.u32 s14;
	v0 =	vld.msk [tilespmem:s20+$0x0 ss:$0x1], $0xffff;
	s20 =	simm.s32 $0x80  }
.LBB2_3:
0x3c: {  	p1 =	sne.s32 s20, $0x2C0;
	_ =	sdelay $0x4  }
0x3d: {  	vm2 =	vgt.s32 v0, $0x0  }
0x3e: {  	v0 =	vnsel vm2, $0x0, v0  }
0x3f: {  	v0 =	vmin.u32 v0, $0x1387  }
0x40: {  	v0 =	vshll.u32 v0, $0x4;
	_ =	sdelay $0x3  }
.Ltmp3:
0x41: {  	s21 =	sshra.s32 s20, $0x2;
	s19 =	sadd.s32 $0x800, s19;
	(pc) =	sbr.rel @p1 .LBB2_3-.Ltmp3, $4  }
0x42: {  	[tilespmem:s19], [sflag:$0x1] =	stream.indirect_vreg.gather [hbm:s5], $0x80, v0, vm0, $0x38;
	[tilespmem:$0xC990] =	vst v63  }
0x43: {  	s21 =	sadd.s32 s21, s16;
	s22 =	sadd.s32 $0x400, s19  }
0x44: {  	[tilespmem:s22], [sflag:$0x1] =	stream.indirect_vreg.gather [hbm:s5], $0x80, v0, vm1, $0x38;
	[tilespmem:$0xC990] =	vst v63  }
0x45: {  	s20 =	sadd.s32 $0x40, s20;
	v0 =	vld.msk [tilespmem:s21+$0x0 ss:$0x1], $0xffff  }
0x46: {  	_ =	sdelay $0x3  }
0x47: {  	vm2 =	vgt.s32 v0, $0x0  }
0x48: {  	v0 =	vnsel vm2, $0x0, v0  }
0x49: {  	v0 =	vmin.u32 v0, $0x1387  }
0x4a: {  	v0 =	vshll.u32 v0, $0x4;
	_ =	sdelay $0x3  }
0x4b: {  	s16 =	sadd.s32 $0x800, s19  }
0x4c: {  	[tilespmem:s16], [sflag:$0x1] =	stream.indirect_vreg.gather [hbm:s5], $0x80, v0, vm0, $0x38;
	[tilespmem:$0xC990] =	vst v63  }
0x4d: {  	s16 =	sadd.s32 $0x400, s16  }
0x4e: {  	[tilespmem:s16], [sflag:$0x1] =	stream.indirect_vreg.gather [hbm:s5], $0x80, v0, vm1, $0x38;
	[tilespmem:$0xC990] =	vst v63  }
0x4f: {  	v0 =	vld.msk [tilespmem:s18+$0xC0 ss:$0x1], $0xff;
	_ =	sdelay $0x4  }
0x50: {  	vm2 =	vgt.s32 v0, $0x0  }
0x51: {  	v0 =	vnsel vm2, $0x0, v0  }
0x52: {  	v0 =	vmin.u32 v0, $0x1387  }
0x53: {  	v0 =	vshll.u32 v0, $0x4;
	_ =	sdelay $0x3  }
0x54: {  	s31 =	sadd.s32 $0x6190, s17  }
0x55: {  	[tilespmem:s31], [sflag:$0x1] =	stream.indirect_vreg.gather [hbm:s5], $0x80, v0, vm0, $0x38;
	[tilespmem:$0xC990] =	vst v63  }
0x56: {  	s13 =	sshll.u32 s13, $0x4;
	_ =	swait.ge [sflag:s6], $0x6400  }
0x57: {  	s13 =	sadd.s32 s13, s9;
	[sflag:s6] =	ssyncset.done $0x0  }
0x58: {  	s17 =	sadd.s32 $0x0, s13;
	s16 =	simm.s32 $0x80;
	[sflag:s6] =	ssyncadd.s32 $0xFFFF9C00  }
.LBB2_5:
0x59: {  	[hbm:s17] =	stream.linear.scatter [tilespmem:s14], [sflag:$0x3], $0x400, $0x38;
	[tilespmem:$0xC990] =	vst v63  }
0x5a: {  	s17 =	smov.u32 s16;
	s14 =	smov.u32 s15;
	p1 =	sne.s32 s16, $0xC00  }
.Ltmp4:
0x5b: {  	s16 =	sadd.s32 $0x80, s16;
	(pc) =	sbr.rel @p1 .LBB2_5-.Ltmp4, $2  }
0x5c: {  	_ =	sdelay $0x2  }
0x5d: {  	s15 =	sadd.s32 $0x400, s15;
	s17 =	sadd.s32 s17, s13  }
.Ltmp5:
0x5e: {  	_ = 	snop;
	(pc) =	sbr.rel .LBB2_6-.Ltmp5, $1  }
0x5f: {  	_ =	sdelay $0x3  }
.LBB2_8:
0x60: {  	_ =	sfence.sel $0x180000  }
0x61: {  	s1 =	simm.s32 $0x2;
	[bflag:$0x0] =	sbarrier.arrive $0xFFFF  }
0x62: {  	s30 =	simm.s32 $0x3;
	[sflag:s1] =	ssyncpa.u1 $0x1  }
0x63: {  	s31 =	simm.s32 $0x1;
	[sflag:s30] =	ssyncpa.u1 $0x1  }
0x64: {  	[sflag:s31] =	ssyncpa.u1 $0x1  }
0x65: {  	p0 =	sne.s32 s0, $0x0;
	_ =	strace $0x9000004A  }
0x66: {  	s0 =	sadd.s32 @!p0 $0x100000, s2;
	[bflag:$0x2] =	sbarrier.arrive $0xFFFF  }
0x67: {  	[sflag:s0] =	ssyncadd.tile.s32 @!p0 $0x1;
	_ =	shalt  }
.Lfunc_end2:
_tile_overlayer_lowered:
.L_overlay_start_2:
0x68: {  	(tag) =	ssettag $0x2  }
0x69: {  	s0 =	rddreg [dreg:$0x0];
	s2 =	stileid.u32  }
0x6a: {  	s1 =	rddreg [dreg:$0x1];
	p0 =	sne.s32 s2, $0x0  }
0x6b: {  	s3 =	rddreg [dreg:$0x2];
	[bflag:$0x3] =	sbarrier.arrive $0xFFFF;
	s2 =	simm.s32 @!p0 $0x1C01  }
0x6c: {  	[timem:s3], [sflag:s2] =	dma.local @!p0 [hbm:s0], s1  }
0x6d: {  	s0 =	simm.s32 @!p0 $0x1  }
0x6e: {  	_ =	swait.ge @!p0 [sflag:s0], s1  }
0x6f: {  	s1 =	ssub.s32 @!p0 $0x0, s1;
	[sflag:s0] =	ssyncset.done @!p0 $0x0  }
0x70: {  	[sflag:s0] =	ssyncadd.s32 @!p0 s1  }
0x71: {  	[bflag:$0x3] =	sbarrier.arrive $0xFFFF  }
0x72: {  	_ =	shalt  }

</sc_bundles>
